<compile_context>
chip_gen: v7x
topology: tpu7x:2x2x1
jax: 0.10.2.dev20260603
libtpu: 0.0.44.dev20260713+nightly
codegen_flags: <defaults>
</compile_context>

<pallas_src>
import jax
import jax.numpy as jnp
from jax import lax
from jax.experimental import pallas as pl
from jax.experimental.pallas import tpu as pltpu
from jax.experimental.pallas import tpu_sc as plsc

NUM_UNITS = 1000000
NUM_PHONEMES = 32
BATCH = 16384
HIST = 200
HPAD = 208

NW = 32
LANES = 128
BCHUNKS = BATCH // LANES
TC_PER_W = BCHUNKS // NW
DTILES = NUM_PHONEMES // 8


def _gather_kernel(x_hbm, w_hbm, out_hbm, xblock, xblockt, rows, tb,
                   gsem0, gsem1, ssem0, ssem1):
    wid = lax.axis_index("s") * 2 + lax.axis_index("c")
    gsem = (gsem0, gsem1)
    ssem = (ssem0, ssem1)
    jv = lax.iota(jnp.int32, 16)
    bvs = [jv + 16 * v for v in range(8)]

    def transpose_xblock():
        def txb(k, carry):
            dlt = lax.bitwise_and(jv + k, 15)
            for h16 in range(HPAD // 16):
                hj = dlt + 16 * h16
                for v in range(8):
                    val = plsc.load_gather(xblock, [bvs[v], hj])
                    plsc.store_scatter(xblockt, [hj, bvs[v]], val)
            return carry
        lax.fori_loop(0, 16, txb, None)

    def fire_gather(p, h):
        pltpu.async_copy(w_hbm.at[xblockt.at[h]], rows.at[p], gsem[p])

    def drain_gather(p, h):
        pltpu.make_async_copy(w_hbm.at[xblockt.at[h]], rows.at[p],
                              gsem[p]).wait()

    def transpose_chunk(p):
        def tck(k2, carry):
            for u in range(4):
                k = 4 * k2 + u
                dj = lax.bitwise_and(jv + k, 31)
                dt = lax.shift_right_logical(dj, 3)
                dsub = lax.bitwise_and(dj, 7)
                vals = [plsc.load_gather(rows.at[p], [bvs[v], dj])
                        for v in range(8)]
                for v in range(8):
                    plsc.store_scatter(tb.at[p], [dt, dsub, bvs[v]], vals[v])
            return carry
        lax.fori_loop(0, NUM_PHONEMES // 4, tck, None)

    def fire_stores(p, h, tc):
        for tr in range(DTILES):
            pltpu.async_copy(tb.at[p, tr], out_hbm.at[h, tr * BCHUNKS + tc],
                             ssem[p])

    def drain_stores(p, h, tc):
        for tr in range(DTILES):
            pltpu.make_async_copy(tb.at[p, tr],
                                  out_hbm.at[h, tr * BCHUNKS + tc],
                                  ssem[p]).wait()

    def do_block(tc_local, carry):
        tc = wid * TC_PER_W + tc_local
        pltpu.sync_copy(x_hbm.at[pl.ds(tc * LANES, LANES), :],
                        xblock.at[:, pl.ds(0, HIST)])
        transpose_xblock()

        def body(h, p, drain_prev_store, process_prev):
            q = 1 - p
            if drain_prev_store:
                drain_stores(p, h - 2, tc)
            fire_gather(p, h)
            if process_prev:
                drain_gather(q, h - 1)
                transpose_chunk(q)
                fire_stores(q, h - 1, tc)

        body(0, 0, False, False)
        body(1, 1, False, True)

        def loop_body(k, c):
            h = 2 * k
            body(h, 0, True, True)
            body(h + 1, 1, True, True)
            return c

        lax.fori_loop(1, HIST // 2, loop_body, None)

        drain_gather(1, HIST - 1)
        transpose_chunk(1)
        fire_stores(1, HIST - 1, tc)
        drain_stores(0, HIST - 2, tc)
        drain_stores(1, HIST - 1, tc)
        return carry

    lax.fori_loop(0, TC_PER_W, do_block, None)


@jax.jit
def _run(x, w):
    mesh = plsc.VectorSubcoreMesh(core_axis_name="c", subcore_axis_name="s")
    out4 = pl.kernel(
        _gather_kernel,
        out_type=jax.ShapeDtypeStruct((HIST, DTILES * BCHUNKS, 8, LANES),
                                      jnp.float32),
        mesh=mesh,
        scratch_types=[
            pltpu.VMEM((LANES, HPAD), jnp.int32),
            pltpu.VMEM((HPAD, LANES), jnp.int32),
            pltpu.VMEM((2, LANES, NUM_PHONEMES), jnp.float32),
            pltpu.VMEM((2, DTILES, 8, LANES), jnp.float32),
            pltpu.SemaphoreType.DMA,
            pltpu.SemaphoreType.DMA,
            pltpu.SemaphoreType.DMA,
            pltpu.SemaphoreType.DMA,
        ],
        compiler_params=pltpu.CompilerParams(use_tc_tiling_on_sc=False,
                                             needs_layout_passes=False),
    )(x, w)
    out5 = out4.reshape(HIST, DTILES, BCHUNKS, 8, LANES)
    return out5.transpose(2, 4, 0, 1, 3).reshape(BATCH, HIST, NUM_PHONEMES)


def kernel(x, W):
    return _run(x.astype(jnp.int32), W)

# --- scband reference (transcript-rebuilt; emitter-appended) ---
"""Pipeline reference for scband-my-model-27745488732250 (READ-ONLY COPY).

The authoritative reference and input builder live on the scoring server;
editing this copy changes nothing except your own understanding.
"""

import jax, jax.numpy as jnp
import numpy as np

NUM_UNITS = 1000000
NUM_PHONEMES = 32
BATCH = 16384
HIST = 200


def setup_inputs(seed: int = 0) -> dict:
    key = jax.random.key(seed)
    k_idx, k_w = jax.random.split(key)
    x = jax.random.randint(k_idx, (BATCH, HIST), 0, NUM_UNITS, dtype=jnp.int64 if jax.config.jax_enable_x64 else jnp.int32)
    W = jax.random.normal(k_w, (NUM_UNITS, NUM_PHONEMES), dtype=jnp.float32) * 0.02
    return {"x": x, "W": W}


def reference(x, W):
    # nn.Embedding forward: gather rows of the embedding table by index
    return jnp.take(W, x, axis=0)

if __name__ == "__main__":
    import jax
    _d = setup_inputs()
    print(jax.jit(kernel)(*tuple(_d.values())))

</pallas_src>

<mosaic_0001>
#map = affine_map<(d0, d1) -> (0, 0)>
#map1 = affine_map<(d0, d1) -> (0, 0, 0, 0)>
module attributes {stable_mosaic.version = 14 : i64} {
  func.func @_gather_kernel(%arg0: i32, %arg1: i32, %arg2: memref<16384x200xi32, #tpu.memory_space<hbm>>, %arg3: memref<1000000x32xf32, #tpu.memory_space<hbm>>, %arg4: memref<200x512x8x128xf32, #tpu.memory_space<hbm>>, %arg5: memref<128x208xi32, #tpu.memory_space<vmem>>, %arg6: memref<208x128xi32, #tpu.memory_space<vmem>>, %arg7: memref<2x128x32xf32, #tpu.memory_space<vmem>>, %arg8: memref<2x4x8x128xf32, #tpu.memory_space<vmem>>, %arg9: memref<!tpu.dma_semaphore, #tpu.memory_space<semaphore_mem>>, %arg10: memref<!tpu.dma_semaphore, #tpu.memory_space<semaphore_mem>>, %arg11: memref<!tpu.dma_semaphore, #tpu.memory_space<semaphore_mem>>, %arg12: memref<!tpu.dma_semaphore, #tpu.memory_space<semaphore_mem>>) attributes {dimension_semantics = [#tpu.dimension_semantics<core_parallel>, #tpu.dimension_semantics<subcore_parallel>], iteration_bounds = array<i64: 2, 16>, scalar_prefetch = 0 : i64, scratch_operands = 8 : i64, tpu.core_type = #tpu.core_type<sc_vector_subcore>, window_params = [{transform_indices = #map}, {transform_indices = #map}, {transform_indices = #map1}]} {
    %mul3A = arith.constant 2 : i32
    %mul3A_0 = arith.muli %arg1, %mul3A : i32
    %add3A = arith.addi %mul3A_0, %arg0 : i32
    %iota3A = tpu.iota {dimensions = array<i32: 0>} : vector<16xi32>
    %add3A_1 = arith.constant 0 : i32
    %add3A_2 = vector.broadcast %add3A_1 : i32 to vector<16xi32>
    %add3A_3 = arith.addi %iota3A, %add3A_2 : vector<16xi32>
    %add3A_4 = arith.constant 16 : i32
    %add3A_5 = vector.broadcast %add3A_4 : i32 to vector<16xi32>
    %add3A_6 = arith.addi %iota3A, %add3A_5 : vector<16xi32>
    %add3A_7 = arith.constant 32 : i32
    %add3A_8 = vector.broadcast %add3A_7 : i32 to vector<16xi32>
    %add3A_9 = arith.addi %iota3A, %add3A_8 : vector<16xi32>
    %add3A_10 = arith.constant 48 : i32
    %add3A_11 = vector.broadcast %add3A_10 : i32 to vector<16xi32>
    %add3A_12 = arith.addi %iota3A, %add3A_11 : vector<16xi32>
    %add3A_13 = arith.constant 64 : i32
    %add3A_14 = vector.broadcast %add3A_13 : i32 to vector<16xi32>
    %add3A_15 = arith.addi %iota3A, %add3A_14 : vector<16xi32>
    %add3A_16 = arith.constant 80 : i32
    %add3A_17 = vector.broadcast %add3A_16 : i32 to vector<16xi32>
    %add3A_18 = arith.addi %iota3A, %add3A_17 : vector<16xi32>
    %add3A_19 = arith.constant 96 : i32
    %add3A_20 = vector.broadcast %add3A_19 : i32 to vector<16xi32>
    %add3A_21 = arith.addi %iota3A, %add3A_20 : vector<16xi32>
    %add3A_22 = arith.constant 112 : i32
    %add3A_23 = vector.broadcast %add3A_22 : i32 to vector<16xi32>
    %add3A_24 = arith.addi %iota3A, %add3A_23 : vector<16xi32>
    %scan3A = arith.constant 0 : i32
    %scan3A_25 = arith.constant 4 : i32
    %scan3A_26 = arith.addi %scan3A, %scan3A_25 : i32
    %scan3A_27 = arith.constant 1 : i32
    scf.for %scan3A_29 = %scan3A to %scan3A_26 step %scan3A_27  : i32 {
      %mul3A_30 = arith.constant 4 : i32
      %mul3A_31 = arith.muli %add3A, %mul3A_30 : i32
      %add3A_32 = arith.addi %mul3A_31, %scan3A_29 : i32
      %mul3A_33 = arith.constant 128 : i32
      %mul3A_34 = arith.muli %add3A_32, %mul3A_33 : i32
      "tpu.region"() ({
        %run_scoped3A = tpu.sem_alloc : memref<!tpu.dma_semaphore, #tpu.memory_space<semaphore_mem>>
        %dma_start3A_437 = arith.constant 0 : i32
        %dma_start3A_438 = arith.constant 0 : i32
        %dma_start3A_439 = tpu.memref_slice %arg5[%dma_start3A_437, %dma_start3A_438] : memref<128x208xi32, #tpu.memory_space<vmem>> -> memref<128x200xi32, #tpu.memory_space<vmem>>
        %dma_start3A_440 = arith.constant 0 : i32
        %dma_start3A_441 = tpu.memref_slice %arg2[%mul3A_34, %dma_start3A_440] : memref<16384x200xi32, #tpu.memory_space<hbm>> -> memref<128x200xi32, #tpu.memory_space<hbm>>
        %dma_start3A_442 = arith.constant 0 : i32
        %dma_start3A_443 = arith.constant 0 : i32
        %dma_start3A_444 = tpu.memref_slice %arg5[%dma_start3A_442, %dma_start3A_443] : memref<128x208xi32, #tpu.memory_space<vmem>> -> memref<128x200xi32, #tpu.memory_space<vmem>>
        %dma_start3A_445 = arith.constant 0 : i32
        %dma_start3A_446 = tpu.memref_slice %arg2[%mul3A_34, %dma_start3A_445] : memref<16384x200xi32, #tpu.memory_space<hbm>> -> memref<128x200xi32, #tpu.memory_space<hbm>>
        tpu.enqueue_dma source(%dma_start3A_446 : memref<128x200xi32, #tpu.memory_space<hbm>>) target(%dma_start3A_444 : memref<128x200xi32, #tpu.memory_space<vmem>>) target_semaphore(%run_scoped3A : memref<!tpu.dma_semaphore, #tpu.memory_space<semaphore_mem>>)
        %dma_wait3A_447 = arith.constant 0 : i32
        %dma_wait3A_448 = arith.constant 0 : i32
        %dma_wait3A_449 = tpu.memref_slice %arg5[%dma_wait3A_447, %dma_wait3A_448] : memref<128x208xi32, #tpu.memory_space<vmem>> -> memref<128x200xi32, #tpu.memory_space<vmem>>
        %dma_wait3A_450 = arith.constant 0 : i32
        %dma_wait3A_451 = tpu.memref_slice %arg2[%mul3A_34, %dma_wait3A_450] : memref<16384x200xi32, #tpu.memory_space<hbm>> -> memref<128x200xi32, #tpu.memory_space<hbm>>
        %dma_wait3A_452 = arith.constant 0 : i32
        %dma_wait3A_453 = arith.constant 0 : i32
        %dma_wait3A_454 = tpu.memref_slice %arg5[%dma_wait3A_452, %dma_wait3A_453] : memref<128x208xi32, #tpu.memory_space<vmem>> -> memref<128x200xi32, #tpu.memory_space<vmem>>
        %dma_wait3A_455 = arith.constant 0 : i32
        %dma_wait3A_456 = tpu.memref_slice %arg2[%mul3A_34, %dma_wait3A_455] : memref<16384x200xi32, #tpu.memory_space<hbm>> -> memref<128x200xi32, #tpu.memory_space<hbm>>
        tpu.wait_dma2 semaphore(%run_scoped3A : memref<!tpu.dma_semaphore, #tpu.memory_space<semaphore_mem>>) src(%dma_wait3A_456 : memref<128x200xi32, #tpu.memory_space<hbm>>) dst(%dma_wait3A_454 : memref<128x200xi32, #tpu.memory_space<vmem>>)
        tpu.yield
      }) : () -> ()
      %scan3A_35 = arith.constant 0 : i32
      %scan3A_36 = arith.constant 16 : i32
      %scan3A_37 = arith.addi %scan3A_35, %scan3A_36 : i32
      %scan3A_38 = arith.constant 1 : i32
      scf.for %scan3A_437 = %scan3A_35 to %scan3A_37 step %scan3A_38  : i32 {
        %add3A_438 = vector.broadcast %scan3A_437 : i32 to vector<16xi32>
        %add3A_439 = arith.addi %iota3A, %add3A_438 : vector<16xi32>
        %and3A = arith.constant 15 : i32
        %and3A_440 = vector.broadcast %and3A : i32 to vector<16xi32>
        %and3A_441 = arith.andi %add3A_439, %and3A_440 : vector<16xi32>
        %add3A_442 = arith.constant 0 : i32
        %add3A_443 = vector.broadcast %add3A_442 : i32 to vector<16xi32>
        %add3A_444 = arith.addi %and3A_441, %add3A_443 : vector<16xi32>
        %gather3A = tpu.vector_load_idx %arg5[%add3A_3, %add3A_444] : memref<128x208xi32, #tpu.memory_space<vmem>>[vector<16xi32>, vector<16xi32>], vector<16xi32>,
        tpu.vector_store_idx %arg6[%add3A_444, %add3A_3], %gather3A : memref<208x128xi32, #tpu.memory_space<vmem>>[vector<16xi32>, vector<16xi32>], vector<16xi32>,
        %gather3A_445 = tpu.vector_load_idx %arg5[%add3A_6, %add3A_444] : memref<128x208xi32, #tpu.memory_space<vmem>>[vector<16xi32>, vector<16xi32>], vector<16xi32>,
        tpu.vector_store_idx %arg6[%add3A_444, %add3A_6], %gather3A_445 : memref<208x128xi32, #tpu.memory_space<vmem>>[vector<16xi32>, vector<16xi32>], vector<16xi32>,
        %gather3A_446 = tpu.vector_load_idx %arg5[%add3A_9, %add3A_444] : memref<128x208xi32, #tpu.memory_space<vmem>>[vector<16xi32>, vector<16xi32>], vector<16xi32>,
        tpu.vector_store_idx %arg6[%add3A_444, %add3A_9], %gather3A_446 : memref<208x128xi32, #tpu.memory_space<vmem>>[vector<16xi32>, vector<16xi32>], vector<16xi32>,
        %gather3A_447 = tpu.vector_load_idx %arg5[%add3A_12, %add3A_444] : memref<128x208xi32, #tpu.memory_space<vmem>>[vector<16xi32>, vector<16xi32>], vector<16xi32>,
        tpu.vector_store_idx %arg6[%add3A_444, %add3A_12], %gather3A_447 : memref<208x128xi32, #tpu.memory_space<vmem>>[vector<16xi32>, vector<16xi32>], vector<16xi32>,
        %gather3A_448 = tpu.vector_load_idx %arg5[%add3A_15, %add3A_444] : memref<128x208xi32, #tpu.memory_space<vmem>>[vector<16xi32>, vector<16xi32>], vector<16xi32>,
        tpu.vector_store_idx %arg6[%add3A_444, %add3A_15], %gather3A_448 : memref<208x128xi32, #tpu.memory_space<vmem>>[vector<16xi32>, vector<16xi32>], vector<16xi32>,
        %gather3A_449 = tpu.vector_load_idx %arg5[%add3A_18, %add3A_444] : memref<128x208xi32, #tpu.memory_space<vmem>>[vector<16xi32>, vector<16xi32>], vector<16xi32>,
        tpu.vector_store_idx %arg6[%add3A_444, %add3A_18], %gather3A_449 : memref<208x128xi32, #tpu.memory_space<vmem>>[vector<16xi32>, vector<16xi32>], vector<16xi32>,
        %gather3A_450 = tpu.vector_load_idx %arg5[%add3A_21, %add3A_444] : memref<128x208xi32, #tpu.memory_space<vmem>>[vector<16xi32>, vector<16xi32>], vector<16xi32>,
        tpu.vector_store_idx %arg6[%add3A_444, %add3A_21], %gather3A_450 : memref<208x128xi32, #tpu.memory_space<vmem>>[vector<16xi32>, vector<16xi32>], vector<16xi32>,
        %gather3A_451 = tpu.vector_load_idx %arg5[%add3A_24, %add3A_444] : memref<128x208xi32, #tpu.memory_space<vmem>>[vector<16xi32>, vector<16xi32>], vector<16xi32>,
        tpu.vector_store_idx %arg6[%add3A_444, %add3A_24], %gather3A_451 : memref<208x128xi32, #tpu.memory_space<vmem>>[vector<16xi32>, vector<16xi32>], vector<16xi32>,
        %add3A_452 = arith.constant 16 : i32
        %add3A_453 = vector.broadcast %add3A_452 : i32 to vector<16xi32>
        %add3A_454 = arith.addi %and3A_441, %add3A_453 : vector<16xi32>
        %gather3A_455 = tpu.vector_load_idx %arg5[%add3A_3, %add3A_454] : memref<128x208xi32, #tpu.memory_space<vmem>>[vector<16xi32>, vector<16xi32>], vector<16xi32>,
        tpu.vector_store_idx %arg6[%add3A_454, %add3A_3], %gather3A_455 : memref<208x128xi32, #tpu.memory_space<vmem>>[vector<16xi32>, vector<16xi32>], vector<16xi32>,
        %gather3A_456 = tpu.vector_load_idx %arg5[%add3A_6, %add3A_454] : memref<128x208xi32, #tpu.memory_space<vmem>>[vector<16xi32>, vector<16xi32>], vector<16xi32>,
        tpu.vector_store_idx %arg6[%add3A_454, %add3A_6], %gather3A_456 : memref<208x128xi32, #tpu.memory_space<vmem>>[vector<16xi32>, vector<16xi32>], vector<16xi32>,
        %gather3A_457 = tpu.vector_load_idx %arg5[%add3A_9, %add3A_454] : memref<128x208xi32, #tpu.memory_space<vmem>>[vector<16xi32>, vector<16xi32>], vector<16xi32>,
        tpu.vector_store_idx %arg6[%add3A_454, %add3A_9], %gather3A_457 : memref<208x128xi32, #tpu.memory_space<vmem>>[vector<16xi32>, vector<16xi32>], vector<16xi32>,
        %gather3A_458 = tpu.vector_load_idx %arg5[%add3A_12, %add3A_454] : memref<128x208xi32, #tpu.memory_space<vmem>>[vector<16xi32>, vector<16xi32>], vector<16xi32>,
        tpu.vector_store_idx %arg6[%add3A_454, %add3A_12], %gather3A_458 : memref<208x128xi32, #tpu.memory_space<vmem>>[vector<16xi32>, vector<16xi32>], vector<16xi32>,
        %gather3A_459 = tpu.vector_load_idx %arg5[%add3A_15, %add3A_454] : memref<128x208xi32, #tpu.memory_space<vmem>>[vector<16xi32>, vector<16xi32>], vector<16xi32>,
        tpu.vector_store_idx %arg6[%add3A_454, %add3A_15], %gather3A_459 : memref<208x128xi32, #tpu.memory_space<vmem>>[vector<16xi32>, vector<16xi32>], vector<16xi32>,
        %gather3A_460 = tpu.vector_load_idx %arg5[%add3A_18, %add3A_454] : memref<128x208xi32, #tpu.memory_space<vmem>>[vector<16xi32>, vector<16xi32>], vector<16xi32>,
        tpu.vector_store_idx %arg6[%add3A_454, %add3A_18], %gather3A_460 : memref<208x128xi32, #tpu.memory_space<vmem>>[vector<16xi32>, vector<16xi32>], vector<16xi32>,
        %gather3A_461 = tpu.vector_load_idx %arg5[%add3A_21, %add3A_454] : memref<128x208xi32, #tpu.memory_space<vmem>>[vector<16xi32>, vector<16xi32>], vector<16xi32>,
        tpu.vector_store_idx %arg6[%add3A_454, %add3A_21], %gather3A_461 : memref<208x128xi32, #tpu.memory_space<vmem>>[vector<16xi32>, vector<16xi32>], vector<16xi32>,
        %gather3A_462 = tpu.vector_load_idx %arg5[%add3A_24, %add3A_454] : memref<128x208xi32, #tpu.memory_space<vmem>>[vector<16xi32>, vector<16xi32>], vector<16xi32>,
        tpu.vector_store_idx %arg6[%add3A_454, %add3A_24], %gather3A_462 : memref<208x128xi32, #tpu.memory_space<vmem>>[vector<16xi32>, vector<16xi32>], vector<16xi32>,
        %add3A_463 = arith.constant 32 : i32
        %add3A_464 = vector.broadcast %add3A_463 : i32 to vector<16xi32>
        %add3A_465 = arith.addi %and3A_441, %add3A_464 : vector<16xi32>
        %gather3A_466 = tpu.vector_load_idx %arg5[%add3A_3, %add3A_465] : memref<128x208xi32, #tpu.memory_space<vmem>>[vector<16xi32>, vector<16xi32>], vector<16xi32>,
        tpu.vector_store_idx %arg6[%add3A_465, %add3A_3], %gather3A_466 : memref<208x128xi32, #tpu.memory_space<vmem>>[vector<16xi32>, vector<16xi32>], vector<16xi32>,
        %gather3A_467 = tpu.vector_load_idx %arg5[%add3A_6, %add3A_465] : memref<128x208xi32, #tpu.memory_space<vmem>>[vector<16xi32>, vector<16xi32>], vector<16xi32>,
        tpu.vector_store_idx %arg6[%add3A_465, %add3A_6], %gather3A_467 : memref<208x128xi32, #tpu.memory_space<vmem>>[vector<16xi32>, vector<16xi32>], vector<16xi32>,
        %gather3A_468 = tpu.vector_load_idx %arg5[%add3A_9, %add3A_465] : memref<128x208xi32, #tpu.memory_space<vmem>>[vector<16xi32>, vector<16xi32>], vector<16xi32>,
        tpu.vector_store_idx %arg6[%add3A_465, %add3A_9], %gather3A_468 : memref<208x128xi32, #tpu.memory_space<vmem>>[vector<16xi32>, vector<16xi32>], vector<16xi32>,
        %gather3A_469 = tpu.vector_load_idx %arg5[%add3A_12, %add3A_465] : memref<128x208xi32, #tpu.memory_space<vmem>>[vector<16xi32>, vector<16xi32>], vector<16xi32>,
        tpu.vector_store_idx %arg6[%add3A_465, %add3A_12], %gather3A_469 : memref<208x128xi32, #tpu.memory_space<vmem>>[vector<16xi32>, vector<16xi32>], vector<16xi32>,
        %gather3A_470 = tpu.vector_load_idx %arg5[%add3A_15, %add3A_465] : memref<128x208xi32, #tpu.memory_space<vmem>>[vector<16xi32>, vector<16xi32>], vector<16xi32>,
        tpu.vector_store_idx %arg6[%add3A_465, %add3A_15], %gather3A_470 : memref<208x128xi32, #tpu.memory_space<vmem>>[vector<16xi32>, vector<16xi32>], vector<16xi32>,
        %gather3A_471 = tpu.vector_load_idx %arg5[%add3A_18, %add3A_465] : memref<128x208xi32, #tpu.memory_space<vmem>>[vector<16xi32>, vector<16xi32>], vector<16xi32>,
        tpu.vector_store_idx %arg6[%add3A_465, %add3A_18], %gather3A_471 : memref<208x128xi32, #tpu.memory_space<vmem>>[vector<16xi32>, vector<16xi32>], vector<16xi32>,
        %gather3A_472 = tpu.vector_load_idx %arg5[%add3A_21, %add3A_465] : memref<128x208xi32, #tpu.memory_space<vmem>>[vector<16xi32>, vector<16xi32>], vector<16xi32>,
        tpu.vector_store_idx %arg6[%add3A_465, %add3A_21], %gather3A_472 : memref<208x128xi32, #tpu.memory_space<vmem>>[vector<16xi32>, vector<16xi32>], vector<16xi32>,
        %gather3A_473 = tpu.vector_load_idx %arg5[%add3A_24, %add3A_465] : memref<128x208xi32, #tpu.memory_space<vmem>>[vector<16xi32>, vector<16xi32>], vector<16xi32>,
        tpu.vector_store_idx %arg6[%add3A_465, %add3A_24], %gather3A_473 : memref<208x128xi32, #tpu.memory_space<vmem>>[vector<16xi32>, vector<16xi32>], vector<16xi32>,
        %add3A_474 = arith.constant 48 : i32
        %add3A_475 = vector.broadcast %add3A_474 : i32 to vector<16xi32>
        %add3A_476 = arith.addi %and3A_441, %add3A_475 : vector<16xi32>
        %gather3A_477 = tpu.vector_load_idx %arg5[%add3A_3, %add3A_476] : memref<128x208xi32, #tpu.memory_space<vmem>>[vector<16xi32>, vector<16xi32>], vector<16xi32>,
        tpu.vector_store_idx %arg6[%add3A_476, %add3A_3], %gather3A_477 : memref<208x128xi32, #tpu.memory_space<vmem>>[vector<16xi32>, vector<16xi32>], vector<16xi32>,
        %gather3A_478 = tpu.vector_load_idx %arg5[%add3A_6, %add3A_476] : memref<128x208xi32, #tpu.memory_space<vmem>>[vector<16xi32>, vector<16xi32>], vector<16xi32>,
        tpu.vector_store_idx %arg6[%add3A_476, %add3A_6], %gather3A_478 : memref<208x128xi32, #tpu.memory_space<vmem>>[vector<16xi32>, vector<16xi32>], vector<16xi32>,
        %gather3A_479 = tpu.vector_load_idx %arg5[%add3A_9, %add3A_476] : memref<128x208xi32, #tpu.memory_space<vmem>>[vector<16xi32>, vector<16xi32>], vector<16xi32>,
        tpu.vector_store_idx %arg6[%add3A_476, %add3A_9], %gather3A_479 : memref<208x128xi32, #tpu.memory_space<vmem>>[vector<16xi32>, vector<16xi32>], vector<16xi32>,
        %gather3A_480 = tpu.vector_load_idx %arg5[%add3A_12, %add3A_476] : memref<128x208xi32, #tpu.memory_space<vmem>>[vector<16xi32>, vector<16xi32>], vector<16xi32>,
        tpu.vector_store_idx %arg6[%add3A_476, %add3A_12], %gather3A_480 : memref<208x128xi32, #tpu.memory_space<vmem>>[vector<16xi32>, vector<16xi32>], vector<16xi32>,
        %gather3A_481 = tpu.vector_load_idx %arg5[%add3A_15, %add3A_476] : memref<128x208xi32, #tpu.memory_space<vmem>>[vector<16xi32>, vector<16xi32>], vector<16xi32>,
        tpu.vector_store_idx %arg6[%add3A_476, %add3A_15], %gather3A_481 : memref<208x128xi32, #tpu.memory_space<vmem>>[vector<16xi32>, vector<16xi32>], vector<16xi32>,
        %gather3A_482 = tpu.vector_load_idx %arg5[%add3A_18, %add3A_476] : memref<128x208xi32, #tpu.memory_space<vmem>>[vector<16xi32>, vector<16xi32>], vector<16xi32>,
        tpu.vector_store_idx %arg6[%add3A_476, %add3A_18], %gather3A_482 : memref<208x128xi32, #tpu.memory_space<vmem>>[vector<16xi32>, vector<16xi32>], vector<16xi32>,
        %gather3A_483 = tpu.vector_load_idx %arg5[%add3A_21, %add3A_476] : memref<128x208xi32, #tpu.memory_space<vmem>>[vector<16xi32>, vector<16xi32>], vector<16xi32>,
        tpu.vector_store_idx %arg6[%add3A_476, %add3A_21], %gather3A_483 : memref<208x128xi32, #tpu.memory_space<vmem>>[vector<16xi32>, vector<16xi32>], vector<16xi32>,
        %gather3A_484 = tpu.vector_load_idx %arg5[%add3A_24, %add3A_476] : memref<128x208xi32, #tpu.memory_space<vmem>>[vector<16xi32>, vector<16xi32>], vector<16xi32>,
        tpu.vector_store_idx %arg6[%add3A_476, %add3A_24], %gather3A_484 : memref<208x128xi32, #tpu.memory_space<vmem>>[vector<16xi32>, vector<16xi32>], vector<16xi32>,
        %add3A_485 = arith.constant 64 : i32
        %add3A_486 = vector.broadcast %add3A_485 : i32 to vector<16xi32>
        %add3A_487 = arith.addi %and3A_441, %add3A_486 : vector<16xi32>
        %gather3A_488 = tpu.vector_load_idx %arg5[%add3A_3, %add3A_487] : memref<128x208xi32, #tpu.memory_space<vmem>>[vector<16xi32>, vector<16xi32>], vector<16xi32>,
        tpu.vector_store_idx %arg6[%add3A_487, %add3A_3], %gather3A_488 : memref<208x128xi32, #tpu.memory_space<vmem>>[vector<16xi32>, vector<16xi32>], vector<16xi32>,
        %gather3A_489 = tpu.vector_load_idx %arg5[%add3A_6, %add3A_487] : memref<128x208xi32, #tpu.memory_space<vmem>>[vector<16xi32>, vector<16xi32>], vector<16xi32>,
        tpu.vector_store_idx %arg6[%add3A_487, %add3A_6], %gather3A_489 : memref<208x128xi32, #tpu.memory_space<vmem>>[vector<16xi32>, vector<16xi32>], vector<16xi32>,
        %gather3A_490 = tpu.vector_load_idx %arg5[%add3A_9, %add3A_487] : memref<128x208xi32, #tpu.memory_space<vmem>>[vector<16xi32>, vector<16xi32>], vector<16xi32>,
        tpu.vector_store_idx %arg6[%add3A_487, %add3A_9], %gather3A_490 : memref<208x128xi32, #tpu.memory_space<vmem>>[vector<16xi32>, vector<16xi32>], vector<16xi32>,
        %gather3A_491 = tpu.vector_load_idx %arg5[%add3A_12, %add3A_487] : memref<128x208xi32, #tpu.memory_space<vmem>>[vector<16xi32>, vector<16xi32>], vector<16xi32>,
        tpu.vector_store_idx %arg6[%add3A_487, %add3A_12], %gather3A_491 : memref<208x128xi32, #tpu.memory_space<vmem>>[vector<16xi32>, vector<16xi32>], vector<16xi32>,
        %gather3A_492 = tpu.vector_load_idx %arg5[%add3A_15, %add3A_487] : memref<128x208xi32, #tpu.memory_space<vmem>>[vector<16xi32>, vector<16xi32>], vector<16xi32>,
        tpu.vector_store_idx %arg6[%add3A_487, %add3A_15], %gather3A_492 : memref<208x128xi32, #tpu.memory_space<vmem>>[vector<16xi32>, vector<16xi32>], vector<16xi32>,
        %gather3A_493 = tpu.vector_load_idx %arg5[%add3A_18, %add3A_487] : memref<128x208xi32, #tpu.memory_space<vmem>>[vector<16xi32>, vector<16xi32>], vector<16xi32>,
        tpu.vector_store_idx %arg6[%add3A_487, %add3A_18], %gather3A_493 : memref<208x128xi32, #tpu.memory_space<vmem>>[vector<16xi32>, vector<16xi32>], vector<16xi32>,
        %gather3A_494 = tpu.vector_load_idx %arg5[%add3A_21, %add3A_487] : memref<128x208xi32, #tpu.memory_space<vmem>>[vector<16xi32>, vector<16xi32>], vector<16xi32>,
        tpu.vector_store_idx %arg6[%add3A_487, %add3A_21], %gather3A_494 : memref<208x128xi32, #tpu.memory_space<vmem>>[vector<16xi32>, vector<16xi32>], vector<16xi32>,
        %gather3A_495 = tpu.vector_load_idx %arg5[%add3A_24, %add3A_487] : memref<128x208xi32, #tpu.memory_space<vmem>>[vector<16xi32>, vector<16xi32>], vector<16xi32>,
        tpu.vector_store_idx %arg6[%add3A_487, %add3A_24], %gather3A_495 : memref<208x128xi32, #tpu.memory_space<vmem>>[vector<16xi32>, vector<16xi32>], vector<16xi32>,
        %add3A_496 = arith.constant 80 : i32
        %add3A_497 = vector.broadcast %add3A_496 : i32 to vector<16xi32>
        %add3A_498 = arith.addi %and3A_441, %add3A_497 : vector<16xi32>
        %gather3A_499 = tpu.vector_load_idx %arg5[%add3A_3, %add3A_498] : memref<128x208xi32, #tpu.memory_space<vmem>>[vector<16xi32>, vector<16xi32>], vector<16xi32>,
        tpu.vector_store_idx %arg6[%add3A_498, %add3A_3], %gather3A_499 : memref<208x128xi32, #tpu.memory_space<vmem>>[vector<16xi32>, vector<16xi32>], vector<16xi32>,
        %gather3A_500 = tpu.vector_load_idx %arg5[%add3A_6, %add3A_498] : memref<128x208xi32, #tpu.memory_space<vmem>>[vector<16xi32>, vector<16xi32>], vector<16xi32>,
        tpu.vector_store_idx %arg6[%add3A_498, %add3A_6], %gather3A_500 : memref<208x128xi32, #tpu.memory_space<vmem>>[vector<16xi32>, vector<16xi32>], vector<16xi32>,
        %gather3A_501 = tpu.vector_load_idx %arg5[%add3A_9, %add3A_498] : memref<128x208xi32, #tpu.memory_space<vmem>>[vector<16xi32>, vector<16xi32>], vector<16xi32>,
        tpu.vector_store_idx %arg6[%add3A_498, %add3A_9], %gather3A_501 : memref<208x128xi32, #tpu.memory_space<vmem>>[vector<16xi32>, vector<16xi32>], vector<16xi32>,
        %gather3A_502 = tpu.vector_load_idx %arg5[%add3A_12, %add3A_498] : memref<128x208xi32, #tpu.memory_space<vmem>>[vector<16xi32>, vector<16xi32>], vector<16xi32>,
        tpu.vector_store_idx %arg6[%add3A_498, %add3A_12], %gather3A_502 : memref<208x128xi32, #tpu.memory_space<vmem>>[vector<16xi32>, vector<16xi32>], vector<16xi32>,
        %gather3A_503 = tpu.vector_load_idx %arg5[%add3A_15, %add3A_498] : memref<128x208xi32, #tpu.memory_space<vmem>>[vector<16xi32>, vector<16xi32>], vector<16xi32>,
        tpu.vector_store_idx %arg6[%add3A_498, %add3A_15], %gather3A_503 : memref<208x128xi32, #tpu.memory_space<vmem>>[vector<16xi32>, vector<16xi32>], vector<16xi32>,
        %gather3A_504 = tpu.vector_load_idx %arg5[%add3A_18, %add3A_498] : memref<128x208xi32, #tpu.memory_space<vmem>>[vector<16xi32>, vector<16xi32>], vector<16xi32>,
        tpu.vector_store_idx %arg6[%add3A_498, %add3A_18], %gather3A_504 : memref<208x128xi32, #tpu.memory_space<vmem>>[vector<16xi32>, vector<16xi32>], vector<16xi32>,
        %gather3A_505 = tpu.vector_load_idx %arg5[%add3A_21, %add3A_498] : memref<128x208xi32, #tpu.memory_space<vmem>>[vector<16xi32>, vector<16xi32>], vector<16xi32>,
        tpu.vector_store_idx %arg6[%add3A_498, %add3A_21], %gather3A_505 : memref<208x128xi32, #tpu.memory_space<vmem>>[vector<16xi32>, vector<16xi32>], vector<16xi32>,
        %gather3A_506 = tpu.vector_load_idx %arg5[%add3A_24, %add3A_498] : memref<128x208xi32, #tpu.memory_space<vmem>>[vector<16xi32>, vector<16xi32>], vector<16xi32>,
        tpu.vector_store_idx %arg6[%add3A_498, %add3A_24], %gather3A_506 : memref<208x128xi32, #tpu.memory_space<vmem>>[vector<16xi32>, vector<16xi32>], vector<16xi32>,
        %add3A_507 = arith.constant 96 : i32
        %add3A_508 = vector.broadcast %add3A_507 : i32 to vector<16xi32>
        %add3A_509 = arith.addi %and3A_441, %add3A_508 : vector<16xi32>
        %gather3A_510 = tpu.vector_load_idx %arg5[%add3A_3, %add3A_509] : memref<128x208xi32, #tpu.memory_space<vmem>>[vector<16xi32>, vector<16xi32>], vector<16xi32>,
        tpu.vector_store_idx %arg6[%add3A_509, %add3A_3], %gather3A_510 : memref<208x128xi32, #tpu.memory_space<vmem>>[vector<16xi32>, vector<16xi32>], vector<16xi32>,
        %gather3A_511 = tpu.vector_load_idx %arg5[%add3A_6, %add3A_509] : memref<128x208xi32, #tpu.memory_space<vmem>>[vector<16xi32>, vector<16xi32>], vector<16xi32>,
        tpu.vector_store_idx %arg6[%add3A_509, %add3A_6], %gather3A_511 : memref<208x128xi32, #tpu.memory_space<vmem>>[vector<16xi32>, vector<16xi32>], vector<16xi32>,
        %gather3A_512 = tpu.vector_load_idx %arg5[%add3A_9, %add3A_509] : memref<128x208xi32, #tpu.memory_space<vmem>>[vector<16xi32>, vector<16xi32>], vector<16xi32>,
        tpu.vector_store_idx %arg6[%add3A_509, %add3A_9], %gather3A_512 : memref<208x128xi32, #tpu.memory_space<vmem>>[vector<16xi32>, vector<16xi32>], vector<16xi32>,
        %gather3A_513 = tpu.vector_load_idx %arg5[%add3A_12, %add3A_509] : memref<128x208xi32, #tpu.memory_space<vmem>>[vector<16xi32>, vector<16xi32>], vector<16xi32>,
        tpu.vector_store_idx %arg6[%add3A_509, %add3A_12], %gather3A_513 : memref<208x128xi32, #tpu.memory_space<vmem>>[vector<16xi32>, vector<16xi32>], vector<16xi32>,
        %gather3A_514 = tpu.vector_load_idx %arg5[%add3A_15, %add3A_509] : memref<128x208xi32, #tpu.memory_space<vmem>>[vector<16xi32>, vector<16xi32>], vector<16xi32>,
        tpu.vector_store_idx %arg6[%add3A_509, %add3A_15], %gather3A_514 : memref<208x128xi32, #tpu.memory_space<vmem>>[vector<16xi32>, vector<16xi32>], vector<16xi32>,
        %gather3A_515 = tpu.vector_load_idx %arg5[%add3A_18, %add3A_509] : memref<128x208xi32, #tpu.memory_space<vmem>>[vector<16xi32>, vector<16xi32>], vector<16xi32>,
        tpu.vector_store_idx %arg6[%add3A_509, %add3A_18], %gather3A_515 : memref<208x128xi32, #tpu.memory_space<vmem>>[vector<16xi32>, vector<16xi32>], vector<16xi32>,
        %gather3A_516 = tpu.vector_load_idx %arg5[%add3A_21, %add3A_509] : memref<128x208xi32, #tpu.memory_space<vmem>>[vector<16xi32>, vector<16xi32>], vector<16xi32>,
        tpu.vector_store_idx %arg6[%add3A_509, %add3A_21], %gather3A_516 : memref<208x128xi32, #tpu.memory_space<vmem>>[vector<16xi32>, vector<16xi32>], vector<16xi32>,
        %gather3A_517 = tpu.vector_load_idx %arg5[%add3A_24, %add3A_509] : memref<128x208xi32, #tpu.memory_space<vmem>>[vector<16xi32>, vector<16xi32>], vector<16xi32>,
        tpu.vector_store_idx %arg6[%add3A_509, %add3A_24], %gather3A_517 : memref<208x128xi32, #tpu.memory_space<vmem>>[vector<16xi32>, vector<16xi32>], vector<16xi32>,
        %add3A_518 = arith.constant 112 : i32
        %add3A_519 = vector.broadcast %add3A_518 : i32 to vector<16xi32>
        %add3A_520 = arith.addi %and3A_441, %add3A_519 : vector<16xi32>
        %gather3A_521 = tpu.vector_load_idx %arg5[%add3A_3, %add3A_520] : memref<128x208xi32, #tpu.memory_space<vmem>>[vector<16xi32>, vector<16xi32>], vector<16xi32>,
        tpu.vector_store_idx %arg6[%add3A_520, %add3A_3], %gather3A_521 : memref<208x128xi32, #tpu.memory_space<vmem>>[vector<16xi32>, vector<16xi32>], vector<16xi32>,
        %gather3A_522 = tpu.vector_load_idx %arg5[%add3A_6, %add3A_520] : memref<128x208xi32, #tpu.memory_space<vmem>>[vector<16xi32>, vector<16xi32>], vector<16xi32>,
        tpu.vector_store_idx %arg6[%add3A_520, %add3A_6], %gather3A_522 : memref<208x128xi32, #tpu.memory_space<vmem>>[vector<16xi32>, vector<16xi32>], vector<16xi32>,
        %gather3A_523 = tpu.vector_load_idx %arg5[%add3A_9, %add3A_520] : memref<128x208xi32, #tpu.memory_space<vmem>>[vector<16xi32>, vector<16xi32>], vector<16xi32>,
        tpu.vector_store_idx %arg6[%add3A_520, %add3A_9], %gather3A_523 : memref<208x128xi32, #tpu.memory_space<vmem>>[vector<16xi32>, vector<16xi32>], vector<16xi32>,
        %gather3A_524 = tpu.vector_load_idx %arg5[%add3A_12, %add3A_520] : memref<128x208xi32, #tpu.memory_space<vmem>>[vector<16xi32>, vector<16xi32>], vector<16xi32>,
        tpu.vector_store_idx %arg6[%add3A_520, %add3A_12], %gather3A_524 : memref<208x128xi32, #tpu.memory_space<vmem>>[vector<16xi32>, vector<16xi32>], vector<16xi32>,
        %gather3A_525 = tpu.vector_load_idx %arg5[%add3A_15, %add3A_520] : memref<128x208xi32, #tpu.memory_space<vmem>>[vector<16xi32>, vector<16xi32>], vector<16xi32>,
        tpu.vector_store_idx %arg6[%add3A_520, %add3A_15], %gather3A_525 : memref<208x128xi32, #tpu.memory_space<vmem>>[vector<16xi32>, vector<16xi32>], vector<16xi32>,
        %gather3A_526 = tpu.vector_load_idx %arg5[%add3A_18, %add3A_520] : memref<128x208xi32, #tpu.memory_space<vmem>>[vector<16xi32>, vector<16xi32>], vector<16xi32>,
        tpu.vector_store_idx %arg6[%add3A_520, %add3A_18], %gather3A_526 : memref<208x128xi32, #tpu.memory_space<vmem>>[vector<16xi32>, vector<16xi32>], vector<16xi32>,
        %gather3A_527 = tpu.vector_load_idx %arg5[%add3A_21, %add3A_520] : memref<128x208xi32, #tpu.memory_space<vmem>>[vector<16xi32>, vector<16xi32>], vector<16xi32>,
        tpu.vector_store_idx %arg6[%add3A_520, %add3A_21], %gather3A_527 : memref<208x128xi32, #tpu.memory_space<vmem>>[vector<16xi32>, vector<16xi32>], vector<16xi32>,
        %gather3A_528 = tpu.vector_load_idx %arg5[%add3A_24, %add3A_520] : memref<128x208xi32, #tpu.memory_space<vmem>>[vector<16xi32>, vector<16xi32>], vector<16xi32>,
        tpu.vector_store_idx %arg6[%add3A_520, %add3A_24], %gather3A_528 : memref<208x128xi32, #tpu.memory_space<vmem>>[vector<16xi32>, vector<16xi32>], vector<16xi32>,
        %add3A_529 = arith.constant 128 : i32
        %add3A_530 = vector.broadcast %add3A_529 : i32 to vector<16xi32>
        %add3A_531 = arith.addi %and3A_441, %add3A_530 : vector<16xi32>
        %gather3A_532 = tpu.vector_load_idx %arg5[%add3A_3, %add3A_531] : memref<128x208xi32, #tpu.memory_space<vmem>>[vector<16xi32>, vector<16xi32>], vector<16xi32>,
        tpu.vector_store_idx %arg6[%add3A_531, %add3A_3], %gather3A_532 : memref<208x128xi32, #tpu.memory_space<vmem>>[vector<16xi32>, vector<16xi32>], vector<16xi32>,
        %gather3A_533 = tpu.vector_load_idx %arg5[%add3A_6, %add3A_531] : memref<128x208xi32, #tpu.memory_space<vmem>>[vector<16xi32>, vector<16xi32>], vector<16xi32>,
        tpu.vector_store_idx %arg6[%add3A_531, %add3A_6], %gather3A_533 : memref<208x128xi32, #tpu.memory_space<vmem>>[vector<16xi32>, vector<16xi32>], vector<16xi32>,
        %gather3A_534 = tpu.vector_load_idx %arg5[%add3A_9, %add3A_531] : memref<128x208xi32, #tpu.memory_space<vmem>>[vector<16xi32>, vector<16xi32>], vector<16xi32>,
        tpu.vector_store_idx %arg6[%add3A_531, %add3A_9], %gather3A_534 : memref<208x128xi32, #tpu.memory_space<vmem>>[vector<16xi32>, vector<16xi32>], vector<16xi32>,
        %gather3A_535 = tpu.vector_load_idx %arg5[%add3A_12, %add3A_531] : memref<128x208xi32, #tpu.memory_space<vmem>>[vector<16xi32>, vector<16xi32>], vector<16xi32>,
        tpu.vector_store_idx %arg6[%add3A_531, %add3A_12], %gather3A_535 : memref<208x128xi32, #tpu.memory_space<vmem>>[vector<16xi32>, vector<16xi32>], vector<16xi32>,
        %gather3A_536 = tpu.vector_load_idx %arg5[%add3A_15, %add3A_531] : memref<128x208xi32, #tpu.memory_space<vmem>>[vector<16xi32>, vector<16xi32>], vector<16xi32>,
        tpu.vector_store_idx %arg6[%add3A_531, %add3A_15], %gather3A_536 : memref<208x128xi32, #tpu.memory_space<vmem>>[vector<16xi32>, vector<16xi32>], vector<16xi32>,
        %gather3A_537 = tpu.vector_load_idx %arg5[%add3A_18, %add3A_531] : memref<128x208xi32, #tpu.memory_space<vmem>>[vector<16xi32>, vector<16xi32>], vector<16xi32>,
        tpu.vector_store_idx %arg6[%add3A_531, %add3A_18], %gather3A_537 : memref<208x128xi32, #tpu.memory_space<vmem>>[vector<16xi32>, vector<16xi32>], vector<16xi32>,
        %gather3A_538 = tpu.vector_load_idx %arg5[%add3A_21, %add3A_531] : memref<128x208xi32, #tpu.memory_space<vmem>>[vector<16xi32>, vector<16xi32>], vector<16xi32>,
        tpu.vector_store_idx %arg6[%add3A_531, %add3A_21], %gather3A_538 : memref<208x128xi32, #tpu.memory_space<vmem>>[vector<16xi32>, vector<16xi32>], vector<16xi32>,
        %gather3A_539 = tpu.vector_load_idx %arg5[%add3A_24, %add3A_531] : memref<128x208xi32, #tpu.memory_space<vmem>>[vector<16xi32>, vector<16xi32>], vector<16xi32>,
        tpu.vector_store_idx %arg6[%add3A_531, %add3A_24], %gather3A_539 : memref<208x128xi32, #tpu.memory_space<vmem>>[vector<16xi32>, vector<16xi32>], vector<16xi32>,
        %add3A_540 = arith.constant 144 : i32
        %add3A_541 = vector.broadcast %add3A_540 : i32 to vector<16xi32>
        %add3A_542 = arith.addi %and3A_441, %add3A_541 : vector<16xi32>
        %gather3A_543 = tpu.vector_load_idx %arg5[%add3A_3, %add3A_542] : memref<128x208xi32, #tpu.memory_space<vmem>>[vector<16xi32>, vector<16xi32>], vector<16xi32>,
        tpu.vector_store_idx %arg6[%add3A_542, %add3A_3], %gather3A_543 : memref<208x128xi32, #tpu.memory_space<vmem>>[vector<16xi32>, vector<16xi32>], vector<16xi32>,
        %gather3A_544 = tpu.vector_load_idx %arg5[%add3A_6, %add3A_542] : memref<128x208xi32, #tpu.memory_space<vmem>>[vector<16xi32>, vector<16xi32>], vector<16xi32>,
        tpu.vector_store_idx %arg6[%add3A_542, %add3A_6], %gather3A_544 : memref<208x128xi32, #tpu.memory_space<vmem>>[vector<16xi32>, vector<16xi32>], vector<16xi32>,
        %gather3A_545 = tpu.vector_load_idx %arg5[%add3A_9, %add3A_542] : memref<128x208xi32, #tpu.memory_space<vmem>>[vector<16xi32>, vector<16xi32>], vector<16xi32>,
        tpu.vector_store_idx %arg6[%add3A_542, %add3A_9], %gather3A_545 : memref<208x128xi32, #tpu.memory_space<vmem>>[vector<16xi32>, vector<16xi32>], vector<16xi32>,
        %gather3A_546 = tpu.vector_load_idx %arg5[%add3A_12, %add3A_542] : memref<128x208xi32, #tpu.memory_space<vmem>>[vector<16xi32>, vector<16xi32>], vector<16xi32>,
        tpu.vector_store_idx %arg6[%add3A_542, %add3A_12], %gather3A_546 : memref<208x128xi32, #tpu.memory_space<vmem>>[vector<16xi32>, vector<16xi32>], vector<16xi32>,
        %gather3A_547 = tpu.vector_load_idx %arg5[%add3A_15, %add3A_542] : memref<128x208xi32, #tpu.memory_space<vmem>>[vector<16xi32>, vector<16xi32>], vector<16xi32>,
        tpu.vector_store_idx %arg6[%add3A_542, %add3A_15], %gather3A_547 : memref<208x128xi32, #tpu.memory_space<vmem>>[vector<16xi32>, vector<16xi32>], vector<16xi32>,
        %gather3A_548 = tpu.vector_load_idx %arg5[%add3A_18, %add3A_542] : memref<128x208xi32, #tpu.memory_space<vmem>>[vector<16xi32>, vector<16xi32>], vector<16xi32>,
        tpu.vector_store_idx %arg6[%add3A_542, %add3A_18], %gather3A_548 : memref<208x128xi32, #tpu.memory_space<vmem>>[vector<16xi32>, vector<16xi32>], vector<16xi32>,
        %gather3A_549 = tpu.vector_load_idx %arg5[%add3A_21, %add3A_542] : memref<128x208xi32, #tpu.memory_space<vmem>>[vector<16xi32>, vector<16xi32>], vector<16xi32>,
        tpu.vector_store_idx %arg6[%add3A_542, %add3A_21], %gather3A_549 : memref<208x128xi32, #tpu.memory_space<vmem>>[vector<16xi32>, vector<16xi32>], vector<16xi32>,
        %gather3A_550 = tpu.vector_load_idx %arg5[%add3A_24, %add3A_542] : memref<128x208xi32, #tpu.memory_space<vmem>>[vector<16xi32>, vector<16xi32>], vector<16xi32>,
        tpu.vector_store_idx %arg6[%add3A_542, %add3A_24], %gather3A_550 : memref<208x128xi32, #tpu.memory_space<vmem>>[vector<16xi32>, vector<16xi32>], vector<16xi32>,
        %add3A_551 = arith.constant 160 : i32
        %add3A_552 = vector.broadcast %add3A_551 : i32 to vector<16xi32>
        %add3A_553 = arith.addi %and3A_441, %add3A_552 : vector<16xi32>
        %gather3A_554 = tpu.vector_load_idx %arg5[%add3A_3, %add3A_553] : memref<128x208xi32, #tpu.memory_space<vmem>>[vector<16xi32>, vector<16xi32>], vector<16xi32>,
        tpu.vector_store_idx %arg6[%add3A_553, %add3A_3], %gather3A_554 : memref<208x128xi32, #tpu.memory_space<vmem>>[vector<16xi32>, vector<16xi32>], vector<16xi32>,
        %gather3A_555 = tpu.vector_load_idx %arg5[%add3A_6, %add3A_553] : memref<128x208xi32, #tpu.memory_space<vmem>>[vector<16xi32>, vector<16xi32>], vector<16xi32>,
        tpu.vector_store_idx %arg6[%add3A_553, %add3A_6], %gather3A_555 : memref<208x128xi32, #tpu.memory_space<vmem>>[vector<16xi32>, vector<16xi32>], vector<16xi32>,
        %gather3A_556 = tpu.vector_load_idx %arg5[%add3A_9, %add3A_553] : memref<128x208xi32, #tpu.memory_space<vmem>>[vector<16xi32>, vector<16xi32>], vector<16xi32>,
        tpu.vector_store_idx %arg6[%add3A_553, %add3A_9], %gather3A_556 : memref<208x128xi32, #tpu.memory_space<vmem>>[vector<16xi32>, vector<16xi32>], vector<16xi32>,
        %gather3A_557 = tpu.vector_load_idx %arg5[%add3A_12, %add3A_553] : memref<128x208xi32, #tpu.memory_space<vmem>>[vector<16xi32>, vector<16xi32>], vector<16xi32>,
        tpu.vector_store_idx %arg6[%add3A_553, %add3A_12], %gather3A_557 : memref<208x128xi32, #tpu.memory_space<vmem>>[vector<16xi32>, vector<16xi32>], vector<16xi32>,
        %gather3A_558 = tpu.vector_load_idx %arg5[%add3A_15, %add3A_553] : memref<128x208xi32, #tpu.memory_space<vmem>>[vector<16xi32>, vector<16xi32>], vector<16xi32>,
        tpu.vector_store_idx %arg6[%add3A_553, %add3A_15], %gather3A_558 : memref<208x128xi32, #tpu.memory_space<vmem>>[vector<16xi32>, vector<16xi32>], vector<16xi32>,
        %gather3A_559 = tpu.vector_load_idx %arg5[%add3A_18, %add3A_553] : memref<128x208xi32, #tpu.memory_space<vmem>>[vector<16xi32>, vector<16xi32>], vector<16xi32>,
        tpu.vector_store_idx %arg6[%add3A_553, %add3A_18], %gather3A_559 : memref<208x128xi32, #tpu.memory_space<vmem>>[vector<16xi32>, vector<16xi32>], vector<16xi32>,
        %gather3A_560 = tpu.vector_load_idx %arg5[%add3A_21, %add3A_553] : memref<128x208xi32, #tpu.memory_space<vmem>>[vector<16xi32>, vector<16xi32>], vector<16xi32>,
        tpu.vector_store_idx %arg6[%add3A_553, %add3A_21], %gather3A_560 : memref<208x128xi32, #tpu.memory_space<vmem>>[vector<16xi32>, vector<16xi32>], vector<16xi32>,
        %gather3A_561 = tpu.vector_load_idx %arg5[%add3A_24, %add3A_553] : memref<128x208xi32, #tpu.memory_space<vmem>>[vector<16xi32>, vector<16xi32>], vector<16xi32>,
        tpu.vector_store_idx %arg6[%add3A_553, %add3A_24], %gather3A_561 : memref<208x128xi32, #tpu.memory_space<vmem>>[vector<16xi32>, vector<16xi32>], vector<16xi32>,
        %add3A_562 = arith.constant 176 : i32
        %add3A_563 = vector.broadcast %add3A_562 : i32 to vector<16xi32>
        %add3A_564 = arith.addi %and3A_441, %add3A_563 : vector<16xi32>
        %gather3A_565 = tpu.vector_load_idx %arg5[%add3A_3, %add3A_564] : memref<128x208xi32, #tpu.memory_space<vmem>>[vector<16xi32>, vector<16xi32>], vector<16xi32>,
        tpu.vector_store_idx %arg6[%add3A_564, %add3A_3], %gather3A_565 : memref<208x128xi32, #tpu.memory_space<vmem>>[vector<16xi32>, vector<16xi32>], vector<16xi32>,
        %gather3A_566 = tpu.vector_load_idx %arg5[%add3A_6, %add3A_564] : memref<128x208xi32, #tpu.memory_space<vmem>>[vector<16xi32>, vector<16xi32>], vector<16xi32>,
        tpu.vector_store_idx %arg6[%add3A_564, %add3A_6], %gather3A_566 : memref<208x128xi32, #tpu.memory_space<vmem>>[vector<16xi32>, vector<16xi32>], vector<16xi32>,
        %gather3A_567 = tpu.vector_load_idx %arg5[%add3A_9, %add3A_564] : memref<128x208xi32, #tpu.memory_space<vmem>>[vector<16xi32>, vector<16xi32>], vector<16xi32>,
        tpu.vector_store_idx %arg6[%add3A_564, %add3A_9], %gather3A_567 : memref<208x128xi32, #tpu.memory_space<vmem>>[vector<16xi32>, vector<16xi32>], vector<16xi32>,
        %gather3A_568 = tpu.vector_load_idx %arg5[%add3A_12, %add3A_564] : memref<128x208xi32, #tpu.memory_space<vmem>>[vector<16xi32>, vector<16xi32>], vector<16xi32>,
        tpu.vector_store_idx %arg6[%add3A_564, %add3A_12], %gather3A_568 : memref<208x128xi32, #tpu.memory_space<vmem>>[vector<16xi32>, vector<16xi32>], vector<16xi32>,
        %gather3A_569 = tpu.vector_load_idx %arg5[%add3A_15, %add3A_564] : memref<128x208xi32, #tpu.memory_space<vmem>>[vector<16xi32>, vector<16xi32>], vector<16xi32>,
        tpu.vector_store_idx %arg6[%add3A_564, %add3A_15], %gather3A_569 : memref<208x128xi32, #tpu.memory_space<vmem>>[vector<16xi32>, vector<16xi32>], vector<16xi32>,
        %gather3A_570 = tpu.vector_load_idx %arg5[%add3A_18, %add3A_564] : memref<128x208xi32, #tpu.memory_space<vmem>>[vector<16xi32>, vector<16xi32>], vector<16xi32>,
        tpu.vector_store_idx %arg6[%add3A_564, %add3A_18], %gather3A_570 : memref<208x128xi32, #tpu.memory_space<vmem>>[vector<16xi32>, vector<16xi32>], vector<16xi32>,
        %gather3A_571 = tpu.vector_load_idx %arg5[%add3A_21, %add3A_564] : memref<128x208xi32, #tpu.memory_space<vmem>>[vector<16xi32>, vector<16xi32>], vector<16xi32>,
        tpu.vector_store_idx %arg6[%add3A_564, %add3A_21], %gather3A_571 : memref<208x128xi32, #tpu.memory_space<vmem>>[vector<16xi32>, vector<16xi32>], vector<16xi32>,
        %gather3A_572 = tpu.vector_load_idx %arg5[%add3A_24, %add3A_564] : memref<128x208xi32, #tpu.memory_space<vmem>>[vector<16xi32>, vector<16xi32>], vector<16xi32>,
        tpu.vector_store_idx %arg6[%add3A_564, %add3A_24], %gather3A_572 : memref<208x128xi32, #tpu.memory_space<vmem>>[vector<16xi32>, vector<16xi32>], vector<16xi32>,
        %add3A_573 = arith.constant 192 : i32
        %add3A_574 = vector.broadcast %add3A_573 : i32 to vector<16xi32>
        %add3A_575 = arith.addi %and3A_441, %add3A_574 : vector<16xi32>
        %gather3A_576 = tpu.vector_load_idx %arg5[%add3A_3, %add3A_575] : memref<128x208xi32, #tpu.memory_space<vmem>>[vector<16xi32>, vector<16xi32>], vector<16xi32>,
        tpu.vector_store_idx %arg6[%add3A_575, %add3A_3], %gather3A_576 : memref<208x128xi32, #tpu.memory_space<vmem>>[vector<16xi32>, vector<16xi32>], vector<16xi32>,
        %gather3A_577 = tpu.vector_load_idx %arg5[%add3A_6, %add3A_575] : memref<128x208xi32, #tpu.memory_space<vmem>>[vector<16xi32>, vector<16xi32>], vector<16xi32>,
        tpu.vector_store_idx %arg6[%add3A_575, %add3A_6], %gather3A_577 : memref<208x128xi32, #tpu.memory_space<vmem>>[vector<16xi32>, vector<16xi32>], vector<16xi32>,
        %gather3A_578 = tpu.vector_load_idx %arg5[%add3A_9, %add3A_575] : memref<128x208xi32, #tpu.memory_space<vmem>>[vector<16xi32>, vector<16xi32>], vector<16xi32>,
        tpu.vector_store_idx %arg6[%add3A_575, %add3A_9], %gather3A_578 : memref<208x128xi32, #tpu.memory_space<vmem>>[vector<16xi32>, vector<16xi32>], vector<16xi32>,
        %gather3A_579 = tpu.vector_load_idx %arg5[%add3A_12, %add3A_575] : memref<128x208xi32, #tpu.memory_space<vmem>>[vector<16xi32>, vector<16xi32>], vector<16xi32>,
        tpu.vector_store_idx %arg6[%add3A_575, %add3A_12], %gather3A_579 : memref<208x128xi32, #tpu.memory_space<vmem>>[vector<16xi32>, vector<16xi32>], vector<16xi32>,
        %gather3A_580 = tpu.vector_load_idx %arg5[%add3A_15, %add3A_575] : memref<128x208xi32, #tpu.memory_space<vmem>>[vector<16xi32>, vector<16xi32>], vector<16xi32>,
        tpu.vector_store_idx %arg6[%add3A_575, %add3A_15], %gather3A_580 : memref<208x128xi32, #tpu.memory_space<vmem>>[vector<16xi32>, vector<16xi32>], vector<16xi32>,
        %gather3A_581 = tpu.vector_load_idx %arg5[%add3A_18, %add3A_575] : memref<128x208xi32, #tpu.memory_space<vmem>>[vector<16xi32>, vector<16xi32>], vector<16xi32>,
        tpu.vector_store_idx %arg6[%add3A_575, %add3A_18], %gather3A_581 : memref<208x128xi32, #tpu.memory_space<vmem>>[vector<16xi32>, vector<16xi32>], vector<16xi32>,
        %gather3A_582 = tpu.vector_load_idx %arg5[%add3A_21, %add3A_575] : memref<128x208xi32, #tpu.memory_space<vmem>>[vector<16xi32>, vector<16xi32>], vector<16xi32>,
        tpu.vector_store_idx %arg6[%add3A_575, %add3A_21], %gather3A_582 : memref<208x128xi32, #tpu.memory_space<vmem>>[vector<16xi32>, vector<16xi32>], vector<16xi32>,
        %gather3A_583 = tpu.vector_load_idx %arg5[%add3A_24, %add3A_575] : memref<128x208xi32, #tpu.memory_space<vmem>>[vector<16xi32>, vector<16xi32>], vector<16xi32>,
        tpu.vector_store_idx %arg6[%add3A_575, %add3A_24], %gather3A_583 : memref<208x128xi32, #tpu.memory_space<vmem>>[vector<16xi32>, vector<16xi32>], vector<16xi32>,
      }
      %scan3A_39 = arith.constant 16 : i32
      %dma_start3A = arith.constant 0 : i32
      %dma_start3A_40 = arith.constant 0 : i32
      %dma_start3A_41 = arith.constant 0 : i32
      %dma_start3A_42 = arith.constant 0 : i32
      %dma_start3A_43 = tpu.memref_slice %arg7[%dma_start3A_40, %dma_start3A_41, %dma_start3A_42] : memref<2x128x32xf32, #tpu.memory_space<vmem>> -> memref<1x128x32xf32, #tpu.memory_space<vmem>>
      %dma_start3A_44 = tpu.memref_squeeze %dma_start3A_43 : memref<1x128x32xf32, #tpu.memory_space<vmem>> -> memref<128x32xf32, #tpu.memory_space<vmem>>
      %dma_start3A_45 = arith.constant 0 : i32
      %dma_start3A_46 = tpu.memref_slice %arg6[%dma_start3A, %dma_start3A_45] : memref<208x128xi32, #tpu.memory_space<vmem>> -> memref<1x128xi32, #tpu.memory_space<vmem>>
      %dma_start3A_47 = tpu.memref_squeeze %dma_start3A_46 : memref<1x128xi32, #tpu.memory_space<vmem>> -> memref<128xi32, #tpu.memory_space<vmem>>
      %dma_start3A_48 = arith.constant 0 : i32
      %dma_start3A_49 = arith.constant 0 : i32
      %dma_start3A_50 = tpu.memref_slice %arg3[%dma_start3A_48, %dma_start3A_49] : memref<1000000x32xf32, #tpu.memory_space<hbm>> -> memref<1000000x32xf32, #tpu.memory_space<hbm>>
      tpu.enqueue_indirect_dma source(%dma_start3A_50 : memref<1000000x32xf32, #tpu.memory_space<hbm>>) target(%dma_start3A_44 : memref<128x32xf32, #tpu.memory_space<vmem>>) offsets(%dma_start3A_47 : memref<128xi32, #tpu.memory_space<vmem>>) semaphore(%arg9 : memref<!tpu.dma_semaphore, #tpu.memory_space<semaphore_mem>>)
      %dma_start3A_51 = arith.constant 1 : i32
      %dma_start3A_52 = arith.constant 1 : i32
      %dma_start3A_53 = arith.constant 0 : i32
      %dma_start3A_54 = arith.constant 0 : i32
      %dma_start3A_55 = tpu.memref_slice %arg7[%dma_start3A_52, %dma_start3A_53, %dma_start3A_54] : memref<2x128x32xf32, #tpu.memory_space<vmem>> -> memref<1x128x32xf32, #tpu.memory_space<vmem>>
      %dma_start3A_56 = tpu.memref_squeeze %dma_start3A_55 : memref<1x128x32xf32, #tpu.memory_space<vmem>> -> memref<128x32xf32, #tpu.memory_space<vmem>>
      %dma_start3A_57 = arith.constant 0 : i32
      %dma_start3A_58 = tpu.memref_slice %arg6[%dma_start3A_51, %dma_start3A_57] : memref<208x128xi32, #tpu.memory_space<vmem>> -> memref<1x128xi32, #tpu.memory_space<vmem>>
      %dma_start3A_59 = tpu.memref_squeeze %dma_start3A_58 : memref<1x128xi32, #tpu.memory_space<vmem>> -> memref<128xi32, #tpu.memory_space<vmem>>
      %dma_start3A_60 = arith.constant 0 : i32
      %dma_start3A_61 = arith.constant 0 : i32
      %dma_start3A_62 = tpu.memref_slice %arg3[%dma_start3A_60, %dma_start3A_61] : memref<1000000x32xf32, #tpu.memory_space<hbm>> -> memref<1000000x32xf32, #tpu.memory_space<hbm>>
      tpu.enqueue_indirect_dma source(%dma_start3A_62 : memref<1000000x32xf32, #tpu.memory_space<hbm>>) target(%dma_start3A_56 : memref<128x32xf32, #tpu.memory_space<vmem>>) offsets(%dma_start3A_59 : memref<128xi32, #tpu.memory_space<vmem>>) semaphore(%arg10 : memref<!tpu.dma_semaphore, #tpu.memory_space<semaphore_mem>>)
      %dma_wait3A = arith.constant 0 : i32
      %dma_wait3A_63 = arith.constant 0 : i32
      %dma_wait3A_64 = arith.constant 0 : i32
      %dma_wait3A_65 = arith.constant 0 : i32
      %dma_wait3A_66 = tpu.memref_slice %arg7[%dma_wait3A_63, %dma_wait3A_64, %dma_wait3A_65] : memref<2x128x32xf32, #tpu.memory_space<vmem>> -> memref<1x128x32xf32, #tpu.memory_space<vmem>>
      %dma_wait3A_67 = tpu.memref_squeeze %dma_wait3A_66 : memref<1x128x32xf32, #tpu.memory_space<vmem>> -> memref<128x32xf32, #tpu.memory_space<vmem>>
      %dma_wait3A_68 = arith.constant 0 : i32
      %dma_wait3A_69 = tpu.memref_slice %arg6[%dma_wait3A, %dma_wait3A_68] : memref<208x128xi32, #tpu.memory_space<vmem>> -> memref<1x128xi32, #tpu.memory_space<vmem>>
      %dma_wait3A_70 = tpu.memref_squeeze %dma_wait3A_69 : memref<1x128xi32, #tpu.memory_space<vmem>> -> memref<128xi32, #tpu.memory_space<vmem>>
      %dma_wait3A_71 = arith.constant 0 : i32
      %dma_wait3A_72 = arith.constant 0 : i32
      %dma_wait3A_73 = tpu.memref_slice %arg3[%dma_wait3A_71, %dma_wait3A_72] : memref<1000000x32xf32, #tpu.memory_space<hbm>> -> memref<1000000x32xf32, #tpu.memory_space<hbm>>
      tpu.wait_indirect_dma semaphore(%arg9 : memref<!tpu.dma_semaphore, #tpu.memory_space<semaphore_mem>>) src(%dma_wait3A_73 : memref<1000000x32xf32, #tpu.memory_space<hbm>>) dst(%dma_wait3A_67 : memref<128x32xf32, #tpu.memory_space<vmem>>)
      %scan3A_74 = arith.constant 0 : i32
      %scan3A_75 = arith.constant 8 : i32
      %scan3A_76 = arith.addi %scan3A_74, %scan3A_75 : i32
      %scan3A_77 = arith.constant 1 : i32
      scf.for %scan3A_437 = %scan3A_74 to %scan3A_76 step %scan3A_77  : i32 {
        %mul3A_438 = arith.constant 4 : i32
        %mul3A_439 = arith.muli %mul3A_438, %scan3A_437 : i32
        %add3A_440 = arith.constant 0 : i32
        %add3A_441 = arith.addi %mul3A_439, %add3A_440 : i32
        %add3A_442 = vector.broadcast %add3A_441 : i32 to vector<16xi32>
        %add3A_443 = arith.addi %iota3A, %add3A_442 : vector<16xi32>
        %and3A = arith.constant 31 : i32
        %and3A_444 = vector.broadcast %and3A : i32 to vector<16xi32>
        %and3A_445 = arith.andi %add3A_443, %and3A_444 : vector<16xi32>
        %shift_right_logical3A = arith.constant 3 : i32
        %shift_right_logical3A_446 = vector.broadcast %shift_right_logical3A : i32 to vector<16xi32>
        %shift_right_logical3A_447 = arith.shrui %and3A_445, %shift_right_logical3A_446 : vector<16xi32>
        %and3A_448 = arith.constant 7 : i32
        %and3A_449 = vector.broadcast %and3A_448 : i32 to vector<16xi32>
        %and3A_450 = arith.andi %and3A_445, %and3A_449 : vector<16xi32>
        %gather3A = arith.constant 0 : i32
        %gather3A_451 = arith.constant 0 : i32
        %gather3A_452 = arith.constant 0 : i32
        %gather3A_453 = tpu.memref_slice %arg7[%gather3A, %gather3A_451, %gather3A_452] : memref<2x128x32xf32, #tpu.memory_space<vmem>> -> memref<1x128x32xf32, #tpu.memory_space<vmem>>
        %gather3A_454 = tpu.memref_squeeze %gather3A_453 : memref<1x128x32xf32, #tpu.memory_space<vmem>> -> memref<128x32xf32, #tpu.memory_space<vmem>>
        %gather3A_455 = tpu.vector_load_idx %gather3A_454[%add3A_3, %and3A_445] : memref<128x32xf32, #tpu.memory_space<vmem>>[vector<16xi32>, vector<16xi32>], vector<16xf32>,
        %gather3A_456 = arith.constant 0 : i32
        %gather3A_457 = arith.constant 0 : i32
        %gather3A_458 = arith.constant 0 : i32
        %gather3A_459 = tpu.memref_slice %arg7[%gather3A_456, %gather3A_457, %gather3A_458] : memref<2x128x32xf32, #tpu.memory_space<vmem>> -> memref<1x128x32xf32, #tpu.memory_space<vmem>>
        %gather3A_460 = tpu.memref_squeeze %gather3A_459 : memref<1x128x32xf32, #tpu.memory_space<vmem>> -> memref<128x32xf32, #tpu.memory_space<vmem>>
        %gather3A_461 = tpu.vector_load_idx %gather3A_460[%add3A_6, %and3A_445] : memref<128x32xf32, #tpu.memory_space<vmem>>[vector<16xi32>, vector<16xi32>], vector<16xf32>,
        %gather3A_462 = arith.constant 0 : i32
        %gather3A_463 = arith.constant 0 : i32
        %gather3A_464 = arith.constant 0 : i32
        %gather3A_465 = tpu.memref_slice %arg7[%gather3A_462, %gather3A_463, %gather3A_464] : memref<2x128x32xf32, #tpu.memory_space<vmem>> -> memref<1x128x32xf32, #tpu.memory_space<vmem>>
        %gather3A_466 = tpu.memref_squeeze %gather3A_465 : memref<1x128x32xf32, #tpu.memory_space<vmem>> -> memref<128x32xf32, #tpu.memory_space<vmem>>
        %gather3A_467 = tpu.vector_load_idx %gather3A_466[%add3A_9, %and3A_445] : memref<128x32xf32, #tpu.memory_space<vmem>>[vector<16xi32>, vector<16xi32>], vector<16xf32>,
        %gather3A_468 = arith.constant 0 : i32
        %gather3A_469 = arith.constant 0 : i32
        %gather3A_470 = arith.constant 0 : i32
        %gather3A_471 = tpu.memref_slice %arg7[%gather3A_468, %gather3A_469, %gather3A_470] : memref<2x128x32xf32, #tpu.memory_space<vmem>> -> memref<1x128x32xf32, #tpu.memory_space<vmem>>
        %gather3A_472 = tpu.memref_squeeze %gather3A_471 : memref<1x128x32xf32, #tpu.memory_space<vmem>> -> memref<128x32xf32, #tpu.memory_space<vmem>>
        %gather3A_473 = tpu.vector_load_idx %gather3A_472[%add3A_12, %and3A_445] : memref<128x32xf32, #tpu.memory_space<vmem>>[vector<16xi32>, vector<16xi32>], vector<16xf32>,
        %gather3A_474 = arith.constant 0 : i32
        %gather3A_475 = arith.constant 0 : i32
        %gather3A_476 = arith.constant 0 : i32
        %gather3A_477 = tpu.memref_slice %arg7[%gather3A_474, %gather3A_475, %gather3A_476] : memref<2x128x32xf32, #tpu.memory_space<vmem>> -> memref<1x128x32xf32, #tpu.memory_space<vmem>>
        %gather3A_478 = tpu.memref_squeeze %gather3A_477 : memref<1x128x32xf32, #tpu.memory_space<vmem>> -> memref<128x32xf32, #tpu.memory_space<vmem>>
        %gather3A_479 = tpu.vector_load_idx %gather3A_478[%add3A_15, %and3A_445] : memref<128x32xf32, #tpu.memory_space<vmem>>[vector<16xi32>, vector<16xi32>], vector<16xf32>,
        %gather3A_480 = arith.constant 0 : i32
        %gather3A_481 = arith.constant 0 : i32
        %gather3A_482 = arith.constant 0 : i32
        %gather3A_483 = tpu.memref_slice %arg7[%gather3A_480, %gather3A_481, %gather3A_482] : memref<2x128x32xf32, #tpu.memory_space<vmem>> -> memref<1x128x32xf32, #tpu.memory_space<vmem>>
        %gather3A_484 = tpu.memref_squeeze %gather3A_483 : memref<1x128x32xf32, #tpu.memory_space<vmem>> -> memref<128x32xf32, #tpu.memory_space<vmem>>
        %gather3A_485 = tpu.vector_load_idx %gather3A_484[%add3A_18, %and3A_445] : memref<128x32xf32, #tpu.memory_space<vmem>>[vector<16xi32>, vector<16xi32>], vector<16xf32>,
        %gather3A_486 = arith.constant 0 : i32
        %gather3A_487 = arith.constant 0 : i32
        %gather3A_488 = arith.constant 0 : i32
        %gather3A_489 = tpu.memref_slice %arg7[%gather3A_486, %gather3A_487, %gather3A_488] : memref<2x128x32xf32, #tpu.memory_space<vmem>> -> memref<1x128x32xf32, #tpu.memory_space<vmem>>
        %gather3A_490 = tpu.memref_squeeze %gather3A_489 : memref<1x128x32xf32, #tpu.memory_space<vmem>> -> memref<128x32xf32, #tpu.memory_space<vmem>>
        %gather3A_491 = tpu.vector_load_idx %gather3A_490[%add3A_21, %and3A_445] : memref<128x32xf32, #tpu.memory_space<vmem>>[vector<16xi32>, vector<16xi32>], vector<16xf32>,
        %gather3A_492 = arith.constant 0 : i32
        %gather3A_493 = arith.constant 0 : i32
        %gather3A_494 = arith.constant 0 : i32
        %gather3A_495 = tpu.memref_slice %arg7[%gather3A_492, %gather3A_493, %gather3A_494] : memref<2x128x32xf32, #tpu.memory_space<vmem>> -> memref<1x128x32xf32, #tpu.memory_space<vmem>>
        %gather3A_496 = tpu.memref_squeeze %gather3A_495 : memref<1x128x32xf32, #tpu.memory_space<vmem>> -> memref<128x32xf32, #tpu.memory_space<vmem>>
        %gather3A_497 = tpu.vector_load_idx %gather3A_496[%add3A_24, %and3A_445] : memref<128x32xf32, #tpu.memory_space<vmem>>[vector<16xi32>, vector<16xi32>], vector<16xf32>,
        %scatter3A = arith.constant 0 : i32
        %scatter3A_498 = arith.constant 0 : i32
        %scatter3A_499 = arith.constant 0 : i32
        %scatter3A_500 = arith.constant 0 : i32
        %scatter3A_501 = tpu.memref_slice %arg8[%scatter3A, %scatter3A_498, %scatter3A_499, %scatter3A_500] : memref<2x4x8x128xf32, #tpu.memory_space<vmem>> -> memref<1x4x8x128xf32, #tpu.memory_space<vmem>>
        %scatter3A_502 = tpu.memref_squeeze %scatter3A_501 : memref<1x4x8x128xf32, #tpu.memory_space<vmem>> -> memref<4x8x128xf32, #tpu.memory_space<vmem>>
        tpu.vector_store_idx %scatter3A_502[%shift_right_logical3A_447, %and3A_450, %add3A_3], %gather3A_455 : memref<4x8x128xf32, #tpu.memory_space<vmem>>[vector<16xi32>, vector<16xi32>, vector<16xi32>], vector<16xf32>,
        %scatter3A_503 = arith.constant 0 : i32
        %scatter3A_504 = arith.constant 0 : i32
        %scatter3A_505 = arith.constant 0 : i32
        %scatter3A_506 = arith.constant 0 : i32
        %scatter3A_507 = tpu.memref_slice %arg8[%scatter3A_503, %scatter3A_504, %scatter3A_505, %scatter3A_506] : memref<2x4x8x128xf32, #tpu.memory_space<vmem>> -> memref<1x4x8x128xf32, #tpu.memory_space<vmem>>
        %scatter3A_508 = tpu.memref_squeeze %scatter3A_507 : memref<1x4x8x128xf32, #tpu.memory_space<vmem>> -> memref<4x8x128xf32, #tpu.memory_space<vmem>>
        tpu.vector_store_idx %scatter3A_508[%shift_right_logical3A_447, %and3A_450, %add3A_6], %gather3A_461 : memref<4x8x128xf32, #tpu.memory_space<vmem>>[vector<16xi32>, vector<16xi32>, vector<16xi32>], vector<16xf32>,
        %scatter3A_509 = arith.constant 0 : i32
        %scatter3A_510 = arith.constant 0 : i32
        %scatter3A_511 = arith.constant 0 : i32
        %scatter3A_512 = arith.constant 0 : i32
        %scatter3A_513 = tpu.memref_slice %arg8[%scatter3A_509, %scatter3A_510, %scatter3A_511, %scatter3A_512] : memref<2x4x8x128xf32, #tpu.memory_space<vmem>> -> memref<1x4x8x128xf32, #tpu.memory_space<vmem>>
        %scatter3A_514 = tpu.memref_squeeze %scatter3A_513 : memref<1x4x8x128xf32, #tpu.memory_space<vmem>> -> memref<4x8x128xf32, #tpu.memory_space<vmem>>
        tpu.vector_store_idx %scatter3A_514[%shift_right_logical3A_447, %and3A_450, %add3A_9], %gather3A_467 : memref<4x8x128xf32, #tpu.memory_space<vmem>>[vector<16xi32>, vector<16xi32>, vector<16xi32>], vector<16xf32>,
        %scatter3A_515 = arith.constant 0 : i32
        %scatter3A_516 = arith.constant 0 : i32
        %scatter3A_517 = arith.constant 0 : i32
        %scatter3A_518 = arith.constant 0 : i32
        %scatter3A_519 = tpu.memref_slice %arg8[%scatter3A_515, %scatter3A_516, %scatter3A_517, %scatter3A_518] : memref<2x4x8x128xf32, #tpu.memory_space<vmem>> -> memref<1x4x8x128xf32, #tpu.memory_space<vmem>>
        %scatter3A_520 = tpu.memref_squeeze %scatter3A_519 : memref<1x4x8x128xf32, #tpu.memory_space<vmem>> -> memref<4x8x128xf32, #tpu.memory_space<vmem>>
        tpu.vector_store_idx %scatter3A_520[%shift_right_logical3A_447, %and3A_450, %add3A_12], %gather3A_473 : memref<4x8x128xf32, #tpu.memory_space<vmem>>[vector<16xi32>, vector<16xi32>, vector<16xi32>], vector<16xf32>,
        %scatter3A_521 = arith.constant 0 : i32
        %scatter3A_522 = arith.constant 0 : i32
        %scatter3A_523 = arith.constant 0 : i32
        %scatter3A_524 = arith.constant 0 : i32
        %scatter3A_525 = tpu.memref_slice %arg8[%scatter3A_521, %scatter3A_522, %scatter3A_523, %scatter3A_524] : memref<2x4x8x128xf32, #tpu.memory_space<vmem>> -> memref<1x4x8x128xf32, #tpu.memory_space<vmem>>
        %scatter3A_526 = tpu.memref_squeeze %scatter3A_525 : memref<1x4x8x128xf32, #tpu.memory_space<vmem>> -> memref<4x8x128xf32, #tpu.memory_space<vmem>>
        tpu.vector_store_idx %scatter3A_526[%shift_right_logical3A_447, %and3A_450, %add3A_15], %gather3A_479 : memref<4x8x128xf32, #tpu.memory_space<vmem>>[vector<16xi32>, vector<16xi32>, vector<16xi32>], vector<16xf32>,
        %scatter3A_527 = arith.constant 0 : i32
        %scatter3A_528 = arith.constant 0 : i32
        %scatter3A_529 = arith.constant 0 : i32
        %scatter3A_530 = arith.constant 0 : i32
        %scatter3A_531 = tpu.memref_slice %arg8[%scatter3A_527, %scatter3A_528, %scatter3A_529, %scatter3A_530] : memref<2x4x8x128xf32, #tpu.memory_space<vmem>> -> memref<1x4x8x128xf32, #tpu.memory_space<vmem>>
        %scatter3A_532 = tpu.memref_squeeze %scatter3A_531 : memref<1x4x8x128xf32, #tpu.memory_space<vmem>> -> memref<4x8x128xf32, #tpu.memory_space<vmem>>
        tpu.vector_store_idx %scatter3A_532[%shift_right_logical3A_447, %and3A_450, %add3A_18], %gather3A_485 : memref<4x8x128xf32, #tpu.memory_space<vmem>>[vector<16xi32>, vector<16xi32>, vector<16xi32>], vector<16xf32>,
        %scatter3A_533 = arith.constant 0 : i32
        %scatter3A_534 = arith.constant 0 : i32
        %scatter3A_535 = arith.constant 0 : i32
        %scatter3A_536 = arith.constant 0 : i32
        %scatter3A_537 = tpu.memref_slice %arg8[%scatter3A_533, %scatter3A_534, %scatter3A_535, %scatter3A_536] : memref<2x4x8x128xf32, #tpu.memory_space<vmem>> -> memref<1x4x8x128xf32, #tpu.memory_space<vmem>>
        %scatter3A_538 = tpu.memref_squeeze %scatter3A_537 : memref<1x4x8x128xf32, #tpu.memory_space<vmem>> -> memref<4x8x128xf32, #tpu.memory_space<vmem>>
        tpu.vector_store_idx %scatter3A_538[%shift_right_logical3A_447, %and3A_450, %add3A_21], %gather3A_491 : memref<4x8x128xf32, #tpu.memory_space<vmem>>[vector<16xi32>, vector<16xi32>, vector<16xi32>], vector<16xf32>,
        %scatter3A_539 = arith.constant 0 : i32
        %scatter3A_540 = arith.constant 0 : i32
        %scatter3A_541 = arith.constant 0 : i32
        %scatter3A_542 = arith.constant 0 : i32
        %scatter3A_543 = tpu.memref_slice %arg8[%scatter3A_539, %scatter3A_540, %scatter3A_541, %scatter3A_542] : memref<2x4x8x128xf32, #tpu.memory_space<vmem>> -> memref<1x4x8x128xf32, #tpu.memory_space<vmem>>
        %scatter3A_544 = tpu.memref_squeeze %scatter3A_543 : memref<1x4x8x128xf32, #tpu.memory_space<vmem>> -> memref<4x8x128xf32, #tpu.memory_space<vmem>>
        tpu.vector_store_idx %scatter3A_544[%shift_right_logical3A_447, %and3A_450, %add3A_24], %gather3A_497 : memref<4x8x128xf32, #tpu.memory_space<vmem>>[vector<16xi32>, vector<16xi32>, vector<16xi32>], vector<16xf32>,
        %mul3A_545 = arith.constant 4 : i32
        %mul3A_546 = arith.muli %mul3A_545, %scan3A_437 : i32
        %add3A_547 = arith.constant 1 : i32
        %add3A_548 = arith.addi %mul3A_546, %add3A_547 : i32
        %add3A_549 = vector.broadcast %add3A_548 : i32 to vector<16xi32>
        %add3A_550 = arith.addi %iota3A, %add3A_549 : vector<16xi32>
        %and3A_551 = arith.constant 31 : i32
        %and3A_552 = vector.broadcast %and3A_551 : i32 to vector<16xi32>
        %and3A_553 = arith.andi %add3A_550, %and3A_552 : vector<16xi32>
        %shift_right_logical3A_554 = arith.constant 3 : i32
        %shift_right_logical3A_555 = vector.broadcast %shift_right_logical3A_554 : i32 to vector<16xi32>
        %shift_right_logical3A_556 = arith.shrui %and3A_553, %shift_right_logical3A_555 : vector<16xi32>
        %and3A_557 = arith.constant 7 : i32
        %and3A_558 = vector.broadcast %and3A_557 : i32 to vector<16xi32>
        %and3A_559 = arith.andi %and3A_553, %and3A_558 : vector<16xi32>
        %gather3A_560 = arith.constant 0 : i32
        %gather3A_561 = arith.constant 0 : i32
        %gather3A_562 = arith.constant 0 : i32
        %gather3A_563 = tpu.memref_slice %arg7[%gather3A_560, %gather3A_561, %gather3A_562] : memref<2x128x32xf32, #tpu.memory_space<vmem>> -> memref<1x128x32xf32, #tpu.memory_space<vmem>>
        %gather3A_564 = tpu.memref_squeeze %gather3A_563 : memref<1x128x32xf32, #tpu.memory_space<vmem>> -> memref<128x32xf32, #tpu.memory_space<vmem>>
        %gather3A_565 = tpu.vector_load_idx %gather3A_564[%add3A_3, %and3A_553] : memref<128x32xf32, #tpu.memory_space<vmem>>[vector<16xi32>, vector<16xi32>], vector<16xf32>,
        %gather3A_566 = arith.constant 0 : i32
        %gather3A_567 = arith.constant 0 : i32
        %gather3A_568 = arith.constant 0 : i32
        %gather3A_569 = tpu.memref_slice %arg7[%gather3A_566, %gather3A_567, %gather3A_568] : memref<2x128x32xf32, #tpu.memory_space<vmem>> -> memref<1x128x32xf32, #tpu.memory_space<vmem>>
        %gather3A_570 = tpu.memref_squeeze %gather3A_569 : memref<1x128x32xf32, #tpu.memory_space<vmem>> -> memref<128x32xf32, #tpu.memory_space<vmem>>
        %gather3A_571 = tpu.vector_load_idx %gather3A_570[%add3A_6, %and3A_553] : memref<128x32xf32, #tpu.memory_space<vmem>>[vector<16xi32>, vector<16xi32>], vector<16xf32>,
        %gather3A_572 = arith.constant 0 : i32
        %gather3A_573 = arith.constant 0 : i32
        %gather3A_574 = arith.constant 0 : i32
        %gather3A_575 = tpu.memref_slice %arg7[%gather3A_572, %gather3A_573, %gather3A_574] : memref<2x128x32xf32, #tpu.memory_space<vmem>> -> memref<1x128x32xf32, #tpu.memory_space<vmem>>
        %gather3A_576 = tpu.memref_squeeze %gather3A_575 : memref<1x128x32xf32, #tpu.memory_space<vmem>> -> memref<128x32xf32, #tpu.memory_space<vmem>>
        %gather3A_577 = tpu.vector_load_idx %gather3A_576[%add3A_9, %and3A_553] : memref<128x32xf32, #tpu.memory_space<vmem>>[vector<16xi32>, vector<16xi32>], vector<16xf32>,
        %gather3A_578 = arith.constant 0 : i32
        %gather3A_579 = arith.constant 0 : i32
        %gather3A_580 = arith.constant 0 : i32
        %gather3A_581 = tpu.memref_slice %arg7[%gather3A_578, %gather3A_579, %gather3A_580] : memref<2x128x32xf32, #tpu.memory_space<vmem>> -> memref<1x128x32xf32, #tpu.memory_space<vmem>>
        %gather3A_582 = tpu.memref_squeeze %gather3A_581 : memref<1x128x32xf32, #tpu.memory_space<vmem>> -> memref<128x32xf32, #tpu.memory_space<vmem>>
        %gather3A_583 = tpu.vector_load_idx %gather3A_582[%add3A_12, %and3A_553] : memref<128x32xf32, #tpu.memory_space<vmem>>[vector<16xi32>, vector<16xi32>], vector<16xf32>,
        %gather3A_584 = arith.constant 0 : i32
        %gather3A_585 = arith.constant 0 : i32
        %gather3A_586 = arith.constant 0 : i32
        %gather3A_587 = tpu.memref_slice %arg7[%gather3A_584, %gather3A_585, %gather3A_586] : memref<2x128x32xf32, #tpu.memory_space<vmem>> -> memref<1x128x32xf32, #tpu.memory_space<vmem>>
        %gather3A_588 = tpu.memref_squeeze %gather3A_587 : memref<1x128x32xf32, #tpu.memory_space<vmem>> -> memref<128x32xf32, #tpu.memory_space<vmem>>
        %gather3A_589 = tpu.vector_load_idx %gather3A_588[%add3A_15, %and3A_553] : memref<128x32xf32, #tpu.memory_space<vmem>>[vector<16xi32>, vector<16xi32>], vector<16xf32>,
        %gather3A_590 = arith.constant 0 : i32
        %gather3A_591 = arith.constant 0 : i32
        %gather3A_592 = arith.constant 0 : i32
        %gather3A_593 = tpu.memref_slice %arg7[%gather3A_590, %gather3A_591, %gather3A_592] : memref<2x128x32xf32, #tpu.memory_space<vmem>> -> memref<1x128x32xf32, #tpu.memory_space<vmem>>
        %gather3A_594 = tpu.memref_squeeze %gather3A_593 : memref<1x128x32xf32, #tpu.memory_space<vmem>> -> memref<128x32xf32, #tpu.memory_space<vmem>>
        %gather3A_595 = tpu.vector_load_idx %gather3A_594[%add3A_18, %and3A_553] : memref<128x32xf32, #tpu.memory_space<vmem>>[vector<16xi32>, vector<16xi32>], vector<16xf32>,
        %gather3A_596 = arith.constant 0 : i32
        %gather3A_597 = arith.constant 0 : i32
        %gather3A_598 = arith.constant 0 : i32
        %gather3A_599 = tpu.memref_slice %arg7[%gather3A_596, %gather3A_597, %gather3A_598] : memref<2x128x32xf32, #tpu.memory_space<vmem>> -> memref<1x128x32xf32, #tpu.memory_space<vmem>>
        %gather3A_600 = tpu.memref_squeeze %gather3A_599 : memref<1x128x32xf32, #tpu.memory_space<vmem>> -> memref<128x32xf32, #tpu.memory_space<vmem>>
        %gather3A_601 = tpu.vector_load_idx %gather3A_600[%add3A_21, %and3A_553] : memref<128x32xf32, #tpu.memory_space<vmem>>[vector<16xi32>, vector<16xi32>], vector<16xf32>,
        %gather3A_602 = arith.constant 0 : i32
        %gather3A_603 = arith.constant 0 : i32
        %gather3A_604 = arith.constant 0 : i32
        %gather3A_605 = tpu.memref_slice %arg7[%gather3A_602, %gather3A_603, %gather3A_604] : memref<2x128x32xf32, #tpu.memory_space<vmem>> -> memref<1x128x32xf32, #tpu.memory_space<vmem>>
        %gather3A_606 = tpu.memref_squeeze %gather3A_605 : memref<1x128x32xf32, #tpu.memory_space<vmem>> -> memref<128x32xf32, #tpu.memory_space<vmem>>
        %gather3A_607 = tpu.vector_load_idx %gather3A_606[%add3A_24, %and3A_553] : memref<128x32xf32, #tpu.memory_space<vmem>>[vector<16xi32>, vector<16xi32>], vector<16xf32>,
        %scatter3A_608 = arith.constant 0 : i32
        %scatter3A_609 = arith.constant 0 : i32
        %scatter3A_610 = arith.constant 0 : i32
        %scatter3A_611 = arith.constant 0 : i32
        %scatter3A_612 = tpu.memref_slice %arg8[%scatter3A_608, %scatter3A_609, %scatter3A_610, %scatter3A_611] : memref<2x4x8x128xf32, #tpu.memory_space<vmem>> -> memref<1x4x8x128xf32, #tpu.memory_space<vmem>>
        %scatter3A_613 = tpu.memref_squeeze %scatter3A_612 : memref<1x4x8x128xf32, #tpu.memory_space<vmem>> -> memref<4x8x128xf32, #tpu.memory_space<vmem>>
        tpu.vector_store_idx %scatter3A_613[%shift_right_logical3A_556, %and3A_559, %add3A_3], %gather3A_565 : memref<4x8x128xf32, #tpu.memory_space<vmem>>[vector<16xi32>, vector<16xi32>, vector<16xi32>], vector<16xf32>,
        %scatter3A_614 = arith.constant 0 : i32
        %scatter3A_615 = arith.constant 0 : i32
        %scatter3A_616 = arith.constant 0 : i32
        %scatter3A_617 = arith.constant 0 : i32
        %scatter3A_618 = tpu.memref_slice %arg8[%scatter3A_614, %scatter3A_615, %scatter3A_616, %scatter3A_617] : memref<2x4x8x128xf32, #tpu.memory_space<vmem>> -> memref<1x4x8x128xf32, #tpu.memory_space<vmem>>
        %scatter3A_619 = tpu.memref_squeeze %scatter3A_618 : memref<1x4x8x128xf32, #tpu.memory_space<vmem>> -> memref<4x8x128xf32, #tpu.memory_space<vmem>>
        tpu.vector_store_idx %scatter3A_619[%shift_right_logical3A_556, %and3A_559, %add3A_6], %gather3A_571 : memref<4x8x128xf32, #tpu.memory_space<vmem>>[vector<16xi32>, vector<16xi32>, vector<16xi32>], vector<16xf32>,
        %scatter3A_620 = arith.constant 0 : i32
        %scatter3A_621 = arith.constant 0 : i32
        %scatter3A_622 = arith.constant 0 : i32
        %scatter3A_623 = arith.constant 0 : i32
        %scatter3A_624 = tpu.memref_slice %arg8[%scatter3A_620, %scatter3A_621, %scatter3A_622, %scatter3A_623] : memref<2x4x8x128xf32, #tpu.memory_space<vmem>> -> memref<1x4x8x128xf32, #tpu.memory_space<vmem>>
        %scatter3A_625 = tpu.memref_squeeze %scatter3A_624 : memref<1x4x8x128xf32, #tpu.memory_space<vmem>> -> memref<4x8x128xf32, #tpu.memory_space<vmem>>
        tpu.vector_store_idx %scatter3A_625[%shift_right_logical3A_556, %and3A_559, %add3A_9], %gather3A_577 : memref<4x8x128xf32, #tpu.memory_space<vmem>>[vector<16xi32>, vector<16xi32>, vector<16xi32>], vector<16xf32>,
        %scatter3A_626 = arith.constant 0 : i32
        %scatter3A_627 = arith.constant 0 : i32
        %scatter3A_628 = arith.constant 0 : i32
        %scatter3A_629 = arith.constant 0 : i32
        %scatter3A_630 = tpu.memref_slice %arg8[%scatter3A_626, %scatter3A_627, %scatter3A_628, %scatter3A_629] : memref<2x4x8x128xf32, #tpu.memory_space<vmem>> -> memref<1x4x8x128xf32, #tpu.memory_space<vmem>>
        %scatter3A_631 = tpu.memref_squeeze %scatter3A_630 : memref<1x4x8x128xf32, #tpu.memory_space<vmem>> -> memref<4x8x128xf32, #tpu.memory_space<vmem>>
        tpu.vector_store_idx %scatter3A_631[%shift_right_logical3A_556, %and3A_559, %add3A_12], %gather3A_583 : memref<4x8x128xf32, #tpu.memory_space<vmem>>[vector<16xi32>, vector<16xi32>, vector<16xi32>], vector<16xf32>,
        %scatter3A_632 = arith.constant 0 : i32
        %scatter3A_633 = arith.constant 0 : i32
        %scatter3A_634 = arith.constant 0 : i32
        %scatter3A_635 = arith.constant 0 : i32
        %scatter3A_636 = tpu.memref_slice %arg8[%scatter3A_632, %scatter3A_633, %scatter3A_634, %scatter3A_635] : memref<2x4x8x128xf32, #tpu.memory_space<vmem>> -> memref<1x4x8x128xf32, #tpu.memory_space<vmem>>
        %scatter3A_637 = tpu.memref_squeeze %scatter3A_636 : memref<1x4x8x128xf32, #tpu.memory_space<vmem>> -> memref<4x8x128xf32, #tpu.memory_space<vmem>>
        tpu.vector_store_idx %scatter3A_637[%shift_right_logical3A_556, %and3A_559, %add3A_15], %gather3A_589 : memref<4x8x128xf32, #tpu.memory_space<vmem>>[vector<16xi32>, vector<16xi32>, vector<16xi32>], vector<16xf32>,
        %scatter3A_638 = arith.constant 0 : i32
        %scatter3A_639 = arith.constant 0 : i32
        %scatter3A_640 = arith.constant 0 : i32
        %scatter3A_641 = arith.constant 0 : i32
        %scatter3A_642 = tpu.memref_slice %arg8[%scatter3A_638, %scatter3A_639, %scatter3A_640, %scatter3A_641] : memref<2x4x8x128xf32, #tpu.memory_space<vmem>> -> memref<1x4x8x128xf32, #tpu.memory_space<vmem>>
        %scatter3A_643 = tpu.memref_squeeze %scatter3A_642 : memref<1x4x8x128xf32, #tpu.memory_space<vmem>> -> memref<4x8x128xf32, #tpu.memory_space<vmem>>
        tpu.vector_store_idx %scatter3A_643[%shift_right_logical3A_556, %and3A_559, %add3A_18], %gather3A_595 : memref<4x8x128xf32, #tpu.memory_space<vmem>>[vector<16xi32>, vector<16xi32>, vector<16xi32>], vector<16xf32>,
        %scatter3A_644 = arith.constant 0 : i32
        %scatter3A_645 = arith.constant 0 : i32
        %scatter3A_646 = arith.constant 0 : i32
        %scatter3A_647 = arith.constant 0 : i32
        %scatter3A_648 = tpu.memref_slice %arg8[%scatter3A_644, %scatter3A_645, %scatter3A_646, %scatter3A_647] : memref<2x4x8x128xf32, #tpu.memory_space<vmem>> -> memref<1x4x8x128xf32, #tpu.memory_space<vmem>>
        %scatter3A_649 = tpu.memref_squeeze %scatter3A_648 : memref<1x4x8x128xf32, #tpu.memory_space<vmem>> -> memref<4x8x128xf32, #tpu.memory_space<vmem>>
        tpu.vector_store_idx %scatter3A_649[%shift_right_logical3A_556, %and3A_559, %add3A_21], %gather3A_601 : memref<4x8x128xf32, #tpu.memory_space<vmem>>[vector<16xi32>, vector<16xi32>, vector<16xi32>], vector<16xf32>,
        %scatter3A_650 = arith.constant 0 : i32
        %scatter3A_651 = arith.constant 0 : i32
        %scatter3A_652 = arith.constant 0 : i32
        %scatter3A_653 = arith.constant 0 : i32
        %scatter3A_654 = tpu.memref_slice %arg8[%scatter3A_650, %scatter3A_651, %scatter3A_652, %scatter3A_653] : memref<2x4x8x128xf32, #tpu.memory_space<vmem>> -> memref<1x4x8x128xf32, #tpu.memory_space<vmem>>
        %scatter3A_655 = tpu.memref_squeeze %scatter3A_654 : memref<1x4x8x128xf32, #tpu.memory_space<vmem>> -> memref<4x8x128xf32, #tpu.memory_space<vmem>>
        tpu.vector_store_idx %scatter3A_655[%shift_right_logical3A_556, %and3A_559, %add3A_24], %gather3A_607 : memref<4x8x128xf32, #tpu.memory_space<vmem>>[vector<16xi32>, vector<16xi32>, vector<16xi32>], vector<16xf32>,
        %mul3A_656 = arith.constant 4 : i32
        %mul3A_657 = arith.muli %mul3A_656, %scan3A_437 : i32
        %add3A_658 = arith.constant 2 : i32
        %add3A_659 = arith.addi %mul3A_657, %add3A_658 : i32
        %add3A_660 = vector.broadcast %add3A_659 : i32 to vector<16xi32>
        %add3A_661 = arith.addi %iota3A, %add3A_660 : vector<16xi32>
        %and3A_662 = arith.constant 31 : i32
        %and3A_663 = vector.broadcast %and3A_662 : i32 to vector<16xi32>
        %and3A_664 = arith.andi %add3A_661, %and3A_663 : vector<16xi32>
        %shift_right_logical3A_665 = arith.constant 3 : i32
        %shift_right_logical3A_666 = vector.broadcast %shift_right_logical3A_665 : i32 to vector<16xi32>
        %shift_right_logical3A_667 = arith.shrui %and3A_664, %shift_right_logical3A_666 : vector<16xi32>
        %and3A_668 = arith.constant 7 : i32
        %and3A_669 = vector.broadcast %and3A_668 : i32 to vector<16xi32>
        %and3A_670 = arith.andi %and3A_664, %and3A_669 : vector<16xi32>
        %gather3A_671 = arith.constant 0 : i32
        %gather3A_672 = arith.constant 0 : i32
        %gather3A_673 = arith.constant 0 : i32
        %gather3A_674 = tpu.memref_slice %arg7[%gather3A_671, %gather3A_672, %gather3A_673] : memref<2x128x32xf32, #tpu.memory_space<vmem>> -> memref<1x128x32xf32, #tpu.memory_space<vmem>>
        %gather3A_675 = tpu.memref_squeeze %gather3A_674 : memref<1x128x32xf32, #tpu.memory_space<vmem>> -> memref<128x32xf32, #tpu.memory_space<vmem>>
        %gather3A_676 = tpu.vector_load_idx %gather3A_675[%add3A_3, %and3A_664] : memref<128x32xf32, #tpu.memory_space<vmem>>[vector<16xi32>, vector<16xi32>], vector<16xf32>,
        %gather3A_677 = arith.constant 0 : i32
        %gather3A_678 = arith.constant 0 : i32
        %gather3A_679 = arith.constant 0 : i32
        %gather3A_680 = tpu.memref_slice %arg7[%gather3A_677, %gather3A_678, %gather3A_679] : memref<2x128x32xf32, #tpu.memory_space<vmem>> -> memref<1x128x32xf32, #tpu.memory_space<vmem>>
        %gather3A_681 = tpu.memref_squeeze %gather3A_680 : memref<1x128x32xf32, #tpu.memory_space<vmem>> -> memref<128x32xf32, #tpu.memory_space<vmem>>
        %gather3A_682 = tpu.vector_load_idx %gather3A_681[%add3A_6, %and3A_664] : memref<128x32xf32, #tpu.memory_space<vmem>>[vector<16xi32>, vector<16xi32>], vector<16xf32>,
        %gather3A_683 = arith.constant 0 : i32
        %gather3A_684 = arith.constant 0 : i32
        %gather3A_685 = arith.constant 0 : i32
        %gather3A_686 = tpu.memref_slice %arg7[%gather3A_683, %gather3A_684, %gather3A_685] : memref<2x128x32xf32, #tpu.memory_space<vmem>> -> memref<1x128x32xf32, #tpu.memory_space<vmem>>
        %gather3A_687 = tpu.memref_squeeze %gather3A_686 : memref<1x128x32xf32, #tpu.memory_space<vmem>> -> memref<128x32xf32, #tpu.memory_space<vmem>>
        %gather3A_688 = tpu.vector_load_idx %gather3A_687[%add3A_9, %and3A_664] : memref<128x32xf32, #tpu.memory_space<vmem>>[vector<16xi32>, vector<16xi32>], vector<16xf32>,
        %gather3A_689 = arith.constant 0 : i32
        %gather3A_690 = arith.constant 0 : i32
        %gather3A_691 = arith.constant 0 : i32
        %gather3A_692 = tpu.memref_slice %arg7[%gather3A_689, %gather3A_690, %gather3A_691] : memref<2x128x32xf32, #tpu.memory_space<vmem>> -> memref<1x128x32xf32, #tpu.memory_space<vmem>>
        %gather3A_693 = tpu.memref_squeeze %gather3A_692 : memref<1x128x32xf32, #tpu.memory_space<vmem>> -> memref<128x32xf32, #tpu.memory_space<vmem>>
        %gather3A_694 = tpu.vector_load_idx %gather3A_693[%add3A_12, %and3A_664] : memref<128x32xf32, #tpu.memory_space<vmem>>[vector<16xi32>, vector<16xi32>], vector<16xf32>,
        %gather3A_695 = arith.constant 0 : i32
        %gather3A_696 = arith.constant 0 : i32
        %gather3A_697 = arith.constant 0 : i32
        %gather3A_698 = tpu.memref_slice %arg7[%gather3A_695, %gather3A_696, %gather3A_697] : memref<2x128x32xf32, #tpu.memory_space<vmem>> -> memref<1x128x32xf32, #tpu.memory_space<vmem>>
        %gather3A_699 = tpu.memref_squeeze %gather3A_698 : memref<1x128x32xf32, #tpu.memory_space<vmem>> -> memref<128x32xf32, #tpu.memory_space<vmem>>
        %gather3A_700 = tpu.vector_load_idx %gather3A_699[%add3A_15, %and3A_664] : memref<128x32xf32, #tpu.memory_space<vmem>>[vector<16xi32>, vector<16xi32>], vector<16xf32>,
        %gather3A_701 = arith.constant 0 : i32
        %gather3A_702 = arith.constant 0 : i32
        %gather3A_703 = arith.constant 0 : i32
        %gather3A_704 = tpu.memref_slice %arg7[%gather3A_701, %gather3A_702, %gather3A_703] : memref<2x128x32xf32, #tpu.memory_space<vmem>> -> memref<1x128x32xf32, #tpu.memory_space<vmem>>
        %gather3A_705 = tpu.memref_squeeze %gather3A_704 : memref<1x128x32xf32, #tpu.memory_space<vmem>> -> memref<128x32xf32, #tpu.memory_space<vmem>>
        %gather3A_706 = tpu.vector_load_idx %gather3A_705[%add3A_18, %and3A_664] : memref<128x32xf32, #tpu.memory_space<vmem>>[vector<16xi32>, vector<16xi32>], vector<16xf32>,
        %gather3A_707 = arith.constant 0 : i32
        %gather3A_708 = arith.constant 0 : i32
        %gather3A_709 = arith.constant 0 : i32
        %gather3A_710 = tpu.memref_slice %arg7[%gather3A_707, %gather3A_708, %gather3A_709] : memref<2x128x32xf32, #tpu.memory_space<vmem>> -> memref<1x128x32xf32, #tpu.memory_space<vmem>>
        %gather3A_711 = tpu.memref_squeeze %gather3A_710 : memref<1x128x32xf32, #tpu.memory_space<vmem>> -> memref<128x32xf32, #tpu.memory_space<vmem>>
        %gather3A_712 = tpu.vector_load_idx %gather3A_711[%add3A_21, %and3A_664] : memref<128x32xf32, #tpu.memory_space<vmem>>[vector<16xi32>, vector<16xi32>], vector<16xf32>,
        %gather3A_713 = arith.constant 0 : i32
        %gather3A_714 = arith.constant 0 : i32
        %gather3A_715 = arith.constant 0 : i32
        %gather3A_716 = tpu.memref_slice %arg7[%gather3A_713, %gather3A_714, %gather3A_715] : memref<2x128x32xf32, #tpu.memory_space<vmem>> -> memref<1x128x32xf32, #tpu.memory_space<vmem>>
        %gather3A_717 = tpu.memref_squeeze %gather3A_716 : memref<1x128x32xf32, #tpu.memory_space<vmem>> -> memref<128x32xf32, #tpu.memory_space<vmem>>
        %gather3A_718 = tpu.vector_load_idx %gather3A_717[%add3A_24, %and3A_664] : memref<128x32xf32, #tpu.memory_space<vmem>>[vector<16xi32>, vector<16xi32>], vector<16xf32>,
        %scatter3A_719 = arith.constant 0 : i32
        %scatter3A_720 = arith.constant 0 : i32
        %scatter3A_721 = arith.constant 0 : i32
        %scatter3A_722 = arith.constant 0 : i32
        %scatter3A_723 = tpu.memref_slice %arg8[%scatter3A_719, %scatter3A_720, %scatter3A_721, %scatter3A_722] : memref<2x4x8x128xf32, #tpu.memory_space<vmem>> -> memref<1x4x8x128xf32, #tpu.memory_space<vmem>>
        %scatter3A_724 = tpu.memref_squeeze %scatter3A_723 : memref<1x4x8x128xf32, #tpu.memory_space<vmem>> -> memref<4x8x128xf32, #tpu.memory_space<vmem>>
        tpu.vector_store_idx %scatter3A_724[%shift_right_logical3A_667, %and3A_670, %add3A_3], %gather3A_676 : memref<4x8x128xf32, #tpu.memory_space<vmem>>[vector<16xi32>, vector<16xi32>, vector<16xi32>], vector<16xf32>,
        %scatter3A_725 = arith.constant 0 : i32
        %scatter3A_726 = arith.constant 0 : i32
        %scatter3A_727 = arith.constant 0 : i32
        %scatter3A_728 = arith.constant 0 : i32
        %scatter3A_729 = tpu.memref_slice %arg8[%scatter3A_725, %scatter3A_726, %scatter3A_727, %scatter3A_728] : memref<2x4x8x128xf32, #tpu.memory_space<vmem>> -> memref<1x4x8x128xf32, #tpu.memory_space<vmem>>
        %scatter3A_730 = tpu.memref_squeeze %scatter3A_729 : memref<1x4x8x128xf32, #tpu.memory_space<vmem>> -> memref<4x8x128xf32, #tpu.memory_space<vmem>>
        tpu.vector_store_idx %scatter3A_730[%shift_right_logical3A_667, %and3A_670, %add3A_6], %gather3A_682 : memref<4x8x128xf32, #tpu.memory_space<vmem>>[vector<16xi32>, vector<16xi32>, vector<16xi32>], vector<16xf32>,
        %scatter3A_731 = arith.constant 0 : i32
        %scatter3A_732 = arith.constant 0 : i32
        %scatter3A_733 = arith.constant 0 : i32
        %scatter3A_734 = arith.constant 0 : i32
        %scatter3A_735 = tpu.memref_slice %arg8[%scatter3A_731, %scatter3A_732, %scatter3A_733, %scatter3A_734] : memref<2x4x8x128xf32, #tpu.memory_space<vmem>> -> memref<1x4x8x128xf32, #tpu.memory_space<vmem>>
        %scatter3A_736 = tpu.memref_squeeze %scatter3A_735 : memref<1x4x8x128xf32, #tpu.memory_space<vmem>> -> memref<4x8x128xf32, #tpu.memory_space<vmem>>
        tpu.vector_store_idx %scatter3A_736[%shift_right_logical3A_667, %and3A_670, %add3A_9], %gather3A_688 : memref<4x8x128xf32, #tpu.memory_space<vmem>>[vector<16xi32>, vector<16xi32>, vector<16xi32>], vector<16xf32>,
        %scatter3A_737 = arith.constant 0 : i32
        %scatter3A_738 = arith.constant 0 : i32
        %scatter3A_739 = arith.constant 0 : i32
        %scatter3A_740 = arith.constant 0 : i32
        %scatter3A_741 = tpu.memref_slice %arg8[%scatter3A_737, %scatter3A_738, %scatter3A_739, %scatter3A_740] : memref<2x4x8x128xf32, #tpu.memory_space<vmem>> -> memref<1x4x8x128xf32, #tpu.memory_space<vmem>>
        %scatter3A_742 = tpu.memref_squeeze %scatter3A_741 : memref<1x4x8x128xf32, #tpu.memory_space<vmem>> -> memref<4x8x128xf32, #tpu.memory_space<vmem>>
        tpu.vector_store_idx %scatter3A_742[%shift_right_logical3A_667, %and3A_670, %add3A_12], %gather3A_694 : memref<4x8x128xf32, #tpu.memory_space<vmem>>[vector<16xi32>, vector<16xi32>, vector<16xi32>], vector<16xf32>,
        %scatter3A_743 = arith.constant 0 : i32
        %scatter3A_744 = arith.constant 0 : i32
        %scatter3A_745 = arith.constant 0 : i32
        %scatter3A_746 = arith.constant 0 : i32
        %scatter3A_747 = tpu.memref_slice %arg8[%scatter3A_743, %scatter3A_744, %scatter3A_745, %scatter3A_746] : memref<2x4x8x128xf32, #tpu.memory_space<vmem>> -> memref<1x4x8x128xf32, #tpu.memory_space<vmem>>
        %scatter3A_748 = tpu.memref_squeeze %scatter3A_747 : memref<1x4x8x128xf32, #tpu.memory_space<vmem>> -> memref<4x8x128xf32, #tpu.memory_space<vmem>>
        tpu.vector_store_idx %scatter3A_748[%shift_right_logical3A_667, %and3A_670, %add3A_15], %gather3A_700 : memref<4x8x128xf32, #tpu.memory_space<vmem>>[vector<16xi32>, vector<16xi32>, vector<16xi32>], vector<16xf32>,
        %scatter3A_749 = arith.constant 0 : i32
        %scatter3A_750 = arith.constant 0 : i32
        %scatter3A_751 = arith.constant 0 : i32
        %scatter3A_752 = arith.constant 0 : i32
        %scatter3A_753 = tpu.memref_slice %arg8[%scatter3A_749, %scatter3A_750, %scatter3A_751, %scatter3A_752] : memref<2x4x8x128xf32, #tpu.memory_space<vmem>> -> memref<1x4x8x128xf32, #tpu.memory_space<vmem>>
        %scatter3A_754 = tpu.memref_squeeze %scatter3A_753 : memref<1x4x8x128xf32, #tpu.memory_space<vmem>> -> memref<4x8x128xf32, #tpu.memory_space<vmem>>
        tpu.vector_store_idx %scatter3A_754[%shift_right_logical3A_667, %and3A_670, %add3A_18], %gather3A_706 : memref<4x8x128xf32, #tpu.memory_space<vmem>>[vector<16xi32>, vector<16xi32>, vector<16xi32>], vector<16xf32>,
        %scatter3A_755 = arith.constant 0 : i32
        %scatter3A_756 = arith.constant 0 : i32
        %scatter3A_757 = arith.constant 0 : i32
        %scatter3A_758 = arith.constant 0 : i32
        %scatter3A_759 = tpu.memref_slice %arg8[%scatter3A_755, %scatter3A_756, %scatter3A_757, %scatter3A_758] : memref<2x4x8x128xf32, #tpu.memory_space<vmem>> -> memref<1x4x8x128xf32, #tpu.memory_space<vmem>>
        %scatter3A_760 = tpu.memref_squeeze %scatter3A_759 : memref<1x4x8x128xf32, #tpu.memory_space<vmem>> -> memref<4x8x128xf32, #tpu.memory_space<vmem>>
        tpu.vector_store_idx %scatter3A_760[%shift_right_logical3A_667, %and3A_670, %add3A_21], %gather3A_712 : memref<4x8x128xf32, #tpu.memory_space<vmem>>[vector<16xi32>, vector<16xi32>, vector<16xi32>], vector<16xf32>,
        %scatter3A_761 = arith.constant 0 : i32
        %scatter3A_762 = arith.constant 0 : i32
        %scatter3A_763 = arith.constant 0 : i32
        %scatter3A_764 = arith.constant 0 : i32
        %scatter3A_765 = tpu.memref_slice %arg8[%scatter3A_761, %scatter3A_762, %scatter3A_763, %scatter3A_764] : memref<2x4x8x128xf32, #tpu.memory_space<vmem>> -> memref<1x4x8x128xf32, #tpu.memory_space<vmem>>
        %scatter3A_766 = tpu.memref_squeeze %scatter3A_765 : memref<1x4x8x128xf32, #tpu.memory_space<vmem>> -> memref<4x8x128xf32, #tpu.memory_space<vmem>>
        tpu.vector_store_idx %scatter3A_766[%shift_right_logical3A_667, %and3A_670, %add3A_24], %gather3A_718 : memref<4x8x128xf32, #tpu.memory_space<vmem>>[vector<16xi32>, vector<16xi32>, vector<16xi32>], vector<16xf32>,
        %mul3A_767 = arith.constant 4 : i32
        %mul3A_768 = arith.muli %mul3A_767, %scan3A_437 : i32
        %add3A_769 = arith.constant 3 : i32
        %add3A_770 = arith.addi %mul3A_768, %add3A_769 : i32
        %add3A_771 = vector.broadcast %add3A_770 : i32 to vector<16xi32>
        %add3A_772 = arith.addi %iota3A, %add3A_771 : vector<16xi32>
        %and3A_773 = arith.constant 31 : i32
        %and3A_774 = vector.broadcast %and3A_773 : i32 to vector<16xi32>
        %and3A_775 = arith.andi %add3A_772, %and3A_774 : vector<16xi32>
        %shift_right_logical3A_776 = arith.constant 3 : i32
        %shift_right_logical3A_777 = vector.broadcast %shift_right_logical3A_776 : i32 to vector<16xi32>
        %shift_right_logical3A_778 = arith.shrui %and3A_775, %shift_right_logical3A_777 : vector<16xi32>
        %and3A_779 = arith.constant 7 : i32
        %and3A_780 = vector.broadcast %and3A_779 : i32 to vector<16xi32>
        %and3A_781 = arith.andi %and3A_775, %and3A_780 : vector<16xi32>
        %gather3A_782 = arith.constant 0 : i32
        %gather3A_783 = arith.constant 0 : i32
        %gather3A_784 = arith.constant 0 : i32
        %gather3A_785 = tpu.memref_slice %arg7[%gather3A_782, %gather3A_783, %gather3A_784] : memref<2x128x32xf32, #tpu.memory_space<vmem>> -> memref<1x128x32xf32, #tpu.memory_space<vmem>>
        %gather3A_786 = tpu.memref_squeeze %gather3A_785 : memref<1x128x32xf32, #tpu.memory_space<vmem>> -> memref<128x32xf32, #tpu.memory_space<vmem>>
        %gather3A_787 = tpu.vector_load_idx %gather3A_786[%add3A_3, %and3A_775] : memref<128x32xf32, #tpu.memory_space<vmem>>[vector<16xi32>, vector<16xi32>], vector<16xf32>,
        %gather3A_788 = arith.constant 0 : i32
        %gather3A_789 = arith.constant 0 : i32
        %gather3A_790 = arith.constant 0 : i32
        %gather3A_791 = tpu.memref_slice %arg7[%gather3A_788, %gather3A_789, %gather3A_790] : memref<2x128x32xf32, #tpu.memory_space<vmem>> -> memref<1x128x32xf32, #tpu.memory_space<vmem>>
        %gather3A_792 = tpu.memref_squeeze %gather3A_791 : memref<1x128x32xf32, #tpu.memory_space<vmem>> -> memref<128x32xf32, #tpu.memory_space<vmem>>
        %gather3A_793 = tpu.vector_load_idx %gather3A_792[%add3A_6, %and3A_775] : memref<128x32xf32, #tpu.memory_space<vmem>>[vector<16xi32>, vector<16xi32>], vector<16xf32>,
        %gather3A_794 = arith.constant 0 : i32
        %gather3A_795 = arith.constant 0 : i32
        %gather3A_796 = arith.constant 0 : i32
        %gather3A_797 = tpu.memref_slice %arg7[%gather3A_794, %gather3A_795, %gather3A_796] : memref<2x128x32xf32, #tpu.memory_space<vmem>> -> memref<1x128x32xf32, #tpu.memory_space<vmem>>
        %gather3A_798 = tpu.memref_squeeze %gather3A_797 : memref<1x128x32xf32, #tpu.memory_space<vmem>> -> memref<128x32xf32, #tpu.memory_space<vmem>>
        %gather3A_799 = tpu.vector_load_idx %gather3A_798[%add3A_9, %and3A_775] : memref<128x32xf32, #tpu.memory_space<vmem>>[vector<16xi32>, vector<16xi32>], vector<16xf32>,
        %gather3A_800 = arith.constant 0 : i32
        %gather3A_801 = arith.constant 0 : i32
        %gather3A_802 = arith.constant 0 : i32
        %gather3A_803 = tpu.memref_slice %arg7[%gather3A_800, %gather3A_801, %gather3A_802] : memref<2x128x32xf32, #tpu.memory_space<vmem>> -> memref<1x128x32xf32, #tpu.memory_space<vmem>>
        %gather3A_804 = tpu.memref_squeeze %gather3A_803 : memref<1x128x32xf32, #tpu.memory_space<vmem>> -> memref<128x32xf32, #tpu.memory_space<vmem>>
        %gather3A_805 = tpu.vector_load_idx %gather3A_804[%add3A_12, %and3A_775] : memref<128x32xf32, #tpu.memory_space<vmem>>[vector<16xi32>, vector<16xi32>], vector<16xf32>,
        %gather3A_806 = arith.constant 0 : i32
        %gather3A_807 = arith.constant 0 : i32
        %gather3A_808 = arith.constant 0 : i32
        %gather3A_809 = tpu.memref_slice %arg7[%gather3A_806, %gather3A_807, %gather3A_808] : memref<2x128x32xf32, #tpu.memory_space<vmem>> -> memref<1x128x32xf32, #tpu.memory_space<vmem>>
        %gather3A_810 = tpu.memref_squeeze %gather3A_809 : memref<1x128x32xf32, #tpu.memory_space<vmem>> -> memref<128x32xf32, #tpu.memory_space<vmem>>
        %gather3A_811 = tpu.vector_load_idx %gather3A_810[%add3A_15, %and3A_775] : memref<128x32xf32, #tpu.memory_space<vmem>>[vector<16xi32>, vector<16xi32>], vector<16xf32>,
        %gather3A_812 = arith.constant 0 : i32
        %gather3A_813 = arith.constant 0 : i32
        %gather3A_814 = arith.constant 0 : i32
        %gather3A_815 = tpu.memref_slice %arg7[%gather3A_812, %gather3A_813, %gather3A_814] : memref<2x128x32xf32, #tpu.memory_space<vmem>> -> memref<1x128x32xf32, #tpu.memory_space<vmem>>
        %gather3A_816 = tpu.memref_squeeze %gather3A_815 : memref<1x128x32xf32, #tpu.memory_space<vmem>> -> memref<128x32xf32, #tpu.memory_space<vmem>>
        %gather3A_817 = tpu.vector_load_idx %gather3A_816[%add3A_18, %and3A_775] : memref<128x32xf32, #tpu.memory_space<vmem>>[vector<16xi32>, vector<16xi32>], vector<16xf32>,
        %gather3A_818 = arith.constant 0 : i32
        %gather3A_819 = arith.constant 0 : i32
        %gather3A_820 = arith.constant 0 : i32
        %gather3A_821 = tpu.memref_slice %arg7[%gather3A_818, %gather3A_819, %gather3A_820] : memref<2x128x32xf32, #tpu.memory_space<vmem>> -> memref<1x128x32xf32, #tpu.memory_space<vmem>>
        %gather3A_822 = tpu.memref_squeeze %gather3A_821 : memref<1x128x32xf32, #tpu.memory_space<vmem>> -> memref<128x32xf32, #tpu.memory_space<vmem>>
        %gather3A_823 = tpu.vector_load_idx %gather3A_822[%add3A_21, %and3A_775] : memref<128x32xf32, #tpu.memory_space<vmem>>[vector<16xi32>, vector<16xi32>], vector<16xf32>,
        %gather3A_824 = arith.constant 0 : i32
        %gather3A_825 = arith.constant 0 : i32
        %gather3A_826 = arith.constant 0 : i32
        %gather3A_827 = tpu.memref_slice %arg7[%gather3A_824, %gather3A_825, %gather3A_826] : memref<2x128x32xf32, #tpu.memory_space<vmem>> -> memref<1x128x32xf32, #tpu.memory_space<vmem>>
        %gather3A_828 = tpu.memref_squeeze %gather3A_827 : memref<1x128x32xf32, #tpu.memory_space<vmem>> -> memref<128x32xf32, #tpu.memory_space<vmem>>
        %gather3A_829 = tpu.vector_load_idx %gather3A_828[%add3A_24, %and3A_775] : memref<128x32xf32, #tpu.memory_space<vmem>>[vector<16xi32>, vector<16xi32>], vector<16xf32>,
        %scatter3A_830 = arith.constant 0 : i32
        %scatter3A_831 = arith.constant 0 : i32
        %scatter3A_832 = arith.constant 0 : i32
        %scatter3A_833 = arith.constant 0 : i32
        %scatter3A_834 = tpu.memref_slice %arg8[%scatter3A_830, %scatter3A_831, %scatter3A_832, %scatter3A_833] : memref<2x4x8x128xf32, #tpu.memory_space<vmem>> -> memref<1x4x8x128xf32, #tpu.memory_space<vmem>>
        %scatter3A_835 = tpu.memref_squeeze %scatter3A_834 : memref<1x4x8x128xf32, #tpu.memory_space<vmem>> -> memref<4x8x128xf32, #tpu.memory_space<vmem>>
        tpu.vector_store_idx %scatter3A_835[%shift_right_logical3A_778, %and3A_781, %add3A_3], %gather3A_787 : memref<4x8x128xf32, #tpu.memory_space<vmem>>[vector<16xi32>, vector<16xi32>, vector<16xi32>], vector<16xf32>,
        %scatter3A_836 = arith.constant 0 : i32
        %scatter3A_837 = arith.constant 0 : i32
        %scatter3A_838 = arith.constant 0 : i32
        %scatter3A_839 = arith.constant 0 : i32
        %scatter3A_840 = tpu.memref_slice %arg8[%scatter3A_836, %scatter3A_837, %scatter3A_838, %scatter3A_839] : memref<2x4x8x128xf32, #tpu.memory_space<vmem>> -> memref<1x4x8x128xf32, #tpu.memory_space<vmem>>
        %scatter3A_841 = tpu.memref_squeeze %scatter3A_840 : memref<1x4x8x128xf32, #tpu.memory_space<vmem>> -> memref<4x8x128xf32, #tpu.memory_space<vmem>>
        tpu.vector_store_idx %scatter3A_841[%shift_right_logical3A_778, %and3A_781, %add3A_6], %gather3A_793 : memref<4x8x128xf32, #tpu.memory_space<vmem>>[vector<16xi32>, vector<16xi32>, vector<16xi32>], vector<16xf32>,
        %scatter3A_842 = arith.constant 0 : i32
        %scatter3A_843 = arith.constant 0 : i32
        %scatter3A_844 = arith.constant 0 : i32
        %scatter3A_845 = arith.constant 0 : i32
        %scatter3A_846 = tpu.memref_slice %arg8[%scatter3A_842, %scatter3A_843, %scatter3A_844, %scatter3A_845] : memref<2x4x8x128xf32, #tpu.memory_space<vmem>> -> memref<1x4x8x128xf32, #tpu.memory_space<vmem>>
        %scatter3A_847 = tpu.memref_squeeze %scatter3A_846 : memref<1x4x8x128xf32, #tpu.memory_space<vmem>> -> memref<4x8x128xf32, #tpu.memory_space<vmem>>
        tpu.vector_store_idx %scatter3A_847[%shift_right_logical3A_778, %and3A_781, %add3A_9], %gather3A_799 : memref<4x8x128xf32, #tpu.memory_space<vmem>>[vector<16xi32>, vector<16xi32>, vector<16xi32>], vector<16xf32>,
        %scatter3A_848 = arith.constant 0 : i32
        %scatter3A_849 = arith.constant 0 : i32
        %scatter3A_850 = arith.constant 0 : i32
        %scatter3A_851 = arith.constant 0 : i32
        %scatter3A_852 = tpu.memref_slice %arg8[%scatter3A_848, %scatter3A_849, %scatter3A_850, %scatter3A_851] : memref<2x4x8x128xf32, #tpu.memory_space<vmem>> -> memref<1x4x8x128xf32, #tpu.memory_space<vmem>>
        %scatter3A_853 = tpu.memref_squeeze %scatter3A_852 : memref<1x4x8x128xf32, #tpu.memory_space<vmem>> -> memref<4x8x128xf32, #tpu.memory_space<vmem>>
        tpu.vector_store_idx %scatter3A_853[%shift_right_logical3A_778, %and3A_781, %add3A_12], %gather3A_805 : memref<4x8x128xf32, #tpu.memory_space<vmem>>[vector<16xi32>, vector<16xi32>, vector<16xi32>], vector<16xf32>,
        %scatter3A_854 = arith.constant 0 : i32
        %scatter3A_855 = arith.constant 0 : i32
        %scatter3A_856 = arith.constant 0 : i32
        %scatter3A_857 = arith.constant 0 : i32
        %scatter3A_858 = tpu.memref_slice %arg8[%scatter3A_854, %scatter3A_855, %scatter3A_856, %scatter3A_857] : memref<2x4x8x128xf32, #tpu.memory_space<vmem>> -> memref<1x4x8x128xf32, #tpu.memory_space<vmem>>
        %scatter3A_859 = tpu.memref_squeeze %scatter3A_858 : memref<1x4x8x128xf32, #tpu.memory_space<vmem>> -> memref<4x8x128xf32, #tpu.memory_space<vmem>>
        tpu.vector_store_idx %scatter3A_859[%shift_right_logical3A_778, %and3A_781, %add3A_15], %gather3A_811 : memref<4x8x128xf32, #tpu.memory_space<vmem>>[vector<16xi32>, vector<16xi32>, vector<16xi32>], vector<16xf32>,
        %scatter3A_860 = arith.constant 0 : i32
        %scatter3A_861 = arith.constant 0 : i32
        %scatter3A_862 = arith.constant 0 : i32
        %scatter3A_863 = arith.constant 0 : i32
        %scatter3A_864 = tpu.memref_slice %arg8[%scatter3A_860, %scatter3A_861, %scatter3A_862, %scatter3A_863] : memref<2x4x8x128xf32, #tpu.memory_space<vmem>> -> memref<1x4x8x128xf32, #tpu.memory_space<vmem>>
        %scatter3A_865 = tpu.memref_squeeze %scatter3A_864 : memref<1x4x8x128xf32, #tpu.memory_space<vmem>> -> memref<4x8x128xf32, #tpu.memory_space<vmem>>
        tpu.vector_store_idx %scatter3A_865[%shift_right_logical3A_778, %and3A_781, %add3A_18], %gather3A_817 : memref<4x8x128xf32, #tpu.memory_space<vmem>>[vector<16xi32>, vector<16xi32>, vector<16xi32>], vector<16xf32>,
        %scatter3A_866 = arith.constant 0 : i32
        %scatter3A_867 = arith.constant 0 : i32
        %scatter3A_868 = arith.constant 0 : i32
        %scatter3A_869 = arith.constant 0 : i32
        %scatter3A_870 = tpu.memref_slice %arg8[%scatter3A_866, %scatter3A_867, %scatter3A_868, %scatter3A_869] : memref<2x4x8x128xf32, #tpu.memory_space<vmem>> -> memref<1x4x8x128xf32, #tpu.memory_space<vmem>>
        %scatter3A_871 = tpu.memref_squeeze %scatter3A_870 : memref<1x4x8x128xf32, #tpu.memory_space<vmem>> -> memref<4x8x128xf32, #tpu.memory_space<vmem>>
        tpu.vector_store_idx %scatter3A_871[%shift_right_logical3A_778, %and3A_781, %add3A_21], %gather3A_823 : memref<4x8x128xf32, #tpu.memory_space<vmem>>[vector<16xi32>, vector<16xi32>, vector<16xi32>], vector<16xf32>,
        %scatter3A_872 = arith.constant 0 : i32
        %scatter3A_873 = arith.constant 0 : i32
        %scatter3A_874 = arith.constant 0 : i32
        %scatter3A_875 = arith.constant 0 : i32
        %scatter3A_876 = tpu.memref_slice %arg8[%scatter3A_872, %scatter3A_873, %scatter3A_874, %scatter3A_875] : memref<2x4x8x128xf32, #tpu.memory_space<vmem>> -> memref<1x4x8x128xf32, #tpu.memory_space<vmem>>
        %scatter3A_877 = tpu.memref_squeeze %scatter3A_876 : memref<1x4x8x128xf32, #tpu.memory_space<vmem>> -> memref<4x8x128xf32, #tpu.memory_space<vmem>>
        tpu.vector_store_idx %scatter3A_877[%shift_right_logical3A_778, %and3A_781, %add3A_24], %gather3A_829 : memref<4x8x128xf32, #tpu.memory_space<vmem>>[vector<16xi32>, vector<16xi32>, vector<16xi32>], vector<16xf32>,
      }
      %scan3A_78 = arith.constant 8 : i32
      %add3A_79 = arith.constant 0 : i32
      %add3A_80 = arith.addi %add3A_79, %add3A_32 : i32
      %dma_start3A_81 = arith.constant 0 : i32
      %dma_start3A_82 = arith.constant 0 : i32
      %dma_start3A_83 = arith.constant 0 : i32
      %dma_start3A_84 = arith.constant 0 : i32
      %dma_start3A_85 = arith.constant 0 : i32
      %dma_start3A_86 = tpu.memref_slice %arg8[%dma_start3A_81, %dma_start3A_82, %dma_start3A_84, %dma_start3A_85] : memref<2x4x8x128xf32, #tpu.memory_space<vmem>> -> memref<1x1x8x128xf32, #tpu.memory_space<vmem>>
      %dma_start3A_87 = tpu.memref_squeeze %dma_start3A_86 : memref<1x1x8x128xf32, #tpu.memory_space<vmem>> -> memref<8x128xf32, #tpu.memory_space<vmem>>
      %dma_start3A_88 = arith.constant 0 : i32
      %dma_start3A_89 = arith.constant 0 : i32
      %dma_start3A_90 = tpu.memref_slice %arg4[%dma_start3A_83, %add3A_80, %dma_start3A_88, %dma_start3A_89] : memref<200x512x8x128xf32, #tpu.memory_space<hbm>> -> memref<1x1x8x128xf32, #tpu.memory_space<hbm>>
      %dma_start3A_91 = tpu.memref_squeeze %dma_start3A_90 : memref<1x1x8x128xf32, #tpu.memory_space<hbm>> -> memref<8x128xf32, #tpu.memory_space<hbm>>
      %dma_start3A_92 = arith.constant 0 : i32
      %dma_start3A_93 = arith.constant 0 : i32
      %dma_start3A_94 = tpu.memref_slice %arg4[%dma_start3A_83, %add3A_80, %dma_start3A_92, %dma_start3A_93] : memref<200x512x8x128xf32, #tpu.memory_space<hbm>> -> memref<1x1x8x128xf32, #tpu.memory_space<hbm>>
      %dma_start3A_95 = tpu.memref_squeeze %dma_start3A_94 : memref<1x1x8x128xf32, #tpu.memory_space<hbm>> -> memref<8x128xf32, #tpu.memory_space<hbm>>
      %dma_start3A_96 = arith.constant 0 : i32
      %dma_start3A_97 = arith.constant 0 : i32
      %dma_start3A_98 = tpu.memref_slice %arg8[%dma_start3A_81, %dma_start3A_82, %dma_start3A_96, %dma_start3A_97] : memref<2x4x8x128xf32, #tpu.memory_space<vmem>> -> memref<1x1x8x128xf32, #tpu.memory_space<vmem>>
      %dma_start3A_99 = tpu.memref_squeeze %dma_start3A_98 : memref<1x1x8x128xf32, #tpu.memory_space<vmem>> -> memref<8x128xf32, #tpu.memory_space<vmem>>
      tpu.enqueue_dma source(%dma_start3A_99 : memref<8x128xf32, #tpu.memory_space<vmem>>) target(%dma_start3A_95 : memref<8x128xf32, #tpu.memory_space<hbm>>) target_semaphore(%arg11 : memref<!tpu.dma_semaphore, #tpu.memory_space<semaphore_mem>>)
      %add3A_100 = arith.constant 128 : i32
      %add3A_101 = arith.addi %add3A_100, %add3A_32 : i32
      %dma_start3A_102 = arith.constant 0 : i32
      %dma_start3A_103 = arith.constant 1 : i32
      %dma_start3A_104 = arith.constant 0 : i32
      %dma_start3A_105 = arith.constant 0 : i32
      %dma_start3A_106 = arith.constant 0 : i32
      %dma_start3A_107 = tpu.memref_slice %arg8[%dma_start3A_102, %dma_start3A_103, %dma_start3A_105, %dma_start3A_106] : memref<2x4x8x128xf32, #tpu.memory_space<vmem>> -> memref<1x1x8x128xf32, #tpu.memory_space<vmem>>
      %dma_start3A_108 = tpu.memref_squeeze %dma_start3A_107 : memref<1x1x8x128xf32, #tpu.memory_space<vmem>> -> memref<8x128xf32, #tpu.memory_space<vmem>>
      %dma_start3A_109 = arith.constant 0 : i32
      %dma_start3A_110 = arith.constant 0 : i32
      %dma_start3A_111 = tpu.memref_slice %arg4[%dma_start3A_104, %add3A_101, %dma_start3A_109, %dma_start3A_110] : memref<200x512x8x128xf32, #tpu.memory_space<hbm>> -> memref<1x1x8x128xf32, #tpu.memory_space<hbm>>
      %dma_start3A_112 = tpu.memref_squeeze %dma_start3A_111 : memref<1x1x8x128xf32, #tpu.memory_space<hbm>> -> memref<8x128xf32, #tpu.memory_space<hbm>>
      %dma_start3A_113 = arith.constant 0 : i32
      %dma_start3A_114 = arith.constant 0 : i32
      %dma_start3A_115 = tpu.memref_slice %arg4[%dma_start3A_104, %add3A_101, %dma_start3A_113, %dma_start3A_114] : memref<200x512x8x128xf32, #tpu.memory_space<hbm>> -> memref<1x1x8x128xf32, #tpu.memory_space<hbm>>
      %dma_start3A_116 = tpu.memref_squeeze %dma_start3A_115 : memref<1x1x8x128xf32, #tpu.memory_space<hbm>> -> memref<8x128xf32, #tpu.memory_space<hbm>>
      %dma_start3A_117 = arith.constant 0 : i32
      %dma_start3A_118 = arith.constant 0 : i32
      %dma_start3A_119 = tpu.memref_slice %arg8[%dma_start3A_102, %dma_start3A_103, %dma_start3A_117, %dma_start3A_118] : memref<2x4x8x128xf32, #tpu.memory_space<vmem>> -> memref<1x1x8x128xf32, #tpu.memory_space<vmem>>
      %dma_start3A_120 = tpu.memref_squeeze %dma_start3A_119 : memref<1x1x8x128xf32, #tpu.memory_space<vmem>> -> memref<8x128xf32, #tpu.memory_space<vmem>>
      tpu.enqueue_dma source(%dma_start3A_120 : memref<8x128xf32, #tpu.memory_space<vmem>>) target(%dma_start3A_116 : memref<8x128xf32, #tpu.memory_space<hbm>>) target_semaphore(%arg11 : memref<!tpu.dma_semaphore, #tpu.memory_space<semaphore_mem>>)
      %add3A_121 = arith.constant 256 : i32
      %add3A_122 = arith.addi %add3A_121, %add3A_32 : i32
      %dma_start3A_123 = arith.constant 0 : i32
      %dma_start3A_124 = arith.constant 2 : i32
      %dma_start3A_125 = arith.constant 0 : i32
      %dma_start3A_126 = arith.constant 0 : i32
      %dma_start3A_127 = arith.constant 0 : i32
      %dma_start3A_128 = tpu.memref_slice %arg8[%dma_start3A_123, %dma_start3A_124, %dma_start3A_126, %dma_start3A_127] : memref<2x4x8x128xf32, #tpu.memory_space<vmem>> -> memref<1x1x8x128xf32, #tpu.memory_space<vmem>>
      %dma_start3A_129 = tpu.memref_squeeze %dma_start3A_128 : memref<1x1x8x128xf32, #tpu.memory_space<vmem>> -> memref<8x128xf32, #tpu.memory_space<vmem>>
      %dma_start3A_130 = arith.constant 0 : i32
      %dma_start3A_131 = arith.constant 0 : i32
      %dma_start3A_132 = tpu.memref_slice %arg4[%dma_start3A_125, %add3A_122, %dma_start3A_130, %dma_start3A_131] : memref<200x512x8x128xf32, #tpu.memory_space<hbm>> -> memref<1x1x8x128xf32, #tpu.memory_space<hbm>>
      %dma_start3A_133 = tpu.memref_squeeze %dma_start3A_132 : memref<1x1x8x128xf32, #tpu.memory_space<hbm>> -> memref<8x128xf32, #tpu.memory_space<hbm>>
      %dma_start3A_134 = arith.constant 0 : i32
      %dma_start3A_135 = arith.constant 0 : i32
      %dma_start3A_136 = tpu.memref_slice %arg4[%dma_start3A_125, %add3A_122, %dma_start3A_134, %dma_start3A_135] : memref<200x512x8x128xf32, #tpu.memory_space<hbm>> -> memref<1x1x8x128xf32, #tpu.memory_space<hbm>>
      %dma_start3A_137 = tpu.memref_squeeze %dma_start3A_136 : memref<1x1x8x128xf32, #tpu.memory_space<hbm>> -> memref<8x128xf32, #tpu.memory_space<hbm>>
      %dma_start3A_138 = arith.constant 0 : i32
      %dma_start3A_139 = arith.constant 0 : i32
      %dma_start3A_140 = tpu.memref_slice %arg8[%dma_start3A_123, %dma_start3A_124, %dma_start3A_138, %dma_start3A_139] : memref<2x4x8x128xf32, #tpu.memory_space<vmem>> -> memref<1x1x8x128xf32, #tpu.memory_space<vmem>>
      %dma_start3A_141 = tpu.memref_squeeze %dma_start3A_140 : memref<1x1x8x128xf32, #tpu.memory_space<vmem>> -> memref<8x128xf32, #tpu.memory_space<vmem>>
      tpu.enqueue_dma source(%dma_start3A_141 : memref<8x128xf32, #tpu.memory_space<vmem>>) target(%dma_start3A_137 : memref<8x128xf32, #tpu.memory_space<hbm>>) target_semaphore(%arg11 : memref<!tpu.dma_semaphore, #tpu.memory_space<semaphore_mem>>)
      %add3A_142 = arith.constant 384 : i32
      %add3A_143 = arith.addi %add3A_142, %add3A_32 : i32
      %dma_start3A_144 = arith.constant 0 : i32
      %dma_start3A_145 = arith.constant 3 : i32
      %dma_start3A_146 = arith.constant 0 : i32
      %dma_start3A_147 = arith.constant 0 : i32
      %dma_start3A_148 = arith.constant 0 : i32
      %dma_start3A_149 = tpu.memref_slice %arg8[%dma_start3A_144, %dma_start3A_145, %dma_start3A_147, %dma_start3A_148] : memref<2x4x8x128xf32, #tpu.memory_space<vmem>> -> memref<1x1x8x128xf32, #tpu.memory_space<vmem>>
      %dma_start3A_150 = tpu.memref_squeeze %dma_start3A_149 : memref<1x1x8x128xf32, #tpu.memory_space<vmem>> -> memref<8x128xf32, #tpu.memory_space<vmem>>
      %dma_start3A_151 = arith.constant 0 : i32
      %dma_start3A_152 = arith.constant 0 : i32
      %dma_start3A_153 = tpu.memref_slice %arg4[%dma_start3A_146, %add3A_143, %dma_start3A_151, %dma_start3A_152] : memref<200x512x8x128xf32, #tpu.memory_space<hbm>> -> memref<1x1x8x128xf32, #tpu.memory_space<hbm>>
      %dma_start3A_154 = tpu.memref_squeeze %dma_start3A_153 : memref<1x1x8x128xf32, #tpu.memory_space<hbm>> -> memref<8x128xf32, #tpu.memory_space<hbm>>
      %dma_start3A_155 = arith.constant 0 : i32
      %dma_start3A_156 = arith.constant 0 : i32
      %dma_start3A_157 = tpu.memref_slice %arg4[%dma_start3A_146, %add3A_143, %dma_start3A_155, %dma_start3A_156] : memref<200x512x8x128xf32, #tpu.memory_space<hbm>> -> memref<1x1x8x128xf32, #tpu.memory_space<hbm>>
      %dma_start3A_158 = tpu.memref_squeeze %dma_start3A_157 : memref<1x1x8x128xf32, #tpu.memory_space<hbm>> -> memref<8x128xf32, #tpu.memory_space<hbm>>
      %dma_start3A_159 = arith.constant 0 : i32
      %dma_start3A_160 = arith.constant 0 : i32
      %dma_start3A_161 = tpu.memref_slice %arg8[%dma_start3A_144, %dma_start3A_145, %dma_start3A_159, %dma_start3A_160] : memref<2x4x8x128xf32, #tpu.memory_space<vmem>> -> memref<1x1x8x128xf32, #tpu.memory_space<vmem>>
      %dma_start3A_162 = tpu.memref_squeeze %dma_start3A_161 : memref<1x1x8x128xf32, #tpu.memory_space<vmem>> -> memref<8x128xf32, #tpu.memory_space<vmem>>
      tpu.enqueue_dma source(%dma_start3A_162 : memref<8x128xf32, #tpu.memory_space<vmem>>) target(%dma_start3A_158 : memref<8x128xf32, #tpu.memory_space<hbm>>) target_semaphore(%arg11 : memref<!tpu.dma_semaphore, #tpu.memory_space<semaphore_mem>>)
      %scan3A_163 = arith.constant 1 : i32
      %scan3A_164 = arith.constant 99 : i32
      %scan3A_165 = arith.addi %scan3A_163, %scan3A_164 : i32
      %scan3A_166 = arith.constant 1 : i32
      scf.for %scan3A_437 = %scan3A_163 to %scan3A_165 step %scan3A_166  : i32 {
        %mul3A_438 = arith.constant 2 : i32
        %mul3A_439 = arith.muli %mul3A_438, %scan3A_437 : i32
        %sub3A = arith.constant 2 : i32
        %sub3A_440 = arith.subi %mul3A_439, %sub3A : i32
        %add3A_441 = arith.constant 0 : i32
        %add3A_442 = arith.addi %add3A_441, %add3A_32 : i32
        %dma_wait3A_443 = arith.constant 0 : i32
        %dma_wait3A_444 = arith.constant 0 : i32
        %dma_wait3A_445 = arith.constant 0 : i32
        %dma_wait3A_446 = arith.constant 0 : i32
        %dma_wait3A_447 = tpu.memref_slice %arg8[%dma_wait3A_443, %dma_wait3A_444, %dma_wait3A_445, %dma_wait3A_446] : memref<2x4x8x128xf32, #tpu.memory_space<vmem>> -> memref<1x1x8x128xf32, #tpu.memory_space<vmem>>
        %dma_wait3A_448 = tpu.memref_squeeze %dma_wait3A_447 : memref<1x1x8x128xf32, #tpu.memory_space<vmem>> -> memref<8x128xf32, #tpu.memory_space<vmem>>
        %dma_wait3A_449 = arith.constant 0 : i32
        %dma_wait3A_450 = arith.constant 0 : i32
        %dma_wait3A_451 = tpu.memref_slice %arg4[%sub3A_440, %add3A_442, %dma_wait3A_449, %dma_wait3A_450] : memref<200x512x8x128xf32, #tpu.memory_space<hbm>> -> memref<1x1x8x128xf32, #tpu.memory_space<hbm>>
        %dma_wait3A_452 = tpu.memref_squeeze %dma_wait3A_451 : memref<1x1x8x128xf32, #tpu.memory_space<hbm>> -> memref<8x128xf32, #tpu.memory_space<hbm>>
        %dma_wait3A_453 = arith.constant 0 : i32
        %dma_wait3A_454 = arith.constant 0 : i32
        %dma_wait3A_455 = tpu.memref_slice %arg4[%sub3A_440, %add3A_442, %dma_wait3A_453, %dma_wait3A_454] : memref<200x512x8x128xf32, #tpu.memory_space<hbm>> -> memref<1x1x8x128xf32, #tpu.memory_space<hbm>>
        %dma_wait3A_456 = tpu.memref_squeeze %dma_wait3A_455 : memref<1x1x8x128xf32, #tpu.memory_space<hbm>> -> memref<8x128xf32, #tpu.memory_space<hbm>>
        %dma_wait3A_457 = arith.constant 0 : i32
        %dma_wait3A_458 = arith.constant 0 : i32
        %dma_wait3A_459 = tpu.memref_slice %arg8[%dma_wait3A_443, %dma_wait3A_444, %dma_wait3A_457, %dma_wait3A_458] : memref<2x4x8x128xf32, #tpu.memory_space<vmem>> -> memref<1x1x8x128xf32, #tpu.memory_space<vmem>>
        %dma_wait3A_460 = tpu.memref_squeeze %dma_wait3A_459 : memref<1x1x8x128xf32, #tpu.memory_space<vmem>> -> memref<8x128xf32, #tpu.memory_space<vmem>>
        tpu.wait_dma2 semaphore(%arg11 : memref<!tpu.dma_semaphore, #tpu.memory_space<semaphore_mem>>) src(%dma_wait3A_460 : memref<8x128xf32, #tpu.memory_space<vmem>>) dst(%dma_wait3A_456 : memref<8x128xf32, #tpu.memory_space<hbm>>)
        %add3A_461 = arith.constant 128 : i32
        %add3A_462 = arith.addi %add3A_461, %add3A_32 : i32
        %dma_wait3A_463 = arith.constant 0 : i32
        %dma_wait3A_464 = arith.constant 1 : i32
        %dma_wait3A_465 = arith.constant 0 : i32
        %dma_wait3A_466 = arith.constant 0 : i32
        %dma_wait3A_467 = tpu.memref_slice %arg8[%dma_wait3A_463, %dma_wait3A_464, %dma_wait3A_465, %dma_wait3A_466] : memref<2x4x8x128xf32, #tpu.memory_space<vmem>> -> memref<1x1x8x128xf32, #tpu.memory_space<vmem>>
        %dma_wait3A_468 = tpu.memref_squeeze %dma_wait3A_467 : memref<1x1x8x128xf32, #tpu.memory_space<vmem>> -> memref<8x128xf32, #tpu.memory_space<vmem>>
        %dma_wait3A_469 = arith.constant 0 : i32
        %dma_wait3A_470 = arith.constant 0 : i32
        %dma_wait3A_471 = tpu.memref_slice %arg4[%sub3A_440, %add3A_462, %dma_wait3A_469, %dma_wait3A_470] : memref<200x512x8x128xf32, #tpu.memory_space<hbm>> -> memref<1x1x8x128xf32, #tpu.memory_space<hbm>>
        %dma_wait3A_472 = tpu.memref_squeeze %dma_wait3A_471 : memref<1x1x8x128xf32, #tpu.memory_space<hbm>> -> memref<8x128xf32, #tpu.memory_space<hbm>>
        %dma_wait3A_473 = arith.constant 0 : i32
        %dma_wait3A_474 = arith.constant 0 : i32
        %dma_wait3A_475 = tpu.memref_slice %arg4[%sub3A_440, %add3A_462, %dma_wait3A_473, %dma_wait3A_474] : memref<200x512x8x128xf32, #tpu.memory_space<hbm>> -> memref<1x1x8x128xf32, #tpu.memory_space<hbm>>
        %dma_wait3A_476 = tpu.memref_squeeze %dma_wait3A_475 : memref<1x1x8x128xf32, #tpu.memory_space<hbm>> -> memref<8x128xf32, #tpu.memory_space<hbm>>
        %dma_wait3A_477 = arith.constant 0 : i32
        %dma_wait3A_478 = arith.constant 0 : i32
        %dma_wait3A_479 = tpu.memref_slice %arg8[%dma_wait3A_463, %dma_wait3A_464, %dma_wait3A_477, %dma_wait3A_478] : memref<2x4x8x128xf32, #tpu.memory_space<vmem>> -> memref<1x1x8x128xf32, #tpu.memory_space<vmem>>
        %dma_wait3A_480 = tpu.memref_squeeze %dma_wait3A_479 : memref<1x1x8x128xf32, #tpu.memory_space<vmem>> -> memref<8x128xf32, #tpu.memory_space<vmem>>
        tpu.wait_dma2 semaphore(%arg11 : memref<!tpu.dma_semaphore, #tpu.memory_space<semaphore_mem>>) src(%dma_wait3A_480 : memref<8x128xf32, #tpu.memory_space<vmem>>) dst(%dma_wait3A_476 : memref<8x128xf32, #tpu.memory_space<hbm>>)
        %add3A_481 = arith.constant 256 : i32
        %add3A_482 = arith.addi %add3A_481, %add3A_32 : i32
        %dma_wait3A_483 = arith.constant 0 : i32
        %dma_wait3A_484 = arith.constant 2 : i32
        %dma_wait3A_485 = arith.constant 0 : i32
        %dma_wait3A_486 = arith.constant 0 : i32
        %dma_wait3A_487 = tpu.memref_slice %arg8[%dma_wait3A_483, %dma_wait3A_484, %dma_wait3A_485, %dma_wait3A_486] : memref<2x4x8x128xf32, #tpu.memory_space<vmem>> -> memref<1x1x8x128xf32, #tpu.memory_space<vmem>>
        %dma_wait3A_488 = tpu.memref_squeeze %dma_wait3A_487 : memref<1x1x8x128xf32, #tpu.memory_space<vmem>> -> memref<8x128xf32, #tpu.memory_space<vmem>>
        %dma_wait3A_489 = arith.constant 0 : i32
        %dma_wait3A_490 = arith.constant 0 : i32
        %dma_wait3A_491 = tpu.memref_slice %arg4[%sub3A_440, %add3A_482, %dma_wait3A_489, %dma_wait3A_490] : memref<200x512x8x128xf32, #tpu.memory_space<hbm>> -> memref<1x1x8x128xf32, #tpu.memory_space<hbm>>
        %dma_wait3A_492 = tpu.memref_squeeze %dma_wait3A_491 : memref<1x1x8x128xf32, #tpu.memory_space<hbm>> -> memref<8x128xf32, #tpu.memory_space<hbm>>
        %dma_wait3A_493 = arith.constant 0 : i32
        %dma_wait3A_494 = arith.constant 0 : i32
        %dma_wait3A_495 = tpu.memref_slice %arg4[%sub3A_440, %add3A_482, %dma_wait3A_493, %dma_wait3A_494] : memref<200x512x8x128xf32, #tpu.memory_space<hbm>> -> memref<1x1x8x128xf32, #tpu.memory_space<hbm>>
        %dma_wait3A_496 = tpu.memref_squeeze %dma_wait3A_495 : memref<1x1x8x128xf32, #tpu.memory_space<hbm>> -> memref<8x128xf32, #tpu.memory_space<hbm>>
        %dma_wait3A_497 = arith.constant 0 : i32
        %dma_wait3A_498 = arith.constant 0 : i32
        %dma_wait3A_499 = tpu.memref_slice %arg8[%dma_wait3A_483, %dma_wait3A_484, %dma_wait3A_497, %dma_wait3A_498] : memref<2x4x8x128xf32, #tpu.memory_space<vmem>> -> memref<1x1x8x128xf32, #tpu.memory_space<vmem>>
        %dma_wait3A_500 = tpu.memref_squeeze %dma_wait3A_499 : memref<1x1x8x128xf32, #tpu.memory_space<vmem>> -> memref<8x128xf32, #tpu.memory_space<vmem>>
        tpu.wait_dma2 semaphore(%arg11 : memref<!tpu.dma_semaphore, #tpu.memory_space<semaphore_mem>>) src(%dma_wait3A_500 : memref<8x128xf32, #tpu.memory_space<vmem>>) dst(%dma_wait3A_496 : memref<8x128xf32, #tpu.memory_space<hbm>>)
        %add3A_501 = arith.constant 384 : i32
        %add3A_502 = arith.addi %add3A_501, %add3A_32 : i32
        %dma_wait3A_503 = arith.constant 0 : i32
        %dma_wait3A_504 = arith.constant 3 : i32
        %dma_wait3A_505 = arith.constant 0 : i32
        %dma_wait3A_506 = arith.constant 0 : i32
        %dma_wait3A_507 = tpu.memref_slice %arg8[%dma_wait3A_503, %dma_wait3A_504, %dma_wait3A_505, %dma_wait3A_506] : memref<2x4x8x128xf32, #tpu.memory_space<vmem>> -> memref<1x1x8x128xf32, #tpu.memory_space<vmem>>
        %dma_wait3A_508 = tpu.memref_squeeze %dma_wait3A_507 : memref<1x1x8x128xf32, #tpu.memory_space<vmem>> -> memref<8x128xf32, #tpu.memory_space<vmem>>
        %dma_wait3A_509 = arith.constant 0 : i32
        %dma_wait3A_510 = arith.constant 0 : i32
        %dma_wait3A_511 = tpu.memref_slice %arg4[%sub3A_440, %add3A_502, %dma_wait3A_509, %dma_wait3A_510] : memref<200x512x8x128xf32, #tpu.memory_space<hbm>> -> memref<1x1x8x128xf32, #tpu.memory_space<hbm>>
        %dma_wait3A_512 = tpu.memref_squeeze %dma_wait3A_511 : memref<1x1x8x128xf32, #tpu.memory_space<hbm>> -> memref<8x128xf32, #tpu.memory_space<hbm>>
        %dma_wait3A_513 = arith.constant 0 : i32
        %dma_wait3A_514 = arith.constant 0 : i32
        %dma_wait3A_515 = tpu.memref_slice %arg4[%sub3A_440, %add3A_502, %dma_wait3A_513, %dma_wait3A_514] : memref<200x512x8x128xf32, #tpu.memory_space<hbm>> -> memref<1x1x8x128xf32, #tpu.memory_space<hbm>>
        %dma_wait3A_516 = tpu.memref_squeeze %dma_wait3A_515 : memref<1x1x8x128xf32, #tpu.memory_space<hbm>> -> memref<8x128xf32, #tpu.memory_space<hbm>>
        %dma_wait3A_517 = arith.constant 0 : i32
        %dma_wait3A_518 = arith.constant 0 : i32
        %dma_wait3A_519 = tpu.memref_slice %arg8[%dma_wait3A_503, %dma_wait3A_504, %dma_wait3A_517, %dma_wait3A_518] : memref<2x4x8x128xf32, #tpu.memory_space<vmem>> -> memref<1x1x8x128xf32, #tpu.memory_space<vmem>>
        %dma_wait3A_520 = tpu.memref_squeeze %dma_wait3A_519 : memref<1x1x8x128xf32, #tpu.memory_space<vmem>> -> memref<8x128xf32, #tpu.memory_space<vmem>>
        tpu.wait_dma2 semaphore(%arg11 : memref<!tpu.dma_semaphore, #tpu.memory_space<semaphore_mem>>) src(%dma_wait3A_520 : memref<8x128xf32, #tpu.memory_space<vmem>>) dst(%dma_wait3A_516 : memref<8x128xf32, #tpu.memory_space<hbm>>)
        %dma_start3A_521 = arith.constant 0 : i32
        %dma_start3A_522 = arith.constant 0 : i32
        %dma_start3A_523 = arith.constant 0 : i32
        %dma_start3A_524 = tpu.memref_slice %arg7[%dma_start3A_521, %dma_start3A_522, %dma_start3A_523] : memref<2x128x32xf32, #tpu.memory_space<vmem>> -> memref<1x128x32xf32, #tpu.memory_space<vmem>>
        %dma_start3A_525 = tpu.memref_squeeze %dma_start3A_524 : memref<1x128x32xf32, #tpu.memory_space<vmem>> -> memref<128x32xf32, #tpu.memory_space<vmem>>
        %dma_start3A_526 = arith.constant 0 : i32
        %dma_start3A_527 = tpu.memref_slice %arg6[%mul3A_439, %dma_start3A_526] : memref<208x128xi32, #tpu.memory_space<vmem>> -> memref<1x128xi32, #tpu.memory_space<vmem>>
        %dma_start3A_528 = tpu.memref_squeeze %dma_start3A_527 : memref<1x128xi32, #tpu.memory_space<vmem>> -> memref<128xi32, #tpu.memory_space<vmem>>
        %dma_start3A_529 = arith.constant 0 : i32
        %dma_start3A_530 = arith.constant 0 : i32
        %dma_start3A_531 = tpu.memref_slice %arg3[%dma_start3A_529, %dma_start3A_530] : memref<1000000x32xf32, #tpu.memory_space<hbm>> -> memref<1000000x32xf32, #tpu.memory_space<hbm>>
        tpu.enqueue_indirect_dma source(%dma_start3A_531 : memref<1000000x32xf32, #tpu.memory_space<hbm>>) target(%dma_start3A_525 : memref<128x32xf32, #tpu.memory_space<vmem>>) offsets(%dma_start3A_528 : memref<128xi32, #tpu.memory_space<vmem>>) semaphore(%arg9 : memref<!tpu.dma_semaphore, #tpu.memory_space<semaphore_mem>>)
        %sub3A_532 = arith.constant 1 : i32
        %sub3A_533 = arith.subi %mul3A_439, %sub3A_532 : i32
        %dma_wait3A_534 = arith.constant 1 : i32
        %dma_wait3A_535 = arith.constant 0 : i32
        %dma_wait3A_536 = arith.constant 0 : i32
        %dma_wait3A_537 = tpu.memref_slice %arg7[%dma_wait3A_534, %dma_wait3A_535, %dma_wait3A_536] : memref<2x128x32xf32, #tpu.memory_space<vmem>> -> memref<1x128x32xf32, #tpu.memory_space<vmem>>
        %dma_wait3A_538 = tpu.memref_squeeze %dma_wait3A_537 : memref<1x128x32xf32, #tpu.memory_space<vmem>> -> memref<128x32xf32, #tpu.memory_space<vmem>>
        %dma_wait3A_539 = arith.constant 0 : i32
        %dma_wait3A_540 = tpu.memref_slice %arg6[%sub3A_533, %dma_wait3A_539] : memref<208x128xi32, #tpu.memory_space<vmem>> -> memref<1x128xi32, #tpu.memory_space<vmem>>
        %dma_wait3A_541 = tpu.memref_squeeze %dma_wait3A_540 : memref<1x128xi32, #tpu.memory_space<vmem>> -> memref<128xi32, #tpu.memory_space<vmem>>
        %dma_wait3A_542 = arith.constant 0 : i32
        %dma_wait3A_543 = arith.constant 0 : i32
        %dma_wait3A_544 = tpu.memref_slice %arg3[%dma_wait3A_542, %dma_wait3A_543] : memref<1000000x32xf32, #tpu.memory_space<hbm>> -> memref<1000000x32xf32, #tpu.memory_space<hbm>>
        tpu.wait_indirect_dma semaphore(%arg10 : memref<!tpu.dma_semaphore, #tpu.memory_space<semaphore_mem>>) src(%dma_wait3A_544 : memref<1000000x32xf32, #tpu.memory_space<hbm>>) dst(%dma_wait3A_538 : memref<128x32xf32, #tpu.memory_space<vmem>>)
        %scan3A_545 = arith.constant 0 : i32
        %scan3A_546 = arith.constant 8 : i32
        %scan3A_547 = arith.addi %scan3A_545, %scan3A_546 : i32
        %scan3A_548 = arith.constant 1 : i32
        scf.for %scan3A_827 = %scan3A_545 to %scan3A_547 step %scan3A_548  : i32 {
          %mul3A_828 = arith.constant 4 : i32
          %mul3A_829 = arith.muli %mul3A_828, %scan3A_827 : i32
          %add3A_830 = arith.constant 0 : i32
          %add3A_831 = arith.addi %mul3A_829, %add3A_830 : i32
          %add3A_832 = vector.broadcast %add3A_831 : i32 to vector<16xi32>
          %add3A_833 = arith.addi %iota3A, %add3A_832 : vector<16xi32>
          %and3A = arith.constant 31 : i32
          %and3A_834 = vector.broadcast %and3A : i32 to vector<16xi32>
          %and3A_835 = arith.andi %add3A_833, %and3A_834 : vector<16xi32>
          %shift_right_logical3A = arith.constant 3 : i32
          %shift_right_logical3A_836 = vector.broadcast %shift_right_logical3A : i32 to vector<16xi32>
          %shift_right_logical3A_837 = arith.shrui %and3A_835, %shift_right_logical3A_836 : vector<16xi32>
          %and3A_838 = arith.constant 7 : i32
          %and3A_839 = vector.broadcast %and3A_838 : i32 to vector<16xi32>
          %and3A_840 = arith.andi %and3A_835, %and3A_839 : vector<16xi32>
          %gather3A = arith.constant 1 : i32
          %gather3A_841 = arith.constant 0 : i32
          %gather3A_842 = arith.constant 0 : i32
          %gather3A_843 = tpu.memref_slice %arg7[%gather3A, %gather3A_841, %gather3A_842] : memref<2x128x32xf32, #tpu.memory_space<vmem>> -> memref<1x128x32xf32, #tpu.memory_space<vmem>>
          %gather3A_844 = tpu.memref_squeeze %gather3A_843 : memref<1x128x32xf32, #tpu.memory_space<vmem>> -> memref<128x32xf32, #tpu.memory_space<vmem>>
          %gather3A_845 = tpu.vector_load_idx %gather3A_844[%add3A_3, %and3A_835] : memref<128x32xf32, #tpu.memory_space<vmem>>[vector<16xi32>, vector<16xi32>], vector<16xf32>,
          %gather3A_846 = arith.constant 1 : i32
          %gather3A_847 = arith.constant 0 : i32
          %gather3A_848 = arith.constant 0 : i32
          %gather3A_849 = tpu.memref_slice %arg7[%gather3A_846, %gather3A_847, %gather3A_848] : memref<2x128x32xf32, #tpu.memory_space<vmem>> -> memref<1x128x32xf32, #tpu.memory_space<vmem>>
          %gather3A_850 = tpu.memref_squeeze %gather3A_849 : memref<1x128x32xf32, #tpu.memory_space<vmem>> -> memref<128x32xf32, #tpu.memory_space<vmem>>
          %gather3A_851 = tpu.vector_load_idx %gather3A_850[%add3A_6, %and3A_835] : memref<128x32xf32, #tpu.memory_space<vmem>>[vector<16xi32>, vector<16xi32>], vector<16xf32>,
          %gather3A_852 = arith.constant 1 : i32
          %gather3A_853 = arith.constant 0 : i32
          %gather3A_854 = arith.constant 0 : i32
          %gather3A_855 = tpu.memref_slice %arg7[%gather3A_852, %gather3A_853, %gather3A_854] : memref<2x128x32xf32, #tpu.memory_space<vmem>> -> memref<1x128x32xf32, #tpu.memory_space<vmem>>
          %gather3A_856 = tpu.memref_squeeze %gather3A_855 : memref<1x128x32xf32, #tpu.memory_space<vmem>> -> memref<128x32xf32, #tpu.memory_space<vmem>>
          %gather3A_857 = tpu.vector_load_idx %gather3A_856[%add3A_9, %and3A_835] : memref<128x32xf32, #tpu.memory_space<vmem>>[vector<16xi32>, vector<16xi32>], vector<16xf32>,
          %gather3A_858 = arith.constant 1 : i32
          %gather3A_859 = arith.constant 0 : i32
          %gather3A_860 = arith.constant 0 : i32
          %gather3A_861 = tpu.memref_slice %arg7[%gather3A_858, %gather3A_859, %gather3A_860] : memref<2x128x32xf32, #tpu.memory_space<vmem>> -> memref<1x128x32xf32, #tpu.memory_space<vmem>>
          %gather3A_862 = tpu.memref_squeeze %gather3A_861 : memref<1x128x32xf32, #tpu.memory_space<vmem>> -> memref<128x32xf32, #tpu.memory_space<vmem>>
          %gather3A_863 = tpu.vector_load_idx %gather3A_862[%add3A_12, %and3A_835] : memref<128x32xf32, #tpu.memory_space<vmem>>[vector<16xi32>, vector<16xi32>], vector<16xf32>,
          %gather3A_864 = arith.constant 1 : i32
          %gather3A_865 = arith.constant 0 : i32
          %gather3A_866 = arith.constant 0 : i32
          %gather3A_867 = tpu.memref_slice %arg7[%gather3A_864, %gather3A_865, %gather3A_866] : memref<2x128x32xf32, #tpu.memory_space<vmem>> -> memref<1x128x32xf32, #tpu.memory_space<vmem>>
          %gather3A_868 = tpu.memref_squeeze %gather3A_867 : memref<1x128x32xf32, #tpu.memory_space<vmem>> -> memref<128x32xf32, #tpu.memory_space<vmem>>
          %gather3A_869 = tpu.vector_load_idx %gather3A_868[%add3A_15, %and3A_835] : memref<128x32xf32, #tpu.memory_space<vmem>>[vector<16xi32>, vector<16xi32>], vector<16xf32>,
          %gather3A_870 = arith.constant 1 : i32
          %gather3A_871 = arith.constant 0 : i32
          %gather3A_872 = arith.constant 0 : i32
          %gather3A_873 = tpu.memref_slice %arg7[%gather3A_870, %gather3A_871, %gather3A_872] : memref<2x128x32xf32, #tpu.memory_space<vmem>> -> memref<1x128x32xf32, #tpu.memory_space<vmem>>
          %gather3A_874 = tpu.memref_squeeze %gather3A_873 : memref<1x128x32xf32, #tpu.memory_space<vmem>> -> memref<128x32xf32, #tpu.memory_space<vmem>>
          %gather3A_875 = tpu.vector_load_idx %gather3A_874[%add3A_18, %and3A_835] : memref<128x32xf32, #tpu.memory_space<vmem>>[vector<16xi32>, vector<16xi32>], vector<16xf32>,
          %gather3A_876 = arith.constant 1 : i32
          %gather3A_877 = arith.constant 0 : i32
          %gather3A_878 = arith.constant 0 : i32
          %gather3A_879 = tpu.memref_slice %arg7[%gather3A_876, %gather3A_877, %gather3A_878] : memref<2x128x32xf32, #tpu.memory_space<vmem>> -> memref<1x128x32xf32, #tpu.memory_space<vmem>>
          %gather3A_880 = tpu.memref_squeeze %gather3A_879 : memref<1x128x32xf32, #tpu.memory_space<vmem>> -> memref<128x32xf32, #tpu.memory_space<vmem>>
          %gather3A_881 = tpu.vector_load_idx %gather3A_880[%add3A_21, %and3A_835] : memref<128x32xf32, #tpu.memory_space<vmem>>[vector<16xi32>, vector<16xi32>], vector<16xf32>,
          %gather3A_882 = arith.constant 1 : i32
          %gather3A_883 = arith.constant 0 : i32
          %gather3A_884 = arith.constant 0 : i32
          %gather3A_885 = tpu.memref_slice %arg7[%gather3A_882, %gather3A_883, %gather3A_884] : memref<2x128x32xf32, #tpu.memory_space<vmem>> -> memref<1x128x32xf32, #tpu.memory_space<vmem>>
          %gather3A_886 = tpu.memref_squeeze %gather3A_885 : memref<1x128x32xf32, #tpu.memory_space<vmem>> -> memref<128x32xf32, #tpu.memory_space<vmem>>
          %gather3A_887 = tpu.vector_load_idx %gather3A_886[%add3A_24, %and3A_835] : memref<128x32xf32, #tpu.memory_space<vmem>>[vector<16xi32>, vector<16xi32>], vector<16xf32>,
          %scatter3A = arith.constant 1 : i32
          %scatter3A_888 = arith.constant 0 : i32
          %scatter3A_889 = arith.constant 0 : i32
          %scatter3A_890 = arith.constant 0 : i32
          %scatter3A_891 = tpu.memref_slice %arg8[%scatter3A, %scatter3A_888, %scatter3A_889, %scatter3A_890] : memref<2x4x8x128xf32, #tpu.memory_space<vmem>> -> memref<1x4x8x128xf32, #tpu.memory_space<vmem>>
          %scatter3A_892 = tpu.memref_squeeze %scatter3A_891 : memref<1x4x8x128xf32, #tpu.memory_space<vmem>> -> memref<4x8x128xf32, #tpu.memory_space<vmem>>
          tpu.vector_store_idx %scatter3A_892[%shift_right_logical3A_837, %and3A_840, %add3A_3], %gather3A_845 : memref<4x8x128xf32, #tpu.memory_space<vmem>>[vector<16xi32>, vector<16xi32>, vector<16xi32>], vector<16xf32>,
          %scatter3A_893 = arith.constant 1 : i32
          %scatter3A_894 = arith.constant 0 : i32
          %scatter3A_895 = arith.constant 0 : i32
          %scatter3A_896 = arith.constant 0 : i32
          %scatter3A_897 = tpu.memref_slice %arg8[%scatter3A_893, %scatter3A_894, %scatter3A_895, %scatter3A_896] : memref<2x4x8x128xf32, #tpu.memory_space<vmem>> -> memref<1x4x8x128xf32, #tpu.memory_space<vmem>>
          %scatter3A_898 = tpu.memref_squeeze %scatter3A_897 : memref<1x4x8x128xf32, #tpu.memory_space<vmem>> -> memref<4x8x128xf32, #tpu.memory_space<vmem>>
          tpu.vector_store_idx %scatter3A_898[%shift_right_logical3A_837, %and3A_840, %add3A_6], %gather3A_851 : memref<4x8x128xf32, #tpu.memory_space<vmem>>[vector<16xi32>, vector<16xi32>, vector<16xi32>], vector<16xf32>,
          %scatter3A_899 = arith.constant 1 : i32
          %scatter3A_900 = arith.constant 0 : i32
          %scatter3A_901 = arith.constant 0 : i32
          %scatter3A_902 = arith.constant 0 : i32
          %scatter3A_903 = tpu.memref_slice %arg8[%scatter3A_899, %scatter3A_900, %scatter3A_901, %scatter3A_902] : memref<2x4x8x128xf32, #tpu.memory_space<vmem>> -> memref<1x4x8x128xf32, #tpu.memory_space<vmem>>
          %scatter3A_904 = tpu.memref_squeeze %scatter3A_903 : memref<1x4x8x128xf32, #tpu.memory_space<vmem>> -> memref<4x8x128xf32, #tpu.memory_space<vmem>>
          tpu.vector_store_idx %scatter3A_904[%shift_right_logical3A_837, %and3A_840, %add3A_9], %gather3A_857 : memref<4x8x128xf32, #tpu.memory_space<vmem>>[vector<16xi32>, vector<16xi32>, vector<16xi32>], vector<16xf32>,
          %scatter3A_905 = arith.constant 1 : i32
          %scatter3A_906 = arith.constant 0 : i32
          %scatter3A_907 = arith.constant 0 : i32
          %scatter3A_908 = arith.constant 0 : i32
          %scatter3A_909 = tpu.memref_slice %arg8[%scatter3A_905, %scatter3A_906, %scatter3A_907, %scatter3A_908] : memref<2x4x8x128xf32, #tpu.memory_space<vmem>> -> memref<1x4x8x128xf32, #tpu.memory_space<vmem>>
          %scatter3A_910 = tpu.memref_squeeze %scatter3A_909 : memref<1x4x8x128xf32, #tpu.memory_space<vmem>> -> memref<4x8x128xf32, #tpu.memory_space<vmem>>
          tpu.vector_store_idx %scatter3A_910[%shift_right_logical3A_837, %and3A_840, %add3A_12], %gather3A_863 : memref<4x8x128xf32, #tpu.memory_space<vmem>>[vector<16xi32>, vector<16xi32>, vector<16xi32>], vector<16xf32>,
          %scatter3A_911 = arith.constant 1 : i32
          %scatter3A_912 = arith.constant 0 : i32
          %scatter3A_913 = arith.constant 0 : i32
          %scatter3A_914 = arith.constant 0 : i32
          %scatter3A_915 = tpu.memref_slice %arg8[%scatter3A_911, %scatter3A_912, %scatter3A_913, %scatter3A_914] : memref<2x4x8x128xf32, #tpu.memory_space<vmem>> -> memref<1x4x8x128xf32, #tpu.memory_space<vmem>>
          %scatter3A_916 = tpu.memref_squeeze %scatter3A_915 : memref<1x4x8x128xf32, #tpu.memory_space<vmem>> -> memref<4x8x128xf32, #tpu.memory_space<vmem>>
          tpu.vector_store_idx %scatter3A_916[%shift_right_logical3A_837, %and3A_840, %add3A_15], %gather3A_869 : memref<4x8x128xf32, #tpu.memory_space<vmem>>[vector<16xi32>, vector<16xi32>, vector<16xi32>], vector<16xf32>,
          %scatter3A_917 = arith.constant 1 : i32
          %scatter3A_918 = arith.constant 0 : i32
          %scatter3A_919 = arith.constant 0 : i32
          %scatter3A_920 = arith.constant 0 : i32
          %scatter3A_921 = tpu.memref_slice %arg8[%scatter3A_917, %scatter3A_918, %scatter3A_919, %scatter3A_920] : memref<2x4x8x128xf32, #tpu.memory_space<vmem>> -> memref<1x4x8x128xf32, #tpu.memory_space<vmem>>
          %scatter3A_922 = tpu.memref_squeeze %scatter3A_921 : memref<1x4x8x128xf32, #tpu.memory_space<vmem>> -> memref<4x8x128xf32, #tpu.memory_space<vmem>>
          tpu.vector_store_idx %scatter3A_922[%shift_right_logical3A_837, %and3A_840, %add3A_18], %gather3A_875 : memref<4x8x128xf32, #tpu.memory_space<vmem>>[vector<16xi32>, vector<16xi32>, vector<16xi32>], vector<16xf32>,
          %scatter3A_923 = arith.constant 1 : i32
          %scatter3A_924 = arith.constant 0 : i32
          %scatter3A_925 = arith.constant 0 : i32
          %scatter3A_926 = arith.constant 0 : i32
          %scatter3A_927 = tpu.memref_slice %arg8[%scatter3A_923, %scatter3A_924, %scatter3A_925, %scatter3A_926] : memref<2x4x8x128xf32, #tpu.memory_space<vmem>> -> memref<1x4x8x128xf32, #tpu.memory_space<vmem>>
          %scatter3A_928 = tpu.memref_squeeze %scatter3A_927 : memref<1x4x8x128xf32, #tpu.memory_space<vmem>> -> memref<4x8x128xf32, #tpu.memory_space<vmem>>
          tpu.vector_store_idx %scatter3A_928[%shift_right_logical3A_837, %and3A_840, %add3A_21], %gather3A_881 : memref<4x8x128xf32, #tpu.memory_space<vmem>>[vector<16xi32>, vector<16xi32>, vector<16xi32>], vector<16xf32>,
          %scatter3A_929 = arith.constant 1 : i32
          %scatter3A_930 = arith.constant 0 : i32
          %scatter3A_931 = arith.constant 0 : i32
          %scatter3A_932 = arith.constant 0 : i32
          %scatter3A_933 = tpu.memref_slice %arg8[%scatter3A_929, %scatter3A_930, %scatter3A_931, %scatter3A_932] : memref<2x4x8x128xf32, #tpu.memory_space<vmem>> -> memref<1x4x8x128xf32, #tpu.memory_space<vmem>>
          %scatter3A_934 = tpu.memref_squeeze %scatter3A_933 : memref<1x4x8x128xf32, #tpu.memory_space<vmem>> -> memref<4x8x128xf32, #tpu.memory_space<vmem>>
          tpu.vector_store_idx %scatter3A_934[%shift_right_logical3A_837, %and3A_840, %add3A_24], %gather3A_887 : memref<4x8x128xf32, #tpu.memory_space<vmem>>[vector<16xi32>, vector<16xi32>, vector<16xi32>], vector<16xf32>,
          %mul3A_935 = arith.constant 4 : i32
          %mul3A_936 = arith.muli %mul3A_935, %scan3A_827 : i32
          %add3A_937 = arith.constant 1 : i32
          %add3A_938 = arith.addi %mul3A_936, %add3A_937 : i32
          %add3A_939 = vector.broadcast %add3A_938 : i32 to vector<16xi32>
          %add3A_940 = arith.addi %iota3A, %add3A_939 : vector<16xi32>
          %and3A_941 = arith.constant 31 : i32
          %and3A_942 = vector.broadcast %and3A_941 : i32 to vector<16xi32>
          %and3A_943 = arith.andi %add3A_940, %and3A_942 : vector<16xi32>
          %shift_right_logical3A_944 = arith.constant 3 : i32
          %shift_right_logical3A_945 = vector.broadcast %shift_right_logical3A_944 : i32 to vector<16xi32>
          %shift_right_logical3A_946 = arith.shrui %and3A_943, %shift_right_logical3A_945 : vector<16xi32>
          %and3A_947 = arith.constant 7 : i32
          %and3A_948 = vector.broadcast %and3A_947 : i32 to vector<16xi32>
          %and3A_949 = arith.andi %and3A_943, %and3A_948 : vector<16xi32>
          %gather3A_950 = arith.constant 1 : i32
          %gather3A_951 = arith.constant 0 : i32
          %gather3A_952 = arith.constant 0 : i32
          %gather3A_953 = tpu.memref_slice %arg7[%gather3A_950, %gather3A_951, %gather3A_952] : memref<2x128x32xf32, #tpu.memory_space<vmem>> -> memref<1x128x32xf32, #tpu.memory_space<vmem>>
          %gather3A_954 = tpu.memref_squeeze %gather3A_953 : memref<1x128x32xf32, #tpu.memory_space<vmem>> -> memref<128x32xf32, #tpu.memory_space<vmem>>
          %gather3A_955 = tpu.vector_load_idx %gather3A_954[%add3A_3, %and3A_943] : memref<128x32xf32, #tpu.memory_space<vmem>>[vector<16xi32>, vector<16xi32>], vector<16xf32>,
          %gather3A_956 = arith.constant 1 : i32
          %gather3A_957 = arith.constant 0 : i32
          %gather3A_958 = arith.constant 0 : i32
          %gather3A_959 = tpu.memref_slice %arg7[%gather3A_956, %gather3A_957, %gather3A_958] : memref<2x128x32xf32, #tpu.memory_space<vmem>> -> memref<1x128x32xf32, #tpu.memory_space<vmem>>
          %gather3A_960 = tpu.memref_squeeze %gather3A_959 : memref<1x128x32xf32, #tpu.memory_space<vmem>> -> memref<128x32xf32, #tpu.memory_space<vmem>>
          %gather3A_961 = tpu.vector_load_idx %gather3A_960[%add3A_6, %and3A_943] : memref<128x32xf32, #tpu.memory_space<vmem>>[vector<16xi32>, vector<16xi32>], vector<16xf32>,
          %gather3A_962 = arith.constant 1 : i32
          %gather3A_963 = arith.constant 0 : i32
          %gather3A_964 = arith.constant 0 : i32
          %gather3A_965 = tpu.memref_slice %arg7[%gather3A_962, %gather3A_963, %gather3A_964] : memref<2x128x32xf32, #tpu.memory_space<vmem>> -> memref<1x128x32xf32, #tpu.memory_space<vmem>>
          %gather3A_966 = tpu.memref_squeeze %gather3A_965 : memref<1x128x32xf32, #tpu.memory_space<vmem>> -> memref<128x32xf32, #tpu.memory_space<vmem>>
          %gather3A_967 = tpu.vector_load_idx %gather3A_966[%add3A_9, %and3A_943] : memref<128x32xf32, #tpu.memory_space<vmem>>[vector<16xi32>, vector<16xi32>], vector<16xf32>,
          %gather3A_968 = arith.constant 1 : i32
          %gather3A_969 = arith.constant 0 : i32
          %gather3A_970 = arith.constant 0 : i32
          %gather3A_971 = tpu.memref_slice %arg7[%gather3A_968, %gather3A_969, %gather3A_970] : memref<2x128x32xf32, #tpu.memory_space<vmem>> -> memref<1x128x32xf32, #tpu.memory_space<vmem>>
          %gather3A_972 = tpu.memref_squeeze %gather3A_971 : memref<1x128x32xf32, #tpu.memory_space<vmem>> -> memref<128x32xf32, #tpu.memory_space<vmem>>
          %gather3A_973 = tpu.vector_load_idx %gather3A_972[%add3A_12, %and3A_943] : memref<128x32xf32, #tpu.memory_space<vmem>>[vector<16xi32>, vector<16xi32>], vector<16xf32>,
          %gather3A_974 = arith.constant 1 : i32
          %gather3A_975 = arith.constant 0 : i32
          %gather3A_976 = arith.constant 0 : i32
          %gather3A_977 = tpu.memref_slice %arg7[%gather3A_974, %gather3A_975, %gather3A_976] : memref<2x128x32xf32, #tpu.memory_space<vmem>> -> memref<1x128x32xf32, #tpu.memory_space<vmem>>
          %gather3A_978 = tpu.memref_squeeze %gather3A_977 : memref<1x128x32xf32, #tpu.memory_space<vmem>> -> memref<128x32xf32, #tpu.memory_space<vmem>>
          %gather3A_979 = tpu.vector_load_idx %gather3A_978[%add3A_15, %and3A_943] : memref<128x32xf32, #tpu.memory_space<vmem>>[vector<16xi32>, vector<16xi32>], vector<16xf32>,
          %gather3A_980 = arith.constant 1 : i32
          %gather3A_981 = arith.constant 0 : i32
          %gather3A_982 = arith.constant 0 : i32
          %gather3A_983 = tpu.memref_slice %arg7[%gather3A_980, %gather3A_981, %gather3A_982] : memref<2x128x32xf32, #tpu.memory_space<vmem>> -> memref<1x128x32xf32, #tpu.memory_space<vmem>>
          %gather3A_984 = tpu.memref_squeeze %gather3A_983 : memref<1x128x32xf32, #tpu.memory_space<vmem>> -> memref<128x32xf32, #tpu.memory_space<vmem>>
          %gather3A_985 = tpu.vector_load_idx %gather3A_984[%add3A_18, %and3A_943] : memref<128x32xf32, #tpu.memory_space<vmem>>[vector<16xi32>, vector<16xi32>], vector<16xf32>,
          %gather3A_986 = arith.constant 1 : i32
          %gather3A_987 = arith.constant 0 : i32
          %gather3A_988 = arith.constant 0 : i32
          %gather3A_989 = tpu.memref_slice %arg7[%gather3A_986, %gather3A_987, %gather3A_988] : memref<2x128x32xf32, #tpu.memory_space<vmem>> -> memref<1x128x32xf32, #tpu.memory_space<vmem>>
          %gather3A_990 = tpu.memref_squeeze %gather3A_989 : memref<1x128x32xf32, #tpu.memory_space<vmem>> -> memref<128x32xf32, #tpu.memory_space<vmem>>
          %gather3A_991 = tpu.vector_load_idx %gather3A_990[%add3A_21, %and3A_943] : memref<128x32xf32, #tpu.memory_space<vmem>>[vector<16xi32>, vector<16xi32>], vector<16xf32>,
          %gather3A_992 = arith.constant 1 : i32
          %gather3A_993 = arith.constant 0 : i32
          %gather3A_994 = arith.constant 0 : i32
          %gather3A_995 = tpu.memref_slice %arg7[%gather3A_992, %gather3A_993, %gather3A_994] : memref<2x128x32xf32, #tpu.memory_space<vmem>> -> memref<1x128x32xf32, #tpu.memory_space<vmem>>
          %gather3A_996 = tpu.memref_squeeze %gather3A_995 : memref<1x128x32xf32, #tpu.memory_space<vmem>> -> memref<128x32xf32, #tpu.memory_space<vmem>>
          %gather3A_997 = tpu.vector_load_idx %gather3A_996[%add3A_24, %and3A_943] : memref<128x32xf32, #tpu.memory_space<vmem>>[vector<16xi32>, vector<16xi32>], vector<16xf32>,
          %scatter3A_998 = arith.constant 1 : i32
          %scatter3A_999 = arith.constant 0 : i32
          %scatter3A_1000 = arith.constant 0 : i32
          %scatter3A_1001 = arith.constant 0 : i32
          %scatter3A_1002 = tpu.memref_slice %arg8[%scatter3A_998, %scatter3A_999, %scatter3A_1000, %scatter3A_1001] : memref<2x4x8x128xf32, #tpu.memory_space<vmem>> -> memref<1x4x8x128xf32, #tpu.memory_space<vmem>>
          %scatter3A_1003 = tpu.memref_squeeze %scatter3A_1002 : memref<1x4x8x128xf32, #tpu.memory_space<vmem>> -> memref<4x8x128xf32, #tpu.memory_space<vmem>>
          tpu.vector_store_idx %scatter3A_1003[%shift_right_logical3A_946, %and3A_949, %add3A_3], %gather3A_955 : memref<4x8x128xf32, #tpu.memory_space<vmem>>[vector<16xi32>, vector<16xi32>, vector<16xi32>], vector<16xf32>,
          %scatter3A_1004 = arith.constant 1 : i32
          %scatter3A_1005 = arith.constant 0 : i32
          %scatter3A_1006 = arith.constant 0 : i32
          %scatter3A_1007 = arith.constant 0 : i32
          %scatter3A_1008 = tpu.memref_slice %arg8[%scatter3A_1004, %scatter3A_1005, %scatter3A_1006, %scatter3A_1007] : memref<2x4x8x128xf32, #tpu.memory_space<vmem>> -> memref<1x4x8x128xf32, #tpu.memory_space<vmem>>
          %scatter3A_1009 = tpu.memref_squeeze %scatter3A_1008 : memref<1x4x8x128xf32, #tpu.memory_space<vmem>> -> memref<4x8x128xf32, #tpu.memory_space<vmem>>
          tpu.vector_store_idx %scatter3A_1009[%shift_right_logical3A_946, %and3A_949, %add3A_6], %gather3A_961 : memref<4x8x128xf32, #tpu.memory_space<vmem>>[vector<16xi32>, vector<16xi32>, vector<16xi32>], vector<16xf32>,
          %scatter3A_1010 = arith.constant 1 : i32
          %scatter3A_1011 = arith.constant 0 : i32
          %scatter3A_1012 = arith.constant 0 : i32
          %scatter3A_1013 = arith.constant 0 : i32
          %scatter3A_1014 = tpu.memref_slice %arg8[%scatter3A_1010, %scatter3A_1011, %scatter3A_1012, %scatter3A_1013] : memref<2x4x8x128xf32, #tpu.memory_space<vmem>> -> memref<1x4x8x128xf32, #tpu.memory_space<vmem>>
          %scatter3A_1015 = tpu.memref_squeeze %scatter3A_1014 : memref<1x4x8x128xf32, #tpu.memory_space<vmem>> -> memref<4x8x128xf32, #tpu.memory_space<vmem>>
          tpu.vector_store_idx %scatter3A_1015[%shift_right_logical3A_946, %and3A_949, %add3A_9], %gather3A_967 : memref<4x8x128xf32, #tpu.memory_space<vmem>>[vector<16xi32>, vector<16xi32>, vector<16xi32>], vector<16xf32>,
          %scatter3A_1016 = arith.constant 1 : i32
          %scatter3A_1017 = arith.constant 0 : i32
          %scatter3A_1018 = arith.constant 0 : i32
          %scatter3A_1019 = arith.constant 0 : i32
          %scatter3A_1020 = tpu.memref_slice %arg8[%scatter3A_1016, %scatter3A_1017, %scatter3A_1018, %scatter3A_1019] : memref<2x4x8x128xf32, #tpu.memory_space<vmem>> -> memref<1x4x8x128xf32, #tpu.memory_space<vmem>>
          %scatter3A_1021 = tpu.memref_squeeze %scatter3A_1020 : memref<1x4x8x128xf32, #tpu.memory_space<vmem>> -> memref<4x8x128xf32, #tpu.memory_space<vmem>>
          tpu.vector_store_idx %scatter3A_1021[%shift_right_logical3A_946, %and3A_949, %add3A_12], %gather3A_973 : memref<4x8x128xf32, #tpu.memory_space<vmem>>[vector<16xi32>, vector<16xi32>, vector<16xi32>], vector<16xf32>,
          %scatter3A_1022 = arith.constant 1 : i32
          %scatter3A_1023 = arith.constant 0 : i32
          %scatter3A_1024 = arith.constant 0 : i32
          %scatter3A_1025 = arith.constant 0 : i32
          %scatter3A_1026 = tpu.memref_slice %arg8[%scatter3A_1022, %scatter3A_1023, %scatter3A_1024, %scatter3A_1025] : memref<2x4x8x128xf32, #tpu.memory_space<vmem>> -> memref<1x4x8x128xf32, #tpu.memory_space<vmem>>
          %scatter3A_1027 = tpu.memref_squeeze %scatter3A_1026 : memref<1x4x8x128xf32, #tpu.memory_space<vmem>> -> memref<4x8x128xf32, #tpu.memory_space<vmem>>
          tpu.vector_store_idx %scatter3A_1027[%shift_right_logical3A_946, %and3A_949, %add3A_15], %gather3A_979 : memref<4x8x128xf32, #tpu.memory_space<vmem>>[vector<16xi32>, vector<16xi32>, vector<16xi32>], vector<16xf32>,
          %scatter3A_1028 = arith.constant 1 : i32
          %scatter3A_1029 = arith.constant 0 : i32
          %scatter3A_1030 = arith.constant 0 : i32
          %scatter3A_1031 = arith.constant 0 : i32
          %scatter3A_1032 = tpu.memref_slice %arg8[%scatter3A_1028, %scatter3A_1029, %scatter3A_1030, %scatter3A_1031] : memref<2x4x8x128xf32, #tpu.memory_space<vmem>> -> memref<1x4x8x128xf32, #tpu.memory_space<vmem>>
          %scatter3A_1033 = tpu.memref_squeeze %scatter3A_1032 : memref<1x4x8x128xf32, #tpu.memory_space<vmem>> -> memref<4x8x128xf32, #tpu.memory_space<vmem>>
          tpu.vector_store_idx %scatter3A_1033[%shift_right_logical3A_946, %and3A_949, %add3A_18], %gather3A_985 : memref<4x8x128xf32, #tpu.memory_space<vmem>>[vector<16xi32>, vector<16xi32>, vector<16xi32>], vector<16xf32>,
          %scatter3A_1034 = arith.constant 1 : i32
          %scatter3A_1035 = arith.constant 0 : i32
          %scatter3A_1036 = arith.constant 0 : i32
          %scatter3A_1037 = arith.constant 0 : i32
          %scatter3A_1038 = tpu.memref_slice %arg8[%scatter3A_1034, %scatter3A_1035, %scatter3A_1036, %scatter3A_1037] : memref<2x4x8x128xf32, #tpu.memory_space<vmem>> -> memref<1x4x8x128xf32, #tpu.memory_space<vmem>>
          %scatter3A_1039 = tpu.memref_squeeze %scatter3A_1038 : memref<1x4x8x128xf32, #tpu.memory_space<vmem>> -> memref<4x8x128xf32, #tpu.memory_space<vmem>>
          tpu.vector_store_idx %scatter3A_1039[%shift_right_logical3A_946, %and3A_949, %add3A_21], %gather3A_991 : memref<4x8x128xf32, #tpu.memory_space<vmem>>[vector<16xi32>, vector<16xi32>, vector<16xi32>], vector<16xf32>,
          %scatter3A_1040 = arith.constant 1 : i32
          %scatter3A_1041 = arith.constant 0 : i32
          %scatter3A_1042 = arith.constant 0 : i32
          %scatter3A_1043 = arith.constant 0 : i32
          %scatter3A_1044 = tpu.memref_slice %arg8[%scatter3A_1040, %scatter3A_1041, %scatter3A_1042, %scatter3A_1043] : memref<2x4x8x128xf32, #tpu.memory_space<vmem>> -> memref<1x4x8x128xf32, #tpu.memory_space<vmem>>
          %scatter3A_1045 = tpu.memref_squeeze %scatter3A_1044 : memref<1x4x8x128xf32, #tpu.memory_space<vmem>> -> memref<4x8x128xf32, #tpu.memory_space<vmem>>
          tpu.vector_store_idx %scatter3A_1045[%shift_right_logical3A_946, %and3A_949, %add3A_24], %gather3A_997 : memref<4x8x128xf32, #tpu.memory_space<vmem>>[vector<16xi32>, vector<16xi32>, vector<16xi32>], vector<16xf32>,
          %mul3A_1046 = arith.constant 4 : i32
          %mul3A_1047 = arith.muli %mul3A_1046, %scan3A_827 : i32
          %add3A_1048 = arith.constant 2 : i32
          %add3A_1049 = arith.addi %mul3A_1047, %add3A_1048 : i32
          %add3A_1050 = vector.broadcast %add3A_1049 : i32 to vector<16xi32>
          %add3A_1051 = arith.addi %iota3A, %add3A_1050 : vector<16xi32>
          %and3A_1052 = arith.constant 31 : i32
          %and3A_1053 = vector.broadcast %and3A_1052 : i32 to vector<16xi32>
          %and3A_1054 = arith.andi %add3A_1051, %and3A_1053 : vector<16xi32>
          %shift_right_logical3A_1055 = arith.constant 3 : i32
          %shift_right_logical3A_1056 = vector.broadcast %shift_right_logical3A_1055 : i32 to vector<16xi32>
          %shift_right_logical3A_1057 = arith.shrui %and3A_1054, %shift_right_logical3A_1056 : vector<16xi32>
          %and3A_1058 = arith.constant 7 : i32
          %and3A_1059 = vector.broadcast %and3A_1058 : i32 to vector<16xi32>
          %and3A_1060 = arith.andi %and3A_1054, %and3A_1059 : vector<16xi32>
          %gather3A_1061 = arith.constant 1 : i32
          %gather3A_1062 = arith.constant 0 : i32
          %gather3A_1063 = arith.constant 0 : i32
          %gather3A_1064 = tpu.memref_slice %arg7[%gather3A_1061, %gather3A_1062, %gather3A_1063] : memref<2x128x32xf32, #tpu.memory_space<vmem>> -> memref<1x128x32xf32, #tpu.memory_space<vmem>>
          %gather3A_1065 = tpu.memref_squeeze %gather3A_1064 : memref<1x128x32xf32, #tpu.memory_space<vmem>> -> memref<128x32xf32, #tpu.memory_space<vmem>>
          %gather3A_1066 = tpu.vector_load_idx %gather3A_1065[%add3A_3, %and3A_1054] : memref<128x32xf32, #tpu.memory_space<vmem>>[vector<16xi32>, vector<16xi32>], vector<16xf32>,
          %gather3A_1067 = arith.constant 1 : i32
          %gather3A_1068 = arith.constant 0 : i32
          %gather3A_1069 = arith.constant 0 : i32
          %gather3A_1070 = tpu.memref_slice %arg7[%gather3A_1067, %gather3A_1068, %gather3A_1069] : memref<2x128x32xf32, #tpu.memory_space<vmem>> -> memref<1x128x32xf32, #tpu.memory_space<vmem>>
          %gather3A_1071 = tpu.memref_squeeze %gather3A_1070 : memref<1x128x32xf32, #tpu.memory_space<vmem>> -> memref<128x32xf32, #tpu.memory_space<vmem>>
          %gather3A_1072 = tpu.vector_load_idx %gather3A_1071[%add3A_6, %and3A_1054] : memref<128x32xf32, #tpu.memory_space<vmem>>[vector<16xi32>, vector<16xi32>], vector<16xf32>,
          %gather3A_1073 = arith.constant 1 : i32
          %gather3A_1074 = arith.constant 0 : i32
          %gather3A_1075 = arith.constant 0 : i32
          %gather3A_1076 = tpu.memref_slice %arg7[%gather3A_1073, %gather3A_1074, %gather3A_1075] : memref<2x128x32xf32, #tpu.memory_space<vmem>> -> memref<1x128x32xf32, #tpu.memory_space<vmem>>
          %gather3A_1077 = tpu.memref_squeeze %gather3A_1076 : memref<1x128x32xf32, #tpu.memory_space<vmem>> -> memref<128x32xf32, #tpu.memory_space<vmem>>
          %gather3A_1078 = tpu.vector_load_idx %gather3A_1077[%add3A_9, %and3A_1054] : memref<128x32xf32, #tpu.memory_space<vmem>>[vector<16xi32>, vector<16xi32>], vector<16xf32>,
          %gather3A_1079 = arith.constant 1 : i32
          %gather3A_1080 = arith.constant 0 : i32
          %gather3A_1081 = arith.constant 0 : i32
          %gather3A_1082 = tpu.memref_slice %arg7[%gather3A_1079, %gather3A_1080, %gather3A_1081] : memref<2x128x32xf32, #tpu.memory_space<vmem>> -> memref<1x128x32xf32, #tpu.memory_space<vmem>>
          %gather3A_1083 = tpu.memref_squeeze %gather3A_1082 : memref<1x128x32xf32, #tpu.memory_space<vmem>> -> memref<128x32xf32, #tpu.memory_space<vmem>>
          %gather3A_1084 = tpu.vector_load_idx %gather3A_1083[%add3A_12, %and3A_1054] : memref<128x32xf32, #tpu.memory_space<vmem>>[vector<16xi32>, vector<16xi32>], vector<16xf32>,
          %gather3A_1085 = arith.constant 1 : i32
          %gather3A_1086 = arith.constant 0 : i32
          %gather3A_1087 = arith.constant 0 : i32
          %gather3A_1088 = tpu.memref_slice %arg7[%gather3A_1085, %gather3A_1086, %gather3A_1087] : memref<2x128x32xf32, #tpu.memory_space<vmem>> -> memref<1x128x32xf32, #tpu.memory_space<vmem>>
          %gather3A_1089 = tpu.memref_squeeze %gather3A_1088 : memref<1x128x32xf32, #tpu.memory_space<vmem>> -> memref<128x32xf32, #tpu.memory_space<vmem>>
          %gather3A_1090 = tpu.vector_load_idx %gather3A_1089[%add3A_15, %and3A_1054] : memref<128x32xf32, #tpu.memory_space<vmem>>[vector<16xi32>, vector<16xi32>], vector<16xf32>,
          %gather3A_1091 = arith.constant 1 : i32
          %gather3A_1092 = arith.constant 0 : i32
          %gather3A_1093 = arith.constant 0 : i32
          %gather3A_1094 = tpu.memref_slice %arg7[%gather3A_1091, %gather3A_1092, %gather3A_1093] : memref<2x128x32xf32, #tpu.memory_space<vmem>> -> memref<1x128x32xf32, #tpu.memory_space<vmem>>
          %gather3A_1095 = tpu.memref_squeeze %gather3A_1094 : memref<1x128x32xf32, #tpu.memory_space<vmem>> -> memref<128x32xf32, #tpu.memory_space<vmem>>
          %gather3A_1096 = tpu.vector_load_idx %gather3A_1095[%add3A_18, %and3A_1054] : memref<128x32xf32, #tpu.memory_space<vmem>>[vector<16xi32>, vector<16xi32>], vector<16xf32>,
          %gather3A_1097 = arith.constant 1 : i32
          %gather3A_1098 = arith.constant 0 : i32
          %gather3A_1099 = arith.constant 0 : i32
          %gather3A_1100 = tpu.memref_slice %arg7[%gather3A_1097, %gather3A_1098, %gather3A_1099] : memref<2x128x32xf32, #tpu.memory_space<vmem>> -> memref<1x128x32xf32, #tpu.memory_space<vmem>>
          %gather3A_1101 = tpu.memref_squeeze %gather3A_1100 : memref<1x128x32xf32, #tpu.memory_space<vmem>> -> memref<128x32xf32, #tpu.memory_space<vmem>>
          %gather3A_1102 = tpu.vector_load_idx %gather3A_1101[%add3A_21, %and3A_1054] : memref<128x32xf32, #tpu.memory_space<vmem>>[vector<16xi32>, vector<16xi32>], vector<16xf32>,
          %gather3A_1103 = arith.constant 1 : i32
          %gather3A_1104 = arith.constant 0 : i32
          %gather3A_1105 = arith.constant 0 : i32
          %gather3A_1106 = tpu.memref_slice %arg7[%gather3A_1103, %gather3A_1104, %gather3A_1105] : memref<2x128x32xf32, #tpu.memory_space<vmem>> -> memref<1x128x32xf32, #tpu.memory_space<vmem>>
          %gather3A_1107 = tpu.memref_squeeze %gather3A_1106 : memref<1x128x32xf32, #tpu.memory_space<vmem>> -> memref<128x32xf32, #tpu.memory_space<vmem>>
          %gather3A_1108 = tpu.vector_load_idx %gather3A_1107[%add3A_24, %and3A_1054] : memref<128x32xf32, #tpu.memory_space<vmem>>[vector<16xi32>, vector<16xi32>], vector<16xf32>,
          %scatter3A_1109 = arith.constant 1 : i32
          %scatter3A_1110 = arith.constant 0 : i32
          %scatter3A_1111 = arith.constant 0 : i32
          %scatter3A_1112 = arith.constant 0 : i32
          %scatter3A_1113 = tpu.memref_slice %arg8[%scatter3A_1109, %scatter3A_1110, %scatter3A_1111, %scatter3A_1112] : memref<2x4x8x128xf32, #tpu.memory_space<vmem>> -> memref<1x4x8x128xf32, #tpu.memory_space<vmem>>
          %scatter3A_1114 = tpu.memref_squeeze %scatter3A_1113 : memref<1x4x8x128xf32, #tpu.memory_space<vmem>> -> memref<4x8x128xf32, #tpu.memory_space<vmem>>
          tpu.vector_store_idx %scatter3A_1114[%shift_right_logical3A_1057, %and3A_1060, %add3A_3], %gather3A_1066 : memref<4x8x128xf32, #tpu.memory_space<vmem>>[vector<16xi32>, vector<16xi32>, vector<16xi32>], vector<16xf32>,
          %scatter3A_1115 = arith.constant 1 : i32
          %scatter3A_1116 = arith.constant 0 : i32
          %scatter3A_1117 = arith.constant 0 : i32
          %scatter3A_1118 = arith.constant 0 : i32
          %scatter3A_1119 = tpu.memref_slice %arg8[%scatter3A_1115, %scatter3A_1116, %scatter3A_1117, %scatter3A_1118] : memref<2x4x8x128xf32, #tpu.memory_space<vmem>> -> memref<1x4x8x128xf32, #tpu.memory_space<vmem>>
          %scatter3A_1120 = tpu.memref_squeeze %scatter3A_1119 : memref<1x4x8x128xf32, #tpu.memory_space<vmem>> -> memref<4x8x128xf32, #tpu.memory_space<vmem>>
          tpu.vector_store_idx %scatter3A_1120[%shift_right_logical3A_1057, %and3A_1060, %add3A_6], %gather3A_1072 : memref<4x8x128xf32, #tpu.memory_space<vmem>>[vector<16xi32>, vector<16xi32>, vector<16xi32>], vector<16xf32>,
          %scatter3A_1121 = arith.constant 1 : i32
          %scatter3A_1122 = arith.constant 0 : i32
          %scatter3A_1123 = arith.constant 0 : i32
          %scatter3A_1124 = arith.constant 0 : i32
          %scatter3A_1125 = tpu.memref_slice %arg8[%scatter3A_1121, %scatter3A_1122, %scatter3A_1123, %scatter3A_1124] : memref<2x4x8x128xf32, #tpu.memory_space<vmem>> -> memref<1x4x8x128xf32, #tpu.memory_space<vmem>>
          %scatter3A_1126 = tpu.memref_squeeze %scatter3A_1125 : memref<1x4x8x128xf32, #tpu.memory_space<vmem>> -> memref<4x8x128xf32, #tpu.memory_space<vmem>>
          tpu.vector_store_idx %scatter3A_1126[%shift_right_logical3A_1057, %and3A_1060, %add3A_9], %gather3A_1078 : memref<4x8x128xf32, #tpu.memory_space<vmem>>[vector<16xi32>, vector<16xi32>, vector<16xi32>], vector<16xf32>,
          %scatter3A_1127 = arith.constant 1 : i32
          %scatter3A_1128 = arith.constant 0 : i32
          %scatter3A_1129 = arith.constant 0 : i32
          %scatter3A_1130 = arith.constant 0 : i32
          %scatter3A_1131 = tpu.memref_slice %arg8[%scatter3A_1127, %scatter3A_1128, %scatter3A_1129, %scatter3A_1130] : memref<2x4x8x128xf32, #tpu.memory_space<vmem>> -> memref<1x4x8x128xf32, #tpu.memory_space<vmem>>
          %scatter3A_1132 = tpu.memref_squeeze %scatter3A_1131 : memref<1x4x8x128xf32, #tpu.memory_space<vmem>> -> memref<4x8x128xf32, #tpu.memory_space<vmem>>
          tpu.vector_store_idx %scatter3A_1132[%shift_right_logical3A_1057, %and3A_1060, %add3A_12], %gather3A_1084 : memref<4x8x128xf32, #tpu.memory_space<vmem>>[vector<16xi32>, vector<16xi32>, vector<16xi32>], vector<16xf32>,
          %scatter3A_1133 = arith.constant 1 : i32
          %scatter3A_1134 = arith.constant 0 : i32
          %scatter3A_1135 = arith.constant 0 : i32
          %scatter3A_1136 = arith.constant 0 : i32
          %scatter3A_1137 = tpu.memref_slice %arg8[%scatter3A_1133, %scatter3A_1134, %scatter3A_1135, %scatter3A_1136] : memref<2x4x8x128xf32, #tpu.memory_space<vmem>> -> memref<1x4x8x128xf32, #tpu.memory_space<vmem>>
          %scatter3A_1138 = tpu.memref_squeeze %scatter3A_1137 : memref<1x4x8x128xf32, #tpu.memory_space<vmem>> -> memref<4x8x128xf32, #tpu.memory_space<vmem>>
          tpu.vector_store_idx %scatter3A_1138[%shift_right_logical3A_1057, %and3A_1060, %add3A_15], %gather3A_1090 : memref<4x8x128xf32, #tpu.memory_space<vmem>>[vector<16xi32>, vector<16xi32>, vector<16xi32>], vector<16xf32>,
          %scatter3A_1139 = arith.constant 1 : i32
          %scatter3A_1140 = arith.constant 0 : i32
          %scatter3A_1141 = arith.constant 0 : i32
          %scatter3A_1142 = arith.constant 0 : i32
          %scatter3A_1143 = tpu.memref_slice %arg8[%scatter3A_1139, %scatter3A_1140, %scatter3A_1141, %scatter3A_1142] : memref<2x4x8x128xf32, #tpu.memory_space<vmem>> -> memref<1x4x8x128xf32, #tpu.memory_space<vmem>>
          %scatter3A_1144 = tpu.memref_squeeze %scatter3A_1143 : memref<1x4x8x128xf32, #tpu.memory_space<vmem>> -> memref<4x8x128xf32, #tpu.memory_space<vmem>>
          tpu.vector_store_idx %scatter3A_1144[%shift_right_logical3A_1057, %and3A_1060, %add3A_18], %gather3A_1096 : memref<4x8x128xf32, #tpu.memory_space<vmem>>[vector<16xi32>, vector<16xi32>, vector<16xi32>], vector<16xf32>,
          %scatter3A_1145 = arith.constant 1 : i32
          %scatter3A_1146 = arith.constant 0 : i32
          %scatter3A_1147 = arith.constant 0 : i32
          %scatter3A_1148 = arith.constant 0 : i32
          %scatter3A_1149 = tpu.memref_slice %arg8[%scatter3A_1145, %scatter3A_1146, %scatter3A_1147, %scatter3A_1148] : memref<2x4x8x128xf32, #tpu.memory_space<vmem>> -> memref<1x4x8x128xf32, #tpu.memory_space<vmem>>
          %scatter3A_1150 = tpu.memref_squeeze %scatter3A_1149 : memref<1x4x8x128xf32, #tpu.memory_space<vmem>> -> memref<4x8x128xf32, #tpu.memory_space<vmem>>
          tpu.vector_store_idx %scatter3A_1150[%shift_right_logical3A_1057, %and3A_1060, %add3A_21], %gather3A_1102 : memref<4x8x128xf32, #tpu.memory_space<vmem>>[vector<16xi32>, vector<16xi32>, vector<16xi32>], vector<16xf32>,
          %scatter3A_1151 = arith.constant 1 : i32
          %scatter3A_1152 = arith.constant 0 : i32
          %scatter3A_1153 = arith.constant 0 : i32
          %scatter3A_1154 = arith.constant 0 : i32
          %scatter3A_1155 = tpu.memref_slice %arg8[%scatter3A_1151, %scatter3A_1152, %scatter3A_1153, %scatter3A_1154] : memref<2x4x8x128xf32, #tpu.memory_space<vmem>> -> memref<1x4x8x128xf32, #tpu.memory_space<vmem>>
          %scatter3A_1156 = tpu.memref_squeeze %scatter3A_1155 : memref<1x4x8x128xf32, #tpu.memory_space<vmem>> -> memref<4x8x128xf32, #tpu.memory_space<vmem>>
          tpu.vector_store_idx %scatter3A_1156[%shift_right_logical3A_1057, %and3A_1060, %add3A_24], %gather3A_1108 : memref<4x8x128xf32, #tpu.memory_space<vmem>>[vector<16xi32>, vector<16xi32>, vector<16xi32>], vector<16xf32>,
          %mul3A_1157 = arith.constant 4 : i32
          %mul3A_1158 = arith.muli %mul3A_1157, %scan3A_827 : i32
          %add3A_1159 = arith.constant 3 : i32
          %add3A_1160 = arith.addi %mul3A_1158, %add3A_1159 : i32
          %add3A_1161 = vector.broadcast %add3A_1160 : i32 to vector<16xi32>
          %add3A_1162 = arith.addi %iota3A, %add3A_1161 : vector<16xi32>
          %and3A_1163 = arith.constant 31 : i32
          %and3A_1164 = vector.broadcast %and3A_1163 : i32 to vector<16xi32>
          %and3A_1165 = arith.andi %add3A_1162, %and3A_1164 : vector<16xi32>
          %shift_right_logical3A_1166 = arith.constant 3 : i32
          %shift_right_logical3A_1167 = vector.broadcast %shift_right_logical3A_1166 : i32 to vector<16xi32>
          %shift_right_logical3A_1168 = arith.shrui %and3A_1165, %shift_right_logical3A_1167 : vector<16xi32>
          %and3A_1169 = arith.constant 7 : i32
          %and3A_1170 = vector.broadcast %and3A_1169 : i32 to vector<16xi32>
          %and3A_1171 = arith.andi %and3A_1165, %and3A_1170 : vector<16xi32>
          %gather3A_1172 = arith.constant 1 : i32
          %gather3A_1173 = arith.constant 0 : i32
          %gather3A_1174 = arith.constant 0 : i32
          %gather3A_1175 = tpu.memref_slice %arg7[%gather3A_1172, %gather3A_1173, %gather3A_1174] : memref<2x128x32xf32, #tpu.memory_space<vmem>> -> memref<1x128x32xf32, #tpu.memory_space<vmem>>
          %gather3A_1176 = tpu.memref_squeeze %gather3A_1175 : memref<1x128x32xf32, #tpu.memory_space<vmem>> -> memref<128x32xf32, #tpu.memory_space<vmem>>
          %gather3A_1177 = tpu.vector_load_idx %gather3A_1176[%add3A_3, %and3A_1165] : memref<128x32xf32, #tpu.memory_space<vmem>>[vector<16xi32>, vector<16xi32>], vector<16xf32>,
          %gather3A_1178 = arith.constant 1 : i32
          %gather3A_1179 = arith.constant 0 : i32
          %gather3A_1180 = arith.constant 0 : i32
          %gather3A_1181 = tpu.memref_slice %arg7[%gather3A_1178, %gather3A_1179, %gather3A_1180] : memref<2x128x32xf32, #tpu.memory_space<vmem>> -> memref<1x128x32xf32, #tpu.memory_space<vmem>>
          %gather3A_1182 = tpu.memref_squeeze %gather3A_1181 : memref<1x128x32xf32, #tpu.memory_space<vmem>> -> memref<128x32xf32, #tpu.memory_space<vmem>>
          %gather3A_1183 = tpu.vector_load_idx %gather3A_1182[%add3A_6, %and3A_1165] : memref<128x32xf32, #tpu.memory_space<vmem>>[vector<16xi32>, vector<16xi32>], vector<16xf32>,
          %gather3A_1184 = arith.constant 1 : i32
          %gather3A_1185 = arith.constant 0 : i32
          %gather3A_1186 = arith.constant 0 : i32
          %gather3A_1187 = tpu.memref_slice %arg7[%gather3A_1184, %gather3A_1185, %gather3A_1186] : memref<2x128x32xf32, #tpu.memory_space<vmem>> -> memref<1x128x32xf32, #tpu.memory_space<vmem>>
          %gather3A_1188 = tpu.memref_squeeze %gather3A_1187 : memref<1x128x32xf32, #tpu.memory_space<vmem>> -> memref<128x32xf32, #tpu.memory_space<vmem>>
          %gather3A_1189 = tpu.vector_load_idx %gather3A_1188[%add3A_9, %and3A_1165] : memref<128x32xf32, #tpu.memory_space<vmem>>[vector<16xi32>, vector<16xi32>], vector<16xf32>,
          %gather3A_1190 = arith.constant 1 : i32
          %gather3A_1191 = arith.constant 0 : i32
          %gather3A_1192 = arith.constant 0 : i32
          %gather3A_1193 = tpu.memref_slice %arg7[%gather3A_1190, %gather3A_1191, %gather3A_1192] : memref<2x128x32xf32, #tpu.memory_space<vmem>> -> memref<1x128x32xf32, #tpu.memory_space<vmem>>
          %gather3A_1194 = tpu.memref_squeeze %gather3A_1193 : memref<1x128x32xf32, #tpu.memory_space<vmem>> -> memref<128x32xf32, #tpu.memory_space<vmem>>
          %gather3A_1195 = tpu.vector_load_idx %gather3A_1194[%add3A_12, %and3A_1165] : memref<128x32xf32, #tpu.memory_space<vmem>>[vector<16xi32>, vector<16xi32>], vector<16xf32>,
          %gather3A_1196 = arith.constant 1 : i32
          %gather3A_1197 = arith.constant 0 : i32
          %gather3A_1198 = arith.constant 0 : i32
          %gather3A_1199 = tpu.memref_slice %arg7[%gather3A_1196, %gather3A_1197, %gather3A_1198] : memref<2x128x32xf32, #tpu.memory_space<vmem>> -> memref<1x128x32xf32, #tpu.memory_space<vmem>>
          %gather3A_1200 = tpu.memref_squeeze %gather3A_1199 : memref<1x128x32xf32, #tpu.memory_space<vmem>> -> memref<128x32xf32, #tpu.memory_space<vmem>>
          %gather3A_1201 = tpu.vector_load_idx %gather3A_1200[%add3A_15, %and3A_1165] : memref<128x32xf32, #tpu.memory_space<vmem>>[vector<16xi32>, vector<16xi32>], vector<16xf32>,
          %gather3A_1202 = arith.constant 1 : i32
          %gather3A_1203 = arith.constant 0 : i32
          %gather3A_1204 = arith.constant 0 : i32
          %gather3A_1205 = tpu.memref_slice %arg7[%gather3A_1202, %gather3A_1203, %gather3A_1204] : memref<2x128x32xf32, #tpu.memory_space<vmem>> -> memref<1x128x32xf32, #tpu.memory_space<vmem>>
          %gather3A_1206 = tpu.memref_squeeze %gather3A_1205 : memref<1x128x32xf32, #tpu.memory_space<vmem>> -> memref<128x32xf32, #tpu.memory_space<vmem>>
          %gather3A_1207 = tpu.vector_load_idx %gather3A_1206[%add3A_18, %and3A_1165] : memref<128x32xf32, #tpu.memory_space<vmem>>[vector<16xi32>, vector<16xi32>], vector<16xf32>,
          %gather3A_1208 = arith.constant 1 : i32
          %gather3A_1209 = arith.constant 0 : i32
          %gather3A_1210 = arith.constant 0 : i32
          %gather3A_1211 = tpu.memref_slice %arg7[%gather3A_1208, %gather3A_1209, %gather3A_1210] : memref<2x128x32xf32, #tpu.memory_space<vmem>> -> memref<1x128x32xf32, #tpu.memory_space<vmem>>
          %gather3A_1212 = tpu.memref_squeeze %gather3A_1211 : memref<1x128x32xf32, #tpu.memory_space<vmem>> -> memref<128x32xf32, #tpu.memory_space<vmem>>
          %gather3A_1213 = tpu.vector_load_idx %gather3A_1212[%add3A_21, %and3A_1165] : memref<128x32xf32, #tpu.memory_space<vmem>>[vector<16xi32>, vector<16xi32>], vector<16xf32>,
          %gather3A_1214 = arith.constant 1 : i32
          %gather3A_1215 = arith.constant 0 : i32
          %gather3A_1216 = arith.constant 0 : i32
          %gather3A_1217 = tpu.memref_slice %arg7[%gather3A_1214, %gather3A_1215, %gather3A_1216] : memref<2x128x32xf32, #tpu.memory_space<vmem>> -> memref<1x128x32xf32, #tpu.memory_space<vmem>>
          %gather3A_1218 = tpu.memref_squeeze %gather3A_1217 : memref<1x128x32xf32, #tpu.memory_space<vmem>> -> memref<128x32xf32, #tpu.memory_space<vmem>>
          %gather3A_1219 = tpu.vector_load_idx %gather3A_1218[%add3A_24, %and3A_1165] : memref<128x32xf32, #tpu.memory_space<vmem>>[vector<16xi32>, vector<16xi32>], vector<16xf32>,
          %scatter3A_1220 = arith.constant 1 : i32
          %scatter3A_1221 = arith.constant 0 : i32
          %scatter3A_1222 = arith.constant 0 : i32
          %scatter3A_1223 = arith.constant 0 : i32
          %scatter3A_1224 = tpu.memref_slice %arg8[%scatter3A_1220, %scatter3A_1221, %scatter3A_1222, %scatter3A_1223] : memref<2x4x8x128xf32, #tpu.memory_space<vmem>> -> memref<1x4x8x128xf32, #tpu.memory_space<vmem>>
          %scatter3A_1225 = tpu.memref_squeeze %scatter3A_1224 : memref<1x4x8x128xf32, #tpu.memory_space<vmem>> -> memref<4x8x128xf32, #tpu.memory_space<vmem>>
          tpu.vector_store_idx %scatter3A_1225[%shift_right_logical3A_1168, %and3A_1171, %add3A_3], %gather3A_1177 : memref<4x8x128xf32, #tpu.memory_space<vmem>>[vector<16xi32>, vector<16xi32>, vector<16xi32>], vector<16xf32>,
          %scatter3A_1226 = arith.constant 1 : i32
          %scatter3A_1227 = arith.constant 0 : i32
          %scatter3A_1228 = arith.constant 0 : i32
          %scatter3A_1229 = arith.constant 0 : i32
          %scatter3A_1230 = tpu.memref_slice %arg8[%scatter3A_1226, %scatter3A_1227, %scatter3A_1228, %scatter3A_1229] : memref<2x4x8x128xf32, #tpu.memory_space<vmem>> -> memref<1x4x8x128xf32, #tpu.memory_space<vmem>>
          %scatter3A_1231 = tpu.memref_squeeze %scatter3A_1230 : memref<1x4x8x128xf32, #tpu.memory_space<vmem>> -> memref<4x8x128xf32, #tpu.memory_space<vmem>>
          tpu.vector_store_idx %scatter3A_1231[%shift_right_logical3A_1168, %and3A_1171, %add3A_6], %gather3A_1183 : memref<4x8x128xf32, #tpu.memory_space<vmem>>[vector<16xi32>, vector<16xi32>, vector<16xi32>], vector<16xf32>,
          %scatter3A_1232 = arith.constant 1 : i32
          %scatter3A_1233 = arith.constant 0 : i32
          %scatter3A_1234 = arith.constant 0 : i32
          %scatter3A_1235 = arith.constant 0 : i32
          %scatter3A_1236 = tpu.memref_slice %arg8[%scatter3A_1232, %scatter3A_1233, %scatter3A_1234, %scatter3A_1235] : memref<2x4x8x128xf32, #tpu.memory_space<vmem>> -> memref<1x4x8x128xf32, #tpu.memory_space<vmem>>
          %scatter3A_1237 = tpu.memref_squeeze %scatter3A_1236 : memref<1x4x8x128xf32, #tpu.memory_space<vmem>> -> memref<4x8x128xf32, #tpu.memory_space<vmem>>
          tpu.vector_store_idx %scatter3A_1237[%shift_right_logical3A_1168, %and3A_1171, %add3A_9], %gather3A_1189 : memref<4x8x128xf32, #tpu.memory_space<vmem>>[vector<16xi32>, vector<16xi32>, vector<16xi32>], vector<16xf32>,
          %scatter3A_1238 = arith.constant 1 : i32
          %scatter3A_1239 = arith.constant 0 : i32
          %scatter3A_1240 = arith.constant 0 : i32
          %scatter3A_1241 = arith.constant 0 : i32
          %scatter3A_1242 = tpu.memref_slice %arg8[%scatter3A_1238, %scatter3A_1239, %scatter3A_1240, %scatter3A_1241] : memref<2x4x8x128xf32, #tpu.memory_space<vmem>> -> memref<1x4x8x128xf32, #tpu.memory_space<vmem>>
          %scatter3A_1243 = tpu.memref_squeeze %scatter3A_1242 : memref<1x4x8x128xf32, #tpu.memory_space<vmem>> -> memref<4x8x128xf32, #tpu.memory_space<vmem>>
          tpu.vector_store_idx %scatter3A_1243[%shift_right_logical3A_1168, %and3A_1171, %add3A_12], %gather3A_1195 : memref<4x8x128xf32, #tpu.memory_space<vmem>>[vector<16xi32>, vector<16xi32>, vector<16xi32>], vector<16xf32>,
          %scatter3A_1244 = arith.constant 1 : i32
          %scatter3A_1245 = arith.constant 0 : i32
          %scatter3A_1246 = arith.constant 0 : i32
          %scatter3A_1247 = arith.constant 0 : i32
          %scatter3A_1248 = tpu.memref_slice %arg8[%scatter3A_1244, %scatter3A_1245, %scatter3A_1246, %scatter3A_1247] : memref<2x4x8x128xf32, #tpu.memory_space<vmem>> -> memref<1x4x8x128xf32, #tpu.memory_space<vmem>>
          %scatter3A_1249 = tpu.memref_squeeze %scatter3A_1248 : memref<1x4x8x128xf32, #tpu.memory_space<vmem>> -> memref<4x8x128xf32, #tpu.memory_space<vmem>>
          tpu.vector_store_idx %scatter3A_1249[%shift_right_logical3A_1168, %and3A_1171, %add3A_15], %gather3A_1201 : memref<4x8x128xf32, #tpu.memory_space<vmem>>[vector<16xi32>, vector<16xi32>, vector<16xi32>], vector<16xf32>,
          %scatter3A_1250 = arith.constant 1 : i32
          %scatter3A_1251 = arith.constant 0 : i32
          %scatter3A_1252 = arith.constant 0 : i32
          %scatter3A_1253 = arith.constant 0 : i32
          %scatter3A_1254 = tpu.memref_slice %arg8[%scatter3A_1250, %scatter3A_1251, %scatter3A_1252, %scatter3A_1253] : memref<2x4x8x128xf32, #tpu.memory_space<vmem>> -> memref<1x4x8x128xf32, #tpu.memory_space<vmem>>
          %scatter3A_1255 = tpu.memref_squeeze %scatter3A_1254 : memref<1x4x8x128xf32, #tpu.memory_space<vmem>> -> memref<4x8x128xf32, #tpu.memory_space<vmem>>
          tpu.vector_store_idx %scatter3A_1255[%shift_right_logical3A_1168, %and3A_1171, %add3A_18], %gather3A_1207 : memref<4x8x128xf32, #tpu.memory_space<vmem>>[vector<16xi32>, vector<16xi32>, vector<16xi32>], vector<16xf32>,
          %scatter3A_1256 = arith.constant 1 : i32
          %scatter3A_1257 = arith.constant 0 : i32
          %scatter3A_1258 = arith.constant 0 : i32
          %scatter3A_1259 = arith.constant 0 : i32
          %scatter3A_1260 = tpu.memref_slice %arg8[%scatter3A_1256, %scatter3A_1257, %scatter3A_1258, %scatter3A_1259] : memref<2x4x8x128xf32, #tpu.memory_space<vmem>> -> memref<1x4x8x128xf32, #tpu.memory_space<vmem>>
          %scatter3A_1261 = tpu.memref_squeeze %scatter3A_1260 : memref<1x4x8x128xf32, #tpu.memory_space<vmem>> -> memref<4x8x128xf32, #tpu.memory_space<vmem>>
          tpu.vector_store_idx %scatter3A_1261[%shift_right_logical3A_1168, %and3A_1171, %add3A_21], %gather3A_1213 : memref<4x8x128xf32, #tpu.memory_space<vmem>>[vector<16xi32>, vector<16xi32>, vector<16xi32>], vector<16xf32>,
          %scatter3A_1262 = arith.constant 1 : i32
          %scatter3A_1263 = arith.constant 0 : i32
          %scatter3A_1264 = arith.constant 0 : i32
          %scatter3A_1265 = arith.constant 0 : i32
          %scatter3A_1266 = tpu.memref_slice %arg8[%scatter3A_1262, %scatter3A_1263, %scatter3A_1264, %scatter3A_1265] : memref<2x4x8x128xf32, #tpu.memory_space<vmem>> -> memref<1x4x8x128xf32, #tpu.memory_space<vmem>>
          %scatter3A_1267 = tpu.memref_squeeze %scatter3A_1266 : memref<1x4x8x128xf32, #tpu.memory_space<vmem>> -> memref<4x8x128xf32, #tpu.memory_space<vmem>>
          tpu.vector_store_idx %scatter3A_1267[%shift_right_logical3A_1168, %and3A_1171, %add3A_24], %gather3A_1219 : memref<4x8x128xf32, #tpu.memory_space<vmem>>[vector<16xi32>, vector<16xi32>, vector<16xi32>], vector<16xf32>,
        }
        %scan3A_549 = arith.constant 8 : i32
        %sub3A_550 = arith.constant 1 : i32
        %sub3A_551 = arith.subi %mul3A_439, %sub3A_550 : i32
        %add3A_552 = arith.constant 0 : i32
        %add3A_553 = arith.addi %add3A_552, %add3A_32 : i32
        %dma_start3A_554 = arith.constant 1 : i32
        %dma_start3A_555 = arith.constant 0 : i32
        %dma_start3A_556 = arith.constant 0 : i32
        %dma_start3A_557 = arith.constant 0 : i32
        %dma_start3A_558 = tpu.memref_slice %arg8[%dma_start3A_554, %dma_start3A_555, %dma_start3A_556, %dma_start3A_557] : memref<2x4x8x128xf32, #tpu.memory_space<vmem>> -> memref<1x1x8x128xf32, #tpu.memory_space<vmem>>
        %dma_start3A_559 = tpu.memref_squeeze %dma_start3A_558 : memref<1x1x8x128xf32, #tpu.memory_space<vmem>> -> memref<8x128xf32, #tpu.memory_space<vmem>>
        %dma_start3A_560 = arith.constant 0 : i32
        %dma_start3A_561 = arith.constant 0 : i32
        %dma_start3A_562 = tpu.memref_slice %arg4[%sub3A_551, %add3A_553, %dma_start3A_560, %dma_start3A_561] : memref<200x512x8x128xf32, #tpu.memory_space<hbm>> -> memref<1x1x8x128xf32, #tpu.memory_space<hbm>>
        %dma_start3A_563 = tpu.memref_squeeze %dma_start3A_562 : memref<1x1x8x128xf32, #tpu.memory_space<hbm>> -> memref<8x128xf32, #tpu.memory_space<hbm>>
        %dma_start3A_564 = arith.constant 0 : i32
        %dma_start3A_565 = arith.constant 0 : i32
        %dma_start3A_566 = tpu.memref_slice %arg4[%sub3A_551, %add3A_553, %dma_start3A_564, %dma_start3A_565] : memref<200x512x8x128xf32, #tpu.memory_space<hbm>> -> memref<1x1x8x128xf32, #tpu.memory_space<hbm>>
        %dma_start3A_567 = tpu.memref_squeeze %dma_start3A_566 : memref<1x1x8x128xf32, #tpu.memory_space<hbm>> -> memref<8x128xf32, #tpu.memory_space<hbm>>
        %dma_start3A_568 = arith.constant 0 : i32
        %dma_start3A_569 = arith.constant 0 : i32
        %dma_start3A_570 = tpu.memref_slice %arg8[%dma_start3A_554, %dma_start3A_555, %dma_start3A_568, %dma_start3A_569] : memref<2x4x8x128xf32, #tpu.memory_space<vmem>> -> memref<1x1x8x128xf32, #tpu.memory_space<vmem>>
        %dma_start3A_571 = tpu.memref_squeeze %dma_start3A_570 : memref<1x1x8x128xf32, #tpu.memory_space<vmem>> -> memref<8x128xf32, #tpu.memory_space<vmem>>
        tpu.enqueue_dma source(%dma_start3A_571 : memref<8x128xf32, #tpu.memory_space<vmem>>) target(%dma_start3A_567 : memref<8x128xf32, #tpu.memory_space<hbm>>) target_semaphore(%arg12 : memref<!tpu.dma_semaphore, #tpu.memory_space<semaphore_mem>>)
        %add3A_572 = arith.constant 128 : i32
        %add3A_573 = arith.addi %add3A_572, %add3A_32 : i32
        %dma_start3A_574 = arith.constant 1 : i32
        %dma_start3A_575 = arith.constant 1 : i32
        %dma_start3A_576 = arith.constant 0 : i32
        %dma_start3A_577 = arith.constant 0 : i32
        %dma_start3A_578 = tpu.memref_slice %arg8[%dma_start3A_574, %dma_start3A_575, %dma_start3A_576, %dma_start3A_577] : memref<2x4x8x128xf32, #tpu.memory_space<vmem>> -> memref<1x1x8x128xf32, #tpu.memory_space<vmem>>
        %dma_start3A_579 = tpu.memref_squeeze %dma_start3A_578 : memref<1x1x8x128xf32, #tpu.memory_space<vmem>> -> memref<8x128xf32, #tpu.memory_space<vmem>>
        %dma_start3A_580 = arith.constant 0 : i32
        %dma_start3A_581 = arith.constant 0 : i32
        %dma_start3A_582 = tpu.memref_slice %arg4[%sub3A_551, %add3A_573, %dma_start3A_580, %dma_start3A_581] : memref<200x512x8x128xf32, #tpu.memory_space<hbm>> -> memref<1x1x8x128xf32, #tpu.memory_space<hbm>>
        %dma_start3A_583 = tpu.memref_squeeze %dma_start3A_582 : memref<1x1x8x128xf32, #tpu.memory_space<hbm>> -> memref<8x128xf32, #tpu.memory_space<hbm>>
        %dma_start3A_584 = arith.constant 0 : i32
        %dma_start3A_585 = arith.constant 0 : i32
        %dma_start3A_586 = tpu.memref_slice %arg4[%sub3A_551, %add3A_573, %dma_start3A_584, %dma_start3A_585] : memref<200x512x8x128xf32, #tpu.memory_space<hbm>> -> memref<1x1x8x128xf32, #tpu.memory_space<hbm>>
        %dma_start3A_587 = tpu.memref_squeeze %dma_start3A_586 : memref<1x1x8x128xf32, #tpu.memory_space<hbm>> -> memref<8x128xf32, #tpu.memory_space<hbm>>
        %dma_start3A_588 = arith.constant 0 : i32
        %dma_start3A_589 = arith.constant 0 : i32
        %dma_start3A_590 = tpu.memref_slice %arg8[%dma_start3A_574, %dma_start3A_575, %dma_start3A_588, %dma_start3A_589] : memref<2x4x8x128xf32, #tpu.memory_space<vmem>> -> memref<1x1x8x128xf32, #tpu.memory_space<vmem>>
        %dma_start3A_591 = tpu.memref_squeeze %dma_start3A_590 : memref<1x1x8x128xf32, #tpu.memory_space<vmem>> -> memref<8x128xf32, #tpu.memory_space<vmem>>
        tpu.enqueue_dma source(%dma_start3A_591 : memref<8x128xf32, #tpu.memory_space<vmem>>) target(%dma_start3A_587 : memref<8x128xf32, #tpu.memory_space<hbm>>) target_semaphore(%arg12 : memref<!tpu.dma_semaphore, #tpu.memory_space<semaphore_mem>>)
        %add3A_592 = arith.constant 256 : i32
        %add3A_593 = arith.addi %add3A_592, %add3A_32 : i32
        %dma_start3A_594 = arith.constant 1 : i32
        %dma_start3A_595 = arith.constant 2 : i32
        %dma_start3A_596 = arith.constant 0 : i32
        %dma_start3A_597 = arith.constant 0 : i32
        %dma_start3A_598 = tpu.memref_slice %arg8[%dma_start3A_594, %dma_start3A_595, %dma_start3A_596, %dma_start3A_597] : memref<2x4x8x128xf32, #tpu.memory_space<vmem>> -> memref<1x1x8x128xf32, #tpu.memory_space<vmem>>
        %dma_start3A_599 = tpu.memref_squeeze %dma_start3A_598 : memref<1x1x8x128xf32, #tpu.memory_space<vmem>> -> memref<8x128xf32, #tpu.memory_space<vmem>>
        %dma_start3A_600 = arith.constant 0 : i32
        %dma_start3A_601 = arith.constant 0 : i32
        %dma_start3A_602 = tpu.memref_slice %arg4[%sub3A_551, %add3A_593, %dma_start3A_600, %dma_start3A_601] : memref<200x512x8x128xf32, #tpu.memory_space<hbm>> -> memref<1x1x8x128xf32, #tpu.memory_space<hbm>>
        %dma_start3A_603 = tpu.memref_squeeze %dma_start3A_602 : memref<1x1x8x128xf32, #tpu.memory_space<hbm>> -> memref<8x128xf32, #tpu.memory_space<hbm>>
        %dma_start3A_604 = arith.constant 0 : i32
        %dma_start3A_605 = arith.constant 0 : i32
        %dma_start3A_606 = tpu.memref_slice %arg4[%sub3A_551, %add3A_593, %dma_start3A_604, %dma_start3A_605] : memref<200x512x8x128xf32, #tpu.memory_space<hbm>> -> memref<1x1x8x128xf32, #tpu.memory_space<hbm>>
        %dma_start3A_607 = tpu.memref_squeeze %dma_start3A_606 : memref<1x1x8x128xf32, #tpu.memory_space<hbm>> -> memref<8x128xf32, #tpu.memory_space<hbm>>
        %dma_start3A_608 = arith.constant 0 : i32
        %dma_start3A_609 = arith.constant 0 : i32
        %dma_start3A_610 = tpu.memref_slice %arg8[%dma_start3A_594, %dma_start3A_595, %dma_start3A_608, %dma_start3A_609] : memref<2x4x8x128xf32, #tpu.memory_space<vmem>> -> memref<1x1x8x128xf32, #tpu.memory_space<vmem>>
        %dma_start3A_611 = tpu.memref_squeeze %dma_start3A_610 : memref<1x1x8x128xf32, #tpu.memory_space<vmem>> -> memref<8x128xf32, #tpu.memory_space<vmem>>
        tpu.enqueue_dma source(%dma_start3A_611 : memref<8x128xf32, #tpu.memory_space<vmem>>) target(%dma_start3A_607 : memref<8x128xf32, #tpu.memory_space<hbm>>) target_semaphore(%arg12 : memref<!tpu.dma_semaphore, #tpu.memory_space<semaphore_mem>>)
        %add3A_612 = arith.constant 384 : i32
        %add3A_613 = arith.addi %add3A_612, %add3A_32 : i32
        %dma_start3A_614 = arith.constant 1 : i32
        %dma_start3A_615 = arith.constant 3 : i32
        %dma_start3A_616 = arith.constant 0 : i32
        %dma_start3A_617 = arith.constant 0 : i32
        %dma_start3A_618 = tpu.memref_slice %arg8[%dma_start3A_614, %dma_start3A_615, %dma_start3A_616, %dma_start3A_617] : memref<2x4x8x128xf32, #tpu.memory_space<vmem>> -> memref<1x1x8x128xf32, #tpu.memory_space<vmem>>
        %dma_start3A_619 = tpu.memref_squeeze %dma_start3A_618 : memref<1x1x8x128xf32, #tpu.memory_space<vmem>> -> memref<8x128xf32, #tpu.memory_space<vmem>>
        %dma_start3A_620 = arith.constant 0 : i32
        %dma_start3A_621 = arith.constant 0 : i32
        %dma_start3A_622 = tpu.memref_slice %arg4[%sub3A_551, %add3A_613, %dma_start3A_620, %dma_start3A_621] : memref<200x512x8x128xf32, #tpu.memory_space<hbm>> -> memref<1x1x8x128xf32, #tpu.memory_space<hbm>>
        %dma_start3A_623 = tpu.memref_squeeze %dma_start3A_622 : memref<1x1x8x128xf32, #tpu.memory_space<hbm>> -> memref<8x128xf32, #tpu.memory_space<hbm>>
        %dma_start3A_624 = arith.constant 0 : i32
        %dma_start3A_625 = arith.constant 0 : i32
        %dma_start3A_626 = tpu.memref_slice %arg4[%sub3A_551, %add3A_613, %dma_start3A_624, %dma_start3A_625] : memref<200x512x8x128xf32, #tpu.memory_space<hbm>> -> memref<1x1x8x128xf32, #tpu.memory_space<hbm>>
        %dma_start3A_627 = tpu.memref_squeeze %dma_start3A_626 : memref<1x1x8x128xf32, #tpu.memory_space<hbm>> -> memref<8x128xf32, #tpu.memory_space<hbm>>
        %dma_start3A_628 = arith.constant 0 : i32
        %dma_start3A_629 = arith.constant 0 : i32
        %dma_start3A_630 = tpu.memref_slice %arg8[%dma_start3A_614, %dma_start3A_615, %dma_start3A_628, %dma_start3A_629] : memref<2x4x8x128xf32, #tpu.memory_space<vmem>> -> memref<1x1x8x128xf32, #tpu.memory_space<vmem>>
        %dma_start3A_631 = tpu.memref_squeeze %dma_start3A_630 : memref<1x1x8x128xf32, #tpu.memory_space<vmem>> -> memref<8x128xf32, #tpu.memory_space<vmem>>
        tpu.enqueue_dma source(%dma_start3A_631 : memref<8x128xf32, #tpu.memory_space<vmem>>) target(%dma_start3A_627 : memref<8x128xf32, #tpu.memory_space<hbm>>) target_semaphore(%arg12 : memref<!tpu.dma_semaphore, #tpu.memory_space<semaphore_mem>>)
        %add3A_632 = arith.constant 1 : i32
        %add3A_633 = arith.addi %mul3A_439, %add3A_632 : i32
        %sub3A_634 = arith.constant 2 : i32
        %sub3A_635 = arith.subi %add3A_633, %sub3A_634 : i32
        %add3A_636 = arith.constant 0 : i32
        %add3A_637 = arith.addi %add3A_636, %add3A_32 : i32
        %dma_wait3A_638 = arith.constant 1 : i32
        %dma_wait3A_639 = arith.constant 0 : i32
        %dma_wait3A_640 = arith.constant 0 : i32
        %dma_wait3A_641 = arith.constant 0 : i32
        %dma_wait3A_642 = tpu.memref_slice %arg8[%dma_wait3A_638, %dma_wait3A_639, %dma_wait3A_640, %dma_wait3A_641] : memref<2x4x8x128xf32, #tpu.memory_space<vmem>> -> memref<1x1x8x128xf32, #tpu.memory_space<vmem>>
        %dma_wait3A_643 = tpu.memref_squeeze %dma_wait3A_642 : memref<1x1x8x128xf32, #tpu.memory_space<vmem>> -> memref<8x128xf32, #tpu.memory_space<vmem>>
        %dma_wait3A_644 = arith.constant 0 : i32
        %dma_wait3A_645 = arith.constant 0 : i32
        %dma_wait3A_646 = tpu.memref_slice %arg4[%sub3A_635, %add3A_637, %dma_wait3A_644, %dma_wait3A_645] : memref<200x512x8x128xf32, #tpu.memory_space<hbm>> -> memref<1x1x8x128xf32, #tpu.memory_space<hbm>>
        %dma_wait3A_647 = tpu.memref_squeeze %dma_wait3A_646 : memref<1x1x8x128xf32, #tpu.memory_space<hbm>> -> memref<8x128xf32, #tpu.memory_space<hbm>>
        %dma_wait3A_648 = arith.constant 0 : i32
        %dma_wait3A_649 = arith.constant 0 : i32
        %dma_wait3A_650 = tpu.memref_slice %arg4[%sub3A_635, %add3A_637, %dma_wait3A_648, %dma_wait3A_649] : memref<200x512x8x128xf32, #tpu.memory_space<hbm>> -> memref<1x1x8x128xf32, #tpu.memory_space<hbm>>
        %dma_wait3A_651 = tpu.memref_squeeze %dma_wait3A_650 : memref<1x1x8x128xf32, #tpu.memory_space<hbm>> -> memref<8x128xf32, #tpu.memory_space<hbm>>
        %dma_wait3A_652 = arith.constant 0 : i32
        %dma_wait3A_653 = arith.constant 0 : i32
        %dma_wait3A_654 = tpu.memref_slice %arg8[%dma_wait3A_638, %dma_wait3A_639, %dma_wait3A_652, %dma_wait3A_653] : memref<2x4x8x128xf32, #tpu.memory_space<vmem>> -> memref<1x1x8x128xf32, #tpu.memory_space<vmem>>
        %dma_wait3A_655 = tpu.memref_squeeze %dma_wait3A_654 : memref<1x1x8x128xf32, #tpu.memory_space<vmem>> -> memref<8x128xf32, #tpu.memory_space<vmem>>
        tpu.wait_dma2 semaphore(%arg12 : memref<!tpu.dma_semaphore, #tpu.memory_space<semaphore_mem>>) src(%dma_wait3A_655 : memref<8x128xf32, #tpu.memory_space<vmem>>) dst(%dma_wait3A_651 : memref<8x128xf32, #tpu.memory_space<hbm>>)
        %add3A_656 = arith.constant 128 : i32
        %add3A_657 = arith.addi %add3A_656, %add3A_32 : i32
        %dma_wait3A_658 = arith.constant 1 : i32
        %dma_wait3A_659 = arith.constant 1 : i32
        %dma_wait3A_660 = arith.constant 0 : i32
        %dma_wait3A_661 = arith.constant 0 : i32
        %dma_wait3A_662 = tpu.memref_slice %arg8[%dma_wait3A_658, %dma_wait3A_659, %dma_wait3A_660, %dma_wait3A_661] : memref<2x4x8x128xf32, #tpu.memory_space<vmem>> -> memref<1x1x8x128xf32, #tpu.memory_space<vmem>>
        %dma_wait3A_663 = tpu.memref_squeeze %dma_wait3A_662 : memref<1x1x8x128xf32, #tpu.memory_space<vmem>> -> memref<8x128xf32, #tpu.memory_space<vmem>>
        %dma_wait3A_664 = arith.constant 0 : i32
        %dma_wait3A_665 = arith.constant 0 : i32
        %dma_wait3A_666 = tpu.memref_slice %arg4[%sub3A_635, %add3A_657, %dma_wait3A_664, %dma_wait3A_665] : memref<200x512x8x128xf32, #tpu.memory_space<hbm>> -> memref<1x1x8x128xf32, #tpu.memory_space<hbm>>
        %dma_wait3A_667 = tpu.memref_squeeze %dma_wait3A_666 : memref<1x1x8x128xf32, #tpu.memory_space<hbm>> -> memref<8x128xf32, #tpu.memory_space<hbm>>
        %dma_wait3A_668 = arith.constant 0 : i32
        %dma_wait3A_669 = arith.constant 0 : i32
        %dma_wait3A_670 = tpu.memref_slice %arg4[%sub3A_635, %add3A_657, %dma_wait3A_668, %dma_wait3A_669] : memref<200x512x8x128xf32, #tpu.memory_space<hbm>> -> memref<1x1x8x128xf32, #tpu.memory_space<hbm>>
        %dma_wait3A_671 = tpu.memref_squeeze %dma_wait3A_670 : memref<1x1x8x128xf32, #tpu.memory_space<hbm>> -> memref<8x128xf32, #tpu.memory_space<hbm>>
        %dma_wait3A_672 = arith.constant 0 : i32
        %dma_wait3A_673 = arith.constant 0 : i32
        %dma_wait3A_674 = tpu.memref_slice %arg8[%dma_wait3A_658, %dma_wait3A_659, %dma_wait3A_672, %dma_wait3A_673] : memref<2x4x8x128xf32, #tpu.memory_space<vmem>> -> memref<1x1x8x128xf32, #tpu.memory_space<vmem>>
        %dma_wait3A_675 = tpu.memref_squeeze %dma_wait3A_674 : memref<1x1x8x128xf32, #tpu.memory_space<vmem>> -> memref<8x128xf32, #tpu.memory_space<vmem>>
        tpu.wait_dma2 semaphore(%arg12 : memref<!tpu.dma_semaphore, #tpu.memory_space<semaphore_mem>>) src(%dma_wait3A_675 : memref<8x128xf32, #tpu.memory_space<vmem>>) dst(%dma_wait3A_671 : memref<8x128xf32, #tpu.memory_space<hbm>>)
        %add3A_676 = arith.constant 256 : i32
        %add3A_677 = arith.addi %add3A_676, %add3A_32 : i32
        %dma_wait3A_678 = arith.constant 1 : i32
        %dma_wait3A_679 = arith.constant 2 : i32
        %dma_wait3A_680 = arith.constant 0 : i32
        %dma_wait3A_681 = arith.constant 0 : i32
        %dma_wait3A_682 = tpu.memref_slice %arg8[%dma_wait3A_678, %dma_wait3A_679, %dma_wait3A_680, %dma_wait3A_681] : memref<2x4x8x128xf32, #tpu.memory_space<vmem>> -> memref<1x1x8x128xf32, #tpu.memory_space<vmem>>
        %dma_wait3A_683 = tpu.memref_squeeze %dma_wait3A_682 : memref<1x1x8x128xf32, #tpu.memory_space<vmem>> -> memref<8x128xf32, #tpu.memory_space<vmem>>
        %dma_wait3A_684 = arith.constant 0 : i32
        %dma_wait3A_685 = arith.constant 0 : i32
        %dma_wait3A_686 = tpu.memref_slice %arg4[%sub3A_635, %add3A_677, %dma_wait3A_684, %dma_wait3A_685] : memref<200x512x8x128xf32, #tpu.memory_space<hbm>> -> memref<1x1x8x128xf32, #tpu.memory_space<hbm>>
        %dma_wait3A_687 = tpu.memref_squeeze %dma_wait3A_686 : memref<1x1x8x128xf32, #tpu.memory_space<hbm>> -> memref<8x128xf32, #tpu.memory_space<hbm>>
        %dma_wait3A_688 = arith.constant 0 : i32
        %dma_wait3A_689 = arith.constant 0 : i32
        %dma_wait3A_690 = tpu.memref_slice %arg4[%sub3A_635, %add3A_677, %dma_wait3A_688, %dma_wait3A_689] : memref<200x512x8x128xf32, #tpu.memory_space<hbm>> -> memref<1x1x8x128xf32, #tpu.memory_space<hbm>>
        %dma_wait3A_691 = tpu.memref_squeeze %dma_wait3A_690 : memref<1x1x8x128xf32, #tpu.memory_space<hbm>> -> memref<8x128xf32, #tpu.memory_space<hbm>>
        %dma_wait3A_692 = arith.constant 0 : i32
        %dma_wait3A_693 = arith.constant 0 : i32
        %dma_wait3A_694 = tpu.memref_slice %arg8[%dma_wait3A_678, %dma_wait3A_679, %dma_wait3A_692, %dma_wait3A_693] : memref<2x4x8x128xf32, #tpu.memory_space<vmem>> -> memref<1x1x8x128xf32, #tpu.memory_space<vmem>>
        %dma_wait3A_695 = tpu.memref_squeeze %dma_wait3A_694 : memref<1x1x8x128xf32, #tpu.memory_space<vmem>> -> memref<8x128xf32, #tpu.memory_space<vmem>>
        tpu.wait_dma2 semaphore(%arg12 : memref<!tpu.dma_semaphore, #tpu.memory_space<semaphore_mem>>) src(%dma_wait3A_695 : memref<8x128xf32, #tpu.memory_space<vmem>>) dst(%dma_wait3A_691 : memref<8x128xf32, #tpu.memory_space<hbm>>)
        %add3A_696 = arith.constant 384 : i32
        %add3A_697 = arith.addi %add3A_696, %add3A_32 : i32
        %dma_wait3A_698 = arith.constant 1 : i32
        %dma_wait3A_699 = arith.constant 3 : i32
        %dma_wait3A_700 = arith.constant 0 : i32
        %dma_wait3A_701 = arith.constant 0 : i32
        %dma_wait3A_702 = tpu.memref_slice %arg8[%dma_wait3A_698, %dma_wait3A_699, %dma_wait3A_700, %dma_wait3A_701] : memref<2x4x8x128xf32, #tpu.memory_space<vmem>> -> memref<1x1x8x128xf32, #tpu.memory_space<vmem>>
        %dma_wait3A_703 = tpu.memref_squeeze %dma_wait3A_702 : memref<1x1x8x128xf32, #tpu.memory_space<vmem>> -> memref<8x128xf32, #tpu.memory_space<vmem>>
        %dma_wait3A_704 = arith.constant 0 : i32
        %dma_wait3A_705 = arith.constant 0 : i32
        %dma_wait3A_706 = tpu.memref_slice %arg4[%sub3A_635, %add3A_697, %dma_wait3A_704, %dma_wait3A_705] : memref<200x512x8x128xf32, #tpu.memory_space<hbm>> -> memref<1x1x8x128xf32, #tpu.memory_space<hbm>>
        %dma_wait3A_707 = tpu.memref_squeeze %dma_wait3A_706 : memref<1x1x8x128xf32, #tpu.memory_space<hbm>> -> memref<8x128xf32, #tpu.memory_space<hbm>>
        %dma_wait3A_708 = arith.constant 0 : i32
        %dma_wait3A_709 = arith.constant 0 : i32
        %dma_wait3A_710 = tpu.memref_slice %arg4[%sub3A_635, %add3A_697, %dma_wait3A_708, %dma_wait3A_709] : memref<200x512x8x128xf32, #tpu.memory_space<hbm>> -> memref<1x1x8x128xf32, #tpu.memory_space<hbm>>
        %dma_wait3A_711 = tpu.memref_squeeze %dma_wait3A_710 : memref<1x1x8x128xf32, #tpu.memory_space<hbm>> -> memref<8x128xf32, #tpu.memory_space<hbm>>
        %dma_wait3A_712 = arith.constant 0 : i32
        %dma_wait3A_713 = arith.constant 0 : i32
        %dma_wait3A_714 = tpu.memref_slice %arg8[%dma_wait3A_698, %dma_wait3A_699, %dma_wait3A_712, %dma_wait3A_713] : memref<2x4x8x128xf32, #tpu.memory_space<vmem>> -> memref<1x1x8x128xf32, #tpu.memory_space<vmem>>
        %dma_wait3A_715 = tpu.memref_squeeze %dma_wait3A_714 : memref<1x1x8x128xf32, #tpu.memory_space<vmem>> -> memref<8x128xf32, #tpu.memory_space<vmem>>
        tpu.wait_dma2 semaphore(%arg12 : memref<!tpu.dma_semaphore, #tpu.memory_space<semaphore_mem>>) src(%dma_wait3A_715 : memref<8x128xf32, #tpu.memory_space<vmem>>) dst(%dma_wait3A_711 : memref<8x128xf32, #tpu.memory_space<hbm>>)
        %dma_start3A_716 = arith.constant 1 : i32
        %dma_start3A_717 = arith.constant 0 : i32
        %dma_start3A_718 = arith.constant 0 : i32
        %dma_start3A_719 = tpu.memref_slice %arg7[%dma_start3A_716, %dma_start3A_717, %dma_start3A_718] : memref<2x128x32xf32, #tpu.memory_space<vmem>> -> memref<1x128x32xf32, #tpu.memory_space<vmem>>
        %dma_start3A_720 = tpu.memref_squeeze %dma_start3A_719 : memref<1x128x32xf32, #tpu.memory_space<vmem>> -> memref<128x32xf32, #tpu.memory_space<vmem>>
        %dma_start3A_721 = arith.constant 0 : i32
        %dma_start3A_722 = tpu.memref_slice %arg6[%add3A_633, %dma_start3A_721] : memref<208x128xi32, #tpu.memory_space<vmem>> -> memref<1x128xi32, #tpu.memory_space<vmem>>
        %dma_start3A_723 = tpu.memref_squeeze %dma_start3A_722 : memref<1x128xi32, #tpu.memory_space<vmem>> -> memref<128xi32, #tpu.memory_space<vmem>>
        %dma_start3A_724 = arith.constant 0 : i32
        %dma_start3A_725 = arith.constant 0 : i32
        %dma_start3A_726 = tpu.memref_slice %arg3[%dma_start3A_724, %dma_start3A_725] : memref<1000000x32xf32, #tpu.memory_space<hbm>> -> memref<1000000x32xf32, #tpu.memory_space<hbm>>
        tpu.enqueue_indirect_dma source(%dma_start3A_726 : memref<1000000x32xf32, #tpu.memory_space<hbm>>) target(%dma_start3A_720 : memref<128x32xf32, #tpu.memory_space<vmem>>) offsets(%dma_start3A_723 : memref<128xi32, #tpu.memory_space<vmem>>) semaphore(%arg10 : memref<!tpu.dma_semaphore, #tpu.memory_space<semaphore_mem>>)
        %sub3A_727 = arith.constant 1 : i32
        %sub3A_728 = arith.subi %add3A_633, %sub3A_727 : i32
        %dma_wait3A_729 = arith.constant 0 : i32
        %dma_wait3A_730 = arith.constant 0 : i32
        %dma_wait3A_731 = arith.constant 0 : i32
        %dma_wait3A_732 = tpu.memref_slice %arg7[%dma_wait3A_729, %dma_wait3A_730, %dma_wait3A_731] : memref<2x128x32xf32, #tpu.memory_space<vmem>> -> memref<1x128x32xf32, #tpu.memory_space<vmem>>
        %dma_wait3A_733 = tpu.memref_squeeze %dma_wait3A_732 : memref<1x128x32xf32, #tpu.memory_space<vmem>> -> memref<128x32xf32, #tpu.memory_space<vmem>>
        %dma_wait3A_734 = arith.constant 0 : i32
        %dma_wait3A_735 = tpu.memref_slice %arg6[%sub3A_728, %dma_wait3A_734] : memref<208x128xi32, #tpu.memory_space<vmem>> -> memref<1x128xi32, #tpu.memory_space<vmem>>
        %dma_wait3A_736 = tpu.memref_squeeze %dma_wait3A_735 : memref<1x128xi32, #tpu.memory_space<vmem>> -> memref<128xi32, #tpu.memory_space<vmem>>
        %dma_wait3A_737 = arith.constant 0 : i32
        %dma_wait3A_738 = arith.constant 0 : i32
        %dma_wait3A_739 = tpu.memref_slice %arg3[%dma_wait3A_737, %dma_wait3A_738] : memref<1000000x32xf32, #tpu.memory_space<hbm>> -> memref<1000000x32xf32, #tpu.memory_space<hbm>>
        tpu.wait_indirect_dma semaphore(%arg9 : memref<!tpu.dma_semaphore, #tpu.memory_space<semaphore_mem>>) src(%dma_wait3A_739 : memref<1000000x32xf32, #tpu.memory_space<hbm>>) dst(%dma_wait3A_733 : memref<128x32xf32, #tpu.memory_space<vmem>>)
        %scan3A_740 = arith.constant 0 : i32
        %scan3A_741 = arith.constant 8 : i32
        %scan3A_742 = arith.addi %scan3A_740, %scan3A_741 : i32
        %scan3A_743 = arith.constant 1 : i32
        scf.for %scan3A_827 = %scan3A_740 to %scan3A_742 step %scan3A_743  : i32 {
          %mul3A_828 = arith.constant 4 : i32
          %mul3A_829 = arith.muli %mul3A_828, %scan3A_827 : i32
          %add3A_830 = arith.constant 0 : i32
          %add3A_831 = arith.addi %mul3A_829, %add3A_830 : i32
          %add3A_832 = vector.broadcast %add3A_831 : i32 to vector<16xi32>
          %add3A_833 = arith.addi %iota3A, %add3A_832 : vector<16xi32>
          %and3A = arith.constant 31 : i32
          %and3A_834 = vector.broadcast %and3A : i32 to vector<16xi32>
          %and3A_835 = arith.andi %add3A_833, %and3A_834 : vector<16xi32>
          %shift_right_logical3A = arith.constant 3 : i32
          %shift_right_logical3A_836 = vector.broadcast %shift_right_logical3A : i32 to vector<16xi32>
          %shift_right_logical3A_837 = arith.shrui %and3A_835, %shift_right_logical3A_836 : vector<16xi32>
          %and3A_838 = arith.constant 7 : i32
          %and3A_839 = vector.broadcast %and3A_838 : i32 to vector<16xi32>
          %and3A_840 = arith.andi %and3A_835, %and3A_839 : vector<16xi32>
          %gather3A = arith.constant 0 : i32
          %gather3A_841 = arith.constant 0 : i32
          %gather3A_842 = arith.constant 0 : i32
          %gather3A_843 = tpu.memref_slice %arg7[%gather3A, %gather3A_841, %gather3A_842] : memref<2x128x32xf32, #tpu.memory_space<vmem>> -> memref<1x128x32xf32, #tpu.memory_space<vmem>>
          %gather3A_844 = tpu.memref_squeeze %gather3A_843 : memref<1x128x32xf32, #tpu.memory_space<vmem>> -> memref<128x32xf32, #tpu.memory_space<vmem>>
          %gather3A_845 = tpu.vector_load_idx %gather3A_844[%add3A_3, %and3A_835] : memref<128x32xf32, #tpu.memory_space<vmem>>[vector<16xi32>, vector<16xi32>], vector<16xf32>,
          %gather3A_846 = arith.constant 0 : i32
          %gather3A_847 = arith.constant 0 : i32
          %gather3A_848 = arith.constant 0 : i32
          %gather3A_849 = tpu.memref_slice %arg7[%gather3A_846, %gather3A_847, %gather3A_848] : memref<2x128x32xf32, #tpu.memory_space<vmem>> -> memref<1x128x32xf32, #tpu.memory_space<vmem>>
          %gather3A_850 = tpu.memref_squeeze %gather3A_849 : memref<1x128x32xf32, #tpu.memory_space<vmem>> -> memref<128x32xf32, #tpu.memory_space<vmem>>
          %gather3A_851 = tpu.vector_load_idx %gather3A_850[%add3A_6, %and3A_835] : memref<128x32xf32, #tpu.memory_space<vmem>>[vector<16xi32>, vector<16xi32>], vector<16xf32>,
          %gather3A_852 = arith.constant 0 : i32
          %gather3A_853 = arith.constant 0 : i32
          %gather3A_854 = arith.constant 0 : i32
          %gather3A_855 = tpu.memref_slice %arg7[%gather3A_852, %gather3A_853, %gather3A_854] : memref<2x128x32xf32, #tpu.memory_space<vmem>> -> memref<1x128x32xf32, #tpu.memory_space<vmem>>
          %gather3A_856 = tpu.memref_squeeze %gather3A_855 : memref<1x128x32xf32, #tpu.memory_space<vmem>> -> memref<128x32xf32, #tpu.memory_space<vmem>>
          %gather3A_857 = tpu.vector_load_idx %gather3A_856[%add3A_9, %and3A_835] : memref<128x32xf32, #tpu.memory_space<vmem>>[vector<16xi32>, vector<16xi32>], vector<16xf32>,
          %gather3A_858 = arith.constant 0 : i32
          %gather3A_859 = arith.constant 0 : i32
          %gather3A_860 = arith.constant 0 : i32
          %gather3A_861 = tpu.memref_slice %arg7[%gather3A_858, %gather3A_859, %gather3A_860] : memref<2x128x32xf32, #tpu.memory_space<vmem>> -> memref<1x128x32xf32, #tpu.memory_space<vmem>>
          %gather3A_862 = tpu.memref_squeeze %gather3A_861 : memref<1x128x32xf32, #tpu.memory_space<vmem>> -> memref<128x32xf32, #tpu.memory_space<vmem>>
          %gather3A_863 = tpu.vector_load_idx %gather3A_862[%add3A_12, %and3A_835] : memref<128x32xf32, #tpu.memory_space<vmem>>[vector<16xi32>, vector<16xi32>], vector<16xf32>,
          %gather3A_864 = arith.constant 0 : i32
          %gather3A_865 = arith.constant 0 : i32
          %gather3A_866 = arith.constant 0 : i32
          %gather3A_867 = tpu.memref_slice %arg7[%gather3A_864, %gather3A_865, %gather3A_866] : memref<2x128x32xf32, #tpu.memory_space<vmem>> -> memref<1x128x32xf32, #tpu.memory_space<vmem>>
          %gather3A_868 = tpu.memref_squeeze %gather3A_867 : memref<1x128x32xf32, #tpu.memory_space<vmem>> -> memref<128x32xf32, #tpu.memory_space<vmem>>
          %gather3A_869 = tpu.vector_load_idx %gather3A_868[%add3A_15, %and3A_835] : memref<128x32xf32, #tpu.memory_space<vmem>>[vector<16xi32>, vector<16xi32>], vector<16xf32>,
          %gather3A_870 = arith.constant 0 : i32
          %gather3A_871 = arith.constant 0 : i32
          %gather3A_872 = arith.constant 0 : i32
          %gather3A_873 = tpu.memref_slice %arg7[%gather3A_870, %gather3A_871, %gather3A_872] : memref<2x128x32xf32, #tpu.memory_space<vmem>> -> memref<1x128x32xf32, #tpu.memory_space<vmem>>
          %gather3A_874 = tpu.memref_squeeze %gather3A_873 : memref<1x128x32xf32, #tpu.memory_space<vmem>> -> memref<128x32xf32, #tpu.memory_space<vmem>>
          %gather3A_875 = tpu.vector_load_idx %gather3A_874[%add3A_18, %and3A_835] : memref<128x32xf32, #tpu.memory_space<vmem>>[vector<16xi32>, vector<16xi32>], vector<16xf32>,
          %gather3A_876 = arith.constant 0 : i32
          %gather3A_877 = arith.constant 0 : i32
          %gather3A_878 = arith.constant 0 : i32
          %gather3A_879 = tpu.memref_slice %arg7[%gather3A_876, %gather3A_877, %gather3A_878] : memref<2x128x32xf32, #tpu.memory_space<vmem>> -> memref<1x128x32xf32, #tpu.memory_space<vmem>>
          %gather3A_880 = tpu.memref_squeeze %gather3A_879 : memref<1x128x32xf32, #tpu.memory_space<vmem>> -> memref<128x32xf32, #tpu.memory_space<vmem>>
          %gather3A_881 = tpu.vector_load_idx %gather3A_880[%add3A_21, %and3A_835] : memref<128x32xf32, #tpu.memory_space<vmem>>[vector<16xi32>, vector<16xi32>], vector<16xf32>,
          %gather3A_882 = arith.constant 0 : i32
          %gather3A_883 = arith.constant 0 : i32
          %gather3A_884 = arith.constant 0 : i32
          %gather3A_885 = tpu.memref_slice %arg7[%gather3A_882, %gather3A_883, %gather3A_884] : memref<2x128x32xf32, #tpu.memory_space<vmem>> -> memref<1x128x32xf32, #tpu.memory_space<vmem>>
          %gather3A_886 = tpu.memref_squeeze %gather3A_885 : memref<1x128x32xf32, #tpu.memory_space<vmem>> -> memref<128x32xf32, #tpu.memory_space<vmem>>
          %gather3A_887 = tpu.vector_load_idx %gather3A_886[%add3A_24, %and3A_835] : memref<128x32xf32, #tpu.memory_space<vmem>>[vector<16xi32>, vector<16xi32>], vector<16xf32>,
          %scatter3A = arith.constant 0 : i32
          %scatter3A_888 = arith.constant 0 : i32
          %scatter3A_889 = arith.constant 0 : i32
          %scatter3A_890 = arith.constant 0 : i32
          %scatter3A_891 = tpu.memref_slice %arg8[%scatter3A, %scatter3A_888, %scatter3A_889, %scatter3A_890] : memref<2x4x8x128xf32, #tpu.memory_space<vmem>> -> memref<1x4x8x128xf32, #tpu.memory_space<vmem>>
          %scatter3A_892 = tpu.memref_squeeze %scatter3A_891 : memref<1x4x8x128xf32, #tpu.memory_space<vmem>> -> memref<4x8x128xf32, #tpu.memory_space<vmem>>
          tpu.vector_store_idx %scatter3A_892[%shift_right_logical3A_837, %and3A_840, %add3A_3], %gather3A_845 : memref<4x8x128xf32, #tpu.memory_space<vmem>>[vector<16xi32>, vector<16xi32>, vector<16xi32>], vector<16xf32>,
          %scatter3A_893 = arith.constant 0 : i32
          %scatter3A_894 = arith.constant 0 : i32
          %scatter3A_895 = arith.constant 0 : i32
          %scatter3A_896 = arith.constant 0 : i32
          %scatter3A_897 = tpu.memref_slice %arg8[%scatter3A_893, %scatter3A_894, %scatter3A_895, %scatter3A_896] : memref<2x4x8x128xf32, #tpu.memory_space<vmem>> -> memref<1x4x8x128xf32, #tpu.memory_space<vmem>>
          %scatter3A_898 = tpu.memref_squeeze %scatter3A_897 : memref<1x4x8x128xf32, #tpu.memory_space<vmem>> -> memref<4x8x128xf32, #tpu.memory_space<vmem>>
          tpu.vector_store_idx %scatter3A_898[%shift_right_logical3A_837, %and3A_840, %add3A_6], %gather3A_851 : memref<4x8x128xf32, #tpu.memory_space<vmem>>[vector<16xi32>, vector<16xi32>, vector<16xi32>], vector<16xf32>,
          %scatter3A_899 = arith.constant 0 : i32
          %scatter3A_900 = arith.constant 0 : i32
          %scatter3A_901 = arith.constant 0 : i32
          %scatter3A_902 = arith.constant 0 : i32
          %scatter3A_903 = tpu.memref_slice %arg8[%scatter3A_899, %scatter3A_900, %scatter3A_901, %scatter3A_902] : memref<2x4x8x128xf32, #tpu.memory_space<vmem>> -> memref<1x4x8x128xf32, #tpu.memory_space<vmem>>
          %scatter3A_904 = tpu.memref_squeeze %scatter3A_903 : memref<1x4x8x128xf32, #tpu.memory_space<vmem>> -> memref<4x8x128xf32, #tpu.memory_space<vmem>>
          tpu.vector_store_idx %scatter3A_904[%shift_right_logical3A_837, %and3A_840, %add3A_9], %gather3A_857 : memref<4x8x128xf32, #tpu.memory_space<vmem>>[vector<16xi32>, vector<16xi32>, vector<16xi32>], vector<16xf32>,
          %scatter3A_905 = arith.constant 0 : i32
          %scatter3A_906 = arith.constant 0 : i32
          %scatter3A_907 = arith.constant 0 : i32
          %scatter3A_908 = arith.constant 0 : i32
          %scatter3A_909 = tpu.memref_slice %arg8[%scatter3A_905, %scatter3A_906, %scatter3A_907, %scatter3A_908] : memref<2x4x8x128xf32, #tpu.memory_space<vmem>> -> memref<1x4x8x128xf32, #tpu.memory_space<vmem>>
          %scatter3A_910 = tpu.memref_squeeze %scatter3A_909 : memref<1x4x8x128xf32, #tpu.memory_space<vmem>> -> memref<4x8x128xf32, #tpu.memory_space<vmem>>
          tpu.vector_store_idx %scatter3A_910[%shift_right_logical3A_837, %and3A_840, %add3A_12], %gather3A_863 : memref<4x8x128xf32, #tpu.memory_space<vmem>>[vector<16xi32>, vector<16xi32>, vector<16xi32>], vector<16xf32>,
          %scatter3A_911 = arith.constant 0 : i32
          %scatter3A_912 = arith.constant 0 : i32
          %scatter3A_913 = arith.constant 0 : i32
          %scatter3A_914 = arith.constant 0 : i32
          %scatter3A_915 = tpu.memref_slice %arg8[%scatter3A_911, %scatter3A_912, %scatter3A_913, %scatter3A_914] : memref<2x4x8x128xf32, #tpu.memory_space<vmem>> -> memref<1x4x8x128xf32, #tpu.memory_space<vmem>>
          %scatter3A_916 = tpu.memref_squeeze %scatter3A_915 : memref<1x4x8x128xf32, #tpu.memory_space<vmem>> -> memref<4x8x128xf32, #tpu.memory_space<vmem>>
          tpu.vector_store_idx %scatter3A_916[%shift_right_logical3A_837, %and3A_840, %add3A_15], %gather3A_869 : memref<4x8x128xf32, #tpu.memory_space<vmem>>[vector<16xi32>, vector<16xi32>, vector<16xi32>], vector<16xf32>,
          %scatter3A_917 = arith.constant 0 : i32
          %scatter3A_918 = arith.constant 0 : i32
          %scatter3A_919 = arith.constant 0 : i32
          %scatter3A_920 = arith.constant 0 : i32
          %scatter3A_921 = tpu.memref_slice %arg8[%scatter3A_917, %scatter3A_918, %scatter3A_919, %scatter3A_920] : memref<2x4x8x128xf32, #tpu.memory_space<vmem>> -> memref<1x4x8x128xf32, #tpu.memory_space<vmem>>
          %scatter3A_922 = tpu.memref_squeeze %scatter3A_921 : memref<1x4x8x128xf32, #tpu.memory_space<vmem>> -> memref<4x8x128xf32, #tpu.memory_space<vmem>>
          tpu.vector_store_idx %scatter3A_922[%shift_right_logical3A_837, %and3A_840, %add3A_18], %gather3A_875 : memref<4x8x128xf32, #tpu.memory_space<vmem>>[vector<16xi32>, vector<16xi32>, vector<16xi32>], vector<16xf32>,
          %scatter3A_923 = arith.constant 0 : i32
          %scatter3A_924 = arith.constant 0 : i32
          %scatter3A_925 = arith.constant 0 : i32
          %scatter3A_926 = arith.constant 0 : i32
          %scatter3A_927 = tpu.memref_slice %arg8[%scatter3A_923, %scatter3A_924, %scatter3A_925, %scatter3A_926] : memref<2x4x8x128xf32, #tpu.memory_space<vmem>> -> memref<1x4x8x128xf32, #tpu.memory_space<vmem>>
          %scatter3A_928 = tpu.memref_squeeze %scatter3A_927 : memref<1x4x8x128xf32, #tpu.memory_space<vmem>> -> memref<4x8x128xf32, #tpu.memory_space<vmem>>
          tpu.vector_store_idx %scatter3A_928[%shift_right_logical3A_837, %and3A_840, %add3A_21], %gather3A_881 : memref<4x8x128xf32, #tpu.memory_space<vmem>>[vector<16xi32>, vector<16xi32>, vector<16xi32>], vector<16xf32>,
          %scatter3A_929 = arith.constant 0 : i32
          %scatter3A_930 = arith.constant 0 : i32
          %scatter3A_931 = arith.constant 0 : i32
          %scatter3A_932 = arith.constant 0 : i32
          %scatter3A_933 = tpu.memref_slice %arg8[%scatter3A_929, %scatter3A_930, %scatter3A_931, %scatter3A_932] : memref<2x4x8x128xf32, #tpu.memory_space<vmem>> -> memref<1x4x8x128xf32, #tpu.memory_space<vmem>>
          %scatter3A_934 = tpu.memref_squeeze %scatter3A_933 : memref<1x4x8x128xf32, #tpu.memory_space<vmem>> -> memref<4x8x128xf32, #tpu.memory_space<vmem>>
          tpu.vector_store_idx %scatter3A_934[%shift_right_logical3A_837, %and3A_840, %add3A_24], %gather3A_887 : memref<4x8x128xf32, #tpu.memory_space<vmem>>[vector<16xi32>, vector<16xi32>, vector<16xi32>], vector<16xf32>,
          %mul3A_935 = arith.constant 4 : i32
          %mul3A_936 = arith.muli %mul3A_935, %scan3A_827 : i32
          %add3A_937 = arith.constant 1 : i32
          %add3A_938 = arith.addi %mul3A_936, %add3A_937 : i32
          %add3A_939 = vector.broadcast %add3A_938 : i32 to vector<16xi32>
          %add3A_940 = arith.addi %iota3A, %add3A_939 : vector<16xi32>
          %and3A_941 = arith.constant 31 : i32
          %and3A_942 = vector.broadcast %and3A_941 : i32 to vector<16xi32>
          %and3A_943 = arith.andi %add3A_940, %and3A_942 : vector<16xi32>
          %shift_right_logical3A_944 = arith.constant 3 : i32
          %shift_right_logical3A_945 = vector.broadcast %shift_right_logical3A_944 : i32 to vector<16xi32>
          %shift_right_logical3A_946 = arith.shrui %and3A_943, %shift_right_logical3A_945 : vector<16xi32>
          %and3A_947 = arith.constant 7 : i32
          %and3A_948 = vector.broadcast %and3A_947 : i32 to vector<16xi32>
          %and3A_949 = arith.andi %and3A_943, %and3A_948 : vector<16xi32>
          %gather3A_950 = arith.constant 0 : i32
          %gather3A_951 = arith.constant 0 : i32
          %gather3A_952 = arith.constant 0 : i32
          %gather3A_953 = tpu.memref_slice %arg7[%gather3A_950, %gather3A_951, %gather3A_952] : memref<2x128x32xf32, #tpu.memory_space<vmem>> -> memref<1x128x32xf32, #tpu.memory_space<vmem>>
          %gather3A_954 = tpu.memref_squeeze %gather3A_953 : memref<1x128x32xf32, #tpu.memory_space<vmem>> -> memref<128x32xf32, #tpu.memory_space<vmem>>
          %gather3A_955 = tpu.vector_load_idx %gather3A_954[%add3A_3, %and3A_943] : memref<128x32xf32, #tpu.memory_space<vmem>>[vector<16xi32>, vector<16xi32>], vector<16xf32>,
          %gather3A_956 = arith.constant 0 : i32
          %gather3A_957 = arith.constant 0 : i32
          %gather3A_958 = arith.constant 0 : i32
          %gather3A_959 = tpu.memref_slice %arg7[%gather3A_956, %gather3A_957, %gather3A_958] : memref<2x128x32xf32, #tpu.memory_space<vmem>> -> memref<1x128x32xf32, #tpu.memory_space<vmem>>
          %gather3A_960 = tpu.memref_squeeze %gather3A_959 : memref<1x128x32xf32, #tpu.memory_space<vmem>> -> memref<128x32xf32, #tpu.memory_space<vmem>>
          %gather3A_961 = tpu.vector_load_idx %gather3A_960[%add3A_6, %and3A_943] : memref<128x32xf32, #tpu.memory_space<vmem>>[vector<16xi32>, vector<16xi32>], vector<16xf32>,
          %gather3A_962 = arith.constant 0 : i32
          %gather3A_963 = arith.constant 0 : i32
          %gather3A_964 = arith.constant 0 : i32
          %gather3A_965 = tpu.memref_slice %arg7[%gather3A_962, %gather3A_963, %gather3A_964] : memref<2x128x32xf32, #tpu.memory_space<vmem>> -> memref<1x128x32xf32, #tpu.memory_space<vmem>>
          %gather3A_966 = tpu.memref_squeeze %gather3A_965 : memref<1x128x32xf32, #tpu.memory_space<vmem>> -> memref<128x32xf32, #tpu.memory_space<vmem>>
          %gather3A_967 = tpu.vector_load_idx %gather3A_966[%add3A_9, %and3A_943] : memref<128x32xf32, #tpu.memory_space<vmem>>[vector<16xi32>, vector<16xi32>], vector<16xf32>,
          %gather3A_968 = arith.constant 0 : i32
          %gather3A_969 = arith.constant 0 : i32
          %gather3A_970 = arith.constant 0 : i32
          %gather3A_971 = tpu.memref_slice %arg7[%gather3A_968, %gather3A_969, %gather3A_970] : memref<2x128x32xf32, #tpu.memory_space<vmem>> -> memref<1x128x32xf32, #tpu.memory_space<vmem>>
          %gather3A_972 = tpu.memref_squeeze %gather3A_971 : memref<1x128x32xf32, #tpu.memory_space<vmem>> -> memref<128x32xf32, #tpu.memory_space<vmem>>
          %gather3A_973 = tpu.vector_load_idx %gather3A_972[%add3A_12, %and3A_943] : memref<128x32xf32, #tpu.memory_space<vmem>>[vector<16xi32>, vector<16xi32>], vector<16xf32>,
          %gather3A_974 = arith.constant 0 : i32
          %gather3A_975 = arith.constant 0 : i32
          %gather3A_976 = arith.constant 0 : i32
          %gather3A_977 = tpu.memref_slice %arg7[%gather3A_974, %gather3A_975, %gather3A_976] : memref<2x128x32xf32, #tpu.memory_space<vmem>> -> memref<1x128x32xf32, #tpu.memory_space<vmem>>
          %gather3A_978 = tpu.memref_squeeze %gather3A_977 : memref<1x128x32xf32, #tpu.memory_space<vmem>> -> memref<128x32xf32, #tpu.memory_space<vmem>>
          %gather3A_979 = tpu.vector_load_idx %gather3A_978[%add3A_15, %and3A_943] : memref<128x32xf32, #tpu.memory_space<vmem>>[vector<16xi32>, vector<16xi32>], vector<16xf32>,
          %gather3A_980 = arith.constant 0 : i32
          %gather3A_981 = arith.constant 0 : i32
          %gather3A_982 = arith.constant 0 : i32
          %gather3A_983 = tpu.memref_slice %arg7[%gather3A_980, %gather3A_981, %gather3A_982] : memref<2x128x32xf32, #tpu.memory_space<vmem>> -> memref<1x128x32xf32, #tpu.memory_space<vmem>>
          %gather3A_984 = tpu.memref_squeeze %gather3A_983 : memref<1x128x32xf32, #tpu.memory_space<vmem>> -> memref<128x32xf32, #tpu.memory_space<vmem>>
          %gather3A_985 = tpu.vector_load_idx %gather3A_984[%add3A_18, %and3A_943] : memref<128x32xf32, #tpu.memory_space<vmem>>[vector<16xi32>, vector<16xi32>], vector<16xf32>,
          %gather3A_986 = arith.constant 0 : i32
          %gather3A_987 = arith.constant 0 : i32
          %gather3A_988 = arith.constant 0 : i32
          %gather3A_989 = tpu.memref_slice %arg7[%gather3A_986, %gather3A_987, %gather3A_988] : memref<2x128x32xf32, #tpu.memory_space<vmem>> -> memref<1x128x32xf32, #tpu.memory_space<vmem>>
          %gather3A_990 = tpu.memref_squeeze %gather3A_989 : memref<1x128x32xf32, #tpu.memory_space<vmem>> -> memref<128x32xf32, #tpu.memory_space<vmem>>
          %gather3A_991 = tpu.vector_load_idx %gather3A_990[%add3A_21, %and3A_943] : memref<128x32xf32, #tpu.memory_space<vmem>>[vector<16xi32>, vector<16xi32>], vector<16xf32>,
          %gather3A_992 = arith.constant 0 : i32
          %gather3A_993 = arith.constant 0 : i32
          %gather3A_994 = arith.constant 0 : i32
          %gather3A_995 = tpu.memref_slice %arg7[%gather3A_992, %gather3A_993, %gather3A_994] : memref<2x128x32xf32, #tpu.memory_space<vmem>> -> memref<1x128x32xf32, #tpu.memory_space<vmem>>
          %gather3A_996 = tpu.memref_squeeze %gather3A_995 : memref<1x128x32xf32, #tpu.memory_space<vmem>> -> memref<128x32xf32, #tpu.memory_space<vmem>>
          %gather3A_997 = tpu.vector_load_idx %gather3A_996[%add3A_24, %and3A_943] : memref<128x32xf32, #tpu.memory_space<vmem>>[vector<16xi32>, vector<16xi32>], vector<16xf32>,
          %scatter3A_998 = arith.constant 0 : i32
          %scatter3A_999 = arith.constant 0 : i32
          %scatter3A_1000 = arith.constant 0 : i32
          %scatter3A_1001 = arith.constant 0 : i32
          %scatter3A_1002 = tpu.memref_slice %arg8[%scatter3A_998, %scatter3A_999, %scatter3A_1000, %scatter3A_1001] : memref<2x4x8x128xf32, #tpu.memory_space<vmem>> -> memref<1x4x8x128xf32, #tpu.memory_space<vmem>>
          %scatter3A_1003 = tpu.memref_squeeze %scatter3A_1002 : memref<1x4x8x128xf32, #tpu.memory_space<vmem>> -> memref<4x8x128xf32, #tpu.memory_space<vmem>>
          tpu.vector_store_idx %scatter3A_1003[%shift_right_logical3A_946, %and3A_949, %add3A_3], %gather3A_955 : memref<4x8x128xf32, #tpu.memory_space<vmem>>[vector<16xi32>, vector<16xi32>, vector<16xi32>], vector<16xf32>,
          %scatter3A_1004 = arith.constant 0 : i32
          %scatter3A_1005 = arith.constant 0 : i32
          %scatter3A_1006 = arith.constant 0 : i32
          %scatter3A_1007 = arith.constant 0 : i32
          %scatter3A_1008 = tpu.memref_slice %arg8[%scatter3A_1004, %scatter3A_1005, %scatter3A_1006, %scatter3A_1007] : memref<2x4x8x128xf32, #tpu.memory_space<vmem>> -> memref<1x4x8x128xf32, #tpu.memory_space<vmem>>
          %scatter3A_1009 = tpu.memref_squeeze %scatter3A_1008 : memref<1x4x8x128xf32, #tpu.memory_space<vmem>> -> memref<4x8x128xf32, #tpu.memory_space<vmem>>
          tpu.vector_store_idx %scatter3A_1009[%shift_right_logical3A_946, %and3A_949, %add3A_6], %gather3A_961 : memref<4x8x128xf32, #tpu.memory_space<vmem>>[vector<16xi32>, vector<16xi32>, vector<16xi32>], vector<16xf32>,
          %scatter3A_1010 = arith.constant 0 : i32
          %scatter3A_1011 = arith.constant 0 : i32
          %scatter3A_1012 = arith.constant 0 : i32
          %scatter3A_1013 = arith.constant 0 : i32
          %scatter3A_1014 = tpu.memref_slice %arg8[%scatter3A_1010, %scatter3A_1011, %scatter3A_1012, %scatter3A_1013] : memref<2x4x8x128xf32, #tpu.memory_space<vmem>> -> memref<1x4x8x128xf32, #tpu.memory_space<vmem>>
          %scatter3A_1015 = tpu.memref_squeeze %scatter3A_1014 : memref<1x4x8x128xf32, #tpu.memory_space<vmem>> -> memref<4x8x128xf32, #tpu.memory_space<vmem>>
          tpu.vector_store_idx %scatter3A_1015[%shift_right_logical3A_946, %and3A_949, %add3A_9], %gather3A_967 : memref<4x8x128xf32, #tpu.memory_space<vmem>>[vector<16xi32>, vector<16xi32>, vector<16xi32>], vector<16xf32>,
          %scatter3A_1016 = arith.constant 0 : i32
          %scatter3A_1017 = arith.constant 0 : i32
          %scatter3A_1018 = arith.constant 0 : i32
          %scatter3A_1019 = arith.constant 0 : i32
          %scatter3A_1020 = tpu.memref_slice %arg8[%scatter3A_1016, %scatter3A_1017, %scatter3A_1018, %scatter3A_1019] : memref<2x4x8x128xf32, #tpu.memory_space<vmem>> -> memref<1x4x8x128xf32, #tpu.memory_space<vmem>>
          %scatter3A_1021 = tpu.memref_squeeze %scatter3A_1020 : memref<1x4x8x128xf32, #tpu.memory_space<vmem>> -> memref<4x8x128xf32, #tpu.memory_space<vmem>>
          tpu.vector_store_idx %scatter3A_1021[%shift_right_logical3A_946, %and3A_949, %add3A_12], %gather3A_973 : memref<4x8x128xf32, #tpu.memory_space<vmem>>[vector<16xi32>, vector<16xi32>, vector<16xi32>], vector<16xf32>,
          %scatter3A_1022 = arith.constant 0 : i32
          %scatter3A_1023 = arith.constant 0 : i32
          %scatter3A_1024 = arith.constant 0 : i32
          %scatter3A_1025 = arith.constant 0 : i32
          %scatter3A_1026 = tpu.memref_slice %arg8[%scatter3A_1022, %scatter3A_1023, %scatter3A_1024, %scatter3A_1025] : memref<2x4x8x128xf32, #tpu.memory_space<vmem>> -> memref<1x4x8x128xf32, #tpu.memory_space<vmem>>
          %scatter3A_1027 = tpu.memref_squeeze %scatter3A_1026 : memref<1x4x8x128xf32, #tpu.memory_space<vmem>> -> memref<4x8x128xf32, #tpu.memory_space<vmem>>
          tpu.vector_store_idx %scatter3A_1027[%shift_right_logical3A_946, %and3A_949, %add3A_15], %gather3A_979 : memref<4x8x128xf32, #tpu.memory_space<vmem>>[vector<16xi32>, vector<16xi32>, vector<16xi32>], vector<16xf32>,
          %scatter3A_1028 = arith.constant 0 : i32
          %scatter3A_1029 = arith.constant 0 : i32
          %scatter3A_1030 = arith.constant 0 : i32
          %scatter3A_1031 = arith.constant 0 : i32
          %scatter3A_1032 = tpu.memref_slice %arg8[%scatter3A_1028, %scatter3A_1029, %scatter3A_1030, %scatter3A_1031] : memref<2x4x8x128xf32, #tpu.memory_space<vmem>> -> memref<1x4x8x128xf32, #tpu.memory_space<vmem>>
          %scatter3A_1033 = tpu.memref_squeeze %scatter3A_1032 : memref<1x4x8x128xf32, #tpu.memory_space<vmem>> -> memref<4x8x128xf32, #tpu.memory_space<vmem>>
          tpu.vector_store_idx %scatter3A_1033[%shift_right_logical3A_946, %and3A_949, %add3A_18], %gather3A_985 : memref<4x8x128xf32, #tpu.memory_space<vmem>>[vector<16xi32>, vector<16xi32>, vector<16xi32>], vector<16xf32>,
          %scatter3A_1034 = arith.constant 0 : i32
          %scatter3A_1035 = arith.constant 0 : i32
          %scatter3A_1036 = arith.constant 0 : i32
          %scatter3A_1037 = arith.constant 0 : i32
          %scatter3A_1038 = tpu.memref_slice %arg8[%scatter3A_1034, %scatter3A_1035, %scatter3A_1036, %scatter3A_1037] : memref<2x4x8x128xf32, #tpu.memory_space<vmem>> -> memref<1x4x8x128xf32, #tpu.memory_space<vmem>>
          %scatter3A_1039 = tpu.memref_squeeze %scatter3A_1038 : memref<1x4x8x128xf32, #tpu.memory_space<vmem>> -> memref<4x8x128xf32, #tpu.memory_space<vmem>>
          tpu.vector_store_idx %scatter3A_1039[%shift_right_logical3A_946, %and3A_949, %add3A_21], %gather3A_991 : memref<4x8x128xf32, #tpu.memory_space<vmem>>[vector<16xi32>, vector<16xi32>, vector<16xi32>], vector<16xf32>,
          %scatter3A_1040 = arith.constant 0 : i32
          %scatter3A_1041 = arith.constant 0 : i32
          %scatter3A_1042 = arith.constant 0 : i32
          %scatter3A_1043 = arith.constant 0 : i32
          %scatter3A_1044 = tpu.memref_slice %arg8[%scatter3A_1040, %scatter3A_1041, %scatter3A_1042, %scatter3A_1043] : memref<2x4x8x128xf32, #tpu.memory_space<vmem>> -> memref<1x4x8x128xf32, #tpu.memory_space<vmem>>
          %scatter3A_1045 = tpu.memref_squeeze %scatter3A_1044 : memref<1x4x8x128xf32, #tpu.memory_space<vmem>> -> memref<4x8x128xf32, #tpu.memory_space<vmem>>
          tpu.vector_store_idx %scatter3A_1045[%shift_right_logical3A_946, %and3A_949, %add3A_24], %gather3A_997 : memref<4x8x128xf32, #tpu.memory_space<vmem>>[vector<16xi32>, vector<16xi32>, vector<16xi32>], vector<16xf32>,
          %mul3A_1046 = arith.constant 4 : i32
          %mul3A_1047 = arith.muli %mul3A_1046, %scan3A_827 : i32
          %add3A_1048 = arith.constant 2 : i32
          %add3A_1049 = arith.addi %mul3A_1047, %add3A_1048 : i32
          %add3A_1050 = vector.broadcast %add3A_1049 : i32 to vector<16xi32>
          %add3A_1051 = arith.addi %iota3A, %add3A_1050 : vector<16xi32>
          %and3A_1052 = arith.constant 31 : i32
          %and3A_1053 = vector.broadcast %and3A_1052 : i32 to vector<16xi32>
          %and3A_1054 = arith.andi %add3A_1051, %and3A_1053 : vector<16xi32>
          %shift_right_logical3A_1055 = arith.constant 3 : i32
          %shift_right_logical3A_1056 = vector.broadcast %shift_right_logical3A_1055 : i32 to vector<16xi32>
          %shift_right_logical3A_1057 = arith.shrui %and3A_1054, %shift_right_logical3A_1056 : vector<16xi32>
          %and3A_1058 = arith.constant 7 : i32
          %and3A_1059 = vector.broadcast %and3A_1058 : i32 to vector<16xi32>
          %and3A_1060 = arith.andi %and3A_1054, %and3A_1059 : vector<16xi32>
          %gather3A_1061 = arith.constant 0 : i32
          %gather3A_1062 = arith.constant 0 : i32
          %gather3A_1063 = arith.constant 0 : i32
          %gather3A_1064 = tpu.memref_slice %arg7[%gather3A_1061, %gather3A_1062, %gather3A_1063] : memref<2x128x32xf32, #tpu.memory_space<vmem>> -> memref<1x128x32xf32, #tpu.memory_space<vmem>>
          %gather3A_1065 = tpu.memref_squeeze %gather3A_1064 : memref<1x128x32xf32, #tpu.memory_space<vmem>> -> memref<128x32xf32, #tpu.memory_space<vmem>>
          %gather3A_1066 = tpu.vector_load_idx %gather3A_1065[%add3A_3, %and3A_1054] : memref<128x32xf32, #tpu.memory_space<vmem>>[vector<16xi32>, vector<16xi32>], vector<16xf32>,
          %gather3A_1067 = arith.constant 0 : i32
          %gather3A_1068 = arith.constant 0 : i32
          %gather3A_1069 = arith.constant 0 : i32
          %gather3A_1070 = tpu.memref_slice %arg7[%gather3A_1067, %gather3A_1068, %gather3A_1069] : memref<2x128x32xf32, #tpu.memory_space<vmem>> -> memref<1x128x32xf32, #tpu.memory_space<vmem>>
          %gather3A_1071 = tpu.memref_squeeze %gather3A_1070 : memref<1x128x32xf32, #tpu.memory_space<vmem>> -> memref<128x32xf32, #tpu.memory_space<vmem>>
          %gather3A_1072 = tpu.vector_load_idx %gather3A_1071[%add3A_6, %and3A_1054] : memref<128x32xf32, #tpu.memory_space<vmem>>[vector<16xi32>, vector<16xi32>], vector<16xf32>,
          %gather3A_1073 = arith.constant 0 : i32
          %gather3A_1074 = arith.constant 0 : i32
          %gather3A_1075 = arith.constant 0 : i32
          %gather3A_1076 = tpu.memref_slice %arg7[%gather3A_1073, %gather3A_1074, %gather3A_1075] : memref<2x128x32xf32, #tpu.memory_space<vmem>> -> memref<1x128x32xf32, #tpu.memory_space<vmem>>
          %gather3A_1077 = tpu.memref_squeeze %gather3A_1076 : memref<1x128x32xf32, #tpu.memory_space<vmem>> -> memref<128x32xf32, #tpu.memory_space<vmem>>
          %gather3A_1078 = tpu.vector_load_idx %gather3A_1077[%add3A_9, %and3A_1054] : memref<128x32xf32, #tpu.memory_space<vmem>>[vector<16xi32>, vector<16xi32>], vector<16xf32>,
          %gather3A_1079 = arith.constant 0 : i32
          %gather3A_1080 = arith.constant 0 : i32
          %gather3A_1081 = arith.constant 0 : i32
          %gather3A_1082 = tpu.memref_slice %arg7[%gather3A_1079, %gather3A_1080, %gather3A_1081] : memref<2x128x32xf32, #tpu.memory_space<vmem>> -> memref<1x128x32xf32, #tpu.memory_space<vmem>>
          %gather3A_1083 = tpu.memref_squeeze %gather3A_1082 : memref<1x128x32xf32, #tpu.memory_space<vmem>> -> memref<128x32xf32, #tpu.memory_space<vmem>>
          %gather3A_1084 = tpu.vector_load_idx %gather3A_1083[%add3A_12, %and3A_1054] : memref<128x32xf32, #tpu.memory_space<vmem>>[vector<16xi32>, vector<16xi32>], vector<16xf32>,
          %gather3A_1085 = arith.constant 0 : i32
          %gather3A_1086 = arith.constant 0 : i32
          %gather3A_1087 = arith.constant 0 : i32
          %gather3A_1088 = tpu.memref_slice %arg7[%gather3A_1085, %gather3A_1086, %gather3A_1087] : memref<2x128x32xf32, #tpu.memory_space<vmem>> -> memref<1x128x32xf32, #tpu.memory_space<vmem>>
          %gather3A_1089 = tpu.memref_squeeze %gather3A_1088 : memref<1x128x32xf32, #tpu.memory_space<vmem>> -> memref<128x32xf32, #tpu.memory_space<vmem>>
          %gather3A_1090 = tpu.vector_load_idx %gather3A_1089[%add3A_15, %and3A_1054] : memref<128x32xf32, #tpu.memory_space<vmem>>[vector<16xi32>, vector<16xi32>], vector<16xf32>,
          %gather3A_1091 = arith.constant 0 : i32
          %gather3A_1092 = arith.constant 0 : i32
          %gather3A_1093 = arith.constant 0 : i32
          %gather3A_1094 = tpu.memref_slice %arg7[%gather3A_1091, %gather3A_1092, %gather3A_1093] : memref<2x128x32xf32, #tpu.memory_space<vmem>> -> memref<1x128x32xf32, #tpu.memory_space<vmem>>
          %gather3A_1095 = tpu.memref_squeeze %gather3A_1094 : memref<1x128x32xf32, #tpu.memory_space<vmem>> -> memref<128x32xf32, #tpu.memory_space<vmem>>
          %gather3A_1096 = tpu.vector_load_idx %gather3A_1095[%add3A_18, %and3A_1054] : memref<128x32xf32, #tpu.memory_space<vmem>>[vector<16xi32>, vector<16xi32>], vector<16xf32>,
          %gather3A_1097 = arith.constant 0 : i32
          %gather3A_1098 = arith.constant 0 : i32
          %gather3A_1099 = arith.constant 0 : i32
          %gather3A_1100 = tpu.memref_slice %arg7[%gather3A_1097, %gather3A_1098, %gather3A_1099] : memref<2x128x32xf32, #tpu.memory_space<vmem>> -> memref<1x128x32xf32, #tpu.memory_space<vmem>>
          %gather3A_1101 = tpu.memref_squeeze %gather3A_1100 : memref<1x128x32xf32, #tpu.memory_space<vmem>> -> memref<128x32xf32, #tpu.memory_space<vmem>>
          %gather3A_1102 = tpu.vector_load_idx %gather3A_1101[%add3A_21, %and3A_1054] : memref<128x32xf32, #tpu.memory_space<vmem>>[vector<16xi32>, vector<16xi32>], vector<16xf32>,
          %gather3A_1103 = arith.constant 0 : i32
          %gather3A_1104 = arith.constant 0 : i32
          %gather3A_1105 = arith.constant 0 : i32
          %gather3A_1106 = tpu.memref_slice %arg7[%gather3A_1103, %gather3A_1104, %gather3A_1105] : memref<2x128x32xf32, #tpu.memory_space<vmem>> -> memref<1x128x32xf32, #tpu.memory_space<vmem>>
          %gather3A_1107 = tpu.memref_squeeze %gather3A_1106 : memref<1x128x32xf32, #tpu.memory_space<vmem>> -> memref<128x32xf32, #tpu.memory_space<vmem>>
          %gather3A_1108 = tpu.vector_load_idx %gather3A_1107[%add3A_24, %and3A_1054] : memref<128x32xf32, #tpu.memory_space<vmem>>[vector<16xi32>, vector<16xi32>], vector<16xf32>,
          %scatter3A_1109 = arith.constant 0 : i32
          %scatter3A_1110 = arith.constant 0 : i32
          %scatter3A_1111 = arith.constant 0 : i32
          %scatter3A_1112 = arith.constant 0 : i32
          %scatter3A_1113 = tpu.memref_slice %arg8[%scatter3A_1109, %scatter3A_1110, %scatter3A_1111, %scatter3A_1112] : memref<2x4x8x128xf32, #tpu.memory_space<vmem>> -> memref<1x4x8x128xf32, #tpu.memory_space<vmem>>
          %scatter3A_1114 = tpu.memref_squeeze %scatter3A_1113 : memref<1x4x8x128xf32, #tpu.memory_space<vmem>> -> memref<4x8x128xf32, #tpu.memory_space<vmem>>
          tpu.vector_store_idx %scatter3A_1114[%shift_right_logical3A_1057, %and3A_1060, %add3A_3], %gather3A_1066 : memref<4x8x128xf32, #tpu.memory_space<vmem>>[vector<16xi32>, vector<16xi32>, vector<16xi32>], vector<16xf32>,
          %scatter3A_1115 = arith.constant 0 : i32
          %scatter3A_1116 = arith.constant 0 : i32
          %scatter3A_1117 = arith.constant 0 : i32
          %scatter3A_1118 = arith.constant 0 : i32
          %scatter3A_1119 = tpu.memref_slice %arg8[%scatter3A_1115, %scatter3A_1116, %scatter3A_1117, %scatter3A_1118] : memref<2x4x8x128xf32, #tpu.memory_space<vmem>> -> memref<1x4x8x128xf32, #tpu.memory_space<vmem>>
          %scatter3A_1120 = tpu.memref_squeeze %scatter3A_1119 : memref<1x4x8x128xf32, #tpu.memory_space<vmem>> -> memref<4x8x128xf32, #tpu.memory_space<vmem>>
          tpu.vector_store_idx %scatter3A_1120[%shift_right_logical3A_1057, %and3A_1060, %add3A_6], %gather3A_1072 : memref<4x8x128xf32, #tpu.memory_space<vmem>>[vector<16xi32>, vector<16xi32>, vector<16xi32>], vector<16xf32>,
          %scatter3A_1121 = arith.constant 0 : i32
          %scatter3A_1122 = arith.constant 0 : i32
          %scatter3A_1123 = arith.constant 0 : i32
          %scatter3A_1124 = arith.constant 0 : i32
          %scatter3A_1125 = tpu.memref_slice %arg8[%scatter3A_1121, %scatter3A_1122, %scatter3A_1123, %scatter3A_1124] : memref<2x4x8x128xf32, #tpu.memory_space<vmem>> -> memref<1x4x8x128xf32, #tpu.memory_space<vmem>>
          %scatter3A_1126 = tpu.memref_squeeze %scatter3A_1125 : memref<1x4x8x128xf32, #tpu.memory_space<vmem>> -> memref<4x8x128xf32, #tpu.memory_space<vmem>>
          tpu.vector_store_idx %scatter3A_1126[%shift_right_logical3A_1057, %and3A_1060, %add3A_9], %gather3A_1078 : memref<4x8x128xf32, #tpu.memory_space<vmem>>[vector<16xi32>, vector<16xi32>, vector<16xi32>], vector<16xf32>,
          %scatter3A_1127 = arith.constant 0 : i32
          %scatter3A_1128 = arith.constant 0 : i32
          %scatter3A_1129 = arith.constant 0 : i32
          %scatter3A_1130 = arith.constant 0 : i32
          %scatter3A_1131 = tpu.memref_slice %arg8[%scatter3A_1127, %scatter3A_1128, %scatter3A_1129, %scatter3A_1130] : memref<2x4x8x128xf32, #tpu.memory_space<vmem>> -> memref<1x4x8x128xf32, #tpu.memory_space<vmem>>
          %scatter3A_1132 = tpu.memref_squeeze %scatter3A_1131 : memref<1x4x8x128xf32, #tpu.memory_space<vmem>> -> memref<4x8x128xf32, #tpu.memory_space<vmem>>
          tpu.vector_store_idx %scatter3A_1132[%shift_right_logical3A_1057, %and3A_1060, %add3A_12], %gather3A_1084 : memref<4x8x128xf32, #tpu.memory_space<vmem>>[vector<16xi32>, vector<16xi32>, vector<16xi32>], vector<16xf32>,
          %scatter3A_1133 = arith.constant 0 : i32
          %scatter3A_1134 = arith.constant 0 : i32
          %scatter3A_1135 = arith.constant 0 : i32
          %scatter3A_1136 = arith.constant 0 : i32
          %scatter3A_1137 = tpu.memref_slice %arg8[%scatter3A_1133, %scatter3A_1134, %scatter3A_1135, %scatter3A_1136] : memref<2x4x8x128xf32, #tpu.memory_space<vmem>> -> memref<1x4x8x128xf32, #tpu.memory_space<vmem>>
          %scatter3A_1138 = tpu.memref_squeeze %scatter3A_1137 : memref<1x4x8x128xf32, #tpu.memory_space<vmem>> -> memref<4x8x128xf32, #tpu.memory_space<vmem>>
          tpu.vector_store_idx %scatter3A_1138[%shift_right_logical3A_1057, %and3A_1060, %add3A_15], %gather3A_1090 : memref<4x8x128xf32, #tpu.memory_space<vmem>>[vector<16xi32>, vector<16xi32>, vector<16xi32>], vector<16xf32>,
          %scatter3A_1139 = arith.constant 0 : i32
          %scatter3A_1140 = arith.constant 0 : i32
          %scatter3A_1141 = arith.constant 0 : i32
          %scatter3A_1142 = arith.constant 0 : i32
          %scatter3A_1143 = tpu.memref_slice %arg8[%scatter3A_1139, %scatter3A_1140, %scatter3A_1141, %scatter3A_1142] : memref<2x4x8x128xf32, #tpu.memory_space<vmem>> -> memref<1x4x8x128xf32, #tpu.memory_space<vmem>>
          %scatter3A_1144 = tpu.memref_squeeze %scatter3A_1143 : memref<1x4x8x128xf32, #tpu.memory_space<vmem>> -> memref<4x8x128xf32, #tpu.memory_space<vmem>>
          tpu.vector_store_idx %scatter3A_1144[%shift_right_logical3A_1057, %and3A_1060, %add3A_18], %gather3A_1096 : memref<4x8x128xf32, #tpu.memory_space<vmem>>[vector<16xi32>, vector<16xi32>, vector<16xi32>], vector<16xf32>,
          %scatter3A_1145 = arith.constant 0 : i32
          %scatter3A_1146 = arith.constant 0 : i32
          %scatter3A_1147 = arith.constant 0 : i32
          %scatter3A_1148 = arith.constant 0 : i32
          %scatter3A_1149 = tpu.memref_slice %arg8[%scatter3A_1145, %scatter3A_1146, %scatter3A_1147, %scatter3A_1148] : memref<2x4x8x128xf32, #tpu.memory_space<vmem>> -> memref<1x4x8x128xf32, #tpu.memory_space<vmem>>
          %scatter3A_1150 = tpu.memref_squeeze %scatter3A_1149 : memref<1x4x8x128xf32, #tpu.memory_space<vmem>> -> memref<4x8x128xf32, #tpu.memory_space<vmem>>
          tpu.vector_store_idx %scatter3A_1150[%shift_right_logical3A_1057, %and3A_1060, %add3A_21], %gather3A_1102 : memref<4x8x128xf32, #tpu.memory_space<vmem>>[vector<16xi32>, vector<16xi32>, vector<16xi32>], vector<16xf32>,
          %scatter3A_1151 = arith.constant 0 : i32
          %scatter3A_1152 = arith.constant 0 : i32
          %scatter3A_1153 = arith.constant 0 : i32
          %scatter3A_1154 = arith.constant 0 : i32
          %scatter3A_1155 = tpu.memref_slice %arg8[%scatter3A_1151, %scatter3A_1152, %scatter3A_1153, %scatter3A_1154] : memref<2x4x8x128xf32, #tpu.memory_space<vmem>> -> memref<1x4x8x128xf32, #tpu.memory_space<vmem>>
          %scatter3A_1156 = tpu.memref_squeeze %scatter3A_1155 : memref<1x4x8x128xf32, #tpu.memory_space<vmem>> -> memref<4x8x128xf32, #tpu.memory_space<vmem>>
          tpu.vector_store_idx %scatter3A_1156[%shift_right_logical3A_1057, %and3A_1060, %add3A_24], %gather3A_1108 : memref<4x8x128xf32, #tpu.memory_space<vmem>>[vector<16xi32>, vector<16xi32>, vector<16xi32>], vector<16xf32>,
          %mul3A_1157 = arith.constant 4 : i32
          %mul3A_1158 = arith.muli %mul3A_1157, %scan3A_827 : i32
          %add3A_1159 = arith.constant 3 : i32
          %add3A_1160 = arith.addi %mul3A_1158, %add3A_1159 : i32
          %add3A_1161 = vector.broadcast %add3A_1160 : i32 to vector<16xi32>
          %add3A_1162 = arith.addi %iota3A, %add3A_1161 : vector<16xi32>
          %and3A_1163 = arith.constant 31 : i32
          %and3A_1164 = vector.broadcast %and3A_1163 : i32 to vector<16xi32>
          %and3A_1165 = arith.andi %add3A_1162, %and3A_1164 : vector<16xi32>
          %shift_right_logical3A_1166 = arith.constant 3 : i32
          %shift_right_logical3A_1167 = vector.broadcast %shift_right_logical3A_1166 : i32 to vector<16xi32>
          %shift_right_logical3A_1168 = arith.shrui %and3A_1165, %shift_right_logical3A_1167 : vector<16xi32>
          %and3A_1169 = arith.constant 7 : i32
          %and3A_1170 = vector.broadcast %and3A_1169 : i32 to vector<16xi32>
          %and3A_1171 = arith.andi %and3A_1165, %and3A_1170 : vector<16xi32>
          %gather3A_1172 = arith.constant 0 : i32
          %gather3A_1173 = arith.constant 0 : i32
          %gather3A_1174 = arith.constant 0 : i32
          %gather3A_1175 = tpu.memref_slice %arg7[%gather3A_1172, %gather3A_1173, %gather3A_1174] : memref<2x128x32xf32, #tpu.memory_space<vmem>> -> memref<1x128x32xf32, #tpu.memory_space<vmem>>
          %gather3A_1176 = tpu.memref_squeeze %gather3A_1175 : memref<1x128x32xf32, #tpu.memory_space<vmem>> -> memref<128x32xf32, #tpu.memory_space<vmem>>
          %gather3A_1177 = tpu.vector_load_idx %gather3A_1176[%add3A_3, %and3A_1165] : memref<128x32xf32, #tpu.memory_space<vmem>>[vector<16xi32>, vector<16xi32>], vector<16xf32>,
          %gather3A_1178 = arith.constant 0 : i32
          %gather3A_1179 = arith.constant 0 : i32
          %gather3A_1180 = arith.constant 0 : i32
          %gather3A_1181 = tpu.memref_slice %arg7[%gather3A_1178, %gather3A_1179, %gather3A_1180] : memref<2x128x32xf32, #tpu.memory_space<vmem>> -> memref<1x128x32xf32, #tpu.memory_space<vmem>>
          %gather3A_1182 = tpu.memref_squeeze %gather3A_1181 : memref<1x128x32xf32, #tpu.memory_space<vmem>> -> memref<128x32xf32, #tpu.memory_space<vmem>>
          %gather3A_1183 = tpu.vector_load_idx %gather3A_1182[%add3A_6, %and3A_1165] : memref<128x32xf32, #tpu.memory_space<vmem>>[vector<16xi32>, vector<16xi32>], vector<16xf32>,
          %gather3A_1184 = arith.constant 0 : i32
          %gather3A_1185 = arith.constant 0 : i32
          %gather3A_1186 = arith.constant 0 : i32
          %gather3A_1187 = tpu.memref_slice %arg7[%gather3A_1184, %gather3A_1185, %gather3A_1186] : memref<2x128x32xf32, #tpu.memory_space<vmem>> -> memref<1x128x32xf32, #tpu.memory_space<vmem>>
          %gather3A_1188 = tpu.memref_squeeze %gather3A_1187 : memref<1x128x32xf32, #tpu.memory_space<vmem>> -> memref<128x32xf32, #tpu.memory_space<vmem>>
          %gather3A_1189 = tpu.vector_load_idx %gather3A_1188[%add3A_9, %and3A_1165] : memref<128x32xf32, #tpu.memory_space<vmem>>[vector<16xi32>, vector<16xi32>], vector<16xf32>,
          %gather3A_1190 = arith.constant 0 : i32
          %gather3A_1191 = arith.constant 0 : i32
          %gather3A_1192 = arith.constant 0 : i32
          %gather3A_1193 = tpu.memref_slice %arg7[%gather3A_1190, %gather3A_1191, %gather3A_1192] : memref<2x128x32xf32, #tpu.memory_space<vmem>> -> memref<1x128x32xf32, #tpu.memory_space<vmem>>
          %gather3A_1194 = tpu.memref_squeeze %gather3A_1193 : memref<1x128x32xf32, #tpu.memory_space<vmem>> -> memref<128x32xf32, #tpu.memory_space<vmem>>
          %gather3A_1195 = tpu.vector_load_idx %gather3A_1194[%add3A_12, %and3A_1165] : memref<128x32xf32, #tpu.memory_space<vmem>>[vector<16xi32>, vector<16xi32>], vector<16xf32>,
          %gather3A_1196 = arith.constant 0 : i32
          %gather3A_1197 = arith.constant 0 : i32
          %gather3A_1198 = arith.constant 0 : i32
          %gather3A_1199 = tpu.memref_slice %arg7[%gather3A_1196, %gather3A_1197, %gather3A_1198] : memref<2x128x32xf32, #tpu.memory_space<vmem>> -> memref<1x128x32xf32, #tpu.memory_space<vmem>>
          %gather3A_1200 = tpu.memref_squeeze %gather3A_1199 : memref<1x128x32xf32, #tpu.memory_space<vmem>> -> memref<128x32xf32, #tpu.memory_space<vmem>>
          %gather3A_1201 = tpu.vector_load_idx %gather3A_1200[%add3A_15, %and3A_1165] : memref<128x32xf32, #tpu.memory_space<vmem>>[vector<16xi32>, vector<16xi32>], vector<16xf32>,
          %gather3A_1202 = arith.constant 0 : i32
          %gather3A_1203 = arith.constant 0 : i32
          %gather3A_1204 = arith.constant 0 : i32
          %gather3A_1205 = tpu.memref_slice %arg7[%gather3A_1202, %gather3A_1203, %gather3A_1204] : memref<2x128x32xf32, #tpu.memory_space<vmem>> -> memref<1x128x32xf32, #tpu.memory_space<vmem>>
          %gather3A_1206 = tpu.memref_squeeze %gather3A_1205 : memref<1x128x32xf32, #tpu.memory_space<vmem>> -> memref<128x32xf32, #tpu.memory_space<vmem>>
          %gather3A_1207 = tpu.vector_load_idx %gather3A_1206[%add3A_18, %and3A_1165] : memref<128x32xf32, #tpu.memory_space<vmem>>[vector<16xi32>, vector<16xi32>], vector<16xf32>,
          %gather3A_1208 = arith.constant 0 : i32
          %gather3A_1209 = arith.constant 0 : i32
          %gather3A_1210 = arith.constant 0 : i32
          %gather3A_1211 = tpu.memref_slice %arg7[%gather3A_1208, %gather3A_1209, %gather3A_1210] : memref<2x128x32xf32, #tpu.memory_space<vmem>> -> memref<1x128x32xf32, #tpu.memory_space<vmem>>
          %gather3A_1212 = tpu.memref_squeeze %gather3A_1211 : memref<1x128x32xf32, #tpu.memory_space<vmem>> -> memref<128x32xf32, #tpu.memory_space<vmem>>
          %gather3A_1213 = tpu.vector_load_idx %gather3A_1212[%add3A_21, %and3A_1165] : memref<128x32xf32, #tpu.memory_space<vmem>>[vector<16xi32>, vector<16xi32>], vector<16xf32>,
          %gather3A_1214 = arith.constant 0 : i32
          %gather3A_1215 = arith.constant 0 : i32
          %gather3A_1216 = arith.constant 0 : i32
          %gather3A_1217 = tpu.memref_slice %arg7[%gather3A_1214, %gather3A_1215, %gather3A_1216] : memref<2x128x32xf32, #tpu.memory_space<vmem>> -> memref<1x128x32xf32, #tpu.memory_space<vmem>>
          %gather3A_1218 = tpu.memref_squeeze %gather3A_1217 : memref<1x128x32xf32, #tpu.memory_space<vmem>> -> memref<128x32xf32, #tpu.memory_space<vmem>>
          %gather3A_1219 = tpu.vector_load_idx %gather3A_1218[%add3A_24, %and3A_1165] : memref<128x32xf32, #tpu.memory_space<vmem>>[vector<16xi32>, vector<16xi32>], vector<16xf32>,
          %scatter3A_1220 = arith.constant 0 : i32
          %scatter3A_1221 = arith.constant 0 : i32
          %scatter3A_1222 = arith.constant 0 : i32
          %scatter3A_1223 = arith.constant 0 : i32
          %scatter3A_1224 = tpu.memref_slice %arg8[%scatter3A_1220, %scatter3A_1221, %scatter3A_1222, %scatter3A_1223] : memref<2x4x8x128xf32, #tpu.memory_space<vmem>> -> memref<1x4x8x128xf32, #tpu.memory_space<vmem>>
          %scatter3A_1225 = tpu.memref_squeeze %scatter3A_1224 : memref<1x4x8x128xf32, #tpu.memory_space<vmem>> -> memref<4x8x128xf32, #tpu.memory_space<vmem>>
          tpu.vector_store_idx %scatter3A_1225[%shift_right_logical3A_1168, %and3A_1171, %add3A_3], %gather3A_1177 : memref<4x8x128xf32, #tpu.memory_space<vmem>>[vector<16xi32>, vector<16xi32>, vector<16xi32>], vector<16xf32>,
          %scatter3A_1226 = arith.constant 0 : i32
          %scatter3A_1227 = arith.constant 0 : i32
          %scatter3A_1228 = arith.constant 0 : i32
          %scatter3A_1229 = arith.constant 0 : i32
          %scatter3A_1230 = tpu.memref_slice %arg8[%scatter3A_1226, %scatter3A_1227, %scatter3A_1228, %scatter3A_1229] : memref<2x4x8x128xf32, #tpu.memory_space<vmem>> -> memref<1x4x8x128xf32, #tpu.memory_space<vmem>>
          %scatter3A_1231 = tpu.memref_squeeze %scatter3A_1230 : memref<1x4x8x128xf32, #tpu.memory_space<vmem>> -> memref<4x8x128xf32, #tpu.memory_space<vmem>>
          tpu.vector_store_idx %scatter3A_1231[%shift_right_logical3A_1168, %and3A_1171, %add3A_6], %gather3A_1183 : memref<4x8x128xf32, #tpu.memory_space<vmem>>[vector<16xi32>, vector<16xi32>, vector<16xi32>], vector<16xf32>,
          %scatter3A_1232 = arith.constant 0 : i32
          %scatter3A_1233 = arith.constant 0 : i32
          %scatter3A_1234 = arith.constant 0 : i32
          %scatter3A_1235 = arith.constant 0 : i32
          %scatter3A_1236 = tpu.memref_slice %arg8[%scatter3A_1232, %scatter3A_1233, %scatter3A_1234, %scatter3A_1235] : memref<2x4x8x128xf32, #tpu.memory_space<vmem>> -> memref<1x4x8x128xf32, #tpu.memory_space<vmem>>
          %scatter3A_1237 = tpu.memref_squeeze %scatter3A_1236 : memref<1x4x8x128xf32, #tpu.memory_space<vmem>> -> memref<4x8x128xf32, #tpu.memory_space<vmem>>
          tpu.vector_store_idx %scatter3A_1237[%shift_right_logical3A_1168, %and3A_1171, %add3A_9], %gather3A_1189 : memref<4x8x128xf32, #tpu.memory_space<vmem>>[vector<16xi32>, vector<16xi32>, vector<16xi32>], vector<16xf32>,
          %scatter3A_1238 = arith.constant 0 : i32
          %scatter3A_1239 = arith.constant 0 : i32
          %scatter3A_1240 = arith.constant 0 : i32
          %scatter3A_1241 = arith.constant 0 : i32
          %scatter3A_1242 = tpu.memref_slice %arg8[%scatter3A_1238, %scatter3A_1239, %scatter3A_1240, %scatter3A_1241] : memref<2x4x8x128xf32, #tpu.memory_space<vmem>> -> memref<1x4x8x128xf32, #tpu.memory_space<vmem>>
          %scatter3A_1243 = tpu.memref_squeeze %scatter3A_1242 : memref<1x4x8x128xf32, #tpu.memory_space<vmem>> -> memref<4x8x128xf32, #tpu.memory_space<vmem>>
          tpu.vector_store_idx %scatter3A_1243[%shift_right_logical3A_1168, %and3A_1171, %add3A_12], %gather3A_1195 : memref<4x8x128xf32, #tpu.memory_space<vmem>>[vector<16xi32>, vector<16xi32>, vector<16xi32>], vector<16xf32>,
          %scatter3A_1244 = arith.constant 0 : i32
          %scatter3A_1245 = arith.constant 0 : i32
          %scatter3A_1246 = arith.constant 0 : i32
          %scatter3A_1247 = arith.constant 0 : i32
          %scatter3A_1248 = tpu.memref_slice %arg8[%scatter3A_1244, %scatter3A_1245, %scatter3A_1246, %scatter3A_1247] : memref<2x4x8x128xf32, #tpu.memory_space<vmem>> -> memref<1x4x8x128xf32, #tpu.memory_space<vmem>>
          %scatter3A_1249 = tpu.memref_squeeze %scatter3A_1248 : memref<1x4x8x128xf32, #tpu.memory_space<vmem>> -> memref<4x8x128xf32, #tpu.memory_space<vmem>>
          tpu.vector_store_idx %scatter3A_1249[%shift_right_logical3A_1168, %and3A_1171, %add3A_15], %gather3A_1201 : memref<4x8x128xf32, #tpu.memory_space<vmem>>[vector<16xi32>, vector<16xi32>, vector<16xi32>], vector<16xf32>,
          %scatter3A_1250 = arith.constant 0 : i32
          %scatter3A_1251 = arith.constant 0 : i32
          %scatter3A_1252 = arith.constant 0 : i32
          %scatter3A_1253 = arith.constant 0 : i32
          %scatter3A_1254 = tpu.memref_slice %arg8[%scatter3A_1250, %scatter3A_1251, %scatter3A_1252, %scatter3A_1253] : memref<2x4x8x128xf32, #tpu.memory_space<vmem>> -> memref<1x4x8x128xf32, #tpu.memory_space<vmem>>
          %scatter3A_1255 = tpu.memref_squeeze %scatter3A_1254 : memref<1x4x8x128xf32, #tpu.memory_space<vmem>> -> memref<4x8x128xf32, #tpu.memory_space<vmem>>
          tpu.vector_store_idx %scatter3A_1255[%shift_right_logical3A_1168, %and3A_1171, %add3A_18], %gather3A_1207 : memref<4x8x128xf32, #tpu.memory_space<vmem>>[vector<16xi32>, vector<16xi32>, vector<16xi32>], vector<16xf32>,
          %scatter3A_1256 = arith.constant 0 : i32
          %scatter3A_1257 = arith.constant 0 : i32
          %scatter3A_1258 = arith.constant 0 : i32
          %scatter3A_1259 = arith.constant 0 : i32
          %scatter3A_1260 = tpu.memref_slice %arg8[%scatter3A_1256, %scatter3A_1257, %scatter3A_1258, %scatter3A_1259] : memref<2x4x8x128xf32, #tpu.memory_space<vmem>> -> memref<1x4x8x128xf32, #tpu.memory_space<vmem>>
          %scatter3A_1261 = tpu.memref_squeeze %scatter3A_1260 : memref<1x4x8x128xf32, #tpu.memory_space<vmem>> -> memref<4x8x128xf32, #tpu.memory_space<vmem>>
          tpu.vector_store_idx %scatter3A_1261[%shift_right_logical3A_1168, %and3A_1171, %add3A_21], %gather3A_1213 : memref<4x8x128xf32, #tpu.memory_space<vmem>>[vector<16xi32>, vector<16xi32>, vector<16xi32>], vector<16xf32>,
          %scatter3A_1262 = arith.constant 0 : i32
          %scatter3A_1263 = arith.constant 0 : i32
          %scatter3A_1264 = arith.constant 0 : i32
          %scatter3A_1265 = arith.constant 0 : i32
          %scatter3A_1266 = tpu.memref_slice %arg8[%scatter3A_1262, %scatter3A_1263, %scatter3A_1264, %scatter3A_1265] : memref<2x4x8x128xf32, #tpu.memory_space<vmem>> -> memref<1x4x8x128xf32, #tpu.memory_space<vmem>>
          %scatter3A_1267 = tpu.memref_squeeze %scatter3A_1266 : memref<1x4x8x128xf32, #tpu.memory_space<vmem>> -> memref<4x8x128xf32, #tpu.memory_space<vmem>>
          tpu.vector_store_idx %scatter3A_1267[%shift_right_logical3A_1168, %and3A_1171, %add3A_24], %gather3A_1219 : memref<4x8x128xf32, #tpu.memory_space<vmem>>[vector<16xi32>, vector<16xi32>, vector<16xi32>], vector<16xf32>,
        }
        %scan3A_744 = arith.constant 8 : i32
        %sub3A_745 = arith.constant 1 : i32
        %sub3A_746 = arith.subi %add3A_633, %sub3A_745 : i32
        %add3A_747 = arith.constant 0 : i32
        %add3A_748 = arith.addi %add3A_747, %add3A_32 : i32
        %dma_start3A_749 = arith.constant 0 : i32
        %dma_start3A_750 = arith.constant 0 : i32
        %dma_start3A_751 = arith.constant 0 : i32
        %dma_start3A_752 = arith.constant 0 : i32
        %dma_start3A_753 = tpu.memref_slice %arg8[%dma_start3A_749, %dma_start3A_750, %dma_start3A_751, %dma_start3A_752] : memref<2x4x8x128xf32, #tpu.memory_space<vmem>> -> memref<1x1x8x128xf32, #tpu.memory_space<vmem>>
        %dma_start3A_754 = tpu.memref_squeeze %dma_start3A_753 : memref<1x1x8x128xf32, #tpu.memory_space<vmem>> -> memref<8x128xf32, #tpu.memory_space<vmem>>
        %dma_start3A_755 = arith.constant 0 : i32
        %dma_start3A_756 = arith.constant 0 : i32
        %dma_start3A_757 = tpu.memref_slice %arg4[%sub3A_746, %add3A_748, %dma_start3A_755, %dma_start3A_756] : memref<200x512x8x128xf32, #tpu.memory_space<hbm>> -> memref<1x1x8x128xf32, #tpu.memory_space<hbm>>
        %dma_start3A_758 = tpu.memref_squeeze %dma_start3A_757 : memref<1x1x8x128xf32, #tpu.memory_space<hbm>> -> memref<8x128xf32, #tpu.memory_space<hbm>>
        %dma_start3A_759 = arith.constant 0 : i32
        %dma_start3A_760 = arith.constant 0 : i32
        %dma_start3A_761 = tpu.memref_slice %arg4[%sub3A_746, %add3A_748, %dma_start3A_759, %dma_start3A_760] : memref<200x512x8x128xf32, #tpu.memory_space<hbm>> -> memref<1x1x8x128xf32, #tpu.memory_space<hbm>>
        %dma_start3A_762 = tpu.memref_squeeze %dma_start3A_761 : memref<1x1x8x128xf32, #tpu.memory_space<hbm>> -> memref<8x128xf32, #tpu.memory_space<hbm>>
        %dma_start3A_763 = arith.constant 0 : i32
        %dma_start3A_764 = arith.constant 0 : i32
        %dma_start3A_765 = tpu.memref_slice %arg8[%dma_start3A_749, %dma_start3A_750, %dma_start3A_763, %dma_start3A_764] : memref<2x4x8x128xf32, #tpu.memory_space<vmem>> -> memref<1x1x8x128xf32, #tpu.memory_space<vmem>>
        %dma_start3A_766 = tpu.memref_squeeze %dma_start3A_765 : memref<1x1x8x128xf32, #tpu.memory_space<vmem>> -> memref<8x128xf32, #tpu.memory_space<vmem>>
        tpu.enqueue_dma source(%dma_start3A_766 : memref<8x128xf32, #tpu.memory_space<vmem>>) target(%dma_start3A_762 : memref<8x128xf32, #tpu.memory_space<hbm>>) target_semaphore(%arg11 : memref<!tpu.dma_semaphore, #tpu.memory_space<semaphore_mem>>)
        %add3A_767 = arith.constant 128 : i32
        %add3A_768 = arith.addi %add3A_767, %add3A_32 : i32
        %dma_start3A_769 = arith.constant 0 : i32
        %dma_start3A_770 = arith.constant 1 : i32
        %dma_start3A_771 = arith.constant 0 : i32
        %dma_start3A_772 = arith.constant 0 : i32
        %dma_start3A_773 = tpu.memref_slice %arg8[%dma_start3A_769, %dma_start3A_770, %dma_start3A_771, %dma_start3A_772] : memref<2x4x8x128xf32, #tpu.memory_space<vmem>> -> memref<1x1x8x128xf32, #tpu.memory_space<vmem>>
        %dma_start3A_774 = tpu.memref_squeeze %dma_start3A_773 : memref<1x1x8x128xf32, #tpu.memory_space<vmem>> -> memref<8x128xf32, #tpu.memory_space<vmem>>
        %dma_start3A_775 = arith.constant 0 : i32
        %dma_start3A_776 = arith.constant 0 : i32
        %dma_start3A_777 = tpu.memref_slice %arg4[%sub3A_746, %add3A_768, %dma_start3A_775, %dma_start3A_776] : memref<200x512x8x128xf32, #tpu.memory_space<hbm>> -> memref<1x1x8x128xf32, #tpu.memory_space<hbm>>
        %dma_start3A_778 = tpu.memref_squeeze %dma_start3A_777 : memref<1x1x8x128xf32, #tpu.memory_space<hbm>> -> memref<8x128xf32, #tpu.memory_space<hbm>>
        %dma_start3A_779 = arith.constant 0 : i32
        %dma_start3A_780 = arith.constant 0 : i32
        %dma_start3A_781 = tpu.memref_slice %arg4[%sub3A_746, %add3A_768, %dma_start3A_779, %dma_start3A_780] : memref<200x512x8x128xf32, #tpu.memory_space<hbm>> -> memref<1x1x8x128xf32, #tpu.memory_space<hbm>>
        %dma_start3A_782 = tpu.memref_squeeze %dma_start3A_781 : memref<1x1x8x128xf32, #tpu.memory_space<hbm>> -> memref<8x128xf32, #tpu.memory_space<hbm>>
        %dma_start3A_783 = arith.constant 0 : i32
        %dma_start3A_784 = arith.constant 0 : i32
        %dma_start3A_785 = tpu.memref_slice %arg8[%dma_start3A_769, %dma_start3A_770, %dma_start3A_783, %dma_start3A_784] : memref<2x4x8x128xf32, #tpu.memory_space<vmem>> -> memref<1x1x8x128xf32, #tpu.memory_space<vmem>>
        %dma_start3A_786 = tpu.memref_squeeze %dma_start3A_785 : memref<1x1x8x128xf32, #tpu.memory_space<vmem>> -> memref<8x128xf32, #tpu.memory_space<vmem>>
        tpu.enqueue_dma source(%dma_start3A_786 : memref<8x128xf32, #tpu.memory_space<vmem>>) target(%dma_start3A_782 : memref<8x128xf32, #tpu.memory_space<hbm>>) target_semaphore(%arg11 : memref<!tpu.dma_semaphore, #tpu.memory_space<semaphore_mem>>)
        %add3A_787 = arith.constant 256 : i32
        %add3A_788 = arith.addi %add3A_787, %add3A_32 : i32
        %dma_start3A_789 = arith.constant 0 : i32
        %dma_start3A_790 = arith.constant 2 : i32
        %dma_start3A_791 = arith.constant 0 : i32
        %dma_start3A_792 = arith.constant 0 : i32
        %dma_start3A_793 = tpu.memref_slice %arg8[%dma_start3A_789, %dma_start3A_790, %dma_start3A_791, %dma_start3A_792] : memref<2x4x8x128xf32, #tpu.memory_space<vmem>> -> memref<1x1x8x128xf32, #tpu.memory_space<vmem>>
        %dma_start3A_794 = tpu.memref_squeeze %dma_start3A_793 : memref<1x1x8x128xf32, #tpu.memory_space<vmem>> -> memref<8x128xf32, #tpu.memory_space<vmem>>
        %dma_start3A_795 = arith.constant 0 : i32
        %dma_start3A_796 = arith.constant 0 : i32
        %dma_start3A_797 = tpu.memref_slice %arg4[%sub3A_746, %add3A_788, %dma_start3A_795, %dma_start3A_796] : memref<200x512x8x128xf32, #tpu.memory_space<hbm>> -> memref<1x1x8x128xf32, #tpu.memory_space<hbm>>
        %dma_start3A_798 = tpu.memref_squeeze %dma_start3A_797 : memref<1x1x8x128xf32, #tpu.memory_space<hbm>> -> memref<8x128xf32, #tpu.memory_space<hbm>>
        %dma_start3A_799 = arith.constant 0 : i32
        %dma_start3A_800 = arith.constant 0 : i32
        %dma_start3A_801 = tpu.memref_slice %arg4[%sub3A_746, %add3A_788, %dma_start3A_799, %dma_start3A_800] : memref<200x512x8x128xf32, #tpu.memory_space<hbm>> -> memref<1x1x8x128xf32, #tpu.memory_space<hbm>>
        %dma_start3A_802 = tpu.memref_squeeze %dma_start3A_801 : memref<1x1x8x128xf32, #tpu.memory_space<hbm>> -> memref<8x128xf32, #tpu.memory_space<hbm>>
        %dma_start3A_803 = arith.constant 0 : i32
        %dma_start3A_804 = arith.constant 0 : i32
        %dma_start3A_805 = tpu.memref_slice %arg8[%dma_start3A_789, %dma_start3A_790, %dma_start3A_803, %dma_start3A_804] : memref<2x4x8x128xf32, #tpu.memory_space<vmem>> -> memref<1x1x8x128xf32, #tpu.memory_space<vmem>>
        %dma_start3A_806 = tpu.memref_squeeze %dma_start3A_805 : memref<1x1x8x128xf32, #tpu.memory_space<vmem>> -> memref<8x128xf32, #tpu.memory_space<vmem>>
        tpu.enqueue_dma source(%dma_start3A_806 : memref<8x128xf32, #tpu.memory_space<vmem>>) target(%dma_start3A_802 : memref<8x128xf32, #tpu.memory_space<hbm>>) target_semaphore(%arg11 : memref<!tpu.dma_semaphore, #tpu.memory_space<semaphore_mem>>)
        %add3A_807 = arith.constant 384 : i32
        %add3A_808 = arith.addi %add3A_807, %add3A_32 : i32
        %dma_start3A_809 = arith.constant 0 : i32
        %dma_start3A_810 = arith.constant 3 : i32
        %dma_start3A_811 = arith.constant 0 : i32
        %dma_start3A_812 = arith.constant 0 : i32
        %dma_start3A_813 = tpu.memref_slice %arg8[%dma_start3A_809, %dma_start3A_810, %dma_start3A_811, %dma_start3A_812] : memref<2x4x8x128xf32, #tpu.memory_space<vmem>> -> memref<1x1x8x128xf32, #tpu.memory_space<vmem>>
        %dma_start3A_814 = tpu.memref_squeeze %dma_start3A_813 : memref<1x1x8x128xf32, #tpu.memory_space<vmem>> -> memref<8x128xf32, #tpu.memory_space<vmem>>
        %dma_start3A_815 = arith.constant 0 : i32
        %dma_start3A_816 = arith.constant 0 : i32
        %dma_start3A_817 = tpu.memref_slice %arg4[%sub3A_746, %add3A_808, %dma_start3A_815, %dma_start3A_816] : memref<200x512x8x128xf32, #tpu.memory_space<hbm>> -> memref<1x1x8x128xf32, #tpu.memory_space<hbm>>
        %dma_start3A_818 = tpu.memref_squeeze %dma_start3A_817 : memref<1x1x8x128xf32, #tpu.memory_space<hbm>> -> memref<8x128xf32, #tpu.memory_space<hbm>>
        %dma_start3A_819 = arith.constant 0 : i32
        %dma_start3A_820 = arith.constant 0 : i32
        %dma_start3A_821 = tpu.memref_slice %arg4[%sub3A_746, %add3A_808, %dma_start3A_819, %dma_start3A_820] : memref<200x512x8x128xf32, #tpu.memory_space<hbm>> -> memref<1x1x8x128xf32, #tpu.memory_space<hbm>>
        %dma_start3A_822 = tpu.memref_squeeze %dma_start3A_821 : memref<1x1x8x128xf32, #tpu.memory_space<hbm>> -> memref<8x128xf32, #tpu.memory_space<hbm>>
        %dma_start3A_823 = arith.constant 0 : i32
        %dma_start3A_824 = arith.constant 0 : i32
        %dma_start3A_825 = tpu.memref_slice %arg8[%dma_start3A_809, %dma_start3A_810, %dma_start3A_823, %dma_start3A_824] : memref<2x4x8x128xf32, #tpu.memory_space<vmem>> -> memref<1x1x8x128xf32, #tpu.memory_space<vmem>>
        %dma_start3A_826 = tpu.memref_squeeze %dma_start3A_825 : memref<1x1x8x128xf32, #tpu.memory_space<vmem>> -> memref<8x128xf32, #tpu.memory_space<vmem>>
        tpu.enqueue_dma source(%dma_start3A_826 : memref<8x128xf32, #tpu.memory_space<vmem>>) target(%dma_start3A_822 : memref<8x128xf32, #tpu.memory_space<hbm>>) target_semaphore(%arg11 : memref<!tpu.dma_semaphore, #tpu.memory_space<semaphore_mem>>)
      }
      %scan3A_167 = arith.constant 99 : i32
      %dma_wait3A_168 = arith.constant 199 : i32
      %dma_wait3A_169 = arith.constant 1 : i32
      %dma_wait3A_170 = arith.constant 0 : i32
      %dma_wait3A_171 = arith.constant 0 : i32
      %dma_wait3A_172 = tpu.memref_slice %arg7[%dma_wait3A_169, %dma_wait3A_170, %dma_wait3A_171] : memref<2x128x32xf32, #tpu.memory_space<vmem>> -> memref<1x128x32xf32, #tpu.memory_space<vmem>>
      %dma_wait3A_173 = tpu.memref_squeeze %dma_wait3A_172 : memref<1x128x32xf32, #tpu.memory_space<vmem>> -> memref<128x32xf32, #tpu.memory_space<vmem>>
      %dma_wait3A_174 = arith.constant 0 : i32
      %dma_wait3A_175 = tpu.memref_slice %arg6[%dma_wait3A_168, %dma_wait3A_174] : memref<208x128xi32, #tpu.memory_space<vmem>> -> memref<1x128xi32, #tpu.memory_space<vmem>>
      %dma_wait3A_176 = tpu.memref_squeeze %dma_wait3A_175 : memref<1x128xi32, #tpu.memory_space<vmem>> -> memref<128xi32, #tpu.memory_space<vmem>>
      %dma_wait3A_177 = arith.constant 0 : i32
      %dma_wait3A_178 = arith.constant 0 : i32
      %dma_wait3A_179 = tpu.memref_slice %arg3[%dma_wait3A_177, %dma_wait3A_178] : memref<1000000x32xf32, #tpu.memory_space<hbm>> -> memref<1000000x32xf32, #tpu.memory_space<hbm>>
      tpu.wait_indirect_dma semaphore(%arg10 : memref<!tpu.dma_semaphore, #tpu.memory_space<semaphore_mem>>) src(%dma_wait3A_179 : memref<1000000x32xf32, #tpu.memory_space<hbm>>) dst(%dma_wait3A_173 : memref<128x32xf32, #tpu.memory_space<vmem>>)
      %scan3A_180 = arith.constant 0 : i32
      %scan3A_181 = arith.constant 8 : i32
      %scan3A_182 = arith.addi %scan3A_180, %scan3A_181 : i32
      %scan3A_183 = arith.constant 1 : i32
      scf.for %scan3A_437 = %scan3A_180 to %scan3A_182 step %scan3A_183  : i32 {
        %mul3A_438 = arith.constant 4 : i32
        %mul3A_439 = arith.muli %mul3A_438, %scan3A_437 : i32
        %add3A_440 = arith.constant 0 : i32
        %add3A_441 = arith.addi %mul3A_439, %add3A_440 : i32
        %add3A_442 = vector.broadcast %add3A_441 : i32 to vector<16xi32>
        %add3A_443 = arith.addi %iota3A, %add3A_442 : vector<16xi32>
        %and3A = arith.constant 31 : i32
        %and3A_444 = vector.broadcast %and3A : i32 to vector<16xi32>
        %and3A_445 = arith.andi %add3A_443, %and3A_444 : vector<16xi32>
        %shift_right_logical3A = arith.constant 3 : i32
        %shift_right_logical3A_446 = vector.broadcast %shift_right_logical3A : i32 to vector<16xi32>
        %shift_right_logical3A_447 = arith.shrui %and3A_445, %shift_right_logical3A_446 : vector<16xi32>
        %and3A_448 = arith.constant 7 : i32
        %and3A_449 = vector.broadcast %and3A_448 : i32 to vector<16xi32>
        %and3A_450 = arith.andi %and3A_445, %and3A_449 : vector<16xi32>
        %gather3A = arith.constant 1 : i32
        %gather3A_451 = arith.constant 0 : i32
        %gather3A_452 = arith.constant 0 : i32
        %gather3A_453 = tpu.memref_slice %arg7[%gather3A, %gather3A_451, %gather3A_452] : memref<2x128x32xf32, #tpu.memory_space<vmem>> -> memref<1x128x32xf32, #tpu.memory_space<vmem>>
        %gather3A_454 = tpu.memref_squeeze %gather3A_453 : memref<1x128x32xf32, #tpu.memory_space<vmem>> -> memref<128x32xf32, #tpu.memory_space<vmem>>
        %gather3A_455 = tpu.vector_load_idx %gather3A_454[%add3A_3, %and3A_445] : memref<128x32xf32, #tpu.memory_space<vmem>>[vector<16xi32>, vector<16xi32>], vector<16xf32>,
        %gather3A_456 = arith.constant 1 : i32
        %gather3A_457 = arith.constant 0 : i32
        %gather3A_458 = arith.constant 0 : i32
        %gather3A_459 = tpu.memref_slice %arg7[%gather3A_456, %gather3A_457, %gather3A_458] : memref<2x128x32xf32, #tpu.memory_space<vmem>> -> memref<1x128x32xf32, #tpu.memory_space<vmem>>
        %gather3A_460 = tpu.memref_squeeze %gather3A_459 : memref<1x128x32xf32, #tpu.memory_space<vmem>> -> memref<128x32xf32, #tpu.memory_space<vmem>>
        %gather3A_461 = tpu.vector_load_idx %gather3A_460[%add3A_6, %and3A_445] : memref<128x32xf32, #tpu.memory_space<vmem>>[vector<16xi32>, vector<16xi32>], vector<16xf32>,
        %gather3A_462 = arith.constant 1 : i32
        %gather3A_463 = arith.constant 0 : i32
        %gather3A_464 = arith.constant 0 : i32
        %gather3A_465 = tpu.memref_slice %arg7[%gather3A_462, %gather3A_463, %gather3A_464] : memref<2x128x32xf32, #tpu.memory_space<vmem>> -> memref<1x128x32xf32, #tpu.memory_space<vmem>>
        %gather3A_466 = tpu.memref_squeeze %gather3A_465 : memref<1x128x32xf32, #tpu.memory_space<vmem>> -> memref<128x32xf32, #tpu.memory_space<vmem>>
        %gather3A_467 = tpu.vector_load_idx %gather3A_466[%add3A_9, %and3A_445] : memref<128x32xf32, #tpu.memory_space<vmem>>[vector<16xi32>, vector<16xi32>], vector<16xf32>,
        %gather3A_468 = arith.constant 1 : i32
        %gather3A_469 = arith.constant 0 : i32
        %gather3A_470 = arith.constant 0 : i32
        %gather3A_471 = tpu.memref_slice %arg7[%gather3A_468, %gather3A_469, %gather3A_470] : memref<2x128x32xf32, #tpu.memory_space<vmem>> -> memref<1x128x32xf32, #tpu.memory_space<vmem>>
        %gather3A_472 = tpu.memref_squeeze %gather3A_471 : memref<1x128x32xf32, #tpu.memory_space<vmem>> -> memref<128x32xf32, #tpu.memory_space<vmem>>
        %gather3A_473 = tpu.vector_load_idx %gather3A_472[%add3A_12, %and3A_445] : memref<128x32xf32, #tpu.memory_space<vmem>>[vector<16xi32>, vector<16xi32>], vector<16xf32>,
        %gather3A_474 = arith.constant 1 : i32
        %gather3A_475 = arith.constant 0 : i32
        %gather3A_476 = arith.constant 0 : i32
        %gather3A_477 = tpu.memref_slice %arg7[%gather3A_474, %gather3A_475, %gather3A_476] : memref<2x128x32xf32, #tpu.memory_space<vmem>> -> memref<1x128x32xf32, #tpu.memory_space<vmem>>
        %gather3A_478 = tpu.memref_squeeze %gather3A_477 : memref<1x128x32xf32, #tpu.memory_space<vmem>> -> memref<128x32xf32, #tpu.memory_space<vmem>>
        %gather3A_479 = tpu.vector_load_idx %gather3A_478[%add3A_15, %and3A_445] : memref<128x32xf32, #tpu.memory_space<vmem>>[vector<16xi32>, vector<16xi32>], vector<16xf32>,
        %gather3A_480 = arith.constant 1 : i32
        %gather3A_481 = arith.constant 0 : i32
        %gather3A_482 = arith.constant 0 : i32
        %gather3A_483 = tpu.memref_slice %arg7[%gather3A_480, %gather3A_481, %gather3A_482] : memref<2x128x32xf32, #tpu.memory_space<vmem>> -> memref<1x128x32xf32, #tpu.memory_space<vmem>>
        %gather3A_484 = tpu.memref_squeeze %gather3A_483 : memref<1x128x32xf32, #tpu.memory_space<vmem>> -> memref<128x32xf32, #tpu.memory_space<vmem>>
        %gather3A_485 = tpu.vector_load_idx %gather3A_484[%add3A_18, %and3A_445] : memref<128x32xf32, #tpu.memory_space<vmem>>[vector<16xi32>, vector<16xi32>], vector<16xf32>,
        %gather3A_486 = arith.constant 1 : i32
        %gather3A_487 = arith.constant 0 : i32
        %gather3A_488 = arith.constant 0 : i32
        %gather3A_489 = tpu.memref_slice %arg7[%gather3A_486, %gather3A_487, %gather3A_488] : memref<2x128x32xf32, #tpu.memory_space<vmem>> -> memref<1x128x32xf32, #tpu.memory_space<vmem>>
        %gather3A_490 = tpu.memref_squeeze %gather3A_489 : memref<1x128x32xf32, #tpu.memory_space<vmem>> -> memref<128x32xf32, #tpu.memory_space<vmem>>
        %gather3A_491 = tpu.vector_load_idx %gather3A_490[%add3A_21, %and3A_445] : memref<128x32xf32, #tpu.memory_space<vmem>>[vector<16xi32>, vector<16xi32>], vector<16xf32>,
        %gather3A_492 = arith.constant 1 : i32
        %gather3A_493 = arith.constant 0 : i32
        %gather3A_494 = arith.constant 0 : i32
        %gather3A_495 = tpu.memref_slice %arg7[%gather3A_492, %gather3A_493, %gather3A_494] : memref<2x128x32xf32, #tpu.memory_space<vmem>> -> memref<1x128x32xf32, #tpu.memory_space<vmem>>
        %gather3A_496 = tpu.memref_squeeze %gather3A_495 : memref<1x128x32xf32, #tpu.memory_space<vmem>> -> memref<128x32xf32, #tpu.memory_space<vmem>>
        %gather3A_497 = tpu.vector_load_idx %gather3A_496[%add3A_24, %and3A_445] : memref<128x32xf32, #tpu.memory_space<vmem>>[vector<16xi32>, vector<16xi32>], vector<16xf32>,
        %scatter3A = arith.constant 1 : i32
        %scatter3A_498 = arith.constant 0 : i32
        %scatter3A_499 = arith.constant 0 : i32
        %scatter3A_500 = arith.constant 0 : i32
        %scatter3A_501 = tpu.memref_slice %arg8[%scatter3A, %scatter3A_498, %scatter3A_499, %scatter3A_500] : memref<2x4x8x128xf32, #tpu.memory_space<vmem>> -> memref<1x4x8x128xf32, #tpu.memory_space<vmem>>
        %scatter3A_502 = tpu.memref_squeeze %scatter3A_501 : memref<1x4x8x128xf32, #tpu.memory_space<vmem>> -> memref<4x8x128xf32, #tpu.memory_space<vmem>>
        tpu.vector_store_idx %scatter3A_502[%shift_right_logical3A_447, %and3A_450, %add3A_3], %gather3A_455 : memref<4x8x128xf32, #tpu.memory_space<vmem>>[vector<16xi32>, vector<16xi32>, vector<16xi32>], vector<16xf32>,
        %scatter3A_503 = arith.constant 1 : i32
        %scatter3A_504 = arith.constant 0 : i32
        %scatter3A_505 = arith.constant 0 : i32
        %scatter3A_506 = arith.constant 0 : i32
        %scatter3A_507 = tpu.memref_slice %arg8[%scatter3A_503, %scatter3A_504, %scatter3A_505, %scatter3A_506] : memref<2x4x8x128xf32, #tpu.memory_space<vmem>> -> memref<1x4x8x128xf32, #tpu.memory_space<vmem>>
        %scatter3A_508 = tpu.memref_squeeze %scatter3A_507 : memref<1x4x8x128xf32, #tpu.memory_space<vmem>> -> memref<4x8x128xf32, #tpu.memory_space<vmem>>
        tpu.vector_store_idx %scatter3A_508[%shift_right_logical3A_447, %and3A_450, %add3A_6], %gather3A_461 : memref<4x8x128xf32, #tpu.memory_space<vmem>>[vector<16xi32>, vector<16xi32>, vector<16xi32>], vector<16xf32>,
        %scatter3A_509 = arith.constant 1 : i32
        %scatter3A_510 = arith.constant 0 : i32
        %scatter3A_511 = arith.constant 0 : i32
        %scatter3A_512 = arith.constant 0 : i32
        %scatter3A_513 = tpu.memref_slice %arg8[%scatter3A_509, %scatter3A_510, %scatter3A_511, %scatter3A_512] : memref<2x4x8x128xf32, #tpu.memory_space<vmem>> -> memref<1x4x8x128xf32, #tpu.memory_space<vmem>>
        %scatter3A_514 = tpu.memref_squeeze %scatter3A_513 : memref<1x4x8x128xf32, #tpu.memory_space<vmem>> -> memref<4x8x128xf32, #tpu.memory_space<vmem>>
        tpu.vector_store_idx %scatter3A_514[%shift_right_logical3A_447, %and3A_450, %add3A_9], %gather3A_467 : memref<4x8x128xf32, #tpu.memory_space<vmem>>[vector<16xi32>, vector<16xi32>, vector<16xi32>], vector<16xf32>,
        %scatter3A_515 = arith.constant 1 : i32
        %scatter3A_516 = arith.constant 0 : i32
        %scatter3A_517 = arith.constant 0 : i32
        %scatter3A_518 = arith.constant 0 : i32
        %scatter3A_519 = tpu.memref_slice %arg8[%scatter3A_515, %scatter3A_516, %scatter3A_517, %scatter3A_518] : memref<2x4x8x128xf32, #tpu.memory_space<vmem>> -> memref<1x4x8x128xf32, #tpu.memory_space<vmem>>
        %scatter3A_520 = tpu.memref_squeeze %scatter3A_519 : memref<1x4x8x128xf32, #tpu.memory_space<vmem>> -> memref<4x8x128xf32, #tpu.memory_space<vmem>>
        tpu.vector_store_idx %scatter3A_520[%shift_right_logical3A_447, %and3A_450, %add3A_12], %gather3A_473 : memref<4x8x128xf32, #tpu.memory_space<vmem>>[vector<16xi32>, vector<16xi32>, vector<16xi32>], vector<16xf32>,
        %scatter3A_521 = arith.constant 1 : i32
        %scatter3A_522 = arith.constant 0 : i32
        %scatter3A_523 = arith.constant 0 : i32
        %scatter3A_524 = arith.constant 0 : i32
        %scatter3A_525 = tpu.memref_slice %arg8[%scatter3A_521, %scatter3A_522, %scatter3A_523, %scatter3A_524] : memref<2x4x8x128xf32, #tpu.memory_space<vmem>> -> memref<1x4x8x128xf32, #tpu.memory_space<vmem>>
        %scatter3A_526 = tpu.memref_squeeze %scatter3A_525 : memref<1x4x8x128xf32, #tpu.memory_space<vmem>> -> memref<4x8x128xf32, #tpu.memory_space<vmem>>
        tpu.vector_store_idx %scatter3A_526[%shift_right_logical3A_447, %and3A_450, %add3A_15], %gather3A_479 : memref<4x8x128xf32, #tpu.memory_space<vmem>>[vector<16xi32>, vector<16xi32>, vector<16xi32>], vector<16xf32>,
        %scatter3A_527 = arith.constant 1 : i32
        %scatter3A_528 = arith.constant 0 : i32
        %scatter3A_529 = arith.constant 0 : i32
        %scatter3A_530 = arith.constant 0 : i32
        %scatter3A_531 = tpu.memref_slice %arg8[%scatter3A_527, %scatter3A_528, %scatter3A_529, %scatter3A_530] : memref<2x4x8x128xf32, #tpu.memory_space<vmem>> -> memref<1x4x8x128xf32, #tpu.memory_space<vmem>>
        %scatter3A_532 = tpu.memref_squeeze %scatter3A_531 : memref<1x4x8x128xf32, #tpu.memory_space<vmem>> -> memref<4x8x128xf32, #tpu.memory_space<vmem>>
        tpu.vector_store_idx %scatter3A_532[%shift_right_logical3A_447, %and3A_450, %add3A_18], %gather3A_485 : memref<4x8x128xf32, #tpu.memory_space<vmem>>[vector<16xi32>, vector<16xi32>, vector<16xi32>], vector<16xf32>,
        %scatter3A_533 = arith.constant 1 : i32
        %scatter3A_534 = arith.constant 0 : i32
        %scatter3A_535 = arith.constant 0 : i32
        %scatter3A_536 = arith.constant 0 : i32
        %scatter3A_537 = tpu.memref_slice %arg8[%scatter3A_533, %scatter3A_534, %scatter3A_535, %scatter3A_536] : memref<2x4x8x128xf32, #tpu.memory_space<vmem>> -> memref<1x4x8x128xf32, #tpu.memory_space<vmem>>
        %scatter3A_538 = tpu.memref_squeeze %scatter3A_537 : memref<1x4x8x128xf32, #tpu.memory_space<vmem>> -> memref<4x8x128xf32, #tpu.memory_space<vmem>>
        tpu.vector_store_idx %scatter3A_538[%shift_right_logical3A_447, %and3A_450, %add3A_21], %gather3A_491 : memref<4x8x128xf32, #tpu.memory_space<vmem>>[vector<16xi32>, vector<16xi32>, vector<16xi32>], vector<16xf32>,
        %scatter3A_539 = arith.constant 1 : i32
        %scatter3A_540 = arith.constant 0 : i32
        %scatter3A_541 = arith.constant 0 : i32
        %scatter3A_542 = arith.constant 0 : i32
        %scatter3A_543 = tpu.memref_slice %arg8[%scatter3A_539, %scatter3A_540, %scatter3A_541, %scatter3A_542] : memref<2x4x8x128xf32, #tpu.memory_space<vmem>> -> memref<1x4x8x128xf32, #tpu.memory_space<vmem>>
        %scatter3A_544 = tpu.memref_squeeze %scatter3A_543 : memref<1x4x8x128xf32, #tpu.memory_space<vmem>> -> memref<4x8x128xf32, #tpu.memory_space<vmem>>
        tpu.vector_store_idx %scatter3A_544[%shift_right_logical3A_447, %and3A_450, %add3A_24], %gather3A_497 : memref<4x8x128xf32, #tpu.memory_space<vmem>>[vector<16xi32>, vector<16xi32>, vector<16xi32>], vector<16xf32>,
        %mul3A_545 = arith.constant 4 : i32
        %mul3A_546 = arith.muli %mul3A_545, %scan3A_437 : i32
        %add3A_547 = arith.constant 1 : i32
        %add3A_548 = arith.addi %mul3A_546, %add3A_547 : i32
        %add3A_549 = vector.broadcast %add3A_548 : i32 to vector<16xi32>
        %add3A_550 = arith.addi %iota3A, %add3A_549 : vector<16xi32>
        %and3A_551 = arith.constant 31 : i32
        %and3A_552 = vector.broadcast %and3A_551 : i32 to vector<16xi32>
        %and3A_553 = arith.andi %add3A_550, %and3A_552 : vector<16xi32>
        %shift_right_logical3A_554 = arith.constant 3 : i32
        %shift_right_logical3A_555 = vector.broadcast %shift_right_logical3A_554 : i32 to vector<16xi32>
        %shift_right_logical3A_556 = arith.shrui %and3A_553, %shift_right_logical3A_555 : vector<16xi32>
        %and3A_557 = arith.constant 7 : i32
        %and3A_558 = vector.broadcast %and3A_557 : i32 to vector<16xi32>
        %and3A_559 = arith.andi %and3A_553, %and3A_558 : vector<16xi32>
        %gather3A_560 = arith.constant 1 : i32
        %gather3A_561 = arith.constant 0 : i32
        %gather3A_562 = arith.constant 0 : i32
        %gather3A_563 = tpu.memref_slice %arg7[%gather3A_560, %gather3A_561, %gather3A_562] : memref<2x128x32xf32, #tpu.memory_space<vmem>> -> memref<1x128x32xf32, #tpu.memory_space<vmem>>
        %gather3A_564 = tpu.memref_squeeze %gather3A_563 : memref<1x128x32xf32, #tpu.memory_space<vmem>> -> memref<128x32xf32, #tpu.memory_space<vmem>>
        %gather3A_565 = tpu.vector_load_idx %gather3A_564[%add3A_3, %and3A_553] : memref<128x32xf32, #tpu.memory_space<vmem>>[vector<16xi32>, vector<16xi32>], vector<16xf32>,
        %gather3A_566 = arith.constant 1 : i32
        %gather3A_567 = arith.constant 0 : i32
        %gather3A_568 = arith.constant 0 : i32
        %gather3A_569 = tpu.memref_slice %arg7[%gather3A_566, %gather3A_567, %gather3A_568] : memref<2x128x32xf32, #tpu.memory_space<vmem>> -> memref<1x128x32xf32, #tpu.memory_space<vmem>>
        %gather3A_570 = tpu.memref_squeeze %gather3A_569 : memref<1x128x32xf32, #tpu.memory_space<vmem>> -> memref<128x32xf32, #tpu.memory_space<vmem>>
        %gather3A_571 = tpu.vector_load_idx %gather3A_570[%add3A_6, %and3A_553] : memref<128x32xf32, #tpu.memory_space<vmem>>[vector<16xi32>, vector<16xi32>], vector<16xf32>,
        %gather3A_572 = arith.constant 1 : i32
        %gather3A_573 = arith.constant 0 : i32
        %gather3A_574 = arith.constant 0 : i32
        %gather3A_575 = tpu.memref_slice %arg7[%gather3A_572, %gather3A_573, %gather3A_574] : memref<2x128x32xf32, #tpu.memory_space<vmem>> -> memref<1x128x32xf32, #tpu.memory_space<vmem>>
        %gather3A_576 = tpu.memref_squeeze %gather3A_575 : memref<1x128x32xf32, #tpu.memory_space<vmem>> -> memref<128x32xf32, #tpu.memory_space<vmem>>
        %gather3A_577 = tpu.vector_load_idx %gather3A_576[%add3A_9, %and3A_553] : memref<128x32xf32, #tpu.memory_space<vmem>>[vector<16xi32>, vector<16xi32>], vector<16xf32>,
        %gather3A_578 = arith.constant 1 : i32
        %gather3A_579 = arith.constant 0 : i32
        %gather3A_580 = arith.constant 0 : i32
        %gather3A_581 = tpu.memref_slice %arg7[%gather3A_578, %gather3A_579, %gather3A_580] : memref<2x128x32xf32, #tpu.memory_space<vmem>> -> memref<1x128x32xf32, #tpu.memory_space<vmem>>
        %gather3A_582 = tpu.memref_squeeze %gather3A_581 : memref<1x128x32xf32, #tpu.memory_space<vmem>> -> memref<128x32xf32, #tpu.memory_space<vmem>>
        %gather3A_583 = tpu.vector_load_idx %gather3A_582[%add3A_12, %and3A_553] : memref<128x32xf32, #tpu.memory_space<vmem>>[vector<16xi32>, vector<16xi32>], vector<16xf32>,
        %gather3A_584 = arith.constant 1 : i32
        %gather3A_585 = arith.constant 0 : i32
        %gather3A_586 = arith.constant 0 : i32
        %gather3A_587 = tpu.memref_slice %arg7[%gather3A_584, %gather3A_585, %gather3A_586] : memref<2x128x32xf32, #tpu.memory_space<vmem>> -> memref<1x128x32xf32, #tpu.memory_space<vmem>>
        %gather3A_588 = tpu.memref_squeeze %gather3A_587 : memref<1x128x32xf32, #tpu.memory_space<vmem>> -> memref<128x32xf32, #tpu.memory_space<vmem>>
        %gather3A_589 = tpu.vector_load_idx %gather3A_588[%add3A_15, %and3A_553] : memref<128x32xf32, #tpu.memory_space<vmem>>[vector<16xi32>, vector<16xi32>], vector<16xf32>,
        %gather3A_590 = arith.constant 1 : i32
        %gather3A_591 = arith.constant 0 : i32
        %gather3A_592 = arith.constant 0 : i32
        %gather3A_593 = tpu.memref_slice %arg7[%gather3A_590, %gather3A_591, %gather3A_592] : memref<2x128x32xf32, #tpu.memory_space<vmem>> -> memref<1x128x32xf32, #tpu.memory_space<vmem>>
        %gather3A_594 = tpu.memref_squeeze %gather3A_593 : memref<1x128x32xf32, #tpu.memory_space<vmem>> -> memref<128x32xf32, #tpu.memory_space<vmem>>
        %gather3A_595 = tpu.vector_load_idx %gather3A_594[%add3A_18, %and3A_553] : memref<128x32xf32, #tpu.memory_space<vmem>>[vector<16xi32>, vector<16xi32>], vector<16xf32>,
        %gather3A_596 = arith.constant 1 : i32
        %gather3A_597 = arith.constant 0 : i32
        %gather3A_598 = arith.constant 0 : i32
        %gather3A_599 = tpu.memref_slice %arg7[%gather3A_596, %gather3A_597, %gather3A_598] : memref<2x128x32xf32, #tpu.memory_space<vmem>> -> memref<1x128x32xf32, #tpu.memory_space<vmem>>
        %gather3A_600 = tpu.memref_squeeze %gather3A_599 : memref<1x128x32xf32, #tpu.memory_space<vmem>> -> memref<128x32xf32, #tpu.memory_space<vmem>>
        %gather3A_601 = tpu.vector_load_idx %gather3A_600[%add3A_21, %and3A_553] : memref<128x32xf32, #tpu.memory_space<vmem>>[vector<16xi32>, vector<16xi32>], vector<16xf32>,
        %gather3A_602 = arith.constant 1 : i32
        %gather3A_603 = arith.constant 0 : i32
        %gather3A_604 = arith.constant 0 : i32
        %gather3A_605 = tpu.memref_slice %arg7[%gather3A_602, %gather3A_603, %gather3A_604] : memref<2x128x32xf32, #tpu.memory_space<vmem>> -> memref<1x128x32xf32, #tpu.memory_space<vmem>>
        %gather3A_606 = tpu.memref_squeeze %gather3A_605 : memref<1x128x32xf32, #tpu.memory_space<vmem>> -> memref<128x32xf32, #tpu.memory_space<vmem>>
        %gather3A_607 = tpu.vector_load_idx %gather3A_606[%add3A_24, %and3A_553] : memref<128x32xf32, #tpu.memory_space<vmem>>[vector<16xi32>, vector<16xi32>], vector<16xf32>,
        %scatter3A_608 = arith.constant 1 : i32
        %scatter3A_609 = arith.constant 0 : i32
        %scatter3A_610 = arith.constant 0 : i32
        %scatter3A_611 = arith.constant 0 : i32
        %scatter3A_612 = tpu.memref_slice %arg8[%scatter3A_608, %scatter3A_609, %scatter3A_610, %scatter3A_611] : memref<2x4x8x128xf32, #tpu.memory_space<vmem>> -> memref<1x4x8x128xf32, #tpu.memory_space<vmem>>
        %scatter3A_613 = tpu.memref_squeeze %scatter3A_612 : memref<1x4x8x128xf32, #tpu.memory_space<vmem>> -> memref<4x8x128xf32, #tpu.memory_space<vmem>>
        tpu.vector_store_idx %scatter3A_613[%shift_right_logical3A_556, %and3A_559, %add3A_3], %gather3A_565 : memref<4x8x128xf32, #tpu.memory_space<vmem>>[vector<16xi32>, vector<16xi32>, vector<16xi32>], vector<16xf32>,
        %scatter3A_614 = arith.constant 1 : i32
        %scatter3A_615 = arith.constant 0 : i32
        %scatter3A_616 = arith.constant 0 : i32
        %scatter3A_617 = arith.constant 0 : i32
        %scatter3A_618 = tpu.memref_slice %arg8[%scatter3A_614, %scatter3A_615, %scatter3A_616, %scatter3A_617] : memref<2x4x8x128xf32, #tpu.memory_space<vmem>> -> memref<1x4x8x128xf32, #tpu.memory_space<vmem>>
        %scatter3A_619 = tpu.memref_squeeze %scatter3A_618 : memref<1x4x8x128xf32, #tpu.memory_space<vmem>> -> memref<4x8x128xf32, #tpu.memory_space<vmem>>
        tpu.vector_store_idx %scatter3A_619[%shift_right_logical3A_556, %and3A_559, %add3A_6], %gather3A_571 : memref<4x8x128xf32, #tpu.memory_space<vmem>>[vector<16xi32>, vector<16xi32>, vector<16xi32>], vector<16xf32>,
        %scatter3A_620 = arith.constant 1 : i32
        %scatter3A_621 = arith.constant 0 : i32
        %scatter3A_622 = arith.constant 0 : i32
        %scatter3A_623 = arith.constant 0 : i32
        %scatter3A_624 = tpu.memref_slice %arg8[%scatter3A_620, %scatter3A_621, %scatter3A_622, %scatter3A_623] : memref<2x4x8x128xf32, #tpu.memory_space<vmem>> -> memref<1x4x8x128xf32, #tpu.memory_space<vmem>>
        %scatter3A_625 = tpu.memref_squeeze %scatter3A_624 : memref<1x4x8x128xf32, #tpu.memory_space<vmem>> -> memref<4x8x128xf32, #tpu.memory_space<vmem>>
        tpu.vector_store_idx %scatter3A_625[%shift_right_logical3A_556, %and3A_559, %add3A_9], %gather3A_577 : memref<4x8x128xf32, #tpu.memory_space<vmem>>[vector<16xi32>, vector<16xi32>, vector<16xi32>], vector<16xf32>,
        %scatter3A_626 = arith.constant 1 : i32
        %scatter3A_627 = arith.constant 0 : i32
        %scatter3A_628 = arith.constant 0 : i32
        %scatter3A_629 = arith.constant 0 : i32
        %scatter3A_630 = tpu.memref_slice %arg8[%scatter3A_626, %scatter3A_627, %scatter3A_628, %scatter3A_629] : memref<2x4x8x128xf32, #tpu.memory_space<vmem>> -> memref<1x4x8x128xf32, #tpu.memory_space<vmem>>
        %scatter3A_631 = tpu.memref_squeeze %scatter3A_630 : memref<1x4x8x128xf32, #tpu.memory_space<vmem>> -> memref<4x8x128xf32, #tpu.memory_space<vmem>>
        tpu.vector_store_idx %scatter3A_631[%shift_right_logical3A_556, %and3A_559, %add3A_12], %gather3A_583 : memref<4x8x128xf32, #tpu.memory_space<vmem>>[vector<16xi32>, vector<16xi32>, vector<16xi32>], vector<16xf32>,
        %scatter3A_632 = arith.constant 1 : i32
        %scatter3A_633 = arith.constant 0 : i32
        %scatter3A_634 = arith.constant 0 : i32
        %scatter3A_635 = arith.constant 0 : i32
        %scatter3A_636 = tpu.memref_slice %arg8[%scatter3A_632, %scatter3A_633, %scatter3A_634, %scatter3A_635] : memref<2x4x8x128xf32, #tpu.memory_space<vmem>> -> memref<1x4x8x128xf32, #tpu.memory_space<vmem>>
        %scatter3A_637 = tpu.memref_squeeze %scatter3A_636 : memref<1x4x8x128xf32, #tpu.memory_space<vmem>> -> memref<4x8x128xf32, #tpu.memory_space<vmem>>
        tpu.vector_store_idx %scatter3A_637[%shift_right_logical3A_556, %and3A_559, %add3A_15], %gather3A_589 : memref<4x8x128xf32, #tpu.memory_space<vmem>>[vector<16xi32>, vector<16xi32>, vector<16xi32>], vector<16xf32>,
        %scatter3A_638 = arith.constant 1 : i32
        %scatter3A_639 = arith.constant 0 : i32
        %scatter3A_640 = arith.constant 0 : i32
        %scatter3A_641 = arith.constant 0 : i32
        %scatter3A_642 = tpu.memref_slice %arg8[%scatter3A_638, %scatter3A_639, %scatter3A_640, %scatter3A_641] : memref<2x4x8x128xf32, #tpu.memory_space<vmem>> -> memref<1x4x8x128xf32, #tpu.memory_space<vmem>>
        %scatter3A_643 = tpu.memref_squeeze %scatter3A_642 : memref<1x4x8x128xf32, #tpu.memory_space<vmem>> -> memref<4x8x128xf32, #tpu.memory_space<vmem>>
        tpu.vector_store_idx %scatter3A_643[%shift_right_logical3A_556, %and3A_559, %add3A_18], %gather3A_595 : memref<4x8x128xf32, #tpu.memory_space<vmem>>[vector<16xi32>, vector<16xi32>, vector<16xi32>], vector<16xf32>,
        %scatter3A_644 = arith.constant 1 : i32
        %scatter3A_645 = arith.constant 0 : i32
        %scatter3A_646 = arith.constant 0 : i32
        %scatter3A_647 = arith.constant 0 : i32
        %scatter3A_648 = tpu.memref_slice %arg8[%scatter3A_644, %scatter3A_645, %scatter3A_646, %scatter3A_647] : memref<2x4x8x128xf32, #tpu.memory_space<vmem>> -> memref<1x4x8x128xf32, #tpu.memory_space<vmem>>
        %scatter3A_649 = tpu.memref_squeeze %scatter3A_648 : memref<1x4x8x128xf32, #tpu.memory_space<vmem>> -> memref<4x8x128xf32, #tpu.memory_space<vmem>>
        tpu.vector_store_idx %scatter3A_649[%shift_right_logical3A_556, %and3A_559, %add3A_21], %gather3A_601 : memref<4x8x128xf32, #tpu.memory_space<vmem>>[vector<16xi32>, vector<16xi32>, vector<16xi32>], vector<16xf32>,
        %scatter3A_650 = arith.constant 1 : i32
        %scatter3A_651 = arith.constant 0 : i32
        %scatter3A_652 = arith.constant 0 : i32
        %scatter3A_653 = arith.constant 0 : i32
        %scatter3A_654 = tpu.memref_slice %arg8[%scatter3A_650, %scatter3A_651, %scatter3A_652, %scatter3A_653] : memref<2x4x8x128xf32, #tpu.memory_space<vmem>> -> memref<1x4x8x128xf32, #tpu.memory_space<vmem>>
        %scatter3A_655 = tpu.memref_squeeze %scatter3A_654 : memref<1x4x8x128xf32, #tpu.memory_space<vmem>> -> memref<4x8x128xf32, #tpu.memory_space<vmem>>
        tpu.vector_store_idx %scatter3A_655[%shift_right_logical3A_556, %and3A_559, %add3A_24], %gather3A_607 : memref<4x8x128xf32, #tpu.memory_space<vmem>>[vector<16xi32>, vector<16xi32>, vector<16xi32>], vector<16xf32>,
        %mul3A_656 = arith.constant 4 : i32
        %mul3A_657 = arith.muli %mul3A_656, %scan3A_437 : i32
        %add3A_658 = arith.constant 2 : i32
        %add3A_659 = arith.addi %mul3A_657, %add3A_658 : i32
        %add3A_660 = vector.broadcast %add3A_659 : i32 to vector<16xi32>
        %add3A_661 = arith.addi %iota3A, %add3A_660 : vector<16xi32>
        %and3A_662 = arith.constant 31 : i32
        %and3A_663 = vector.broadcast %and3A_662 : i32 to vector<16xi32>
        %and3A_664 = arith.andi %add3A_661, %and3A_663 : vector<16xi32>
        %shift_right_logical3A_665 = arith.constant 3 : i32
        %shift_right_logical3A_666 = vector.broadcast %shift_right_logical3A_665 : i32 to vector<16xi32>
        %shift_right_logical3A_667 = arith.shrui %and3A_664, %shift_right_logical3A_666 : vector<16xi32>
        %and3A_668 = arith.constant 7 : i32
        %and3A_669 = vector.broadcast %and3A_668 : i32 to vector<16xi32>
        %and3A_670 = arith.andi %and3A_664, %and3A_669 : vector<16xi32>
        %gather3A_671 = arith.constant 1 : i32
        %gather3A_672 = arith.constant 0 : i32
        %gather3A_673 = arith.constant 0 : i32
        %gather3A_674 = tpu.memref_slice %arg7[%gather3A_671, %gather3A_672, %gather3A_673] : memref<2x128x32xf32, #tpu.memory_space<vmem>> -> memref<1x128x32xf32, #tpu.memory_space<vmem>>
        %gather3A_675 = tpu.memref_squeeze %gather3A_674 : memref<1x128x32xf32, #tpu.memory_space<vmem>> -> memref<128x32xf32, #tpu.memory_space<vmem>>
        %gather3A_676 = tpu.vector_load_idx %gather3A_675[%add3A_3, %and3A_664] : memref<128x32xf32, #tpu.memory_space<vmem>>[vector<16xi32>, vector<16xi32>], vector<16xf32>,
        %gather3A_677 = arith.constant 1 : i32
        %gather3A_678 = arith.constant 0 : i32
        %gather3A_679 = arith.constant 0 : i32
        %gather3A_680 = tpu.memref_slice %arg7[%gather3A_677, %gather3A_678, %gather3A_679] : memref<2x128x32xf32, #tpu.memory_space<vmem>> -> memref<1x128x32xf32, #tpu.memory_space<vmem>>
        %gather3A_681 = tpu.memref_squeeze %gather3A_680 : memref<1x128x32xf32, #tpu.memory_space<vmem>> -> memref<128x32xf32, #tpu.memory_space<vmem>>
        %gather3A_682 = tpu.vector_load_idx %gather3A_681[%add3A_6, %and3A_664] : memref<128x32xf32, #tpu.memory_space<vmem>>[vector<16xi32>, vector<16xi32>], vector<16xf32>,
        %gather3A_683 = arith.constant 1 : i32
        %gather3A_684 = arith.constant 0 : i32
        %gather3A_685 = arith.constant 0 : i32
        %gather3A_686 = tpu.memref_slice %arg7[%gather3A_683, %gather3A_684, %gather3A_685] : memref<2x128x32xf32, #tpu.memory_space<vmem>> -> memref<1x128x32xf32, #tpu.memory_space<vmem>>
        %gather3A_687 = tpu.memref_squeeze %gather3A_686 : memref<1x128x32xf32, #tpu.memory_space<vmem>> -> memref<128x32xf32, #tpu.memory_space<vmem>>
        %gather3A_688 = tpu.vector_load_idx %gather3A_687[%add3A_9, %and3A_664] : memref<128x32xf32, #tpu.memory_space<vmem>>[vector<16xi32>, vector<16xi32>], vector<16xf32>,
        %gather3A_689 = arith.constant 1 : i32
        %gather3A_690 = arith.constant 0 : i32
        %gather3A_691 = arith.constant 0 : i32
        %gather3A_692 = tpu.memref_slice %arg7[%gather3A_689, %gather3A_690, %gather3A_691] : memref<2x128x32xf32, #tpu.memory_space<vmem>> -> memref<1x128x32xf32, #tpu.memory_space<vmem>>
        %gather3A_693 = tpu.memref_squeeze %gather3A_692 : memref<1x128x32xf32, #tpu.memory_space<vmem>> -> memref<128x32xf32, #tpu.memory_space<vmem>>
        %gather3A_694 = tpu.vector_load_idx %gather3A_693[%add3A_12, %and3A_664] : memref<128x32xf32, #tpu.memory_space<vmem>>[vector<16xi32>, vector<16xi32>], vector<16xf32>,
        %gather3A_695 = arith.constant 1 : i32
        %gather3A_696 = arith.constant 0 : i32
        %gather3A_697 = arith.constant 0 : i32
        %gather3A_698 = tpu.memref_slice %arg7[%gather3A_695, %gather3A_696, %gather3A_697] : memref<2x128x32xf32, #tpu.memory_space<vmem>> -> memref<1x128x32xf32, #tpu.memory_space<vmem>>
        %gather3A_699 = tpu.memref_squeeze %gather3A_698 : memref<1x128x32xf32, #tpu.memory_space<vmem>> -> memref<128x32xf32, #tpu.memory_space<vmem>>
        %gather3A_700 = tpu.vector_load_idx %gather3A_699[%add3A_15, %and3A_664] : memref<128x32xf32, #tpu.memory_space<vmem>>[vector<16xi32>, vector<16xi32>], vector<16xf32>,
        %gather3A_701 = arith.constant 1 : i32
        %gather3A_702 = arith.constant 0 : i32
        %gather3A_703 = arith.constant 0 : i32
        %gather3A_704 = tpu.memref_slice %arg7[%gather3A_701, %gather3A_702, %gather3A_703] : memref<2x128x32xf32, #tpu.memory_space<vmem>> -> memref<1x128x32xf32, #tpu.memory_space<vmem>>
        %gather3A_705 = tpu.memref_squeeze %gather3A_704 : memref<1x128x32xf32, #tpu.memory_space<vmem>> -> memref<128x32xf32, #tpu.memory_space<vmem>>
        %gather3A_706 = tpu.vector_load_idx %gather3A_705[%add3A_18, %and3A_664] : memref<128x32xf32, #tpu.memory_space<vmem>>[vector<16xi32>, vector<16xi32>], vector<16xf32>,
        %gather3A_707 = arith.constant 1 : i32
        %gather3A_708 = arith.constant 0 : i32
        %gather3A_709 = arith.constant 0 : i32
        %gather3A_710 = tpu.memref_slice %arg7[%gather3A_707, %gather3A_708, %gather3A_709] : memref<2x128x32xf32, #tpu.memory_space<vmem>> -> memref<1x128x32xf32, #tpu.memory_space<vmem>>
        %gather3A_711 = tpu.memref_squeeze %gather3A_710 : memref<1x128x32xf32, #tpu.memory_space<vmem>> -> memref<128x32xf32, #tpu.memory_space<vmem>>
        %gather3A_712 = tpu.vector_load_idx %gather3A_711[%add3A_21, %and3A_664] : memref<128x32xf32, #tpu.memory_space<vmem>>[vector<16xi32>, vector<16xi32>], vector<16xf32>,
        %gather3A_713 = arith.constant 1 : i32
        %gather3A_714 = arith.constant 0 : i32
        %gather3A_715 = arith.constant 0 : i32
        %gather3A_716 = tpu.memref_slice %arg7[%gather3A_713, %gather3A_714, %gather3A_715] : memref<2x128x32xf32, #tpu.memory_space<vmem>> -> memref<1x128x32xf32, #tpu.memory_space<vmem>>
        %gather3A_717 = tpu.memref_squeeze %gather3A_716 : memref<1x128x32xf32, #tpu.memory_space<vmem>> -> memref<128x32xf32, #tpu.memory_space<vmem>>
        %gather3A_718 = tpu.vector_load_idx %gather3A_717[%add3A_24, %and3A_664] : memref<128x32xf32, #tpu.memory_space<vmem>>[vector<16xi32>, vector<16xi32>], vector<16xf32>,
        %scatter3A_719 = arith.constant 1 : i32
        %scatter3A_720 = arith.constant 0 : i32
        %scatter3A_721 = arith.constant 0 : i32
        %scatter3A_722 = arith.constant 0 : i32
        %scatter3A_723 = tpu.memref_slice %arg8[%scatter3A_719, %scatter3A_720, %scatter3A_721, %scatter3A_722] : memref<2x4x8x128xf32, #tpu.memory_space<vmem>> -> memref<1x4x8x128xf32, #tpu.memory_space<vmem>>
        %scatter3A_724 = tpu.memref_squeeze %scatter3A_723 : memref<1x4x8x128xf32, #tpu.memory_space<vmem>> -> memref<4x8x128xf32, #tpu.memory_space<vmem>>
        tpu.vector_store_idx %scatter3A_724[%shift_right_logical3A_667, %and3A_670, %add3A_3], %gather3A_676 : memref<4x8x128xf32, #tpu.memory_space<vmem>>[vector<16xi32>, vector<16xi32>, vector<16xi32>], vector<16xf32>,
        %scatter3A_725 = arith.constant 1 : i32
        %scatter3A_726 = arith.constant 0 : i32
        %scatter3A_727 = arith.constant 0 : i32
        %scatter3A_728 = arith.constant 0 : i32
        %scatter3A_729 = tpu.memref_slice %arg8[%scatter3A_725, %scatter3A_726, %scatter3A_727, %scatter3A_728] : memref<2x4x8x128xf32, #tpu.memory_space<vmem>> -> memref<1x4x8x128xf32, #tpu.memory_space<vmem>>
        %scatter3A_730 = tpu.memref_squeeze %scatter3A_729 : memref<1x4x8x128xf32, #tpu.memory_space<vmem>> -> memref<4x8x128xf32, #tpu.memory_space<vmem>>
        tpu.vector_store_idx %scatter3A_730[%shift_right_logical3A_667, %and3A_670, %add3A_6], %gather3A_682 : memref<4x8x128xf32, #tpu.memory_space<vmem>>[vector<16xi32>, vector<16xi32>, vector<16xi32>], vector<16xf32>,
        %scatter3A_731 = arith.constant 1 : i32
        %scatter3A_732 = arith.constant 0 : i32
        %scatter3A_733 = arith.constant 0 : i32
        %scatter3A_734 = arith.constant 0 : i32
        %scatter3A_735 = tpu.memref_slice %arg8[%scatter3A_731, %scatter3A_732, %scatter3A_733, %scatter3A_734] : memref<2x4x8x128xf32, #tpu.memory_space<vmem>> -> memref<1x4x8x128xf32, #tpu.memory_space<vmem>>
        %scatter3A_736 = tpu.memref_squeeze %scatter3A_735 : memref<1x4x8x128xf32, #tpu.memory_space<vmem>> -> memref<4x8x128xf32, #tpu.memory_space<vmem>>
        tpu.vector_store_idx %scatter3A_736[%shift_right_logical3A_667, %and3A_670, %add3A_9], %gather3A_688 : memref<4x8x128xf32, #tpu.memory_space<vmem>>[vector<16xi32>, vector<16xi32>, vector<16xi32>], vector<16xf32>,
        %scatter3A_737 = arith.constant 1 : i32
        %scatter3A_738 = arith.constant 0 : i32
        %scatter3A_739 = arith.constant 0 : i32
        %scatter3A_740 = arith.constant 0 : i32
        %scatter3A_741 = tpu.memref_slice %arg8[%scatter3A_737, %scatter3A_738, %scatter3A_739, %scatter3A_740] : memref<2x4x8x128xf32, #tpu.memory_space<vmem>> -> memref<1x4x8x128xf32, #tpu.memory_space<vmem>>
        %scatter3A_742 = tpu.memref_squeeze %scatter3A_741 : memref<1x4x8x128xf32, #tpu.memory_space<vmem>> -> memref<4x8x128xf32, #tpu.memory_space<vmem>>
        tpu.vector_store_idx %scatter3A_742[%shift_right_logical3A_667, %and3A_670, %add3A_12], %gather3A_694 : memref<4x8x128xf32, #tpu.memory_space<vmem>>[vector<16xi32>, vector<16xi32>, vector<16xi32>], vector<16xf32>,
        %scatter3A_743 = arith.constant 1 : i32
        %scatter3A_744 = arith.constant 0 : i32
        %scatter3A_745 = arith.constant 0 : i32
        %scatter3A_746 = arith.constant 0 : i32
        %scatter3A_747 = tpu.memref_slice %arg8[%scatter3A_743, %scatter3A_744, %scatter3A_745, %scatter3A_746] : memref<2x4x8x128xf32, #tpu.memory_space<vmem>> -> memref<1x4x8x128xf32, #tpu.memory_space<vmem>>
        %scatter3A_748 = tpu.memref_squeeze %scatter3A_747 : memref<1x4x8x128xf32, #tpu.memory_space<vmem>> -> memref<4x8x128xf32, #tpu.memory_space<vmem>>
        tpu.vector_store_idx %scatter3A_748[%shift_right_logical3A_667, %and3A_670, %add3A_15], %gather3A_700 : memref<4x8x128xf32, #tpu.memory_space<vmem>>[vector<16xi32>, vector<16xi32>, vector<16xi32>], vector<16xf32>,
        %scatter3A_749 = arith.constant 1 : i32
        %scatter3A_750 = arith.constant 0 : i32
        %scatter3A_751 = arith.constant 0 : i32
        %scatter3A_752 = arith.constant 0 : i32
        %scatter3A_753 = tpu.memref_slice %arg8[%scatter3A_749, %scatter3A_750, %scatter3A_751, %scatter3A_752] : memref<2x4x8x128xf32, #tpu.memory_space<vmem>> -> memref<1x4x8x128xf32, #tpu.memory_space<vmem>>
        %scatter3A_754 = tpu.memref_squeeze %scatter3A_753 : memref<1x4x8x128xf32, #tpu.memory_space<vmem>> -> memref<4x8x128xf32, #tpu.memory_space<vmem>>
        tpu.vector_store_idx %scatter3A_754[%shift_right_logical3A_667, %and3A_670, %add3A_18], %gather3A_706 : memref<4x8x128xf32, #tpu.memory_space<vmem>>[vector<16xi32>, vector<16xi32>, vector<16xi32>], vector<16xf32>,
        %scatter3A_755 = arith.constant 1 : i32
        %scatter3A_756 = arith.constant 0 : i32
        %scatter3A_757 = arith.constant 0 : i32
        %scatter3A_758 = arith.constant 0 : i32
        %scatter3A_759 = tpu.memref_slice %arg8[%scatter3A_755, %scatter3A_756, %scatter3A_757, %scatter3A_758] : memref<2x4x8x128xf32, #tpu.memory_space<vmem>> -> memref<1x4x8x128xf32, #tpu.memory_space<vmem>>
        %scatter3A_760 = tpu.memref_squeeze %scatter3A_759 : memref<1x4x8x128xf32, #tpu.memory_space<vmem>> -> memref<4x8x128xf32, #tpu.memory_space<vmem>>
        tpu.vector_store_idx %scatter3A_760[%shift_right_logical3A_667, %and3A_670, %add3A_21], %gather3A_712 : memref<4x8x128xf32, #tpu.memory_space<vmem>>[vector<16xi32>, vector<16xi32>, vector<16xi32>], vector<16xf32>,
        %scatter3A_761 = arith.constant 1 : i32
        %scatter3A_762 = arith.constant 0 : i32
        %scatter3A_763 = arith.constant 0 : i32
        %scatter3A_764 = arith.constant 0 : i32
        %scatter3A_765 = tpu.memref_slice %arg8[%scatter3A_761, %scatter3A_762, %scatter3A_763, %scatter3A_764] : memref<2x4x8x128xf32, #tpu.memory_space<vmem>> -> memref<1x4x8x128xf32, #tpu.memory_space<vmem>>
        %scatter3A_766 = tpu.memref_squeeze %scatter3A_765 : memref<1x4x8x128xf32, #tpu.memory_space<vmem>> -> memref<4x8x128xf32, #tpu.memory_space<vmem>>
        tpu.vector_store_idx %scatter3A_766[%shift_right_logical3A_667, %and3A_670, %add3A_24], %gather3A_718 : memref<4x8x128xf32, #tpu.memory_space<vmem>>[vector<16xi32>, vector<16xi32>, vector<16xi32>], vector<16xf32>,
        %mul3A_767 = arith.constant 4 : i32
        %mul3A_768 = arith.muli %mul3A_767, %scan3A_437 : i32
        %add3A_769 = arith.constant 3 : i32
        %add3A_770 = arith.addi %mul3A_768, %add3A_769 : i32
        %add3A_771 = vector.broadcast %add3A_770 : i32 to vector<16xi32>
        %add3A_772 = arith.addi %iota3A, %add3A_771 : vector<16xi32>
        %and3A_773 = arith.constant 31 : i32
        %and3A_774 = vector.broadcast %and3A_773 : i32 to vector<16xi32>
        %and3A_775 = arith.andi %add3A_772, %and3A_774 : vector<16xi32>
        %shift_right_logical3A_776 = arith.constant 3 : i32
        %shift_right_logical3A_777 = vector.broadcast %shift_right_logical3A_776 : i32 to vector<16xi32>
        %shift_right_logical3A_778 = arith.shrui %and3A_775, %shift_right_logical3A_777 : vector<16xi32>
        %and3A_779 = arith.constant 7 : i32
        %and3A_780 = vector.broadcast %and3A_779 : i32 to vector<16xi32>
        %and3A_781 = arith.andi %and3A_775, %and3A_780 : vector<16xi32>
        %gather3A_782 = arith.constant 1 : i32
        %gather3A_783 = arith.constant 0 : i32
        %gather3A_784 = arith.constant 0 : i32
        %gather3A_785 = tpu.memref_slice %arg7[%gather3A_782, %gather3A_783, %gather3A_784] : memref<2x128x32xf32, #tpu.memory_space<vmem>> -> memref<1x128x32xf32, #tpu.memory_space<vmem>>
        %gather3A_786 = tpu.memref_squeeze %gather3A_785 : memref<1x128x32xf32, #tpu.memory_space<vmem>> -> memref<128x32xf32, #tpu.memory_space<vmem>>
        %gather3A_787 = tpu.vector_load_idx %gather3A_786[%add3A_3, %and3A_775] : memref<128x32xf32, #tpu.memory_space<vmem>>[vector<16xi32>, vector<16xi32>], vector<16xf32>,
        %gather3A_788 = arith.constant 1 : i32
        %gather3A_789 = arith.constant 0 : i32
        %gather3A_790 = arith.constant 0 : i32
        %gather3A_791 = tpu.memref_slice %arg7[%gather3A_788, %gather3A_789, %gather3A_790] : memref<2x128x32xf32, #tpu.memory_space<vmem>> -> memref<1x128x32xf32, #tpu.memory_space<vmem>>
        %gather3A_792 = tpu.memref_squeeze %gather3A_791 : memref<1x128x32xf32, #tpu.memory_space<vmem>> -> memref<128x32xf32, #tpu.memory_space<vmem>>
        %gather3A_793 = tpu.vector_load_idx %gather3A_792[%add3A_6, %and3A_775] : memref<128x32xf32, #tpu.memory_space<vmem>>[vector<16xi32>, vector<16xi32>], vector<16xf32>,
        %gather3A_794 = arith.constant 1 : i32
        %gather3A_795 = arith.constant 0 : i32
        %gather3A_796 = arith.constant 0 : i32
        %gather3A_797 = tpu.memref_slice %arg7[%gather3A_794, %gather3A_795, %gather3A_796] : memref<2x128x32xf32, #tpu.memory_space<vmem>> -> memref<1x128x32xf32, #tpu.memory_space<vmem>>
        %gather3A_798 = tpu.memref_squeeze %gather3A_797 : memref<1x128x32xf32, #tpu.memory_space<vmem>> -> memref<128x32xf32, #tpu.memory_space<vmem>>
        %gather3A_799 = tpu.vector_load_idx %gather3A_798[%add3A_9, %and3A_775] : memref<128x32xf32, #tpu.memory_space<vmem>>[vector<16xi32>, vector<16xi32>], vector<16xf32>,
        %gather3A_800 = arith.constant 1 : i32
        %gather3A_801 = arith.constant 0 : i32
        %gather3A_802 = arith.constant 0 : i32
        %gather3A_803 = tpu.memref_slice %arg7[%gather3A_800, %gather3A_801, %gather3A_802] : memref<2x128x32xf32, #tpu.memory_space<vmem>> -> memref<1x128x32xf32, #tpu.memory_space<vmem>>
        %gather3A_804 = tpu.memref_squeeze %gather3A_803 : memref<1x128x32xf32, #tpu.memory_space<vmem>> -> memref<128x32xf32, #tpu.memory_space<vmem>>
        %gather3A_805 = tpu.vector_load_idx %gather3A_804[%add3A_12, %and3A_775] : memref<128x32xf32, #tpu.memory_space<vmem>>[vector<16xi32>, vector<16xi32>], vector<16xf32>,
        %gather3A_806 = arith.constant 1 : i32
        %gather3A_807 = arith.constant 0 : i32
        %gather3A_808 = arith.constant 0 : i32
        %gather3A_809 = tpu.memref_slice %arg7[%gather3A_806, %gather3A_807, %gather3A_808] : memref<2x128x32xf32, #tpu.memory_space<vmem>> -> memref<1x128x32xf32, #tpu.memory_space<vmem>>
        %gather3A_810 = tpu.memref_squeeze %gather3A_809 : memref<1x128x32xf32, #tpu.memory_space<vmem>> -> memref<128x32xf32, #tpu.memory_space<vmem>>
        %gather3A_811 = tpu.vector_load_idx %gather3A_810[%add3A_15, %and3A_775] : memref<128x32xf32, #tpu.memory_space<vmem>>[vector<16xi32>, vector<16xi32>], vector<16xf32>,
        %gather3A_812 = arith.constant 1 : i32
        %gather3A_813 = arith.constant 0 : i32
        %gather3A_814 = arith.constant 0 : i32
        %gather3A_815 = tpu.memref_slice %arg7[%gather3A_812, %gather3A_813, %gather3A_814] : memref<2x128x32xf32, #tpu.memory_space<vmem>> -> memref<1x128x32xf32, #tpu.memory_space<vmem>>
        %gather3A_816 = tpu.memref_squeeze %gather3A_815 : memref<1x128x32xf32, #tpu.memory_space<vmem>> -> memref<128x32xf32, #tpu.memory_space<vmem>>
        %gather3A_817 = tpu.vector_load_idx %gather3A_816[%add3A_18, %and3A_775] : memref<128x32xf32, #tpu.memory_space<vmem>>[vector<16xi32>, vector<16xi32>], vector<16xf32>,
        %gather3A_818 = arith.constant 1 : i32
        %gather3A_819 = arith.constant 0 : i32
        %gather3A_820 = arith.constant 0 : i32
        %gather3A_821 = tpu.memref_slice %arg7[%gather3A_818, %gather3A_819, %gather3A_820] : memref<2x128x32xf32, #tpu.memory_space<vmem>> -> memref<1x128x32xf32, #tpu.memory_space<vmem>>
        %gather3A_822 = tpu.memref_squeeze %gather3A_821 : memref<1x128x32xf32, #tpu.memory_space<vmem>> -> memref<128x32xf32, #tpu.memory_space<vmem>>
        %gather3A_823 = tpu.vector_load_idx %gather3A_822[%add3A_21, %and3A_775] : memref<128x32xf32, #tpu.memory_space<vmem>>[vector<16xi32>, vector<16xi32>], vector<16xf32>,
        %gather3A_824 = arith.constant 1 : i32
        %gather3A_825 = arith.constant 0 : i32
        %gather3A_826 = arith.constant 0 : i32
        %gather3A_827 = tpu.memref_slice %arg7[%gather3A_824, %gather3A_825, %gather3A_826] : memref<2x128x32xf32, #tpu.memory_space<vmem>> -> memref<1x128x32xf32, #tpu.memory_space<vmem>>
        %gather3A_828 = tpu.memref_squeeze %gather3A_827 : memref<1x128x32xf32, #tpu.memory_space<vmem>> -> memref<128x32xf32, #tpu.memory_space<vmem>>
        %gather3A_829 = tpu.vector_load_idx %gather3A_828[%add3A_24, %and3A_775] : memref<128x32xf32, #tpu.memory_space<vmem>>[vector<16xi32>, vector<16xi32>], vector<16xf32>,
        %scatter3A_830 = arith.constant 1 : i32
        %scatter3A_831 = arith.constant 0 : i32
        %scatter3A_832 = arith.constant 0 : i32
        %scatter3A_833 = arith.constant 0 : i32
        %scatter3A_834 = tpu.memref_slice %arg8[%scatter3A_830, %scatter3A_831, %scatter3A_832, %scatter3A_833] : memref<2x4x8x128xf32, #tpu.memory_space<vmem>> -> memref<1x4x8x128xf32, #tpu.memory_space<vmem>>
        %scatter3A_835 = tpu.memref_squeeze %scatter3A_834 : memref<1x4x8x128xf32, #tpu.memory_space<vmem>> -> memref<4x8x128xf32, #tpu.memory_space<vmem>>
        tpu.vector_store_idx %scatter3A_835[%shift_right_logical3A_778, %and3A_781, %add3A_3], %gather3A_787 : memref<4x8x128xf32, #tpu.memory_space<vmem>>[vector<16xi32>, vector<16xi32>, vector<16xi32>], vector<16xf32>,
        %scatter3A_836 = arith.constant 1 : i32
        %scatter3A_837 = arith.constant 0 : i32
        %scatter3A_838 = arith.constant 0 : i32
        %scatter3A_839 = arith.constant 0 : i32
        %scatter3A_840 = tpu.memref_slice %arg8[%scatter3A_836, %scatter3A_837, %scatter3A_838, %scatter3A_839] : memref<2x4x8x128xf32, #tpu.memory_space<vmem>> -> memref<1x4x8x128xf32, #tpu.memory_space<vmem>>
        %scatter3A_841 = tpu.memref_squeeze %scatter3A_840 : memref<1x4x8x128xf32, #tpu.memory_space<vmem>> -> memref<4x8x128xf32, #tpu.memory_space<vmem>>
        tpu.vector_store_idx %scatter3A_841[%shift_right_logical3A_778, %and3A_781, %add3A_6], %gather3A_793 : memref<4x8x128xf32, #tpu.memory_space<vmem>>[vector<16xi32>, vector<16xi32>, vector<16xi32>], vector<16xf32>,
        %scatter3A_842 = arith.constant 1 : i32
        %scatter3A_843 = arith.constant 0 : i32
        %scatter3A_844 = arith.constant 0 : i32
        %scatter3A_845 = arith.constant 0 : i32
        %scatter3A_846 = tpu.memref_slice %arg8[%scatter3A_842, %scatter3A_843, %scatter3A_844, %scatter3A_845] : memref<2x4x8x128xf32, #tpu.memory_space<vmem>> -> memref<1x4x8x128xf32, #tpu.memory_space<vmem>>
        %scatter3A_847 = tpu.memref_squeeze %scatter3A_846 : memref<1x4x8x128xf32, #tpu.memory_space<vmem>> -> memref<4x8x128xf32, #tpu.memory_space<vmem>>
        tpu.vector_store_idx %scatter3A_847[%shift_right_logical3A_778, %and3A_781, %add3A_9], %gather3A_799 : memref<4x8x128xf32, #tpu.memory_space<vmem>>[vector<16xi32>, vector<16xi32>, vector<16xi32>], vector<16xf32>,
        %scatter3A_848 = arith.constant 1 : i32
        %scatter3A_849 = arith.constant 0 : i32
        %scatter3A_850 = arith.constant 0 : i32
        %scatter3A_851 = arith.constant 0 : i32
        %scatter3A_852 = tpu.memref_slice %arg8[%scatter3A_848, %scatter3A_849, %scatter3A_850, %scatter3A_851] : memref<2x4x8x128xf32, #tpu.memory_space<vmem>> -> memref<1x4x8x128xf32, #tpu.memory_space<vmem>>
        %scatter3A_853 = tpu.memref_squeeze %scatter3A_852 : memref<1x4x8x128xf32, #tpu.memory_space<vmem>> -> memref<4x8x128xf32, #tpu.memory_space<vmem>>
        tpu.vector_store_idx %scatter3A_853[%shift_right_logical3A_778, %and3A_781, %add3A_12], %gather3A_805 : memref<4x8x128xf32, #tpu.memory_space<vmem>>[vector<16xi32>, vector<16xi32>, vector<16xi32>], vector<16xf32>,
        %scatter3A_854 = arith.constant 1 : i32
        %scatter3A_855 = arith.constant 0 : i32
        %scatter3A_856 = arith.constant 0 : i32
        %scatter3A_857 = arith.constant 0 : i32
        %scatter3A_858 = tpu.memref_slice %arg8[%scatter3A_854, %scatter3A_855, %scatter3A_856, %scatter3A_857] : memref<2x4x8x128xf32, #tpu.memory_space<vmem>> -> memref<1x4x8x128xf32, #tpu.memory_space<vmem>>
        %scatter3A_859 = tpu.memref_squeeze %scatter3A_858 : memref<1x4x8x128xf32, #tpu.memory_space<vmem>> -> memref<4x8x128xf32, #tpu.memory_space<vmem>>
        tpu.vector_store_idx %scatter3A_859[%shift_right_logical3A_778, %and3A_781, %add3A_15], %gather3A_811 : memref<4x8x128xf32, #tpu.memory_space<vmem>>[vector<16xi32>, vector<16xi32>, vector<16xi32>], vector<16xf32>,
        %scatter3A_860 = arith.constant 1 : i32
        %scatter3A_861 = arith.constant 0 : i32
        %scatter3A_862 = arith.constant 0 : i32
        %scatter3A_863 = arith.constant 0 : i32
        %scatter3A_864 = tpu.memref_slice %arg8[%scatter3A_860, %scatter3A_861, %scatter3A_862, %scatter3A_863] : memref<2x4x8x128xf32, #tpu.memory_space<vmem>> -> memref<1x4x8x128xf32, #tpu.memory_space<vmem>>
        %scatter3A_865 = tpu.memref_squeeze %scatter3A_864 : memref<1x4x8x128xf32, #tpu.memory_space<vmem>> -> memref<4x8x128xf32, #tpu.memory_space<vmem>>
        tpu.vector_store_idx %scatter3A_865[%shift_right_logical3A_778, %and3A_781, %add3A_18], %gather3A_817 : memref<4x8x128xf32, #tpu.memory_space<vmem>>[vector<16xi32>, vector<16xi32>, vector<16xi32>], vector<16xf32>,
        %scatter3A_866 = arith.constant 1 : i32
        %scatter3A_867 = arith.constant 0 : i32
        %scatter3A_868 = arith.constant 0 : i32
        %scatter3A_869 = arith.constant 0 : i32
        %scatter3A_870 = tpu.memref_slice %arg8[%scatter3A_866, %scatter3A_867, %scatter3A_868, %scatter3A_869] : memref<2x4x8x128xf32, #tpu.memory_space<vmem>> -> memref<1x4x8x128xf32, #tpu.memory_space<vmem>>
        %scatter3A_871 = tpu.memref_squeeze %scatter3A_870 : memref<1x4x8x128xf32, #tpu.memory_space<vmem>> -> memref<4x8x128xf32, #tpu.memory_space<vmem>>
        tpu.vector_store_idx %scatter3A_871[%shift_right_logical3A_778, %and3A_781, %add3A_21], %gather3A_823 : memref<4x8x128xf32, #tpu.memory_space<vmem>>[vector<16xi32>, vector<16xi32>, vector<16xi32>], vector<16xf32>,
        %scatter3A_872 = arith.constant 1 : i32
        %scatter3A_873 = arith.constant 0 : i32
        %scatter3A_874 = arith.constant 0 : i32
        %scatter3A_875 = arith.constant 0 : i32
        %scatter3A_876 = tpu.memref_slice %arg8[%scatter3A_872, %scatter3A_873, %scatter3A_874, %scatter3A_875] : memref<2x4x8x128xf32, #tpu.memory_space<vmem>> -> memref<1x4x8x128xf32, #tpu.memory_space<vmem>>
        %scatter3A_877 = tpu.memref_squeeze %scatter3A_876 : memref<1x4x8x128xf32, #tpu.memory_space<vmem>> -> memref<4x8x128xf32, #tpu.memory_space<vmem>>
        tpu.vector_store_idx %scatter3A_877[%shift_right_logical3A_778, %and3A_781, %add3A_24], %gather3A_829 : memref<4x8x128xf32, #tpu.memory_space<vmem>>[vector<16xi32>, vector<16xi32>, vector<16xi32>], vector<16xf32>,
      }
      %scan3A_184 = arith.constant 8 : i32
      %add3A_185 = arith.constant 0 : i32
      %add3A_186 = arith.addi %add3A_185, %add3A_32 : i32
      %dma_start3A_187 = arith.constant 1 : i32
      %dma_start3A_188 = arith.constant 0 : i32
      %dma_start3A_189 = arith.constant 199 : i32
      %dma_start3A_190 = arith.constant 0 : i32
      %dma_start3A_191 = arith.constant 0 : i32
      %dma_start3A_192 = tpu.memref_slice %arg8[%dma_start3A_187, %dma_start3A_188, %dma_start3A_190, %dma_start3A_191] : memref<2x4x8x128xf32, #tpu.memory_space<vmem>> -> memref<1x1x8x128xf32, #tpu.memory_space<vmem>>
      %dma_start3A_193 = tpu.memref_squeeze %dma_start3A_192 : memref<1x1x8x128xf32, #tpu.memory_space<vmem>> -> memref<8x128xf32, #tpu.memory_space<vmem>>
      %dma_start3A_194 = arith.constant 0 : i32
      %dma_start3A_195 = arith.constant 0 : i32
      %dma_start3A_196 = tpu.memref_slice %arg4[%dma_start3A_189, %add3A_186, %dma_start3A_194, %dma_start3A_195] : memref<200x512x8x128xf32, #tpu.memory_space<hbm>> -> memref<1x1x8x128xf32, #tpu.memory_space<hbm>>
      %dma_start3A_197 = tpu.memref_squeeze %dma_start3A_196 : memref<1x1x8x128xf32, #tpu.memory_space<hbm>> -> memref<8x128xf32, #tpu.memory_space<hbm>>
      %dma_start3A_198 = arith.constant 0 : i32
      %dma_start3A_199 = arith.constant 0 : i32
      %dma_start3A_200 = tpu.memref_slice %arg4[%dma_start3A_189, %add3A_186, %dma_start3A_198, %dma_start3A_199] : memref<200x512x8x128xf32, #tpu.memory_space<hbm>> -> memref<1x1x8x128xf32, #tpu.memory_space<hbm>>
      %dma_start3A_201 = tpu.memref_squeeze %dma_start3A_200 : memref<1x1x8x128xf32, #tpu.memory_space<hbm>> -> memref<8x128xf32, #tpu.memory_space<hbm>>
      %dma_start3A_202 = arith.constant 0 : i32
      %dma_start3A_203 = arith.constant 0 : i32
      %dma_start3A_204 = tpu.memref_slice %arg8[%dma_start3A_187, %dma_start3A_188, %dma_start3A_202, %dma_start3A_203] : memref<2x4x8x128xf32, #tpu.memory_space<vmem>> -> memref<1x1x8x128xf32, #tpu.memory_space<vmem>>
      %dma_start3A_205 = tpu.memref_squeeze %dma_start3A_204 : memref<1x1x8x128xf32, #tpu.memory_space<vmem>> -> memref<8x128xf32, #tpu.memory_space<vmem>>
      tpu.enqueue_dma source(%dma_start3A_205 : memref<8x128xf32, #tpu.memory_space<vmem>>) target(%dma_start3A_201 : memref<8x128xf32, #tpu.memory_space<hbm>>) target_semaphore(%arg12 : memref<!tpu.dma_semaphore, #tpu.memory_space<semaphore_mem>>)
      %add3A_206 = arith.constant 128 : i32
      %add3A_207 = arith.addi %add3A_206, %add3A_32 : i32
      %dma_start3A_208 = arith.constant 1 : i32
      %dma_start3A_209 = arith.constant 1 : i32
      %dma_start3A_210 = arith.constant 199 : i32
      %dma_start3A_211 = arith.constant 0 : i32
      %dma_start3A_212 = arith.constant 0 : i32
      %dma_start3A_213 = tpu.memref_slice %arg8[%dma_start3A_208, %dma_start3A_209, %dma_start3A_211, %dma_start3A_212] : memref<2x4x8x128xf32, #tpu.memory_space<vmem>> -> memref<1x1x8x128xf32, #tpu.memory_space<vmem>>
      %dma_start3A_214 = tpu.memref_squeeze %dma_start3A_213 : memref<1x1x8x128xf32, #tpu.memory_space<vmem>> -> memref<8x128xf32, #tpu.memory_space<vmem>>
      %dma_start3A_215 = arith.constant 0 : i32
      %dma_start3A_216 = arith.constant 0 : i32
      %dma_start3A_217 = tpu.memref_slice %arg4[%dma_start3A_210, %add3A_207, %dma_start3A_215, %dma_start3A_216] : memref<200x512x8x128xf32, #tpu.memory_space<hbm>> -> memref<1x1x8x128xf32, #tpu.memory_space<hbm>>
      %dma_start3A_218 = tpu.memref_squeeze %dma_start3A_217 : memref<1x1x8x128xf32, #tpu.memory_space<hbm>> -> memref<8x128xf32, #tpu.memory_space<hbm>>
      %dma_start3A_219 = arith.constant 0 : i32
      %dma_start3A_220 = arith.constant 0 : i32
      %dma_start3A_221 = tpu.memref_slice %arg4[%dma_start3A_210, %add3A_207, %dma_start3A_219, %dma_start3A_220] : memref<200x512x8x128xf32, #tpu.memory_space<hbm>> -> memref<1x1x8x128xf32, #tpu.memory_space<hbm>>
      %dma_start3A_222 = tpu.memref_squeeze %dma_start3A_221 : memref<1x1x8x128xf32, #tpu.memory_space<hbm>> -> memref<8x128xf32, #tpu.memory_space<hbm>>
      %dma_start3A_223 = arith.constant 0 : i32
      %dma_start3A_224 = arith.constant 0 : i32
      %dma_start3A_225 = tpu.memref_slice %arg8[%dma_start3A_208, %dma_start3A_209, %dma_start3A_223, %dma_start3A_224] : memref<2x4x8x128xf32, #tpu.memory_space<vmem>> -> memref<1x1x8x128xf32, #tpu.memory_space<vmem>>
      %dma_start3A_226 = tpu.memref_squeeze %dma_start3A_225 : memref<1x1x8x128xf32, #tpu.memory_space<vmem>> -> memref<8x128xf32, #tpu.memory_space<vmem>>
      tpu.enqueue_dma source(%dma_start3A_226 : memref<8x128xf32, #tpu.memory_space<vmem>>) target(%dma_start3A_222 : memref<8x128xf32, #tpu.memory_space<hbm>>) target_semaphore(%arg12 : memref<!tpu.dma_semaphore, #tpu.memory_space<semaphore_mem>>)
      %add3A_227 = arith.constant 256 : i32
      %add3A_228 = arith.addi %add3A_227, %add3A_32 : i32
      %dma_start3A_229 = arith.constant 1 : i32
      %dma_start3A_230 = arith.constant 2 : i32
      %dma_start3A_231 = arith.constant 199 : i32
      %dma_start3A_232 = arith.constant 0 : i32
      %dma_start3A_233 = arith.constant 0 : i32
      %dma_start3A_234 = tpu.memref_slice %arg8[%dma_start3A_229, %dma_start3A_230, %dma_start3A_232, %dma_start3A_233] : memref<2x4x8x128xf32, #tpu.memory_space<vmem>> -> memref<1x1x8x128xf32, #tpu.memory_space<vmem>>
      %dma_start3A_235 = tpu.memref_squeeze %dma_start3A_234 : memref<1x1x8x128xf32, #tpu.memory_space<vmem>> -> memref<8x128xf32, #tpu.memory_space<vmem>>
      %dma_start3A_236 = arith.constant 0 : i32
      %dma_start3A_237 = arith.constant 0 : i32
      %dma_start3A_238 = tpu.memref_slice %arg4[%dma_start3A_231, %add3A_228, %dma_start3A_236, %dma_start3A_237] : memref<200x512x8x128xf32, #tpu.memory_space<hbm>> -> memref<1x1x8x128xf32, #tpu.memory_space<hbm>>
      %dma_start3A_239 = tpu.memref_squeeze %dma_start3A_238 : memref<1x1x8x128xf32, #tpu.memory_space<hbm>> -> memref<8x128xf32, #tpu.memory_space<hbm>>
      %dma_start3A_240 = arith.constant 0 : i32
      %dma_start3A_241 = arith.constant 0 : i32
      %dma_start3A_242 = tpu.memref_slice %arg4[%dma_start3A_231, %add3A_228, %dma_start3A_240, %dma_start3A_241] : memref<200x512x8x128xf32, #tpu.memory_space<hbm>> -> memref<1x1x8x128xf32, #tpu.memory_space<hbm>>
      %dma_start3A_243 = tpu.memref_squeeze %dma_start3A_242 : memref<1x1x8x128xf32, #tpu.memory_space<hbm>> -> memref<8x128xf32, #tpu.memory_space<hbm>>
      %dma_start3A_244 = arith.constant 0 : i32
      %dma_start3A_245 = arith.constant 0 : i32
      %dma_start3A_246 = tpu.memref_slice %arg8[%dma_start3A_229, %dma_start3A_230, %dma_start3A_244, %dma_start3A_245] : memref<2x4x8x128xf32, #tpu.memory_space<vmem>> -> memref<1x1x8x128xf32, #tpu.memory_space<vmem>>
      %dma_start3A_247 = tpu.memref_squeeze %dma_start3A_246 : memref<1x1x8x128xf32, #tpu.memory_space<vmem>> -> memref<8x128xf32, #tpu.memory_space<vmem>>
      tpu.enqueue_dma source(%dma_start3A_247 : memref<8x128xf32, #tpu.memory_space<vmem>>) target(%dma_start3A_243 : memref<8x128xf32, #tpu.memory_space<hbm>>) target_semaphore(%arg12 : memref<!tpu.dma_semaphore, #tpu.memory_space<semaphore_mem>>)
      %add3A_248 = arith.constant 384 : i32
      %add3A_249 = arith.addi %add3A_248, %add3A_32 : i32
      %dma_start3A_250 = arith.constant 1 : i32
      %dma_start3A_251 = arith.constant 3 : i32
      %dma_start3A_252 = arith.constant 199 : i32
      %dma_start3A_253 = arith.constant 0 : i32
      %dma_start3A_254 = arith.constant 0 : i32
      %dma_start3A_255 = tpu.memref_slice %arg8[%dma_start3A_250, %dma_start3A_251, %dma_start3A_253, %dma_start3A_254] : memref<2x4x8x128xf32, #tpu.memory_space<vmem>> -> memref<1x1x8x128xf32, #tpu.memory_space<vmem>>
      %dma_start3A_256 = tpu.memref_squeeze %dma_start3A_255 : memref<1x1x8x128xf32, #tpu.memory_space<vmem>> -> memref<8x128xf32, #tpu.memory_space<vmem>>
      %dma_start3A_257 = arith.constant 0 : i32
      %dma_start3A_258 = arith.constant 0 : i32
      %dma_start3A_259 = tpu.memref_slice %arg4[%dma_start3A_252, %add3A_249, %dma_start3A_257, %dma_start3A_258] : memref<200x512x8x128xf32, #tpu.memory_space<hbm>> -> memref<1x1x8x128xf32, #tpu.memory_space<hbm>>
      %dma_start3A_260 = tpu.memref_squeeze %dma_start3A_259 : memref<1x1x8x128xf32, #tpu.memory_space<hbm>> -> memref<8x128xf32, #tpu.memory_space<hbm>>
      %dma_start3A_261 = arith.constant 0 : i32
      %dma_start3A_262 = arith.constant 0 : i32
      %dma_start3A_263 = tpu.memref_slice %arg4[%dma_start3A_252, %add3A_249, %dma_start3A_261, %dma_start3A_262] : memref<200x512x8x128xf32, #tpu.memory_space<hbm>> -> memref<1x1x8x128xf32, #tpu.memory_space<hbm>>
      %dma_start3A_264 = tpu.memref_squeeze %dma_start3A_263 : memref<1x1x8x128xf32, #tpu.memory_space<hbm>> -> memref<8x128xf32, #tpu.memory_space<hbm>>
      %dma_start3A_265 = arith.constant 0 : i32
      %dma_start3A_266 = arith.constant 0 : i32
      %dma_start3A_267 = tpu.memref_slice %arg8[%dma_start3A_250, %dma_start3A_251, %dma_start3A_265, %dma_start3A_266] : memref<2x4x8x128xf32, #tpu.memory_space<vmem>> -> memref<1x1x8x128xf32, #tpu.memory_space<vmem>>
      %dma_start3A_268 = tpu.memref_squeeze %dma_start3A_267 : memref<1x1x8x128xf32, #tpu.memory_space<vmem>> -> memref<8x128xf32, #tpu.memory_space<vmem>>
      tpu.enqueue_dma source(%dma_start3A_268 : memref<8x128xf32, #tpu.memory_space<vmem>>) target(%dma_start3A_264 : memref<8x128xf32, #tpu.memory_space<hbm>>) target_semaphore(%arg12 : memref<!tpu.dma_semaphore, #tpu.memory_space<semaphore_mem>>)
      %add3A_269 = arith.constant 0 : i32
      %add3A_270 = arith.addi %add3A_269, %add3A_32 : i32
      %dma_wait3A_271 = arith.constant 0 : i32
      %dma_wait3A_272 = arith.constant 0 : i32
      %dma_wait3A_273 = arith.constant 198 : i32
      %dma_wait3A_274 = arith.constant 0 : i32
      %dma_wait3A_275 = arith.constant 0 : i32
      %dma_wait3A_276 = tpu.memref_slice %arg8[%dma_wait3A_271, %dma_wait3A_272, %dma_wait3A_274, %dma_wait3A_275] : memref<2x4x8x128xf32, #tpu.memory_space<vmem>> -> memref<1x1x8x128xf32, #tpu.memory_space<vmem>>
      %dma_wait3A_277 = tpu.memref_squeeze %dma_wait3A_276 : memref<1x1x8x128xf32, #tpu.memory_space<vmem>> -> memref<8x128xf32, #tpu.memory_space<vmem>>
      %dma_wait3A_278 = arith.constant 0 : i32
      %dma_wait3A_279 = arith.constant 0 : i32
      %dma_wait3A_280 = tpu.memref_slice %arg4[%dma_wait3A_273, %add3A_270, %dma_wait3A_278, %dma_wait3A_279] : memref<200x512x8x128xf32, #tpu.memory_space<hbm>> -> memref<1x1x8x128xf32, #tpu.memory_space<hbm>>
      %dma_wait3A_281 = tpu.memref_squeeze %dma_wait3A_280 : memref<1x1x8x128xf32, #tpu.memory_space<hbm>> -> memref<8x128xf32, #tpu.memory_space<hbm>>
      %dma_wait3A_282 = arith.constant 0 : i32
      %dma_wait3A_283 = arith.constant 0 : i32
      %dma_wait3A_284 = tpu.memref_slice %arg4[%dma_wait3A_273, %add3A_270, %dma_wait3A_282, %dma_wait3A_283] : memref<200x512x8x128xf32, #tpu.memory_space<hbm>> -> memref<1x1x8x128xf32, #tpu.memory_space<hbm>>
      %dma_wait3A_285 = tpu.memref_squeeze %dma_wait3A_284 : memref<1x1x8x128xf32, #tpu.memory_space<hbm>> -> memref<8x128xf32, #tpu.memory_space<hbm>>
      %dma_wait3A_286 = arith.constant 0 : i32
      %dma_wait3A_287 = arith.constant 0 : i32
      %dma_wait3A_288 = tpu.memref_slice %arg8[%dma_wait3A_271, %dma_wait3A_272, %dma_wait3A_286, %dma_wait3A_287] : memref<2x4x8x128xf32, #tpu.memory_space<vmem>> -> memref<1x1x8x128xf32, #tpu.memory_space<vmem>>
      %dma_wait3A_289 = tpu.memref_squeeze %dma_wait3A_288 : memref<1x1x8x128xf32, #tpu.memory_space<vmem>> -> memref<8x128xf32, #tpu.memory_space<vmem>>
      tpu.wait_dma2 semaphore(%arg11 : memref<!tpu.dma_semaphore, #tpu.memory_space<semaphore_mem>>) src(%dma_wait3A_289 : memref<8x128xf32, #tpu.memory_space<vmem>>) dst(%dma_wait3A_285 : memref<8x128xf32, #tpu.memory_space<hbm>>)
      %add3A_290 = arith.constant 128 : i32
      %add3A_291 = arith.addi %add3A_290, %add3A_32 : i32
      %dma_wait3A_292 = arith.constant 0 : i32
      %dma_wait3A_293 = arith.constant 1 : i32
      %dma_wait3A_294 = arith.constant 198 : i32
      %dma_wait3A_295 = arith.constant 0 : i32
      %dma_wait3A_296 = arith.constant 0 : i32
      %dma_wait3A_297 = tpu.memref_slice %arg8[%dma_wait3A_292, %dma_wait3A_293, %dma_wait3A_295, %dma_wait3A_296] : memref<2x4x8x128xf32, #tpu.memory_space<vmem>> -> memref<1x1x8x128xf32, #tpu.memory_space<vmem>>
      %dma_wait3A_298 = tpu.memref_squeeze %dma_wait3A_297 : memref<1x1x8x128xf32, #tpu.memory_space<vmem>> -> memref<8x128xf32, #tpu.memory_space<vmem>>
      %dma_wait3A_299 = arith.constant 0 : i32
      %dma_wait3A_300 = arith.constant 0 : i32
      %dma_wait3A_301 = tpu.memref_slice %arg4[%dma_wait3A_294, %add3A_291, %dma_wait3A_299, %dma_wait3A_300] : memref<200x512x8x128xf32, #tpu.memory_space<hbm>> -> memref<1x1x8x128xf32, #tpu.memory_space<hbm>>
      %dma_wait3A_302 = tpu.memref_squeeze %dma_wait3A_301 : memref<1x1x8x128xf32, #tpu.memory_space<hbm>> -> memref<8x128xf32, #tpu.memory_space<hbm>>
      %dma_wait3A_303 = arith.constant 0 : i32
      %dma_wait3A_304 = arith.constant 0 : i32
      %dma_wait3A_305 = tpu.memref_slice %arg4[%dma_wait3A_294, %add3A_291, %dma_wait3A_303, %dma_wait3A_304] : memref<200x512x8x128xf32, #tpu.memory_space<hbm>> -> memref<1x1x8x128xf32, #tpu.memory_space<hbm>>
      %dma_wait3A_306 = tpu.memref_squeeze %dma_wait3A_305 : memref<1x1x8x128xf32, #tpu.memory_space<hbm>> -> memref<8x128xf32, #tpu.memory_space<hbm>>
      %dma_wait3A_307 = arith.constant 0 : i32
      %dma_wait3A_308 = arith.constant 0 : i32
      %dma_wait3A_309 = tpu.memref_slice %arg8[%dma_wait3A_292, %dma_wait3A_293, %dma_wait3A_307, %dma_wait3A_308] : memref<2x4x8x128xf32, #tpu.memory_space<vmem>> -> memref<1x1x8x128xf32, #tpu.memory_space<vmem>>
      %dma_wait3A_310 = tpu.memref_squeeze %dma_wait3A_309 : memref<1x1x8x128xf32, #tpu.memory_space<vmem>> -> memref<8x128xf32, #tpu.memory_space<vmem>>
      tpu.wait_dma2 semaphore(%arg11 : memref<!tpu.dma_semaphore, #tpu.memory_space<semaphore_mem>>) src(%dma_wait3A_310 : memref<8x128xf32, #tpu.memory_space<vmem>>) dst(%dma_wait3A_306 : memref<8x128xf32, #tpu.memory_space<hbm>>)
      %add3A_311 = arith.constant 256 : i32
      %add3A_312 = arith.addi %add3A_311, %add3A_32 : i32
      %dma_wait3A_313 = arith.constant 0 : i32
      %dma_wait3A_314 = arith.constant 2 : i32
      %dma_wait3A_315 = arith.constant 198 : i32
      %dma_wait3A_316 = arith.constant 0 : i32
      %dma_wait3A_317 = arith.constant 0 : i32
      %dma_wait3A_318 = tpu.memref_slice %arg8[%dma_wait3A_313, %dma_wait3A_314, %dma_wait3A_316, %dma_wait3A_317] : memref<2x4x8x128xf32, #tpu.memory_space<vmem>> -> memref<1x1x8x128xf32, #tpu.memory_space<vmem>>
      %dma_wait3A_319 = tpu.memref_squeeze %dma_wait3A_318 : memref<1x1x8x128xf32, #tpu.memory_space<vmem>> -> memref<8x128xf32, #tpu.memory_space<vmem>>
      %dma_wait3A_320 = arith.constant 0 : i32
      %dma_wait3A_321 = arith.constant 0 : i32
      %dma_wait3A_322 = tpu.memref_slice %arg4[%dma_wait3A_315, %add3A_312, %dma_wait3A_320, %dma_wait3A_321] : memref<200x512x8x128xf32, #tpu.memory_space<hbm>> -> memref<1x1x8x128xf32, #tpu.memory_space<hbm>>
      %dma_wait3A_323 = tpu.memref_squeeze %dma_wait3A_322 : memref<1x1x8x128xf32, #tpu.memory_space<hbm>> -> memref<8x128xf32, #tpu.memory_space<hbm>>
      %dma_wait3A_324 = arith.constant 0 : i32
      %dma_wait3A_325 = arith.constant 0 : i32
      %dma_wait3A_326 = tpu.memref_slice %arg4[%dma_wait3A_315, %add3A_312, %dma_wait3A_324, %dma_wait3A_325] : memref<200x512x8x128xf32, #tpu.memory_space<hbm>> -> memref<1x1x8x128xf32, #tpu.memory_space<hbm>>
      %dma_wait3A_327 = tpu.memref_squeeze %dma_wait3A_326 : memref<1x1x8x128xf32, #tpu.memory_space<hbm>> -> memref<8x128xf32, #tpu.memory_space<hbm>>
      %dma_wait3A_328 = arith.constant 0 : i32
      %dma_wait3A_329 = arith.constant 0 : i32
      %dma_wait3A_330 = tpu.memref_slice %arg8[%dma_wait3A_313, %dma_wait3A_314, %dma_wait3A_328, %dma_wait3A_329] : memref<2x4x8x128xf32, #tpu.memory_space<vmem>> -> memref<1x1x8x128xf32, #tpu.memory_space<vmem>>
      %dma_wait3A_331 = tpu.memref_squeeze %dma_wait3A_330 : memref<1x1x8x128xf32, #tpu.memory_space<vmem>> -> memref<8x128xf32, #tpu.memory_space<vmem>>
      tpu.wait_dma2 semaphore(%arg11 : memref<!tpu.dma_semaphore, #tpu.memory_space<semaphore_mem>>) src(%dma_wait3A_331 : memref<8x128xf32, #tpu.memory_space<vmem>>) dst(%dma_wait3A_327 : memref<8x128xf32, #tpu.memory_space<hbm>>)
      %add3A_332 = arith.constant 384 : i32
      %add3A_333 = arith.addi %add3A_332, %add3A_32 : i32
      %dma_wait3A_334 = arith.constant 0 : i32
      %dma_wait3A_335 = arith.constant 3 : i32
      %dma_wait3A_336 = arith.constant 198 : i32
      %dma_wait3A_337 = arith.constant 0 : i32
      %dma_wait3A_338 = arith.constant 0 : i32
      %dma_wait3A_339 = tpu.memref_slice %arg8[%dma_wait3A_334, %dma_wait3A_335, %dma_wait3A_337, %dma_wait3A_338] : memref<2x4x8x128xf32, #tpu.memory_space<vmem>> -> memref<1x1x8x128xf32, #tpu.memory_space<vmem>>
      %dma_wait3A_340 = tpu.memref_squeeze %dma_wait3A_339 : memref<1x1x8x128xf32, #tpu.memory_space<vmem>> -> memref<8x128xf32, #tpu.memory_space<vmem>>
      %dma_wait3A_341 = arith.constant 0 : i32
      %dma_wait3A_342 = arith.constant 0 : i32
      %dma_wait3A_343 = tpu.memref_slice %arg4[%dma_wait3A_336, %add3A_333, %dma_wait3A_341, %dma_wait3A_342] : memref<200x512x8x128xf32, #tpu.memory_space<hbm>> -> memref<1x1x8x128xf32, #tpu.memory_space<hbm>>
      %dma_wait3A_344 = tpu.memref_squeeze %dma_wait3A_343 : memref<1x1x8x128xf32, #tpu.memory_space<hbm>> -> memref<8x128xf32, #tpu.memory_space<hbm>>
      %dma_wait3A_345 = arith.constant 0 : i32
      %dma_wait3A_346 = arith.constant 0 : i32
      %dma_wait3A_347 = tpu.memref_slice %arg4[%dma_wait3A_336, %add3A_333, %dma_wait3A_345, %dma_wait3A_346] : memref<200x512x8x128xf32, #tpu.memory_space<hbm>> -> memref<1x1x8x128xf32, #tpu.memory_space<hbm>>
      %dma_wait3A_348 = tpu.memref_squeeze %dma_wait3A_347 : memref<1x1x8x128xf32, #tpu.memory_space<hbm>> -> memref<8x128xf32, #tpu.memory_space<hbm>>
      %dma_wait3A_349 = arith.constant 0 : i32
      %dma_wait3A_350 = arith.constant 0 : i32
      %dma_wait3A_351 = tpu.memref_slice %arg8[%dma_wait3A_334, %dma_wait3A_335, %dma_wait3A_349, %dma_wait3A_350] : memref<2x4x8x128xf32, #tpu.memory_space<vmem>> -> memref<1x1x8x128xf32, #tpu.memory_space<vmem>>
      %dma_wait3A_352 = tpu.memref_squeeze %dma_wait3A_351 : memref<1x1x8x128xf32, #tpu.memory_space<vmem>> -> memref<8x128xf32, #tpu.memory_space<vmem>>
      tpu.wait_dma2 semaphore(%arg11 : memref<!tpu.dma_semaphore, #tpu.memory_space<semaphore_mem>>) src(%dma_wait3A_352 : memref<8x128xf32, #tpu.memory_space<vmem>>) dst(%dma_wait3A_348 : memref<8x128xf32, #tpu.memory_space<hbm>>)
      %add3A_353 = arith.constant 0 : i32
      %add3A_354 = arith.addi %add3A_353, %add3A_32 : i32
      %dma_wait3A_355 = arith.constant 1 : i32
      %dma_wait3A_356 = arith.constant 0 : i32
      %dma_wait3A_357 = arith.constant 199 : i32
      %dma_wait3A_358 = arith.constant 0 : i32
      %dma_wait3A_359 = arith.constant 0 : i32
      %dma_wait3A_360 = tpu.memref_slice %arg8[%dma_wait3A_355, %dma_wait3A_356, %dma_wait3A_358, %dma_wait3A_359] : memref<2x4x8x128xf32, #tpu.memory_space<vmem>> -> memref<1x1x8x128xf32, #tpu.memory_space<vmem>>
      %dma_wait3A_361 = tpu.memref_squeeze %dma_wait3A_360 : memref<1x1x8x128xf32, #tpu.memory_space<vmem>> -> memref<8x128xf32, #tpu.memory_space<vmem>>
      %dma_wait3A_362 = arith.constant 0 : i32
      %dma_wait3A_363 = arith.constant 0 : i32
      %dma_wait3A_364 = tpu.memref_slice %arg4[%dma_wait3A_357, %add3A_354, %dma_wait3A_362, %dma_wait3A_363] : memref<200x512x8x128xf32, #tpu.memory_space<hbm>> -> memref<1x1x8x128xf32, #tpu.memory_space<hbm>>
      %dma_wait3A_365 = tpu.memref_squeeze %dma_wait3A_364 : memref<1x1x8x128xf32, #tpu.memory_space<hbm>> -> memref<8x128xf32, #tpu.memory_space<hbm>>
      %dma_wait3A_366 = arith.constant 0 : i32
      %dma_wait3A_367 = arith.constant 0 : i32
      %dma_wait3A_368 = tpu.memref_slice %arg4[%dma_wait3A_357, %add3A_354, %dma_wait3A_366, %dma_wait3A_367] : memref<200x512x8x128xf32, #tpu.memory_space<hbm>> -> memref<1x1x8x128xf32, #tpu.memory_space<hbm>>
      %dma_wait3A_369 = tpu.memref_squeeze %dma_wait3A_368 : memref<1x1x8x128xf32, #tpu.memory_space<hbm>> -> memref<8x128xf32, #tpu.memory_space<hbm>>
      %dma_wait3A_370 = arith.constant 0 : i32
      %dma_wait3A_371 = arith.constant 0 : i32
      %dma_wait3A_372 = tpu.memref_slice %arg8[%dma_wait3A_355, %dma_wait3A_356, %dma_wait3A_370, %dma_wait3A_371] : memref<2x4x8x128xf32, #tpu.memory_space<vmem>> -> memref<1x1x8x128xf32, #tpu.memory_space<vmem>>
      %dma_wait3A_373 = tpu.memref_squeeze %dma_wait3A_372 : memref<1x1x8x128xf32, #tpu.memory_space<vmem>> -> memref<8x128xf32, #tpu.memory_space<vmem>>
      tpu.wait_dma2 semaphore(%arg12 : memref<!tpu.dma_semaphore, #tpu.memory_space<semaphore_mem>>) src(%dma_wait3A_373 : memref<8x128xf32, #tpu.memory_space<vmem>>) dst(%dma_wait3A_369 : memref<8x128xf32, #tpu.memory_space<hbm>>)
      %add3A_374 = arith.constant 128 : i32
      %add3A_375 = arith.addi %add3A_374, %add3A_32 : i32
      %dma_wait3A_376 = arith.constant 1 : i32
      %dma_wait3A_377 = arith.constant 1 : i32
      %dma_wait3A_378 = arith.constant 199 : i32
      %dma_wait3A_379 = arith.constant 0 : i32
      %dma_wait3A_380 = arith.constant 0 : i32
      %dma_wait3A_381 = tpu.memref_slice %arg8[%dma_wait3A_376, %dma_wait3A_377, %dma_wait3A_379, %dma_wait3A_380] : memref<2x4x8x128xf32, #tpu.memory_space<vmem>> -> memref<1x1x8x128xf32, #tpu.memory_space<vmem>>
      %dma_wait3A_382 = tpu.memref_squeeze %dma_wait3A_381 : memref<1x1x8x128xf32, #tpu.memory_space<vmem>> -> memref<8x128xf32, #tpu.memory_space<vmem>>
      %dma_wait3A_383 = arith.constant 0 : i32
      %dma_wait3A_384 = arith.constant 0 : i32
      %dma_wait3A_385 = tpu.memref_slice %arg4[%dma_wait3A_378, %add3A_375, %dma_wait3A_383, %dma_wait3A_384] : memref<200x512x8x128xf32, #tpu.memory_space<hbm>> -> memref<1x1x8x128xf32, #tpu.memory_space<hbm>>
      %dma_wait3A_386 = tpu.memref_squeeze %dma_wait3A_385 : memref<1x1x8x128xf32, #tpu.memory_space<hbm>> -> memref<8x128xf32, #tpu.memory_space<hbm>>
      %dma_wait3A_387 = arith.constant 0 : i32
      %dma_wait3A_388 = arith.constant 0 : i32
      %dma_wait3A_389 = tpu.memref_slice %arg4[%dma_wait3A_378, %add3A_375, %dma_wait3A_387, %dma_wait3A_388] : memref<200x512x8x128xf32, #tpu.memory_space<hbm>> -> memref<1x1x8x128xf32, #tpu.memory_space<hbm>>
      %dma_wait3A_390 = tpu.memref_squeeze %dma_wait3A_389 : memref<1x1x8x128xf32, #tpu.memory_space<hbm>> -> memref<8x128xf32, #tpu.memory_space<hbm>>
      %dma_wait3A_391 = arith.constant 0 : i32
      %dma_wait3A_392 = arith.constant 0 : i32
      %dma_wait3A_393 = tpu.memref_slice %arg8[%dma_wait3A_376, %dma_wait3A_377, %dma_wait3A_391, %dma_wait3A_392] : memref<2x4x8x128xf32, #tpu.memory_space<vmem>> -> memref<1x1x8x128xf32, #tpu.memory_space<vmem>>
      %dma_wait3A_394 = tpu.memref_squeeze %dma_wait3A_393 : memref<1x1x8x128xf32, #tpu.memory_space<vmem>> -> memref<8x128xf32, #tpu.memory_space<vmem>>
      tpu.wait_dma2 semaphore(%arg12 : memref<!tpu.dma_semaphore, #tpu.memory_space<semaphore_mem>>) src(%dma_wait3A_394 : memref<8x128xf32, #tpu.memory_space<vmem>>) dst(%dma_wait3A_390 : memref<8x128xf32, #tpu.memory_space<hbm>>)
      %add3A_395 = arith.constant 256 : i32
      %add3A_396 = arith.addi %add3A_395, %add3A_32 : i32
      %dma_wait3A_397 = arith.constant 1 : i32
      %dma_wait3A_398 = arith.constant 2 : i32
      %dma_wait3A_399 = arith.constant 199 : i32
      %dma_wait3A_400 = arith.constant 0 : i32
      %dma_wait3A_401 = arith.constant 0 : i32
      %dma_wait3A_402 = tpu.memref_slice %arg8[%dma_wait3A_397, %dma_wait3A_398, %dma_wait3A_400, %dma_wait3A_401] : memref<2x4x8x128xf32, #tpu.memory_space<vmem>> -> memref<1x1x8x128xf32, #tpu.memory_space<vmem>>
      %dma_wait3A_403 = tpu.memref_squeeze %dma_wait3A_402 : memref<1x1x8x128xf32, #tpu.memory_space<vmem>> -> memref<8x128xf32, #tpu.memory_space<vmem>>
      %dma_wait3A_404 = arith.constant 0 : i32
      %dma_wait3A_405 = arith.constant 0 : i32
      %dma_wait3A_406 = tpu.memref_slice %arg4[%dma_wait3A_399, %add3A_396, %dma_wait3A_404, %dma_wait3A_405] : memref<200x512x8x128xf32, #tpu.memory_space<hbm>> -> memref<1x1x8x128xf32, #tpu.memory_space<hbm>>
      %dma_wait3A_407 = tpu.memref_squeeze %dma_wait3A_406 : memref<1x1x8x128xf32, #tpu.memory_space<hbm>> -> memref<8x128xf32, #tpu.memory_space<hbm>>
      %dma_wait3A_408 = arith.constant 0 : i32
      %dma_wait3A_409 = arith.constant 0 : i32
      %dma_wait3A_410 = tpu.memref_slice %arg4[%dma_wait3A_399, %add3A_396, %dma_wait3A_408, %dma_wait3A_409] : memref<200x512x8x128xf32, #tpu.memory_space<hbm>> -> memref<1x1x8x128xf32, #tpu.memory_space<hbm>>
      %dma_wait3A_411 = tpu.memref_squeeze %dma_wait3A_410 : memref<1x1x8x128xf32, #tpu.memory_space<hbm>> -> memref<8x128xf32, #tpu.memory_space<hbm>>
      %dma_wait3A_412 = arith.constant 0 : i32
      %dma_wait3A_413 = arith.constant 0 : i32
      %dma_wait3A_414 = tpu.memref_slice %arg8[%dma_wait3A_397, %dma_wait3A_398, %dma_wait3A_412, %dma_wait3A_413] : memref<2x4x8x128xf32, #tpu.memory_space<vmem>> -> memref<1x1x8x128xf32, #tpu.memory_space<vmem>>
      %dma_wait3A_415 = tpu.memref_squeeze %dma_wait3A_414 : memref<1x1x8x128xf32, #tpu.memory_space<vmem>> -> memref<8x128xf32, #tpu.memory_space<vmem>>
      tpu.wait_dma2 semaphore(%arg12 : memref<!tpu.dma_semaphore, #tpu.memory_space<semaphore_mem>>) src(%dma_wait3A_415 : memref<8x128xf32, #tpu.memory_space<vmem>>) dst(%dma_wait3A_411 : memref<8x128xf32, #tpu.memory_space<hbm>>)
      %add3A_416 = arith.constant 384 : i32
      %add3A_417 = arith.addi %add3A_416, %add3A_32 : i32
      %dma_wait3A_418 = arith.constant 1 : i32
      %dma_wait3A_419 = arith.constant 3 : i32
      %dma_wait3A_420 = arith.constant 199 : i32
      %dma_wait3A_421 = arith.constant 0 : i32
      %dma_wait3A_422 = arith.constant 0 : i32
      %dma_wait3A_423 = tpu.memref_slice %arg8[%dma_wait3A_418, %dma_wait3A_419, %dma_wait3A_421, %dma_wait3A_422] : memref<2x4x8x128xf32, #tpu.memory_space<vmem>> -> memref<1x1x8x128xf32, #tpu.memory_space<vmem>>
      %dma_wait3A_424 = tpu.memref_squeeze %dma_wait3A_423 : memref<1x1x8x128xf32, #tpu.memory_space<vmem>> -> memref<8x128xf32, #tpu.memory_space<vmem>>
      %dma_wait3A_425 = arith.constant 0 : i32
      %dma_wait3A_426 = arith.constant 0 : i32
      %dma_wait3A_427 = tpu.memref_slice %arg4[%dma_wait3A_420, %add3A_417, %dma_wait3A_425, %dma_wait3A_426] : memref<200x512x8x128xf32, #tpu.memory_space<hbm>> -> memref<1x1x8x128xf32, #tpu.memory_space<hbm>>
      %dma_wait3A_428 = tpu.memref_squeeze %dma_wait3A_427 : memref<1x1x8x128xf32, #tpu.memory_space<hbm>> -> memref<8x128xf32, #tpu.memory_space<hbm>>
      %dma_wait3A_429 = arith.constant 0 : i32
      %dma_wait3A_430 = arith.constant 0 : i32
      %dma_wait3A_431 = tpu.memref_slice %arg4[%dma_wait3A_420, %add3A_417, %dma_wait3A_429, %dma_wait3A_430] : memref<200x512x8x128xf32, #tpu.memory_space<hbm>> -> memref<1x1x8x128xf32, #tpu.memory_space<hbm>>
      %dma_wait3A_432 = tpu.memref_squeeze %dma_wait3A_431 : memref<1x1x8x128xf32, #tpu.memory_space<hbm>> -> memref<8x128xf32, #tpu.memory_space<hbm>>
      %dma_wait3A_433 = arith.constant 0 : i32
      %dma_wait3A_434 = arith.constant 0 : i32
      %dma_wait3A_435 = tpu.memref_slice %arg8[%dma_wait3A_418, %dma_wait3A_419, %dma_wait3A_433, %dma_wait3A_434] : memref<2x4x8x128xf32, #tpu.memory_space<vmem>> -> memref<1x1x8x128xf32, #tpu.memory_space<vmem>>
      %dma_wait3A_436 = tpu.memref_squeeze %dma_wait3A_435 : memref<1x1x8x128xf32, #tpu.memory_space<vmem>> -> memref<8x128xf32, #tpu.memory_space<vmem>>
      tpu.wait_dma2 semaphore(%arg12 : memref<!tpu.dma_semaphore, #tpu.memory_space<semaphore_mem>>) src(%dma_wait3A_436 : memref<8x128xf32, #tpu.memory_space<vmem>>) dst(%dma_wait3A_432 : memref<8x128xf32, #tpu.memory_space<hbm>>)
    }
    %scan3A_28 = arith.constant 4 : i32
    return
  }
}

</mosaic_0001>

<sc_bundles>
// kernel: _run.3.cloned.1.call-start
scs
__scs_entry_jumppad:
0x0: {  	(pc) =	sbr.rel $0x88, $3  }
0x1: {  	(tag) =	ssettag $0x0;
	lr =	simm.s32 $0x1  }
0x2: {  	[smem:$0x3F9F] =	sst lr;
	_ =	strace $0xD0000000  }
0x3: {  	_ = 	snop  }
0x4: {  	_ = 	snop  }
0x5: {  	_ = 	snop  }
0x6: {  	_ = 	snop  }
0x7: {  	_ = 	snop  }
__scs_overlays_trampoline_lowered:
0x8: {  	[smem:$0x3FAE] =	sst s0  }
0x9: {  	[smem:$0x3FAF] =	sst s1  }
0xa: {  	[smem:$0x3FB0] =	sst s2  }
0xb: {  	[smem:$0x3FB1] =	sst s3  }
0xc: {  	[smem:$0x3FB2] =	sst s4  }
0xd: {  	[smem:$0x3FB3] =	sst s5  }
0xe: {  	[smem:$0x3FB4] =	sst s6  }
0xf: {  	[smem:$0x3FB5] =	sst s7  }
0x10: {  	[smem:$0x3FB6] =	sst s8  }
0x11: {  	[smem:$0x3FB7] =	sst s9;
	s0 =	simm.s32 @!p0 $0x0  }
0x12: {  	s1 =	sld [smem:$0x3F9D];
	s0 =	simm.s32 @p0 $0x1  }
0x13: {  	[smem:$0x3FB8] =	sst s0;
	s0 =	simm.s32 @!p1 $0x0  }
0x14: {  	s2 =	sld [smem:$0x3F9C];
	s0 =	simm.s32 @p1 $0x1  }
0x15: {  	[smem:$0x3FB9] =	sst s0;
	s0 =	simm.s32 @!p2 $0x0  }
0x16: {  	s3 =	sld [smem:$0x3FDB];
	s0 =	simm.s32 @p2 $0x1  }
0x17: {  	s4 =	simm.s32 $0x1BF5;
	[smem:$0x3FBB] =	sst s0  }
0x18: {  	s0 =	sld [smem:$0x3F9E];
	_ =	swait.ge [sflag:s4], $0x0  }
0x19: {  	s7 =	sld [smem:$0x3F9F]  }
0x1a: {  	s8 =	sadd.s32 $0xFFFFE003, lr  }
0x1b: {  	s9 =	sadd.s32 $0xFFFFFEF7, lr;
	s5 =	simm.s32 $0xFFFFFFFF;
	p2 =	slt.u32 s8, $0xFFFFF086  }
0x1c: {  	p1 =	slt.u32 s9, $0xF7A;
	s5 =	simm.s32 @!p2 $0x0  }
0x1d: {  	s5 =	simm.s32 @p1 $0x1;
	p0 =	seq.s32 s7, s2  }
0x1e: {  	s7 =	smul.u32 @!p0 $0xF7A, s2;
	p2 =	seq.s32 @!p0 s5, $0x0  }
0x1f: {  	s9 =	smul.u32 $0xF7A, s1;
	s8 =	simm.s32 @!p0 $0x1BF5;
	p2 =	por !p2, p0  }
0x20: {  	[sflag:s8] =	ssyncset.s32 @!p0 $0xFFFFF086;
	s6 =	sadd.s32 @!p0 s3, s7;
	s7 =	simm.s32 @!p0 $0x108  }
0x21: {  	s3 =	sadd.s32 s3, s9;
	s6 =	sadd.s32 @!p0 $0x88, s6;
	s7 =	simm.s32 @p2 $0x1082  }
0x22: {  	[simem:s7], [sflag:s8] =	dma.local @!p0 [hbm:s6], $0xF7A  }
0x23: {  	s9 =	sor.u32 $0xD0000000, s2;
	s6 =	simm.s32 $0x108;
	_ =	swait.ge @!p0 [sflag:s8], $0x0  }
0x24: {  	s3 =	sadd.s32 $0x88, s3;
	s6 =	simm.s32 @!p1 $0x1082;
	[sflag:s4] =	ssyncset.s32 $0xFFFFF086  }
0x25: {  	[simem:s6], [sflag:s4] =	dma.local [hbm:s3], $0xF7A  }
0x26: {  	[smem:$0x3F9F] =	sst s1;
	(tag) =	ssettag s2;
	_ =	strace s9  }
0x27: {  	s1 =	sld [smem:$0x3FAF]  }
0x28: {  	s2 =	sld [smem:$0x3FB0]  }
0x29: {  	s4 =	sld [smem:$0x3FB2]  }
0x2a: {  	p0 =	seq.s32 s5, $0x0;
	s5 =	sld [smem:$0x3FB3]  }
0x2b: {  	s6 =	sld [smem:$0x3FB4]  }
0x2c: {  	s7 =	sld [smem:$0x3FB5]  }
0x2d: {  	s3 =	simm.s32 $0x108;
	s8 =	sld [smem:$0x3FB6]  }
0x2e: {  	s3 =	simm.s32 @!p0 $0x1082;
	s9 =	sld [smem:$0x3FB7]  }
0x2f: {  	lr =	sadd.s32 s0, s3;
	s0 =	sld [smem:$0x3FAE]  }
0x30: {  	s3 =	sld [smem:$0x3FB1]  }
0x31: {  	[smem:$0x3FBA] =	sst s10  }
0x32: {  	s10 =	sld [smem:$0x3FB8];
	_ =	sdelay $0x3  }
0x33: {  	p0 =	seq.s32 s10, $0x1;
	s10 =	sld [smem:$0x3FBA];
	_ =	sdelay $0x3  }
0x34: {  	[smem:$0x3FBA] =	sst s10  }
0x35: {  	s10 =	sld [smem:$0x3FB9];
	_ =	sdelay $0x3  }
0x36: {  	p1 =	seq.s32 s10, $0x1;
	s10 =	sld [smem:$0x3FBA];
	_ =	sdelay $0x3  }
0x37: {  	[smem:$0x3FBA] =	sst s10  }
0x38: {  	s10 =	sld [smem:$0x3FBB]  }
0x39: {  	_ = 	snop;
	(pc) =	sbr.ind lr, $3  }
0x3a: {  	_ = 	snop  }
0x3b: {  	_ = 	snop  }
0x3c: {  	p2 =	seq.s32 s10, $0x1;
	s10 =	sld [smem:$0x3FBA]  }
0x3d: {  	_ =	shalt  }
0x3e: {  	_ =	shalt  }
0x3f: {  	_ =	shalt  }
0x40: {  	_ =	shalt  }
0x41: {  	_ =	shalt  }
0x42: {  	_ =	shalt  }
0x43: {  	_ =	shalt  }
0x44: {  	_ =	shalt  }
0x45: {  	_ =	shalt  }
0x46: {  	_ =	shalt  }
0x47: {  	_ =	shalt  }
0x48: {  	_ =	shalt  }
0x49: {  	_ =	shalt  }
0x4a: {  	_ =	shalt  }
0x4b: {  	_ =	shalt  }
0x4c: {  	_ =	shalt  }
0x4d: {  	_ =	shalt  }
0x4e: {  	_ =	shalt  }
0x4f: {  	_ =	shalt  }
0x50: {  	_ =	shalt  }
0x51: {  	_ =	shalt  }
0x52: {  	_ =	shalt  }
0x53: {  	_ =	shalt  }
0x54: {  	_ =	shalt  }
0x55: {  	_ =	shalt  }
0x56: {  	_ =	shalt  }
0x57: {  	_ =	shalt  }
0x58: {  	_ =	shalt  }
0x59: {  	_ =	shalt  }
0x5a: {  	_ =	shalt  }
0x5b: {  	_ =	shalt  }
0x5c: {  	_ =	shalt  }
0x5d: {  	_ =	shalt  }
0x5e: {  	_ =	shalt  }
0x5f: {  	_ =	shalt  }
0x60: {  	_ =	shalt  }
0x61: {  	_ =	shalt  }
0x62: {  	_ =	shalt  }
0x63: {  	_ =	shalt  }
0x64: {  	_ =	shalt  }
0x65: {  	_ =	shalt  }
0x66: {  	_ =	shalt  }
0x67: {  	_ =	shalt  }
0x68: {  	_ =	shalt  }
0x69: {  	_ =	shalt  }
0x6a: {  	_ =	shalt  }
0x6b: {  	_ =	shalt  }
0x6c: {  	_ =	shalt  }
0x6d: {  	_ =	shalt  }
0x6e: {  	_ =	shalt  }
0x6f: {  	_ =	shalt  }
0x70: {  	_ =	shalt  }
0x71: {  	_ =	shalt  }
0x72: {  	_ =	shalt  }
0x73: {  	_ =	shalt  }
0x74: {  	_ =	shalt  }
0x75: {  	_ =	shalt  }
0x76: {  	_ =	shalt  }
0x77: {  	_ =	shalt  }
0x78: {  	_ =	shalt  }
0x79: {  	_ =	shalt  }
0x7a: {  	_ =	shalt  }
0x7b: {  	_ =	shalt  }
0x7c: {  	_ =	shalt  }
0x7d: {  	_ =	shalt  }
0x7e: {  	_ =	shalt  }
0x7f: {  	_ =	shalt  }
0x80: {  	_ =	shalt  }
0x81: {  	_ =	shalt  }
0x82: {  	_ =	shalt  }
0x83: {  	_ =	shalt  }
0x84: {  	_ =	shalt  }
0x85: {  	_ =	shalt  }
0x86: {  	_ =	shalt  }
0x87: {  	_ =	shalt  }
.Lfunc_end0:
.L_simem_size_0:
called_computation_lowered:
.L_overlay_start_0:
0x88: {  	s2 =	sld [smem:$0x3FD9]  }
0x89: {  	s3 =	sld [smem:$0x3FFE];
	_ =	sdelay $0x1  }
0x8a: {  	s1 =	srdreg.scid  }
0x8b: {  	s0 =	sand.u32 $0x1, s1  }
0x8c: {  	s17 =	sshll.u32 s0, $0xA;
	s2 =	sadd.s32 s3, s2  }
0x8d: {  	s2 =	sadd.s32 s2, s17  }
0x8e: {  	[smem:$0x3FC6] =	sst s2  }
0x8f: {  	_ = 	snop  }
0x90: {  	s2 =	sld [smem:$0x3FD0];
	(tm) =	ssettm $0x1  }
0x91: {  	s18 =	sld [smem:$0x3FFB];
	_ =	sdelay $0x3  }
0x92: {  	_ =	strace s18  }
0x93: {  	s3 =	sld [smem:$0x3FFC];
	_ =	sdelay $0x3  }
0x94: {  	_ =	strace s3  }
0x95: {  	s3 =	sld [smem:$0x3FFD];
	_ =	sdelay $0x3  }
0x96: {  	_ =	strace s3  }
0x97: {  	_ =	strace $0x8FFFFFFF  }
0x98: {  	s19 =	sld [smem:$0x3FDB];
	_ =	sdelay $0x1  }
0x99: {  	s4 =	simm.s32 $_scs_section_size  }
0x9a: {  	s5 =	simm.s32 $_size__tile_overlayer_lowered;
	s6 =	simm.s32 $_tile_overlayer_lowered  }
0x9b: {  	s22 =	simm.s32 $0x1BFF;
	s21 =	sshll.u32 s6, $0x1;
	s3 =	sadd.s32 s4, s19  }
0x9c: {  	s7 =	simm.s32 $0x0;
	s20 =	sshll.u32 s5, $0x1;
	s5 =	sadd.s32 s21, s3  }
0x9d: {  	[timem:s7], [sflag:s22] =	dma.local [hbm:s5], s20  }
0x9e: {  	_ =	swait.ge [sflag:s22], s20  }
0x9f: {  	s4 =	ssub.s32 $0x0, s20;
	[sflag:s22] =	ssyncset.done $0x0  }
0xa0: {  	[sflag:s22] =	ssyncadd.s32 s4;
	_ =	sdelay $0x1  }
0xa1: {  	s23 =	simm.s32 $0x1B8B  }
0xa2: {  	_ =	swait.ge [sflag:s23], $0x1  }
0xa3: {  	[sflag:s23] =	ssyncset.done $0x0  }
0xa4: {  	s25 =	simm.s32 $0x1B8E;
	s24 =	sld [smem:$0x3FFE];
	[sflag:s23] =	ssyncadd.s32 $0xFFFFFFFF  }
0xa5: {  	s26 =	simm.s32 $execute0_lowered;
	[smem:$0x3FD2] =	sst s25  }
0xa6: {  	s5 =	sshll.u32 s26, $0x1;
	_ =	strace $0x80000046;
	[dreg:$0x1] =	wrdreg $0xFFFFFFFF  }
0xa7: {  	s28 =	simm.s32 $_size_execute0_lowered;
	s3 =	sadd.s32 s3, s5;
	[dreg:$0x0] =	wrdreg $0x0  }
0xa8: {  	s5 =	sshll.u32 s28, $0x1;
	[dreg:$0x2] =	wrdreg s3  }
0xa9: {  	[dreg:$0x3] =	wrdreg s5  }
0xaa: {  	[dreg:$0x4] =	wrdreg $0xC0  }
0xab: {  	_ =	task [dreg:s7], $0x5FFFF  }
0xac: {  	[dreg:$0x1] =	wrdreg $0xFFFFFFFF  }
0xad: {  	[dreg:$0x0] =	wrdreg $0x60  }
0xae: {  	[dreg:$0x2] =	wrdreg s24  }
0xaf: {  	[dreg:$0x3] =	wrdreg s2  }
0xb0: {  	[dreg:$0x4] =	wrdreg $0x9  }
0xb1: {  	_ =	task.clear_ibuf [dreg:s7], $0x5FFFF;
	_ =	strace $0x90000046  }
0xb2: {  	s29 =	simm.s32 $0x9;
	_ =	strace $0x80000048  }
0xb3: {  	_ =	swait.ge [sflag:s29], $0x1  }
0xb4: {  	[sflag:s29] =	ssyncadd.s32 $0xFFFFFFFF  }
0xb5: {  	_ =	strace $0x90000048  }
0xb6: {  	_ =	sfence  }
0xb7: {  	s30 =	sld [smem:$0x0];
	_ =	sdelay $0x2  }
0xb8: {  	s31 =	sshll.u32 s1, $0xD;
	s1 =	sshrl.u32 s1, $0x2  }
0xb9: {  	s3 =	sand.u32 $0x4000, s31;
	s1 =	sadd.s32 s1, s30  }
0xba: {  	s0 =	sor.u32 s3, s0;
	s1 =	sshll.u32 s1, $0x11  }
0xbb: {  	s0 =	sor.u32 s1, s0  }
0xbc: {  	s0 =	sadd.s32 $0x8F2B, s0  }
0xbd: {  	[sflag:s0] =	ssyncadd.remote.s32 $0x1  }
0xbe: {  	_ =	sfence.sel $0xFFFF  }
0xbf: {  	[dreg:$0x0] =	wrdreg $0xFFFFFFFF;
	(pc) =	sbr.abs _section_cstart, $3  }
0xc0: {  	[dreg:$0x1] =	wrdreg $0xFFFFFFFF  }
0xc1: {  	_ =	task.clear_ibuf [dreg:s7], $0x2FFFF;
	_ =	strace $0x9FFFFFFF  }
0xc2: {  	(tm) =	ssettm $0x7FFFFFFF  }
0xc3: {  	_ =	shalt  }
tec
execute0_lowered:
.L_overlay_start_1:
0x0: {  	(tag) =	ssettag $0x1  }
0x1: {  	s0 =	rddreg [dreg:$0x0]  }
0x2: {  	s1 =	rddreg [dreg:$0x1];
	s2 =	simm.s32 $0x0;
	s3 =	srdreg.scid  }
0x3: {  	s5 =	stileid.u32;
	s13 =	simm.s32 $0x6800;
	s14 =	simm.s32 $0x80  }
0x4: {  	s15 =	simm.s32 $0xD000;
	s17 =	simm.s32 $0xE000;
	s18 =	simm.s32 $0x1  }
0x5: {  	s19 =	simm.s32 $0xF000;
	s20 =	simm.s32 $0xF400;
	s21 =	simm.s32 $0xF800  }
0x6: {  	s28 =	simm.s32 $0x10800;
	s29 =	simm.s32 $0x10C00;
	s30 =	simm.s32 $0x4  }
0x7: {  	s12 =	simm.s32 $0x0;
	[smem:$0x7FF] =	sst s2;
	s4 =	sadd.s32 $0x600, s0  }
0x8: {  	v0 =	vlaneseq.u32;
	s24 =	sadd.s32 $0xC70000, s1;
	_ =	strace $0x80000047;
	[dreg:$0x3] =	wrdreg s4  }
0x9: {  	s3 =	sand.u32 $0x1, s3;
	v1 =	vmul.u32 $0xD0, v0;
	s25 =	sadd.s32 $0xC74000, s1;
	v3 =	vor.u32 $0x10, v0;
	[dreg:$0x5] =	wrdreg s24  }
0xa: {  	s7 =	sshll.u32 s5, $0x3;
	s26 =	sadd.s32 $0xC78000, s1;
	v5 =	vor.u32 $0x20, v0;
	v7 =	vor.u32 $0x30, v0;
	v9 =	vor.u32 $0x40, v0;
	[dreg:$0x6] =	wrdreg s25  }
0xb: {  	s5 =	sadd.s32 $0xF42A00, s0;
	s31 =	sadd.s32 $0xC7C000, s1;
	v11 =	vmul.u32 $0x20, v0;
	v12 =	vor.u32 $0x50, v0;
	v14 =	vor.u32 $0x60, v0;
	[dreg:$0x7] =	wrdreg s26  }
0xc: {  	v16 =	vor.u32 $0x70, v0;
	s22 =	ssub.s32 $0x2, s3;
	s3 =	sshll.u32 s3, $0x2;
	[dreg:$0x8] =	wrdreg s31;
	v2 =	vadd.s32 $0xD00, v1;
	v4 =	vadd.s32 $0x1A00, v1  }
0xd: {  	s24 =	simm.s32 $0x2;
	s25 =	simm.s32 $0x10000;
	s6 =	sshrl.u32 s22, $0x1;
	v6 =	vadd.s32 $0x2700, v1;
	v8 =	vadd.s32 $0x3400, v1;
	v10 =	vadd.s32 $0x4100, v1  }
0xe: {  	s26 =	simm.s32 $0x10400;
	s3 =	sor.u32 s3, s7;
	v13 =	vadd.s32 $0x4E00, v1;
	v15 =	vadd.s32 $0x5B00, v1;
	v17 =	vor.u32 $0x200, v11;
	s23 =	ssub.s32 s22, s6  }
0xf: {  	v18 =	vor.u32 $0x400, v11;
	v19 =	vor.u32 $0x600, v11;
	v20 =	vor.u32 $0x800, v11;
	[dreg:$0x4] =	wrdreg s3;
	s22 =	simm.s32 $0xFC00;
	s0 =	smax.u32 s23, $0x1  }
0x10: {  	v21 =	vor.u32 $0xA00, v11;
	v22 =	vor.u32 $0xC00, v11;
	v23 =	vor.u32 $0xE00, v11;
	s3 =	simm.s32 $0x0;
	s23 =	simm.s32 $0x3;
	[dreg:$0x9] =	wrdreg s0  }
.LBB2_1:
0x11: {  	[dreg:$0xa] =	wrdreg s3;
	s0 =	simm.s32 $0x0  }
.LBB2_2:
0x12: {  	s3 =	rddreg [dreg:$0x4]  }
0x13: {  	s11 =	sadd.s32 s3, s0  }
0x14: {  	s3 =	smul.u32 $0xC80, s11  }
0x15: {  	s4 =	rddreg [dreg:$0x3]  }
0x16: {  	s6 =	simm.s32 $0x19;
	s3 =	sadd.s32 s4, s3  }
0x17: {  	s7 =	simm.s32 $0xD0;
	s4 =	simm.s32 $0x0;
	s8 =	sadd.s32 $0x0, s3  }
.LBB2_3:
0x18: {  	[tilespmem:s4], [sflag:$0x5] =	stream.linear.gather [hbm4b:s8+s2], $0xC8, $0x38;
	[tilespmem:$0x11000] =	vst v63  }
0x19: {  	s8 =	smov.u32 s6;
	s4 =	smov.u32 s7;
	p0 =	sne.s32 s6, $0xC67  }
.Ltmp0:
0x1a: {  	s6 =	sadd.s32 $0x19, s6;
	(pc) =	sbr.rel @p0 .LBB2_3-.Ltmp0, $2  }
0x1b: {  	_ =	sdelay $0x2  }
0x1c: {  	s7 =	sadd.s32 $0xD0, s7;
	s8 =	sadd.s32 s8, s3  }
0x1d: {  	[tilespmem:s4], [sflag:$0x5] =	stream.linear.gather [hbm4b:s8+s2], $0xC8, $0x38;
	[tilespmem:$0x11000] =	vst v63  }
0x1e: {  	s3 =	simm.s32 $0x5  }
0x1f: {  	_ =	swait.ge [sflag:s3], $0x6400  }
0x20: {  	[sflag:s3] =	ssyncset.done $0x0  }
0x21: {  	[sflag:s3] =	ssyncadd.s32 $0xFFFF9C00;
	s3 =	simm.s32 $0x0  }
.LBB2_5:
0x22: {  	v26 =	vadd.s32 s3, v0  }
0x23: {  	v24 =	vand.u32 $0xF, v26  }
0x24: {  	v25 =	vor.u32 v1, v24;
	_ =	sdelay $0x3  }
0x25: {  	v27 =	vshll.u32 v24, $0x7  }
0x26: {  	v28 =	vor.u32 v0, v27;
	v25 =	vld.idx.msk [tilespmem:v25+s2+$0x0], $0xffff  }
0x27: {  	v29 =	vor.u32 v2, v24;
	_ =	sdelay $0x3  }
0x28: {  	[tilespmem:v28+s13+$0x0] =	vst.idx.msk $0xffff, v25  }
0x29: {  	v41 =	vor.u32 v3, v27;
	v25 =	vld.idx.msk [tilespmem:v29+s2+$0x0], $0xffff  }
0x2a: {  	v42 =	vor.u32 v4, v24;
	_ =	sdelay $0x3  }
0x2b: {  	[tilespmem:v41+s13+$0x0] =	vst.idx.msk $0xffff, v25  }
0x2c: {  	v43 =	vor.u32 v5, v27;
	v25 =	vld.idx.msk [tilespmem:v42+s2+$0x0], $0xffff  }
0x2d: {  	v44 =	vor.u32 v6, v24;
	_ =	sdelay $0x3  }
0x2e: {  	[tilespmem:v43+s13+$0x0] =	vst.idx.msk $0xffff, v25  }
0x2f: {  	v45 =	vor.u32 v7, v27;
	v25 =	vld.idx.msk [tilespmem:v44+s2+$0x0], $0xffff  }
0x30: {  	v46 =	vor.u32 v8, v24;
	_ =	sdelay $0x3  }
0x31: {  	[tilespmem:v45+s13+$0x0] =	vst.idx.msk $0xffff, v25  }
0x32: {  	v47 =	vor.u32 v9, v27;
	v25 =	vld.idx.msk [tilespmem:v46+s2+$0x0], $0xffff  }
0x33: {  	v48 =	vor.u32 v10, v24;
	_ =	sdelay $0x3  }
0x34: {  	[tilespmem:v47+s13+$0x0] =	vst.idx.msk $0xffff, v25  }
0x35: {  	v49 =	vor.u32 v12, v27;
	v25 =	vld.idx.msk [tilespmem:v48+s2+$0x0], $0xffff  }
0x36: {  	v50 =	vor.u32 v13, v24;
	_ =	sdelay $0x3  }
0x37: {  	[tilespmem:v49+s13+$0x0] =	vst.idx.msk $0xffff, v25  }
0x38: {  	v51 =	vor.u32 v14, v27;
	v28 =	vld.idx.msk [tilespmem:v50+s2+$0x0], $0xffff  }
0x39: {  	v30 =	vor.u32 v15, v24;
	_ =	sdelay $0x2  }
0x3a: {  	v31 =	vor.u32 $0x10, v26  }
0x3b: {  	v52 =	vand.u32 $0x18, v31;
	v25 =	vand.u32 $0x7, v26;
	[tilespmem:v51+s13+$0x0] =	vst.idx.msk $0xffff, v28  }
0x3c: {  	v27 =	vor.u32 v16, v27;
	v28 =	vor.u32 v25, v52;
	v29 =	vld.idx.msk [tilespmem:v30+s2+$0x0], $0xffff  }
0x3d: {  	v53 =	vadd.s32 v1, v28;
	_ =	sdelay $0x3  }
0x3e: {  	v54 =	vshll.u32 v31, $0x7;
	[tilespmem:v27+s13+$0x0] =	vst.idx.msk $0xffff, v29  }
0x3f: {  	v55 =	vor.u32 v0, v54;
	v29 =	vld.idx.msk [tilespmem:v53+s2+$0x0], $0xffff  }
0x40: {  	v56 =	vadd.s32 v2, v28;
	_ =	sdelay $0x3  }
0x41: {  	[tilespmem:v55+s13+$0x0] =	vst.idx.msk $0xffff, v29  }
0x42: {  	v57 =	vor.u32 v3, v54;
	v29 =	vld.idx.msk [tilespmem:v56+s2+$0x0], $0xffff  }
0x43: {  	v58 =	vadd.s32 v4, v28;
	_ =	sdelay $0x3  }
0x44: {  	[tilespmem:v57+s13+$0x0] =	vst.idx.msk $0xffff, v29  }
0x45: {  	v59 =	vor.u32 v5, v54;
	v29 =	vld.idx.msk [tilespmem:v58+s2+$0x0], $0xffff  }
0x46: {  	v60 =	vadd.s32 v6, v28;
	_ =	sdelay $0x3  }
0x47: {  	[tilespmem:v59+s13+$0x0] =	vst.idx.msk $0xffff, v29  }
0x48: {  	v61 =	vor.u32 v7, v54;
	v29 =	vld.idx.msk [tilespmem:v60+s2+$0x0], $0xffff  }
0x49: {  	v62 =	vadd.s32 v8, v28;
	_ =	sdelay $0x3  }
0x4a: {  	[tilespmem:v61+s13+$0x0] =	vst.idx.msk $0xffff, v29  }
0x4b: {  	v63 =	vor.u32 v9, v54;
	v29 =	vld.idx.msk [tilespmem:v62+s2+$0x0], $0xffff  }
0x4c: {  	v33 =	vadd.s32 v10, v28;
	_ =	sdelay $0x3  }
0x4d: {  	[tilespmem:v63+s13+$0x0] =	vst.idx.msk $0xffff, v29  }
0x4e: {  	v34 =	vor.u32 v12, v54;
	v29 =	vld.idx.msk [tilespmem:v33+s2+$0x0], $0xffff  }
0x4f: {  	v35 =	vadd.s32 v13, v28;
	_ =	sdelay $0x3  }
0x50: {  	[tilespmem:v34+s13+$0x0] =	vst.idx.msk $0xffff, v29  }
0x51: {  	v36 =	vor.u32 v14, v54;
	v29 =	vld.idx.msk [tilespmem:v35+s2+$0x0], $0xffff  }
0x52: {  	v28 =	vadd.s32 v15, v28;
	_ =	sdelay $0x2  }
0x53: {  	v37 =	vor.u32 $0x20, v24  }
0x54: {  	v38 =	vand.u32 $0x28, v37;
	[tilespmem:v36+s13+$0x0] =	vst.idx.msk $0xffff, v29  }
0x55: {  	v27 =	vor.u32 v16, v54;
	v29 =	vor.u32 v25, v38;
	v28 =	vld.idx.msk [tilespmem:v28+s2+$0x0], $0xffff  }
0x56: {  	v39 =	vadd.s32 v1, v29;
	_ =	sdelay $0x3  }
0x57: {  	v40 =	vshll.u32 v37, $0x7;
	[tilespmem:v27+s13+$0x0] =	vst.idx.msk $0xffff, v28  }
0x58: {  	v41 =	vor.u32 v0, v40;
	v28 =	vld.idx.msk [tilespmem:v39+s2+$0x0], $0xffff  }
0x59: {  	v42 =	vadd.s32 v2, v29;
	_ =	sdelay $0x3  }
0x5a: {  	[tilespmem:v41+s13+$0x0] =	vst.idx.msk $0xffff, v28  }
0x5b: {  	v43 =	vor.u32 v3, v40;
	v28 =	vld.idx.msk [tilespmem:v42+s2+$0x0], $0xffff  }
0x5c: {  	v44 =	vadd.s32 v4, v29;
	_ =	sdelay $0x3  }
0x5d: {  	[tilespmem:v43+s13+$0x0] =	vst.idx.msk $0xffff, v28  }
0x5e: {  	v45 =	vor.u32 v5, v40;
	v28 =	vld.idx.msk [tilespmem:v44+s2+$0x0], $0xffff  }
0x5f: {  	v46 =	vadd.s32 v6, v29;
	_ =	sdelay $0x3  }
0x60: {  	[tilespmem:v45+s13+$0x0] =	vst.idx.msk $0xffff, v28  }
0x61: {  	v47 =	vor.u32 v7, v40;
	v28 =	vld.idx.msk [tilespmem:v46+s2+$0x0], $0xffff  }
0x62: {  	v48 =	vadd.s32 v8, v29;
	_ =	sdelay $0x3  }
0x63: {  	[tilespmem:v47+s13+$0x0] =	vst.idx.msk $0xffff, v28  }
0x64: {  	v49 =	vor.u32 v9, v40;
	v28 =	vld.idx.msk [tilespmem:v48+s2+$0x0], $0xffff  }
0x65: {  	v50 =	vadd.s32 v10, v29;
	_ =	sdelay $0x3  }
0x66: {  	[tilespmem:v49+s13+$0x0] =	vst.idx.msk $0xffff, v28  }
0x67: {  	v51 =	vor.u32 v12, v40;
	v28 =	vld.idx.msk [tilespmem:v50+s2+$0x0], $0xffff  }
0x68: {  	v52 =	vadd.s32 v13, v29;
	_ =	sdelay $0x3  }
0x69: {  	[tilespmem:v51+s13+$0x0] =	vst.idx.msk $0xffff, v28  }
0x6a: {  	v53 =	vor.u32 v14, v40;
	v28 =	vld.idx.msk [tilespmem:v52+s2+$0x0], $0xffff  }
0x6b: {  	v29 =	vadd.s32 v15, v29;
	_ =	sdelay $0x2  }
0x6c: {  	v54 =	vor.u32 $0x30, v26  }
0x6d: {  	v55 =	vand.u32 $0x38, v54;
	[tilespmem:v53+s13+$0x0] =	vst.idx.msk $0xffff, v28  }
0x6e: {  	v27 =	vor.u32 v16, v40;
	v28 =	vor.u32 v25, v55;
	v29 =	vld.idx.msk [tilespmem:v29+s2+$0x0], $0xffff  }
0x6f: {  	v56 =	vadd.s32 v1, v28;
	_ =	sdelay $0x3  }
0x70: {  	v57 =	vshll.u32 v54, $0x7;
	[tilespmem:v27+s13+$0x0] =	vst.idx.msk $0xffff, v29  }
0x71: {  	v58 =	vor.u32 v0, v57;
	v29 =	vld.idx.msk [tilespmem:v56+s2+$0x0], $0xffff  }
0x72: {  	v59 =	vadd.s32 v2, v28;
	_ =	sdelay $0x3  }
0x73: {  	[tilespmem:v58+s13+$0x0] =	vst.idx.msk $0xffff, v29  }
0x74: {  	v60 =	vor.u32 v3, v57;
	v29 =	vld.idx.msk [tilespmem:v59+s2+$0x0], $0xffff  }
0x75: {  	v61 =	vadd.s32 v4, v28;
	_ =	sdelay $0x3  }
0x76: {  	[tilespmem:v60+s13+$0x0] =	vst.idx.msk $0xffff, v29  }
0x77: {  	v62 =	vor.u32 v5, v57;
	v29 =	vld.idx.msk [tilespmem:v61+s2+$0x0], $0xffff  }
0x78: {  	v63 =	vadd.s32 v6, v28;
	_ =	sdelay $0x3  }
0x79: {  	[tilespmem:v62+s13+$0x0] =	vst.idx.msk $0xffff, v29  }
0x7a: {  	v33 =	vor.u32 v7, v57;
	v29 =	vld.idx.msk [tilespmem:v63+s2+$0x0], $0xffff  }
0x7b: {  	v34 =	vadd.s32 v8, v28;
	_ =	sdelay $0x3  }
0x7c: {  	[tilespmem:v33+s13+$0x0] =	vst.idx.msk $0xffff, v29  }
0x7d: {  	v35 =	vor.u32 v9, v57;
	v29 =	vld.idx.msk [tilespmem:v34+s2+$0x0], $0xffff  }
0x7e: {  	v36 =	vadd.s32 v10, v28;
	_ =	sdelay $0x3  }
0x7f: {  	[tilespmem:v35+s13+$0x0] =	vst.idx.msk $0xffff, v29  }
0x80: {  	v37 =	vor.u32 v12, v57;
	v29 =	vld.idx.msk [tilespmem:v36+s2+$0x0], $0xffff  }
0x81: {  	v38 =	vadd.s32 v13, v28;
	_ =	sdelay $0x3  }
0x82: {  	[tilespmem:v37+s13+$0x0] =	vst.idx.msk $0xffff, v29  }
0x83: {  	v39 =	vor.u32 v14, v57;
	v29 =	vld.idx.msk [tilespmem:v38+s2+$0x0], $0xffff  }
0x84: {  	v28 =	vadd.s32 v15, v28;
	_ =	sdelay $0x2  }
0x85: {  	v40 =	vor.u32 $0x40, v24  }
0x86: {  	v41 =	vand.u32 $0x48, v40;
	[tilespmem:v39+s13+$0x0] =	vst.idx.msk $0xffff, v29  }
0x87: {  	v27 =	vor.u32 v16, v57;
	v29 =	vor.u32 v25, v41;
	v28 =	vld.idx.msk [tilespmem:v28+s2+$0x0], $0xffff  }
0x88: {  	v42 =	vadd.s32 v1, v29;
	_ =	sdelay $0x3  }
0x89: {  	v43 =	vshll.u32 v40, $0x7;
	[tilespmem:v27+s13+$0x0] =	vst.idx.msk $0xffff, v28  }
0x8a: {  	v44 =	vor.u32 v0, v43;
	v28 =	vld.idx.msk [tilespmem:v42+s2+$0x0], $0xffff  }
0x8b: {  	v45 =	vadd.s32 v2, v29;
	_ =	sdelay $0x3  }
0x8c: {  	[tilespmem:v44+s13+$0x0] =	vst.idx.msk $0xffff, v28  }
0x8d: {  	v46 =	vor.u32 v3, v43;
	v28 =	vld.idx.msk [tilespmem:v45+s2+$0x0], $0xffff  }
0x8e: {  	v47 =	vadd.s32 v4, v29;
	_ =	sdelay $0x3  }
0x8f: {  	[tilespmem:v46+s13+$0x0] =	vst.idx.msk $0xffff, v28  }
0x90: {  	v48 =	vor.u32 v5, v43;
	v28 =	vld.idx.msk [tilespmem:v47+s2+$0x0], $0xffff  }
0x91: {  	v49 =	vadd.s32 v6, v29;
	_ =	sdelay $0x3  }
0x92: {  	[tilespmem:v48+s13+$0x0] =	vst.idx.msk $0xffff, v28  }
0x93: {  	v50 =	vor.u32 v7, v43;
	v28 =	vld.idx.msk [tilespmem:v49+s2+$0x0], $0xffff  }
0x94: {  	v51 =	vadd.s32 v8, v29;
	_ =	sdelay $0x3  }
0x95: {  	[tilespmem:v50+s13+$0x0] =	vst.idx.msk $0xffff, v28  }
0x96: {  	v52 =	vor.u32 v9, v43;
	v28 =	vld.idx.msk [tilespmem:v51+s2+$0x0], $0xffff  }
0x97: {  	v53 =	vadd.s32 v10, v29;
	_ =	sdelay $0x3  }
0x98: {  	[tilespmem:v52+s13+$0x0] =	vst.idx.msk $0xffff, v28  }
0x99: {  	v54 =	vor.u32 v12, v43;
	v28 =	vld.idx.msk [tilespmem:v53+s2+$0x0], $0xffff  }
0x9a: {  	v55 =	vadd.s32 v13, v29;
	_ =	sdelay $0x3  }
0x9b: {  	[tilespmem:v54+s13+$0x0] =	vst.idx.msk $0xffff, v28  }
0x9c: {  	v56 =	vor.u32 v14, v43;
	v28 =	vld.idx.msk [tilespmem:v55+s2+$0x0], $0xffff  }
0x9d: {  	v29 =	vadd.s32 v15, v29;
	_ =	sdelay $0x2  }
0x9e: {  	v57 =	vor.u32 $0x50, v26  }
0x9f: {  	v58 =	vand.u32 $0x58, v57;
	[tilespmem:v56+s13+$0x0] =	vst.idx.msk $0xffff, v28  }
0xa0: {  	v27 =	vor.u32 v16, v43;
	v28 =	vor.u32 v25, v58;
	v29 =	vld.idx.msk [tilespmem:v29+s2+$0x0], $0xffff  }
0xa1: {  	v59 =	vadd.s32 v1, v28;
	_ =	sdelay $0x3  }
0xa2: {  	v60 =	vshll.u32 v57, $0x7;
	[tilespmem:v27+s13+$0x0] =	vst.idx.msk $0xffff, v29  }
0xa3: {  	v61 =	vor.u32 v0, v60;
	v29 =	vld.idx.msk [tilespmem:v59+s2+$0x0], $0xffff  }
0xa4: {  	v62 =	vadd.s32 v2, v28;
	_ =	sdelay $0x3  }
0xa5: {  	[tilespmem:v61+s13+$0x0] =	vst.idx.msk $0xffff, v29  }
0xa6: {  	v63 =	vor.u32 v3, v60;
	v29 =	vld.idx.msk [tilespmem:v62+s2+$0x0], $0xffff  }
0xa7: {  	v33 =	vadd.s32 v4, v28;
	_ =	sdelay $0x3  }
0xa8: {  	[tilespmem:v63+s13+$0x0] =	vst.idx.msk $0xffff, v29  }
0xa9: {  	v34 =	vor.u32 v5, v60;
	v29 =	vld.idx.msk [tilespmem:v33+s2+$0x0], $0xffff  }
0xaa: {  	v35 =	vadd.s32 v6, v28;
	_ =	sdelay $0x3  }
0xab: {  	[tilespmem:v34+s13+$0x0] =	vst.idx.msk $0xffff, v29  }
0xac: {  	v36 =	vor.u32 v7, v60;
	v29 =	vld.idx.msk [tilespmem:v35+s2+$0x0], $0xffff  }
0xad: {  	v37 =	vadd.s32 v8, v28;
	_ =	sdelay $0x3  }
0xae: {  	[tilespmem:v36+s13+$0x0] =	vst.idx.msk $0xffff, v29  }
0xaf: {  	v38 =	vor.u32 v9, v60;
	v29 =	vld.idx.msk [tilespmem:v37+s2+$0x0], $0xffff  }
0xb0: {  	v39 =	vadd.s32 v10, v28;
	_ =	sdelay $0x3  }
0xb1: {  	[tilespmem:v38+s13+$0x0] =	vst.idx.msk $0xffff, v29  }
0xb2: {  	v40 =	vor.u32 v12, v60;
	v29 =	vld.idx.msk [tilespmem:v39+s2+$0x0], $0xffff  }
0xb3: {  	v41 =	vadd.s32 v13, v28;
	_ =	sdelay $0x3  }
0xb4: {  	[tilespmem:v40+s13+$0x0] =	vst.idx.msk $0xffff, v29  }
0xb5: {  	v42 =	vor.u32 v14, v60;
	v29 =	vld.idx.msk [tilespmem:v41+s2+$0x0], $0xffff  }
0xb6: {  	v28 =	vadd.s32 v15, v28;
	_ =	sdelay $0x2  }
0xb7: {  	v43 =	vor.u32 $0x60, v24  }
0xb8: {  	v44 =	vand.u32 $0x68, v43;
	[tilespmem:v42+s13+$0x0] =	vst.idx.msk $0xffff, v29  }
0xb9: {  	v27 =	vor.u32 v16, v60;
	v29 =	vor.u32 v25, v44;
	v28 =	vld.idx.msk [tilespmem:v28+s2+$0x0], $0xffff  }
0xba: {  	v45 =	vadd.s32 v1, v29;
	_ =	sdelay $0x3  }
0xbb: {  	v46 =	vshll.u32 v43, $0x7;
	[tilespmem:v27+s13+$0x0] =	vst.idx.msk $0xffff, v28  }
0xbc: {  	v47 =	vor.u32 v0, v46;
	v28 =	vld.idx.msk [tilespmem:v45+s2+$0x0], $0xffff  }
0xbd: {  	v48 =	vadd.s32 v2, v29;
	_ =	sdelay $0x3  }
0xbe: {  	[tilespmem:v47+s13+$0x0] =	vst.idx.msk $0xffff, v28  }
0xbf: {  	v49 =	vor.u32 v3, v46;
	v28 =	vld.idx.msk [tilespmem:v48+s2+$0x0], $0xffff  }
0xc0: {  	v50 =	vadd.s32 v4, v29;
	_ =	sdelay $0x3  }
0xc1: {  	[tilespmem:v49+s13+$0x0] =	vst.idx.msk $0xffff, v28  }
0xc2: {  	v51 =	vor.u32 v5, v46;
	v28 =	vld.idx.msk [tilespmem:v50+s2+$0x0], $0xffff  }
0xc3: {  	v52 =	vadd.s32 v6, v29;
	_ =	sdelay $0x3  }
0xc4: {  	[tilespmem:v51+s13+$0x0] =	vst.idx.msk $0xffff, v28  }
0xc5: {  	v53 =	vor.u32 v7, v46;
	v28 =	vld.idx.msk [tilespmem:v52+s2+$0x0], $0xffff  }
0xc6: {  	v54 =	vadd.s32 v8, v29;
	_ =	sdelay $0x3  }
0xc7: {  	[tilespmem:v53+s13+$0x0] =	vst.idx.msk $0xffff, v28  }
0xc8: {  	v55 =	vor.u32 v9, v46;
	v28 =	vld.idx.msk [tilespmem:v54+s2+$0x0], $0xffff  }
0xc9: {  	v56 =	vadd.s32 v10, v29;
	_ =	sdelay $0x3  }
0xca: {  	[tilespmem:v55+s13+$0x0] =	vst.idx.msk $0xffff, v28  }
0xcb: {  	v57 =	vor.u32 v12, v46;
	v28 =	vld.idx.msk [tilespmem:v56+s2+$0x0], $0xffff  }
0xcc: {  	v58 =	vadd.s32 v13, v29;
	_ =	sdelay $0x3  }
0xcd: {  	[tilespmem:v57+s13+$0x0] =	vst.idx.msk $0xffff, v28  }
0xce: {  	v59 =	vor.u32 v14, v46;
	v28 =	vld.idx.msk [tilespmem:v58+s2+$0x0], $0xffff  }
0xcf: {  	v29 =	vadd.s32 v15, v29;
	_ =	sdelay $0x2  }
0xd0: {  	v60 =	vor.u32 $0x70, v26  }
0xd1: {  	v61 =	vand.u32 $0x78, v60;
	[tilespmem:v59+s13+$0x0] =	vst.idx.msk $0xffff, v28  }
0xd2: {  	v27 =	vor.u32 v16, v46;
	v28 =	vor.u32 v25, v61;
	v29 =	vld.idx.msk [tilespmem:v29+s2+$0x0], $0xffff  }
0xd3: {  	v62 =	vadd.s32 v1, v28;
	_ =	sdelay $0x3  }
0xd4: {  	v63 =	vshll.u32 v60, $0x7;
	[tilespmem:v27+s13+$0x0] =	vst.idx.msk $0xffff, v29  }
0xd5: {  	v33 =	vor.u32 v0, v63;
	v29 =	vld.idx.msk [tilespmem:v62+s2+$0x0], $0xffff  }
0xd6: {  	v34 =	vadd.s32 v2, v28;
	_ =	sdelay $0x3  }
0xd7: {  	[tilespmem:v33+s13+$0x0] =	vst.idx.msk $0xffff, v29  }
0xd8: {  	v35 =	vor.u32 v3, v63;
	v29 =	vld.idx.msk [tilespmem:v34+s2+$0x0], $0xffff  }
0xd9: {  	v36 =	vadd.s32 v4, v28;
	_ =	sdelay $0x3  }
0xda: {  	[tilespmem:v35+s13+$0x0] =	vst.idx.msk $0xffff, v29  }
0xdb: {  	v37 =	vor.u32 v5, v63;
	v29 =	vld.idx.msk [tilespmem:v36+s2+$0x0], $0xffff  }
0xdc: {  	v38 =	vadd.s32 v6, v28;
	_ =	sdelay $0x3  }
0xdd: {  	[tilespmem:v37+s13+$0x0] =	vst.idx.msk $0xffff, v29  }
0xde: {  	v39 =	vor.u32 v7, v63;
	v29 =	vld.idx.msk [tilespmem:v38+s2+$0x0], $0xffff  }
0xdf: {  	v40 =	vadd.s32 v8, v28;
	_ =	sdelay $0x3  }
0xe0: {  	[tilespmem:v39+s13+$0x0] =	vst.idx.msk $0xffff, v29  }
0xe1: {  	v41 =	vor.u32 v9, v63;
	v29 =	vld.idx.msk [tilespmem:v40+s2+$0x0], $0xffff  }
0xe2: {  	v42 =	vadd.s32 v10, v28;
	_ =	sdelay $0x3  }
0xe3: {  	[tilespmem:v41+s13+$0x0] =	vst.idx.msk $0xffff, v29  }
0xe4: {  	v43 =	vor.u32 v12, v63;
	v29 =	vld.idx.msk [tilespmem:v42+s2+$0x0], $0xffff  }
0xe5: {  	v44 =	vadd.s32 v13, v28;
	_ =	sdelay $0x3  }
0xe6: {  	[tilespmem:v43+s13+$0x0] =	vst.idx.msk $0xffff, v29  }
0xe7: {  	v45 =	vor.u32 v14, v63;
	v29 =	vld.idx.msk [tilespmem:v44+s2+$0x0], $0xffff  }
0xe8: {  	v28 =	vadd.s32 v15, v28;
	_ =	sdelay $0x2  }
0xe9: {  	v46 =	vor.u32 $0x80, v24  }
0xea: {  	v47 =	vand.u32 $0x88, v46;
	[tilespmem:v45+s13+$0x0] =	vst.idx.msk $0xffff, v29  }
0xeb: {  	v27 =	vor.u32 v16, v63;
	v29 =	vor.u32 v25, v47;
	v28 =	vld.idx.msk [tilespmem:v28+s2+$0x0], $0xffff  }
0xec: {  	v48 =	vadd.s32 v1, v29;
	_ =	sdelay $0x3  }
0xed: {  	v49 =	vshll.u32 v46, $0x7;
	[tilespmem:v27+s13+$0x0] =	vst.idx.msk $0xffff, v28  }
0xee: {  	v50 =	vor.u32 v0, v49;
	v28 =	vld.idx.msk [tilespmem:v48+s2+$0x0], $0xffff  }
0xef: {  	v51 =	vadd.s32 v2, v29;
	_ =	sdelay $0x3  }
0xf0: {  	[tilespmem:v50+s13+$0x0] =	vst.idx.msk $0xffff, v28  }
0xf1: {  	v52 =	vor.u32 v3, v49;
	v28 =	vld.idx.msk [tilespmem:v51+s2+$0x0], $0xffff  }
0xf2: {  	v53 =	vadd.s32 v4, v29;
	_ =	sdelay $0x3  }
0xf3: {  	[tilespmem:v52+s13+$0x0] =	vst.idx.msk $0xffff, v28  }
0xf4: {  	v54 =	vor.u32 v5, v49;
	v28 =	vld.idx.msk [tilespmem:v53+s2+$0x0], $0xffff  }
0xf5: {  	v55 =	vadd.s32 v6, v29;
	_ =	sdelay $0x3  }
0xf6: {  	[tilespmem:v54+s13+$0x0] =	vst.idx.msk $0xffff, v28  }
0xf7: {  	v56 =	vor.u32 v7, v49;
	v28 =	vld.idx.msk [tilespmem:v55+s2+$0x0], $0xffff  }
0xf8: {  	v57 =	vadd.s32 v8, v29;
	_ =	sdelay $0x3  }
0xf9: {  	[tilespmem:v56+s13+$0x0] =	vst.idx.msk $0xffff, v28  }
0xfa: {  	v58 =	vor.u32 v9, v49;
	v28 =	vld.idx.msk [tilespmem:v57+s2+$0x0], $0xffff  }
0xfb: {  	v59 =	vadd.s32 v10, v29;
	_ =	sdelay $0x3  }
0xfc: {  	[tilespmem:v58+s13+$0x0] =	vst.idx.msk $0xffff, v28  }
0xfd: {  	v60 =	vor.u32 v12, v49;
	v28 =	vld.idx.msk [tilespmem:v59+s2+$0x0], $0xffff  }
0xfe: {  	v61 =	vadd.s32 v13, v29;
	_ =	sdelay $0x3  }
0xff: {  	[tilespmem:v60+s13+$0x0] =	vst.idx.msk $0xffff, v28  }
0x100: {  	v62 =	vor.u32 v14, v49;
	v28 =	vld.idx.msk [tilespmem:v61+s2+$0x0], $0xffff  }
0x101: {  	v29 =	vadd.s32 v15, v29;
	_ =	sdelay $0x2  }
0x102: {  	v63 =	vor.u32 $0x90, v26  }
0x103: {  	v33 =	vand.u32 $0x98, v63;
	[tilespmem:v62+s13+$0x0] =	vst.idx.msk $0xffff, v28  }
0x104: {  	v27 =	vor.u32 v16, v49;
	v28 =	vor.u32 v25, v33;
	v29 =	vld.idx.msk [tilespmem:v29+s2+$0x0], $0xffff  }
0x105: {  	v34 =	vadd.s32 v1, v28;
	_ =	sdelay $0x3  }
0x106: {  	v35 =	vshll.u32 v63, $0x7;
	[tilespmem:v27+s13+$0x0] =	vst.idx.msk $0xffff, v29  }
0x107: {  	v36 =	vor.u32 v0, v35;
	v29 =	vld.idx.msk [tilespmem:v34+s2+$0x0], $0xffff  }
0x108: {  	v37 =	vadd.s32 v2, v28;
	_ =	sdelay $0x3  }
0x109: {  	[tilespmem:v36+s13+$0x0] =	vst.idx.msk $0xffff, v29  }
0x10a: {  	v38 =	vor.u32 v3, v35;
	v29 =	vld.idx.msk [tilespmem:v37+s2+$0x0], $0xffff  }
0x10b: {  	v39 =	vadd.s32 v4, v28;
	_ =	sdelay $0x3  }
0x10c: {  	[tilespmem:v38+s13+$0x0] =	vst.idx.msk $0xffff, v29  }
0x10d: {  	v40 =	vor.u32 v5, v35;
	v29 =	vld.idx.msk [tilespmem:v39+s2+$0x0], $0xffff  }
0x10e: {  	v41 =	vadd.s32 v6, v28;
	_ =	sdelay $0x3  }
0x10f: {  	[tilespmem:v40+s13+$0x0] =	vst.idx.msk $0xffff, v29  }
0x110: {  	v42 =	vor.u32 v7, v35;
	v29 =	vld.idx.msk [tilespmem:v41+s2+$0x0], $0xffff  }
0x111: {  	v43 =	vadd.s32 v8, v28;
	_ =	sdelay $0x3  }
0x112: {  	[tilespmem:v42+s13+$0x0] =	vst.idx.msk $0xffff, v29  }
0x113: {  	v44 =	vor.u32 v9, v35;
	v29 =	vld.idx.msk [tilespmem:v43+s2+$0x0], $0xffff  }
0x114: {  	v45 =	vadd.s32 v10, v28;
	_ =	sdelay $0x3  }
0x115: {  	[tilespmem:v44+s13+$0x0] =	vst.idx.msk $0xffff, v29  }
0x116: {  	v46 =	vor.u32 v12, v35;
	v29 =	vld.idx.msk [tilespmem:v45+s2+$0x0], $0xffff  }
0x117: {  	v47 =	vadd.s32 v13, v28;
	_ =	sdelay $0x3  }
0x118: {  	[tilespmem:v46+s13+$0x0] =	vst.idx.msk $0xffff, v29  }
0x119: {  	v48 =	vor.u32 v14, v35;
	v29 =	vld.idx.msk [tilespmem:v47+s2+$0x0], $0xffff  }
0x11a: {  	v28 =	vadd.s32 v15, v28;
	_ =	sdelay $0x2  }
0x11b: {  	v49 =	vor.u32 $0xA0, v24  }
0x11c: {  	v50 =	vand.u32 $0xA8, v49;
	[tilespmem:v48+s13+$0x0] =	vst.idx.msk $0xffff, v29  }
0x11d: {  	v27 =	vor.u32 v16, v35;
	v29 =	vor.u32 v25, v50;
	v28 =	vld.idx.msk [tilespmem:v28+s2+$0x0], $0xffff  }
0x11e: {  	v51 =	vadd.s32 v1, v29;
	_ =	sdelay $0x3  }
0x11f: {  	v52 =	vshll.u32 v49, $0x7;
	[tilespmem:v27+s13+$0x0] =	vst.idx.msk $0xffff, v28  }
0x120: {  	v53 =	vor.u32 v0, v52;
	v28 =	vld.idx.msk [tilespmem:v51+s2+$0x0], $0xffff  }
0x121: {  	v54 =	vadd.s32 v2, v29;
	_ =	sdelay $0x3  }
0x122: {  	[tilespmem:v53+s13+$0x0] =	vst.idx.msk $0xffff, v28  }
0x123: {  	v55 =	vor.u32 v3, v52;
	v28 =	vld.idx.msk [tilespmem:v54+s2+$0x0], $0xffff  }
0x124: {  	v56 =	vadd.s32 v4, v29;
	_ =	sdelay $0x3  }
0x125: {  	[tilespmem:v55+s13+$0x0] =	vst.idx.msk $0xffff, v28  }
0x126: {  	v57 =	vor.u32 v5, v52;
	v28 =	vld.idx.msk [tilespmem:v56+s2+$0x0], $0xffff  }
0x127: {  	v58 =	vadd.s32 v6, v29;
	_ =	sdelay $0x3  }
0x128: {  	[tilespmem:v57+s13+$0x0] =	vst.idx.msk $0xffff, v28  }
0x129: {  	v59 =	vor.u32 v7, v52;
	v28 =	vld.idx.msk [tilespmem:v58+s2+$0x0], $0xffff  }
0x12a: {  	v60 =	vadd.s32 v8, v29;
	_ =	sdelay $0x3  }
0x12b: {  	[tilespmem:v59+s13+$0x0] =	vst.idx.msk $0xffff, v28  }
0x12c: {  	v61 =	vor.u32 v9, v52;
	v28 =	vld.idx.msk [tilespmem:v60+s2+$0x0], $0xffff  }
0x12d: {  	v62 =	vadd.s32 v10, v29;
	_ =	sdelay $0x3  }
0x12e: {  	[tilespmem:v61+s13+$0x0] =	vst.idx.msk $0xffff, v28  }
0x12f: {  	v63 =	vor.u32 v12, v52;
	v28 =	vld.idx.msk [tilespmem:v62+s2+$0x0], $0xffff  }
0x130: {  	v33 =	vadd.s32 v13, v29;
	_ =	sdelay $0x3  }
0x131: {  	[tilespmem:v63+s13+$0x0] =	vst.idx.msk $0xffff, v28  }
0x132: {  	v34 =	vor.u32 v14, v52;
	v28 =	vld.idx.msk [tilespmem:v33+s2+$0x0], $0xffff  }
0x133: {  	v29 =	vadd.s32 v15, v29;
	_ =	sdelay $0x2  }
0x134: {  	v26 =	vor.u32 $0xB0, v26  }
0x135: {  	v35 =	vand.u32 $0xB8, v26;
	[tilespmem:v34+s13+$0x0] =	vst.idx.msk $0xffff, v28  }
0x136: {  	v27 =	vor.u32 v16, v52;
	v28 =	vor.u32 v25, v35;
	v29 =	vld.idx.msk [tilespmem:v29+s2+$0x0], $0xffff  }
0x137: {  	v36 =	vadd.s32 v1, v28;
	_ =	sdelay $0x3  }
0x138: {  	v26 =	vshll.u32 v26, $0x7;
	[tilespmem:v27+s13+$0x0] =	vst.idx.msk $0xffff, v29  }
0x139: {  	v37 =	vor.u32 v0, v26;
	v27 =	vld.idx.msk [tilespmem:v36+s2+$0x0], $0xffff  }
0x13a: {  	v38 =	vadd.s32 v2, v28;
	_ =	sdelay $0x3  }
0x13b: {  	[tilespmem:v37+s13+$0x0] =	vst.idx.msk $0xffff, v27  }
0x13c: {  	v39 =	vor.u32 v3, v26;
	v27 =	vld.idx.msk [tilespmem:v38+s2+$0x0], $0xffff  }
0x13d: {  	v40 =	vadd.s32 v4, v28;
	_ =	sdelay $0x3  }
0x13e: {  	[tilespmem:v39+s13+$0x0] =	vst.idx.msk $0xffff, v27  }
0x13f: {  	v41 =	vor.u32 v5, v26;
	v27 =	vld.idx.msk [tilespmem:v40+s2+$0x0], $0xffff  }
0x140: {  	v42 =	vadd.s32 v6, v28;
	_ =	sdelay $0x3  }
0x141: {  	[tilespmem:v41+s13+$0x0] =	vst.idx.msk $0xffff, v27  }
0x142: {  	v43 =	vor.u32 v7, v26;
	v27 =	vld.idx.msk [tilespmem:v42+s2+$0x0], $0xffff  }
0x143: {  	v44 =	vadd.s32 v8, v28;
	_ =	sdelay $0x3  }
0x144: {  	[tilespmem:v43+s13+$0x0] =	vst.idx.msk $0xffff, v27  }
0x145: {  	v45 =	vor.u32 v9, v26;
	v27 =	vld.idx.msk [tilespmem:v44+s2+$0x0], $0xffff  }
0x146: {  	v46 =	vadd.s32 v10, v28;
	_ =	sdelay $0x3  }
0x147: {  	[tilespmem:v45+s13+$0x0] =	vst.idx.msk $0xffff, v27  }
0x148: {  	v47 =	vor.u32 v12, v26;
	v27 =	vld.idx.msk [tilespmem:v46+s2+$0x0], $0xffff  }
0x149: {  	v48 =	vadd.s32 v13, v28;
	_ =	sdelay $0x3  }
0x14a: {  	[tilespmem:v47+s13+$0x0] =	vst.idx.msk $0xffff, v27  }
0x14b: {  	v49 =	vor.u32 v14, v26;
	v27 =	vld.idx.msk [tilespmem:v48+s2+$0x0], $0xffff  }
0x14c: {  	v28 =	vadd.s32 v15, v28;
	_ =	sdelay $0x2  }
0x14d: {  	v24 =	vor.u32 $0xC0, v24  }
0x14e: {  	v50 =	vand.u32 $0xC8, v24;
	[tilespmem:v49+s13+$0x0] =	vst.idx.msk $0xffff, v27  }
0x14f: {  	v26 =	vor.u32 v16, v26;
	v25 =	vor.u32 v25, v50;
	v28 =	vld.idx.msk [tilespmem:v28+s2+$0x0], $0xffff  }
0x150: {  	v27 =	vadd.s32 v1, v25;
	_ =	sdelay $0x3  }
0x151: {  	v24 =	vshll.u32 v24, $0x7;
	[tilespmem:v26+s13+$0x0] =	vst.idx.msk $0xffff, v28  }
0x152: {  	v51 =	vor.u32 v0, v24;
	v26 =	vld.idx.msk [tilespmem:v27+s2+$0x0], $0xffff  }
0x153: {  	v52 =	vadd.s32 v2, v25;
	_ =	sdelay $0x3  }
0x154: {  	[tilespmem:v51+s13+$0x0] =	vst.idx.msk $0xffff, v26  }
0x155: {  	v53 =	vor.u32 v3, v24;
	v26 =	vld.idx.msk [tilespmem:v52+s2+$0x0], $0xffff  }
0x156: {  	v54 =	vadd.s32 v4, v25;
	_ =	sdelay $0x3  }
0x157: {  	[tilespmem:v53+s13+$0x0] =	vst.idx.msk $0xffff, v26  }
0x158: {  	v55 =	vor.u32 v5, v24;
	v26 =	vld.idx.msk [tilespmem:v54+s2+$0x0], $0xffff  }
0x159: {  	v56 =	vadd.s32 v6, v25;
	_ =	sdelay $0x3  }
0x15a: {  	[tilespmem:v55+s13+$0x0] =	vst.idx.msk $0xffff, v26  }
0x15b: {  	v57 =	vor.u32 v7, v24;
	v26 =	vld.idx.msk [tilespmem:v56+s2+$0x0], $0xffff  }
0x15c: {  	v58 =	vadd.s32 v8, v25;
	_ =	sdelay $0x3  }
0x15d: {  	[tilespmem:v57+s13+$0x0] =	vst.idx.msk $0xffff, v26  }
0x15e: {  	v59 =	vor.u32 v9, v24;
	v26 =	vld.idx.msk [tilespmem:v58+s2+$0x0], $0xffff  }
0x15f: {  	v60 =	vadd.s32 v10, v25;
	_ =	sdelay $0x3  }
0x160: {  	[tilespmem:v59+s13+$0x0] =	vst.idx.msk $0xffff, v26  }
0x161: {  	v61 =	vor.u32 v12, v24;
	v26 =	vld.idx.msk [tilespmem:v60+s2+$0x0], $0xffff  }
0x162: {  	v62 =	vadd.s32 v13, v25;
	_ =	sdelay $0x3  }
0x163: {  	[tilespmem:v61+s13+$0x0] =	vst.idx.msk $0xffff, v26  }
0x164: {  	v63 =	vor.u32 v14, v24;
	v26 =	vld.idx.msk [tilespmem:v62+s2+$0x0], $0xffff  }
0x165: {  	v25 =	vadd.s32 v15, v25;
	_ =	sdelay $0x3  }
0x166: {  	[tilespmem:v63+s13+$0x0] =	vst.idx.msk $0xffff, v26  }
0x167: {  	p0 =	sne.s32 s3, $0xF;
	v24 =	vor.u32 v16, v24;
	v25 =	vld.idx.msk [tilespmem:v25+s2+$0x0], $0xffff  }
.Ltmp1:
0x168: {  	_ = 	snop;
	(pc) =	sbr.rel @p0 .LBB2_5-.Ltmp1, $2  }
0x169: {  	_ =	sdelay $0x2  }
0x16a: {  	s3 =	sadd.s32 $0x1, s3;
	[tilespmem:v24+s13+$0x0] =	vst.idx.msk $0xffff, v25  }
0x16b: {  	s3 =	simm.s32 $0x0  }
0x16c: {  	v24 =	vadd.s32 s3, v0  }
0x16d: {  	[tilespmem:s15], [sflag:$0x1] =	stream.indirect.gather [hbm4b:s5+s14], $0x20, s13, s14, $0xb8;
	v25 =	vand.u32 $0x1F, v24;
	[tilespmem:$0x11000] =	vst v63  }
0x16e: {  	s9 =	simm.s32 $0x6880;
	v26 =	vor.u32 v17, v25  }
0x16f: {  	[tilespmem:s17], [sflag:$0x2] =	stream.indirect.gather [hbm4b:s5+s14], $0x20, s9, s14, $0xb8;
	v27 =	vor.u32 v19, v25;
	[tilespmem:$0x11000] =	vst v63  }
0x170: {  	_ =	swait.ge [sflag:s18], $0x1000;
	v28 =	vor.u32 v11, v25  }
0x171: {  	v29 =	vor.u32 v18, v25;
	[sflag:s18] =	ssyncset.done $0x0  }
0x172: {  	v30 =	vor.u32 v22, v25;
	[sflag:s18] =	ssyncadd.s32 $0xFFFFF000  }
0x173: {  	v24 =	vshll.u32 v24, $0x7;
	v31 =	vor.u32 v23, v25;
	v26 =	vld.idx.msk [tilespmem:v26+s15+$0x0], $0xffff  }
0x174: {  	v32 =	vor.u32 v20, v25;
	v24 =	vand.u32 $0xF80, v24;
	v27 =	vld.idx.msk [tilespmem:v27+s15+$0x0], $0xffff  }
0x175: {  	v25 =	vor.u32 v21, v25;
	v33 =	vor.u32 v0, v24;
	v28 =	vld.idx.msk [tilespmem:v28+s15+$0x0], $0xffff  }
0x176: {  	v34 =	vor.u32 v3, v24;
	v29 =	vld.idx.msk [tilespmem:v29+s15+$0x0], $0xffff  }
0x177: {  	v35 =	vor.u32 v5, v24;
	v30 =	vld.idx.msk [tilespmem:v30+s15+$0x0], $0xffff  }
0x178: {  	v36 =	vor.u32 v7, v24;
	v31 =	vld.idx.msk [tilespmem:v31+s15+$0x0], $0xffff  }
0x179: {  	v37 =	vor.u32 v9, v24;
	v32 =	vld.idx.msk [tilespmem:v32+s15+$0x0], $0xffff  }
0x17a: {  	s10 =	simm.s32 $0x1;
	v25 =	vld.idx.msk [tilespmem:v25+s15+$0x0], $0xffff;
	[tilespmem:v33+s19+$0x0] =	vst.idx.msk $0xffff, v28;
	v28 =	vor.u32 v12, v24  }
0x17b: {  	v46 =	vadd.s32 s10, v0;
	[tilespmem:v34+s19+$0x0] =	vst.idx.msk $0xffff, v26;
	v26 =	vor.u32 v14, v24  }
0x17c: {  	v24 =	vor.u32 v16, v24;
	[tilespmem:v35+s19+$0x0] =	vst.idx.msk $0xffff, v29;
	v29 =	vand.u32 $0x1F, v46  }
0x17d: {  	[tilespmem:v36+s19+$0x0] =	vst.idx.msk $0xffff, v27;
	v27 =	vor.u32 v18, v29  }
0x17e: {  	v47 =	vor.u32 v17, v29;
	[tilespmem:v37+s19+$0x0] =	vst.idx.msk $0xffff, v32  }
0x17f: {  	[tilespmem:v28+s19+$0x0] =	vst.idx.msk $0xffff, v25;
	v25 =	vor.u32 v11, v29  }
0x180: {  	v48 =	vor.u32 v22, v29;
	[tilespmem:v26+s19+$0x0] =	vst.idx.msk $0xffff, v30  }
0x181: {  	v28 =	vor.u32 v23, v29;
	[tilespmem:v24+s19+$0x0] =	vst.idx.msk $0xffff, v31  }
0x182: {  	v26 =	vor.u32 v19, v29;
	v30 =	vshll.u32 v46, $0x7;
	v27 =	vld.idx.msk [tilespmem:v27+s15+$0x0], $0xffff  }
0x183: {  	v24 =	vor.u32 v20, v29;
	v30 =	vand.u32 $0xF80, v30;
	v31 =	vld.idx.msk [tilespmem:v47+s15+$0x0], $0xffff  }
0x184: {  	v29 =	vor.u32 v21, v29;
	v49 =	vor.u32 v0, v30;
	v25 =	vld.idx.msk [tilespmem:v25+s15+$0x0], $0xffff  }
0x185: {  	v50 =	vor.u32 v3, v30;
	v32 =	vld.idx.msk [tilespmem:v48+s15+$0x0], $0xffff  }
0x186: {  	v51 =	vor.u32 v5, v30;
	v28 =	vld.idx.msk [tilespmem:v28+s15+$0x0], $0xffff  }
0x187: {  	v52 =	vor.u32 v7, v30;
	v26 =	vld.idx.msk [tilespmem:v26+s15+$0x0], $0xffff  }
0x188: {  	v53 =	vor.u32 v9, v30;
	v24 =	vld.idx.msk [tilespmem:v24+s15+$0x0], $0xffff  }
0x189: {  	s16 =	simm.s32 $0x2;
	v29 =	vld.idx.msk [tilespmem:v29+s15+$0x0], $0xffff;
	[tilespmem:v49+s19+$0x0] =	vst.idx.msk $0xffff, v25;
	v25 =	vor.u32 v12, v30  }
0x18a: {  	v54 =	vadd.s32 s16, v0;
	[tilespmem:v50+s19+$0x0] =	vst.idx.msk $0xffff, v31;
	v31 =	vor.u32 v14, v30  }
0x18b: {  	[tilespmem:v51+s19+$0x0] =	vst.idx.msk $0xffff, v27;
	v27 =	vor.u32 v16, v30;
	v30 =	vand.u32 $0x1F, v54  }
0x18c: {  	[tilespmem:v52+s19+$0x0] =	vst.idx.msk $0xffff, v26;
	v26 =	vor.u32 v18, v30  }
0x18d: {  	v55 =	vor.u32 v23, v30;
	[tilespmem:v53+s19+$0x0] =	vst.idx.msk $0xffff, v24  }
0x18e: {  	[tilespmem:v25+s19+$0x0] =	vst.idx.msk $0xffff, v29;
	v25 =	vor.u32 v11, v30  }
0x18f: {  	v24 =	vor.u32 v17, v30;
	[tilespmem:v31+s19+$0x0] =	vst.idx.msk $0xffff, v32  }
0x190: {  	v29 =	vor.u32 v19, v30;
	[tilespmem:v27+s19+$0x0] =	vst.idx.msk $0xffff, v28  }
0x191: {  	v31 =	vshll.u32 v54, $0x7;
	v27 =	vor.u32 v20, v30;
	v26 =	vld.idx.msk [tilespmem:v26+s15+$0x0], $0xffff  }
0x192: {  	v28 =	vor.u32 v21, v30;
	v31 =	vand.u32 $0xF80, v31;
	v32 =	vld.idx.msk [tilespmem:v55+s15+$0x0], $0xffff  }
0x193: {  	v30 =	vor.u32 v22, v30;
	v56 =	vor.u32 v0, v31;
	v25 =	vld.idx.msk [tilespmem:v25+s15+$0x0], $0xffff  }
0x194: {  	v57 =	vor.u32 v3, v31;
	v24 =	vld.idx.msk [tilespmem:v24+s15+$0x0], $0xffff  }
0x195: {  	v58 =	vor.u32 v5, v31;
	v29 =	vld.idx.msk [tilespmem:v29+s15+$0x0], $0xffff  }
0x196: {  	v59 =	vor.u32 v7, v31;
	v27 =	vld.idx.msk [tilespmem:v27+s15+$0x0], $0xffff  }
0x197: {  	v60 =	vor.u32 v9, v31;
	v28 =	vld.idx.msk [tilespmem:v28+s15+$0x0], $0xffff  }
0x198: {  	s31 =	simm.s32 $0x3;
	v30 =	vld.idx.msk [tilespmem:v30+s15+$0x0], $0xffff;
	[tilespmem:v56+s19+$0x0] =	vst.idx.msk $0xffff, v25;
	v25 =	vor.u32 v12, v31  }
0x199: {  	v61 =	vadd.s32 s31, v0;
	[tilespmem:v57+s19+$0x0] =	vst.idx.msk $0xffff, v24;
	v24 =	vor.u32 v14, v31  }
0x19a: {  	[tilespmem:v58+s19+$0x0] =	vst.idx.msk $0xffff, v26;
	v26 =	vor.u32 v16, v31;
	v31 =	vand.u32 $0x1F, v61  }
0x19b: {  	[tilespmem:v59+s19+$0x0] =	vst.idx.msk $0xffff, v29;
	v29 =	vor.u32 v18, v31  }
0x19c: {  	v62 =	vor.u32 v11, v31;
	[tilespmem:v60+s19+$0x0] =	vst.idx.msk $0xffff, v27  }
0x19d: {  	v63 =	vor.u32 v20, v31;
	[tilespmem:v25+s19+$0x0] =	vst.idx.msk $0xffff, v28  }
0x19e: {  	v27 =	vor.u32 v17, v31;
	[tilespmem:v24+s19+$0x0] =	vst.idx.msk $0xffff, v30  }
0x19f: {  	v28 =	vor.u32 v19, v31;
	[tilespmem:v26+s19+$0x0] =	vst.idx.msk $0xffff, v32  }
0x1a0: {  	v36 =	vor.u32 v21, v31;
	v26 =	vld.idx.msk [tilespmem:v29+s15+$0x0], $0xffff  }
0x1a1: {  	v35 =	vor.u32 v23, v31;
	v24 =	vshll.u32 v61, $0x7;
	v30 =	vld.idx.msk [tilespmem:v62+s15+$0x0], $0xffff  }
0x1a2: {  	v34 =	vor.u32 v22, v31;
	v25 =	vand.u32 $0xF80, v24;
	v29 =	vld.idx.msk [tilespmem:v63+s15+$0x0], $0xffff  }
0x1a3: {  	v33 =	vor.u32 v0, v25;
	v27 =	vld.idx.msk [tilespmem:v27+s15+$0x0], $0xffff  }
0x1a4: {  	s3 =	simm.s32 $0x4;
	v24 =	vor.u32 v7, v25;
	v32 =	vor.u32 v3, v25;
	v31 =	vor.u32 v5, v25;
	v28 =	vld.idx.msk [tilespmem:v28+s15+$0x0], $0xffff  }
.LBB2_7:
0x1a5: {  	p0 =	sne.s32 s3, $0x1C;
	v36 =	vld.idx.msk [tilespmem:v36+s15+$0x0], $0xffff;
	s4 =	smov.u32 s3;
	s3 =	sadd.s32 $0x4, s3  }
0x1a6: {  	v37 =	vor.u32 v9, v25;
	v35 =	vld.idx.msk [tilespmem:v35+s15+$0x0], $0xffff  }
0x1a7: {  	v39 =	vor.u32 v12, v25;
	v40 =	vor.u32 v16, v25;
	v38 =	vadd.s32 s4, v0;
	v34 =	vld.idx.msk [tilespmem:v34+s15+$0x0], $0xffff  }
0x1a8: {  	v25 =	vor.u32 v14, v25;
	v41 =	vand.u32 $0x1F, v38;
	v38 =	vshll.u32 v38, $0x7;
	[tilespmem:v33+s19+$0x0] =	vst.idx.msk $0xffff, v30  }
0x1a9: {  	v30 =	vor.u32 v11, v41;
	v33 =	vor.u32 v17, v41;
	v38 =	vand.u32 $0xF80, v38;
	[tilespmem:v32+s19+$0x0] =	vst.idx.msk $0xffff, v27  }
0x1aa: {  	v27 =	vor.u32 v19, v41;
	v32 =	vor.u32 v20, v41;
	[tilespmem:v31+s19+$0x0] =	vst.idx.msk $0xffff, v26  }
0x1ab: {  	v26 =	vor.u32 v22, v41;
	v31 =	vor.u32 v23, v41;
	[tilespmem:v24+s19+$0x0] =	vst.idx.msk $0xffff, v28  }
0x1ac: {  	v24 =	vor.u32 v18, v41;
	[tilespmem:v37+s19+$0x0] =	vst.idx.msk $0xffff, v29  }
0x1ad: {  	[tilespmem:v39+s19+$0x0] =	vst.idx.msk $0xffff, v36  }
0x1ae: {  	v28 =	vor.u32 v21, v41;
	[tilespmem:v25+s19+$0x0] =	vst.idx.msk $0xffff, v34  }
0x1af: {  	[tilespmem:v40+s19+$0x0] =	vst.idx.msk $0xffff, v35  }
0x1b0: {  	v25 =	vld.idx.msk [tilespmem:v33+s15+$0x0], $0xffff  }
0x1b1: {  	v27 =	vld.idx.msk [tilespmem:v27+s15+$0x0], $0xffff  }
0x1b2: {  	v29 =	vld.idx.msk [tilespmem:v30+s15+$0x0], $0xffff  }
0x1b3: {  	v30 =	vor.u32 v0, v38;
	v24 =	vld.idx.msk [tilespmem:v24+s15+$0x0], $0xffff  }
0x1b4: {  	v33 =	vor.u32 v3, v38;
	v26 =	vld.idx.msk [tilespmem:v26+s15+$0x0], $0xffff  }
0x1b5: {  	v34 =	vor.u32 v5, v38;
	v31 =	vld.idx.msk [tilespmem:v31+s15+$0x0], $0xffff  }
0x1b6: {  	v35 =	vor.u32 v7, v38;
	v32 =	vld.idx.msk [tilespmem:v32+s15+$0x0], $0xffff  }
0x1b7: {  	v36 =	vor.u32 v9, v38;
	v28 =	vld.idx.msk [tilespmem:v28+s15+$0x0], $0xffff  }
0x1b8: {  	s6 =	sadd.s32 $0x1, s4;
	[tilespmem:v30+s19+$0x0] =	vst.idx.msk $0xffff, v29;
	v29 =	vor.u32 v12, v38  }
0x1b9: {  	v30 =	vadd.s32 s6, v0;
	[tilespmem:v33+s19+$0x0] =	vst.idx.msk $0xffff, v25;
	v25 =	vor.u32 v14, v38  }
0x1ba: {  	v33 =	vand.u32 $0x1F, v30;
	v30 =	vshll.u32 v30, $0x7;
	[tilespmem:v34+s19+$0x0] =	vst.idx.msk $0xffff, v24;
	v24 =	vor.u32 v16, v38  }
0x1bb: {  	v30 =	vand.u32 $0xF80, v30;
	[tilespmem:v35+s19+$0x0] =	vst.idx.msk $0xffff, v27;
	v27 =	vor.u32 v18, v33  }
0x1bc: {  	[tilespmem:v36+s19+$0x0] =	vst.idx.msk $0xffff, v32;
	v32 =	vor.u32 v17, v33  }
0x1bd: {  	[tilespmem:v29+s19+$0x0] =	vst.idx.msk $0xffff, v28;
	v28 =	vor.u32 v11, v33  }
0x1be: {  	[tilespmem:v25+s19+$0x0] =	vst.idx.msk $0xffff, v26;
	v25 =	vor.u32 v19, v33  }
0x1bf: {  	[tilespmem:v24+s19+$0x0] =	vst.idx.msk $0xffff, v31;
	v24 =	vor.u32 v20, v33  }
0x1c0: {  	v26 =	vld.idx.msk [tilespmem:v27+s15+$0x0], $0xffff;
	v27 =	vor.u32 v23, v33  }
0x1c1: {  	v31 =	vor.u32 v22, v33;
	v29 =	vld.idx.msk [tilespmem:v32+s15+$0x0], $0xffff  }
0x1c2: {  	v32 =	vor.u32 v21, v33;
	v28 =	vld.idx.msk [tilespmem:v28+s15+$0x0], $0xffff  }
0x1c3: {  	v33 =	vor.u32 v0, v30;
	v25 =	vld.idx.msk [tilespmem:v25+s15+$0x0], $0xffff  }
0x1c4: {  	v34 =	vor.u32 v3, v30;
	v24 =	vld.idx.msk [tilespmem:v24+s15+$0x0], $0xffff  }
0x1c5: {  	v35 =	vor.u32 v5, v30;
	v27 =	vld.idx.msk [tilespmem:v27+s15+$0x0], $0xffff  }
0x1c6: {  	v36 =	vor.u32 v7, v30;
	v31 =	vld.idx.msk [tilespmem:v31+s15+$0x0], $0xffff  }
0x1c7: {  	v37 =	vor.u32 v9, v30;
	v32 =	vld.idx.msk [tilespmem:v32+s15+$0x0], $0xffff  }
0x1c8: {  	s6 =	sadd.s32 $0x2, s4;
	[tilespmem:v33+s19+$0x0] =	vst.idx.msk $0xffff, v28;
	v28 =	vor.u32 v12, v30  }
0x1c9: {  	v33 =	vadd.s32 s6, v0;
	[tilespmem:v34+s19+$0x0] =	vst.idx.msk $0xffff, v29;
	v29 =	vor.u32 v14, v30  }
0x1ca: {  	[tilespmem:v35+s19+$0x0] =	vst.idx.msk $0xffff, v26;
	v26 =	vor.u32 v16, v30;
	v30 =	vand.u32 $0x1F, v33;
	v33 =	vshll.u32 v33, $0x7  }
0x1cb: {  	[tilespmem:v36+s19+$0x0] =	vst.idx.msk $0xffff, v25;
	v25 =	vor.u32 v18, v30;
	v33 =	vand.u32 $0xF80, v33  }
0x1cc: {  	[tilespmem:v37+s19+$0x0] =	vst.idx.msk $0xffff, v24;
	v24 =	vor.u32 v17, v30  }
0x1cd: {  	[tilespmem:v28+s19+$0x0] =	vst.idx.msk $0xffff, v32;
	v28 =	vor.u32 v11, v30  }
0x1ce: {  	[tilespmem:v29+s19+$0x0] =	vst.idx.msk $0xffff, v31;
	v29 =	vor.u32 v19, v30  }
0x1cf: {  	[tilespmem:v26+s19+$0x0] =	vst.idx.msk $0xffff, v27;
	v26 =	vor.u32 v20, v30  }
0x1d0: {  	v27 =	vor.u32 v21, v30;
	v25 =	vld.idx.msk [tilespmem:v25+s15+$0x0], $0xffff  }
0x1d1: {  	v31 =	vor.u32 v23, v30;
	v24 =	vld.idx.msk [tilespmem:v24+s15+$0x0], $0xffff  }
0x1d2: {  	v30 =	vor.u32 v22, v30;
	v28 =	vld.idx.msk [tilespmem:v28+s15+$0x0], $0xffff  }
0x1d3: {  	v32 =	vor.u32 v0, v33;
	v29 =	vld.idx.msk [tilespmem:v29+s15+$0x0], $0xffff  }
0x1d4: {  	v34 =	vor.u32 v3, v33;
	v26 =	vld.idx.msk [tilespmem:v26+s15+$0x0], $0xffff  }
0x1d5: {  	v35 =	vor.u32 v5, v33;
	v27 =	vld.idx.msk [tilespmem:v27+s15+$0x0], $0xffff  }
0x1d6: {  	v36 =	vor.u32 v7, v33;
	v31 =	vld.idx.msk [tilespmem:v31+s15+$0x0], $0xffff  }
0x1d7: {  	v37 =	vor.u32 v9, v33;
	v30 =	vld.idx.msk [tilespmem:v30+s15+$0x0], $0xffff  }
0x1d8: {  	s4 =	sadd.s32 $0x3, s4;
	[tilespmem:v32+s19+$0x0] =	vst.idx.msk $0xffff, v28;
	v28 =	vor.u32 v12, v33  }
0x1d9: {  	v32 =	vor.u32 v14, v33;
	[tilespmem:v34+s19+$0x0] =	vst.idx.msk $0xffff, v24;
	v24 =	vadd.s32 s4, v0  }
0x1da: {  	v33 =	vor.u32 v16, v33;
	[tilespmem:v35+s19+$0x0] =	vst.idx.msk $0xffff, v25;
	v34 =	vand.u32 $0x1F, v24;
	v24 =	vshll.u32 v24, $0x7  }
0x1db: {  	[tilespmem:v36+s19+$0x0] =	vst.idx.msk $0xffff, v29;
	v29 =	vor.u32 v18, v34;
	v25 =	vand.u32 $0xF80, v24  }
0x1dc: {  	v35 =	vor.u32 v17, v34;
	[tilespmem:v37+s19+$0x0] =	vst.idx.msk $0xffff, v26;
	v37 =	vor.u32 v11, v34  }
0x1dd: {  	v24 =	vor.u32 v7, v25;
	[tilespmem:v28+s19+$0x0] =	vst.idx.msk $0xffff, v27  }
0x1de: {  	v28 =	vor.u32 v19, v34;
	[tilespmem:v32+s19+$0x0] =	vst.idx.msk $0xffff, v30  }
0x1df: {  	[tilespmem:v33+s19+$0x0] =	vst.idx.msk $0xffff, v31;
	v31 =	vor.u32 v20, v34  }
.Ltmp2:
0x1e0: {  	v36 =	vor.u32 v21, v34;
	v26 =	vld.idx.msk [tilespmem:v29+s15+$0x0], $0xffff;
	(pc) =	sbr.rel @p0 .LBB2_7-.Ltmp2, $4  }
0x1e1: {  	v27 =	vld.idx.msk [tilespmem:v35+s15+$0x0], $0xffff;
	v35 =	vor.u32 v23, v34  }
0x1e2: {  	v33 =	vor.u32 v0, v25;
	v34 =	vor.u32 v22, v34;
	v30 =	vld.idx.msk [tilespmem:v37+s15+$0x0], $0xffff  }
0x1e3: {  	v32 =	vor.u32 v3, v25;
	v28 =	vld.idx.msk [tilespmem:v28+s15+$0x0], $0xffff  }
0x1e4: {  	v29 =	vld.idx.msk [tilespmem:v31+s15+$0x0], $0xffff;
	v31 =	vor.u32 v5, v25  }
0x1e5: {  	_ =	sdelay $0x3  }
0x1e6: {  	v36 =	vld.idx.msk [tilespmem:v36+s15+$0x0], $0xffff  }
0x1e7: {  	v35 =	vld.idx.msk [tilespmem:v35+s15+$0x0], $0xffff;
	v37 =	vor.u32 v9, v25  }
0x1e8: {  	v34 =	vld.idx.msk [tilespmem:v34+s15+$0x0], $0xffff;
	v38 =	vor.u32 v12, v25;
	[tilespmem:v33+s19+$0x0] =	vst.idx.msk $0xffff, v30  }
0x1e9: {  	v62 =	vor.u32 v14, v25;
	[tilespmem:v32+s19+$0x0] =	vst.idx.msk $0xffff, v27  }
0x1ea: {  	v63 =	vor.u32 v16, v25;
	[tilespmem:v31+s19+$0x0] =	vst.idx.msk $0xffff, v26  }
0x1eb: {  	[tilespmem:v24+s19+$0x0] =	vst.idx.msk $0xffff, v28  }
0x1ec: {  	[tilespmem:v37+s19+$0x0] =	vst.idx.msk $0xffff, v29  }
0x1ed: {  	s3 =	sshll.u32 s11, $0x7;
	s11 =	sshll.u32 s11, $0xA;
	[tilespmem:v38+s19+$0x0] =	vst.idx.msk $0xffff, v36  }
0x1ee: {  	s31 =	sor.u32 $0x20000, s11;
	[tilespmem:v62+s19+$0x0] =	vst.idx.msk $0xffff, v34  }
0x1ef: {  	s4 =	sadd.s32 s1, s3;
	s16 =	sor.u32 $0x40000, s11;
	s9 =	sshrl.u32 s31, $0x3;
	[tilespmem:v63+s19+$0x0] =	vst.idx.msk $0xffff, v35  }
0x1f0: {  	[hbm4b:s4+s2] =	stream.linear.scatter [tilespmem:s19], [sflag:$0x3], $0x400, $0x38;
	[tilespmem:$0x11000] =	vst v63  }
0x1f1: {  	s10 =	sshrl.u32 s16, $0x3;
	s4 =	sadd.s32 s1, s9  }
0x1f2: {  	[hbm4b:s4+s2] =	stream.linear.scatter [tilespmem:s20], [sflag:$0x3], $0x400, $0x38;
	[tilespmem:$0x11000] =	vst v63  }
0x1f3: {  	s4 =	sadd.s32 s1, s10  }
0x1f4: {  	[hbm4b:s4+s2] =	stream.linear.scatter [tilespmem:s21], [sflag:$0x3], $0x400, $0x38;
	[tilespmem:$0x11000] =	vst v63  }
0x1f5: {  	s4 =	sor.u32 $0x60000, s11  }
0x1f6: {  	s6 =	sshrl.u32 s4, $0x3  }
0x1f7: {  	s6 =	sadd.s32 s1, s6  }
0x1f8: {  	[hbm4b:s6+s2] =	stream.linear.scatter [tilespmem:s22], [sflag:$0x3], $0x400, $0x38;
	[tilespmem:$0x11000] =	vst v63  }
0x1f9: {  	s6 =	simm.s32 $0x1  }
.LBB2_9:
0x1fa: {  	_ =	swait.ge [sflag:s23], $0x400  }
0x1fb: {  	[sflag:s23] =	ssyncset.done $0x0  }
0x1fc: {  	[sflag:s23] =	ssyncadd.s32 $0xFFFFFC00  }
0x1fd: {  	_ =	swait.ge [sflag:s23], $0x400  }
0x1fe: {  	[sflag:s23] =	ssyncset.done $0x0  }
0x1ff: {  	[sflag:s23] =	ssyncadd.s32 $0xFFFFFC00  }
0x200: {  	_ =	swait.ge [sflag:s23], $0x400  }
0x201: {  	[sflag:s23] =	ssyncset.done $0x0  }
0x202: {  	s7 =	simm.s32 $0x0;
	[sflag:s23] =	ssyncadd.s32 $0xFFFFFC00  }
0x203: {  	s8 =	sshll.u32 s6, $0x8;
	v24 =	vadd.s32 s7, v0;
	_ =	swait.ge [sflag:s23], $0x400  }
0x204: {  	s8 =	sand.u32 $0x3FFFFF00, s8;
	v25 =	vand.u32 $0x1F, v24;
	[sflag:s23] =	ssyncset.done $0x0  }
0x205: {  	s9 =	sadd.s32 $0x6800, s8;
	v26 =	vor.u32 v17, v25;
	[sflag:s23] =	ssyncadd.s32 $0xFFFFFC00  }
0x206: {  	v27 =	vor.u32 v19, v25;
	[tilespmem:s15], [sflag:$0x1] =	stream.indirect.gather [hbm4b:s5+s14], $0x20, s9, s14, $0xb8;
	[tilespmem:$0x11000] =	vst v63  }
0x207: {  	v28 =	vor.u32 v11, v25;
	_ =	swait.ge [sflag:s24], $0x1000  }
0x208: {  	v29 =	vor.u32 v18, v25;
	[sflag:s24] =	ssyncset.done $0x0  }
0x209: {  	v30 =	vor.u32 v22, v25;
	[sflag:s24] =	ssyncadd.s32 $0xFFFFF000  }
0x20a: {  	v24 =	vshll.u32 v24, $0x7;
	v31 =	vor.u32 v23, v25;
	v26 =	vld.idx.msk [tilespmem:v26+s17+$0x0], $0xffff  }
0x20b: {  	v32 =	vor.u32 v20, v25;
	v24 =	vand.u32 $0xF80, v24;
	v27 =	vld.idx.msk [tilespmem:v27+s17+$0x0], $0xffff  }
0x20c: {  	v25 =	vor.u32 v21, v25;
	v33 =	vor.u32 v0, v24;
	v28 =	vld.idx.msk [tilespmem:v28+s17+$0x0], $0xffff  }
0x20d: {  	v34 =	vor.u32 v3, v24;
	v29 =	vld.idx.msk [tilespmem:v29+s17+$0x0], $0xffff  }
0x20e: {  	v35 =	vor.u32 v5, v24;
	v30 =	vld.idx.msk [tilespmem:v30+s17+$0x0], $0xffff  }
0x20f: {  	v36 =	vor.u32 v7, v24;
	v31 =	vld.idx.msk [tilespmem:v31+s17+$0x0], $0xffff  }
0x210: {  	v37 =	vor.u32 v9, v24;
	v32 =	vld.idx.msk [tilespmem:v32+s17+$0x0], $0xffff  }
0x211: {  	s10 =	simm.s32 $0x1;
	v25 =	vld.idx.msk [tilespmem:v25+s17+$0x0], $0xffff;
	[tilespmem:v33+s25+$0x0] =	vst.idx.msk $0xffff, v28;
	v28 =	vor.u32 v12, v24  }
0x212: {  	v46 =	vadd.s32 s10, v0;
	[tilespmem:v34+s25+$0x0] =	vst.idx.msk $0xffff, v26;
	v26 =	vor.u32 v14, v24  }
0x213: {  	v24 =	vor.u32 v16, v24;
	[tilespmem:v35+s25+$0x0] =	vst.idx.msk $0xffff, v29;
	v29 =	vand.u32 $0x1F, v46  }
0x214: {  	[tilespmem:v36+s25+$0x0] =	vst.idx.msk $0xffff, v27;
	v27 =	vor.u32 v18, v29  }
0x215: {  	v47 =	vor.u32 v17, v29;
	[tilespmem:v37+s25+$0x0] =	vst.idx.msk $0xffff, v32  }
0x216: {  	[tilespmem:v28+s25+$0x0] =	vst.idx.msk $0xffff, v25;
	v25 =	vor.u32 v11, v29  }
0x217: {  	v48 =	vor.u32 v22, v29;
	[tilespmem:v26+s25+$0x0] =	vst.idx.msk $0xffff, v30  }
0x218: {  	v28 =	vor.u32 v23, v29;
	[tilespmem:v24+s25+$0x0] =	vst.idx.msk $0xffff, v31  }
0x219: {  	v26 =	vor.u32 v19, v29;
	v30 =	vshll.u32 v46, $0x7;
	v27 =	vld.idx.msk [tilespmem:v27+s17+$0x0], $0xffff  }
0x21a: {  	v24 =	vor.u32 v20, v29;
	v30 =	vand.u32 $0xF80, v30;
	v31 =	vld.idx.msk [tilespmem:v47+s17+$0x0], $0xffff  }
0x21b: {  	v29 =	vor.u32 v21, v29;
	v49 =	vor.u32 v0, v30;
	v25 =	vld.idx.msk [tilespmem:v25+s17+$0x0], $0xffff  }
0x21c: {  	v50 =	vor.u32 v3, v30;
	v32 =	vld.idx.msk [tilespmem:v48+s17+$0x0], $0xffff  }
0x21d: {  	v51 =	vor.u32 v5, v30;
	v28 =	vld.idx.msk [tilespmem:v28+s17+$0x0], $0xffff  }
0x21e: {  	v52 =	vor.u32 v7, v30;
	v26 =	vld.idx.msk [tilespmem:v26+s17+$0x0], $0xffff  }
0x21f: {  	v53 =	vor.u32 v9, v30;
	v24 =	vld.idx.msk [tilespmem:v24+s17+$0x0], $0xffff  }
0x220: {  	s9 =	simm.s32 $0x2;
	v29 =	vld.idx.msk [tilespmem:v29+s17+$0x0], $0xffff;
	[tilespmem:v49+s25+$0x0] =	vst.idx.msk $0xffff, v25;
	v25 =	vor.u32 v12, v30  }
0x221: {  	v54 =	vadd.s32 s9, v0;
	[tilespmem:v50+s25+$0x0] =	vst.idx.msk $0xffff, v31;
	v31 =	vor.u32 v14, v30  }
0x222: {  	[tilespmem:v51+s25+$0x0] =	vst.idx.msk $0xffff, v27;
	v27 =	vor.u32 v16, v30;
	v30 =	vand.u32 $0x1F, v54  }
0x223: {  	[tilespmem:v52+s25+$0x0] =	vst.idx.msk $0xffff, v26;
	v26 =	vor.u32 v18, v30  }
0x224: {  	v55 =	vor.u32 v23, v30;
	[tilespmem:v53+s25+$0x0] =	vst.idx.msk $0xffff, v24  }
0x225: {  	[tilespmem:v25+s25+$0x0] =	vst.idx.msk $0xffff, v29;
	v25 =	vor.u32 v11, v30  }
0x226: {  	v24 =	vor.u32 v17, v30;
	[tilespmem:v31+s25+$0x0] =	vst.idx.msk $0xffff, v32  }
0x227: {  	v29 =	vor.u32 v19, v30;
	[tilespmem:v27+s25+$0x0] =	vst.idx.msk $0xffff, v28  }
0x228: {  	v31 =	vshll.u32 v54, $0x7;
	v27 =	vor.u32 v20, v30;
	v26 =	vld.idx.msk [tilespmem:v26+s17+$0x0], $0xffff  }
0x229: {  	v28 =	vor.u32 v21, v30;
	v31 =	vand.u32 $0xF80, v31;
	v32 =	vld.idx.msk [tilespmem:v55+s17+$0x0], $0xffff  }
0x22a: {  	v30 =	vor.u32 v22, v30;
	v56 =	vor.u32 v0, v31;
	v25 =	vld.idx.msk [tilespmem:v25+s17+$0x0], $0xffff  }
0x22b: {  	v57 =	vor.u32 v3, v31;
	v24 =	vld.idx.msk [tilespmem:v24+s17+$0x0], $0xffff  }
0x22c: {  	v58 =	vor.u32 v5, v31;
	v29 =	vld.idx.msk [tilespmem:v29+s17+$0x0], $0xffff  }
0x22d: {  	v59 =	vor.u32 v7, v31;
	v27 =	vld.idx.msk [tilespmem:v27+s17+$0x0], $0xffff  }
0x22e: {  	v60 =	vor.u32 v9, v31;
	v28 =	vld.idx.msk [tilespmem:v28+s17+$0x0], $0xffff  }
0x22f: {  	s10 =	simm.s32 $0x3;
	v30 =	vld.idx.msk [tilespmem:v30+s17+$0x0], $0xffff;
	[tilespmem:v56+s25+$0x0] =	vst.idx.msk $0xffff, v25;
	v25 =	vor.u32 v12, v31  }
0x230: {  	v61 =	vadd.s32 s10, v0;
	[tilespmem:v57+s25+$0x0] =	vst.idx.msk $0xffff, v24;
	v24 =	vor.u32 v14, v31  }
0x231: {  	[tilespmem:v58+s25+$0x0] =	vst.idx.msk $0xffff, v26;
	v26 =	vor.u32 v16, v31;
	v31 =	vand.u32 $0x1F, v61  }
0x232: {  	[tilespmem:v59+s25+$0x0] =	vst.idx.msk $0xffff, v29;
	v29 =	vor.u32 v18, v31  }
0x233: {  	v62 =	vor.u32 v11, v31;
	[tilespmem:v60+s25+$0x0] =	vst.idx.msk $0xffff, v27  }
0x234: {  	v63 =	vor.u32 v20, v31;
	[tilespmem:v25+s25+$0x0] =	vst.idx.msk $0xffff, v28  }
0x235: {  	v27 =	vor.u32 v17, v31;
	[tilespmem:v24+s25+$0x0] =	vst.idx.msk $0xffff, v30  }
0x236: {  	v28 =	vor.u32 v19, v31;
	[tilespmem:v26+s25+$0x0] =	vst.idx.msk $0xffff, v32  }
0x237: {  	v36 =	vor.u32 v21, v31;
	v26 =	vld.idx.msk [tilespmem:v29+s17+$0x0], $0xffff  }
0x238: {  	v35 =	vor.u32 v23, v31;
	v24 =	vshll.u32 v61, $0x7;
	v30 =	vld.idx.msk [tilespmem:v62+s17+$0x0], $0xffff  }
0x239: {  	v34 =	vor.u32 v22, v31;
	v25 =	vand.u32 $0xF80, v24;
	v29 =	vld.idx.msk [tilespmem:v63+s17+$0x0], $0xffff  }
0x23a: {  	v33 =	vor.u32 v0, v25;
	v27 =	vld.idx.msk [tilespmem:v27+s17+$0x0], $0xffff  }
0x23b: {  	s7 =	simm.s32 $0x4;
	v24 =	vor.u32 v7, v25;
	v32 =	vor.u32 v3, v25;
	v31 =	vor.u32 v5, v25;
	v28 =	vld.idx.msk [tilespmem:v28+s17+$0x0], $0xffff  }
.LBB2_10:
0x23c: {  	p0 =	sne.s32 s7, $0x1C;
	v36 =	vld.idx.msk [tilespmem:v36+s17+$0x0], $0xffff;
	s9 =	smov.u32 s7;
	s7 =	sadd.s32 $0x4, s7  }
0x23d: {  	v37 =	vor.u32 v9, v25;
	v35 =	vld.idx.msk [tilespmem:v35+s17+$0x0], $0xffff  }
0x23e: {  	v39 =	vor.u32 v12, v25;
	v40 =	vor.u32 v16, v25;
	v38 =	vadd.s32 s9, v0;
	v34 =	vld.idx.msk [tilespmem:v34+s17+$0x0], $0xffff  }
0x23f: {  	v25 =	vor.u32 v14, v25;
	v41 =	vand.u32 $0x1F, v38;
	v38 =	vshll.u32 v38, $0x7;
	[tilespmem:v33+s25+$0x0] =	vst.idx.msk $0xffff, v30  }
0x240: {  	v30 =	vor.u32 v11, v41;
	v33 =	vor.u32 v17, v41;
	v38 =	vand.u32 $0xF80, v38;
	[tilespmem:v32+s25+$0x0] =	vst.idx.msk $0xffff, v27  }
0x241: {  	v27 =	vor.u32 v19, v41;
	v32 =	vor.u32 v20, v41;
	[tilespmem:v31+s25+$0x0] =	vst.idx.msk $0xffff, v26  }
0x242: {  	v26 =	vor.u32 v22, v41;
	v31 =	vor.u32 v23, v41;
	[tilespmem:v24+s25+$0x0] =	vst.idx.msk $0xffff, v28  }
0x243: {  	v24 =	vor.u32 v18, v41;
	[tilespmem:v37+s25+$0x0] =	vst.idx.msk $0xffff, v29  }
0x244: {  	[tilespmem:v39+s25+$0x0] =	vst.idx.msk $0xffff, v36  }
0x245: {  	v28 =	vor.u32 v21, v41;
	[tilespmem:v25+s25+$0x0] =	vst.idx.msk $0xffff, v34  }
0x246: {  	[tilespmem:v40+s25+$0x0] =	vst.idx.msk $0xffff, v35  }
0x247: {  	v25 =	vld.idx.msk [tilespmem:v33+s17+$0x0], $0xffff  }
0x248: {  	v27 =	vld.idx.msk [tilespmem:v27+s17+$0x0], $0xffff  }
0x249: {  	v29 =	vld.idx.msk [tilespmem:v30+s17+$0x0], $0xffff  }
0x24a: {  	v30 =	vor.u32 v0, v38;
	v24 =	vld.idx.msk [tilespmem:v24+s17+$0x0], $0xffff  }
0x24b: {  	v33 =	vor.u32 v3, v38;
	v26 =	vld.idx.msk [tilespmem:v26+s17+$0x0], $0xffff  }
0x24c: {  	v34 =	vor.u32 v5, v38;
	v31 =	vld.idx.msk [tilespmem:v31+s17+$0x0], $0xffff  }
0x24d: {  	v35 =	vor.u32 v7, v38;
	v32 =	vld.idx.msk [tilespmem:v32+s17+$0x0], $0xffff  }
0x24e: {  	v36 =	vor.u32 v9, v38;
	v28 =	vld.idx.msk [tilespmem:v28+s17+$0x0], $0xffff  }
0x24f: {  	s10 =	sadd.s32 $0x1, s9;
	[tilespmem:v30+s25+$0x0] =	vst.idx.msk $0xffff, v29;
	v29 =	vor.u32 v12, v38  }
0x250: {  	v30 =	vadd.s32 s10, v0;
	[tilespmem:v33+s25+$0x0] =	vst.idx.msk $0xffff, v25;
	v25 =	vor.u32 v14, v38  }
0x251: {  	v33 =	vand.u32 $0x1F, v30;
	v30 =	vshll.u32 v30, $0x7;
	[tilespmem:v34+s25+$0x0] =	vst.idx.msk $0xffff, v24;
	v24 =	vor.u32 v16, v38  }
0x252: {  	v30 =	vand.u32 $0xF80, v30;
	[tilespmem:v35+s25+$0x0] =	vst.idx.msk $0xffff, v27;
	v27 =	vor.u32 v18, v33  }
0x253: {  	[tilespmem:v36+s25+$0x0] =	vst.idx.msk $0xffff, v32;
	v32 =	vor.u32 v17, v33  }
0x254: {  	[tilespmem:v29+s25+$0x0] =	vst.idx.msk $0xffff, v28;
	v28 =	vor.u32 v11, v33  }
0x255: {  	[tilespmem:v25+s25+$0x0] =	vst.idx.msk $0xffff, v26;
	v25 =	vor.u32 v19, v33  }
0x256: {  	[tilespmem:v24+s25+$0x0] =	vst.idx.msk $0xffff, v31;
	v24 =	vor.u32 v20, v33  }
0x257: {  	v26 =	vld.idx.msk [tilespmem:v27+s17+$0x0], $0xffff;
	v27 =	vor.u32 v23, v33  }
0x258: {  	v31 =	vor.u32 v22, v33;
	v29 =	vld.idx.msk [tilespmem:v32+s17+$0x0], $0xffff  }
0x259: {  	v32 =	vor.u32 v21, v33;
	v28 =	vld.idx.msk [tilespmem:v28+s17+$0x0], $0xffff  }
0x25a: {  	v33 =	vor.u32 v0, v30;
	v25 =	vld.idx.msk [tilespmem:v25+s17+$0x0], $0xffff  }
0x25b: {  	v34 =	vor.u32 v3, v30;
	v24 =	vld.idx.msk [tilespmem:v24+s17+$0x0], $0xffff  }
0x25c: {  	v35 =	vor.u32 v5, v30;
	v27 =	vld.idx.msk [tilespmem:v27+s17+$0x0], $0xffff  }
0x25d: {  	v36 =	vor.u32 v7, v30;
	v31 =	vld.idx.msk [tilespmem:v31+s17+$0x0], $0xffff  }
0x25e: {  	v37 =	vor.u32 v9, v30;
	v32 =	vld.idx.msk [tilespmem:v32+s17+$0x0], $0xffff  }
0x25f: {  	s10 =	sadd.s32 $0x2, s9;
	[tilespmem:v33+s25+$0x0] =	vst.idx.msk $0xffff, v28;
	v28 =	vor.u32 v12, v30  }
0x260: {  	v33 =	vadd.s32 s10, v0;
	[tilespmem:v34+s25+$0x0] =	vst.idx.msk $0xffff, v29;
	v29 =	vor.u32 v14, v30  }
0x261: {  	[tilespmem:v35+s25+$0x0] =	vst.idx.msk $0xffff, v26;
	v26 =	vor.u32 v16, v30;
	v30 =	vand.u32 $0x1F, v33;
	v33 =	vshll.u32 v33, $0x7  }
0x262: {  	[tilespmem:v36+s25+$0x0] =	vst.idx.msk $0xffff, v25;
	v25 =	vor.u32 v18, v30;
	v33 =	vand.u32 $0xF80, v33  }
0x263: {  	[tilespmem:v37+s25+$0x0] =	vst.idx.msk $0xffff, v24;
	v24 =	vor.u32 v17, v30  }
0x264: {  	[tilespmem:v28+s25+$0x0] =	vst.idx.msk $0xffff, v32;
	v28 =	vor.u32 v11, v30  }
0x265: {  	[tilespmem:v29+s25+$0x0] =	vst.idx.msk $0xffff, v31;
	v29 =	vor.u32 v19, v30  }
0x266: {  	[tilespmem:v26+s25+$0x0] =	vst.idx.msk $0xffff, v27;
	v26 =	vor.u32 v20, v30  }
0x267: {  	v27 =	vor.u32 v21, v30;
	v25 =	vld.idx.msk [tilespmem:v25+s17+$0x0], $0xffff  }
0x268: {  	v31 =	vor.u32 v23, v30;
	v24 =	vld.idx.msk [tilespmem:v24+s17+$0x0], $0xffff  }
0x269: {  	v30 =	vor.u32 v22, v30;
	v28 =	vld.idx.msk [tilespmem:v28+s17+$0x0], $0xffff  }
0x26a: {  	v32 =	vor.u32 v0, v33;
	v29 =	vld.idx.msk [tilespmem:v29+s17+$0x0], $0xffff  }
0x26b: {  	v34 =	vor.u32 v3, v33;
	v26 =	vld.idx.msk [tilespmem:v26+s17+$0x0], $0xffff  }
0x26c: {  	v35 =	vor.u32 v5, v33;
	v27 =	vld.idx.msk [tilespmem:v27+s17+$0x0], $0xffff  }
0x26d: {  	v36 =	vor.u32 v7, v33;
	v31 =	vld.idx.msk [tilespmem:v31+s17+$0x0], $0xffff  }
0x26e: {  	v37 =	vor.u32 v9, v33;
	v30 =	vld.idx.msk [tilespmem:v30+s17+$0x0], $0xffff  }
0x26f: {  	s9 =	sadd.s32 $0x3, s9;
	[tilespmem:v32+s25+$0x0] =	vst.idx.msk $0xffff, v28;
	v28 =	vor.u32 v12, v33  }
0x270: {  	v32 =	vor.u32 v14, v33;
	[tilespmem:v34+s25+$0x0] =	vst.idx.msk $0xffff, v24;
	v24 =	vadd.s32 s9, v0  }
0x271: {  	v33 =	vor.u32 v16, v33;
	[tilespmem:v35+s25+$0x0] =	vst.idx.msk $0xffff, v25;
	v34 =	vand.u32 $0x1F, v24;
	v24 =	vshll.u32 v24, $0x7  }
0x272: {  	[tilespmem:v36+s25+$0x0] =	vst.idx.msk $0xffff, v29;
	v29 =	vor.u32 v18, v34;
	v25 =	vand.u32 $0xF80, v24  }
0x273: {  	v35 =	vor.u32 v17, v34;
	[tilespmem:v37+s25+$0x0] =	vst.idx.msk $0xffff, v26;
	v37 =	vor.u32 v11, v34  }
0x274: {  	v24 =	vor.u32 v7, v25;
	[tilespmem:v28+s25+$0x0] =	vst.idx.msk $0xffff, v27  }
0x275: {  	v28 =	vor.u32 v19, v34;
	[tilespmem:v32+s25+$0x0] =	vst.idx.msk $0xffff, v30  }
0x276: {  	[tilespmem:v33+s25+$0x0] =	vst.idx.msk $0xffff, v31;
	v31 =	vor.u32 v20, v34  }
.Ltmp3:
0x277: {  	v36 =	vor.u32 v21, v34;
	v26 =	vld.idx.msk [tilespmem:v29+s17+$0x0], $0xffff;
	(pc) =	sbr.rel @p0 .LBB2_10-.Ltmp3, $4  }
0x278: {  	v27 =	vld.idx.msk [tilespmem:v35+s17+$0x0], $0xffff;
	v35 =	vor.u32 v23, v34  }
0x279: {  	v33 =	vor.u32 v0, v25;
	v34 =	vor.u32 v22, v34;
	v30 =	vld.idx.msk [tilespmem:v37+s17+$0x0], $0xffff  }
0x27a: {  	v32 =	vor.u32 v3, v25;
	v28 =	vld.idx.msk [tilespmem:v28+s17+$0x0], $0xffff  }
0x27b: {  	v29 =	vld.idx.msk [tilespmem:v31+s17+$0x0], $0xffff;
	v31 =	vor.u32 v5, v25  }
0x27c: {  	_ =	sdelay $0x3  }
0x27d: {  	v36 =	vld.idx.msk [tilespmem:v36+s17+$0x0], $0xffff  }
0x27e: {  	v35 =	vld.idx.msk [tilespmem:v35+s17+$0x0], $0xffff;
	v37 =	vor.u32 v9, v25  }
0x27f: {  	v34 =	vld.idx.msk [tilespmem:v34+s17+$0x0], $0xffff;
	v38 =	vor.u32 v12, v25;
	[tilespmem:v33+s25+$0x0] =	vst.idx.msk $0xffff, v30  }
0x280: {  	v30 =	vor.u32 v14, v25;
	[tilespmem:v32+s25+$0x0] =	vst.idx.msk $0xffff, v27  }
0x281: {  	v25 =	vor.u32 v16, v25;
	[tilespmem:v31+s25+$0x0] =	vst.idx.msk $0xffff, v26  }
0x282: {  	s7 =	sshll.u32 s6, $0x14;
	[tilespmem:v24+s25+$0x0] =	vst.idx.msk $0xffff, v28  }
0x283: {  	s9 =	sadd.s32 $0xFFF80000, s7;
	[tilespmem:v37+s25+$0x0] =	vst.idx.msk $0xffff, v29  }
0x284: {  	s10 =	sor.u32 s11, s9;
	[tilespmem:v38+s25+$0x0] =	vst.idx.msk $0xffff, v36  }
0x285: {  	s10 =	sshrl.u32 s10, $0x3;
	[tilespmem:v30+s25+$0x0] =	vst.idx.msk $0xffff, v34  }
0x286: {  	s10 =	sadd.s32 s1, s10;
	[tilespmem:v25+s25+$0x0] =	vst.idx.msk $0xffff, v35  }
0x287: {  	[hbm4b:s10+s12] =	stream.linear.scatter [tilespmem:s25], [sflag:$0x4], $0x400, $0x38;
	[tilespmem:$0x11000] =	vst v63  }
0x288: {  	s10 =	sor.u32 s31, s9  }
0x289: {  	s10 =	sshrl.u32 s10, $0x3  }
0x28a: {  	s10 =	sadd.s32 s1, s10  }
0x28b: {  	[hbm4b:s10+s12] =	stream.linear.scatter [tilespmem:s26], [sflag:$0x4], $0x400, $0x38;
	[tilespmem:$0x11000] =	vst v63  }
0x28c: {  	s10 =	sor.u32 s16, s9  }
0x28d: {  	s9 =	sor.u32 s4, s9;
	s10 =	sshrl.u32 s10, $0x3  }
0x28e: {  	s9 =	sshrl.u32 s9, $0x3;
	s10 =	sadd.s32 s1, s10  }
0x28f: {  	[hbm4b:s10+s12] =	stream.linear.scatter [tilespmem:s28], [sflag:$0x4], $0x400, $0x38;
	[tilespmem:$0x11000] =	vst v63  }
0x290: {  	s9 =	sadd.s32 s1, s9  }
0x291: {  	[hbm4b:s9+s12] =	stream.linear.scatter [tilespmem:s29], [sflag:$0x4], $0x400, $0x38;
	[tilespmem:$0x11000] =	vst v63  }
0x292: {  	_ =	swait.ge [sflag:s30], $0x400  }
0x293: {  	[sflag:s30] =	ssyncset.done $0x0  }
0x294: {  	[sflag:s30] =	ssyncadd.s32 $0xFFFFFC00  }
0x295: {  	_ =	swait.ge [sflag:s30], $0x400  }
0x296: {  	[sflag:s30] =	ssyncset.done $0x0  }
0x297: {  	[sflag:s30] =	ssyncadd.s32 $0xFFFFFC00  }
0x298: {  	_ =	swait.ge [sflag:s30], $0x400  }
0x299: {  	[sflag:s30] =	ssyncset.done $0x0  }
0x29a: {  	[sflag:s30] =	ssyncadd.s32 $0xFFFFFC00  }
0x29b: {  	v24 =	vadd.s32 s12, v0;
	_ =	swait.ge [sflag:s30], $0x400  }
0x29c: {  	v25 =	vand.u32 $0x1F, v24;
	[sflag:s30] =	ssyncset.done $0x0  }
0x29d: {  	s8 =	sadd.s32 $0x6880, s8;
	v26 =	vor.u32 v17, v25;
	[sflag:s30] =	ssyncadd.s32 $0xFFFFFC00  }
0x29e: {  	v27 =	vor.u32 v19, v25;
	[tilespmem:s17], [sflag:$0x2] =	stream.indirect.gather [hbm4b:s5+s14], $0x20, s8, s14, $0xb8;
	[tilespmem:$0x11000] =	vst v63  }
0x29f: {  	v28 =	vor.u32 v11, v25;
	_ =	swait.ge [sflag:s18], $0x1000  }
0x2a0: {  	v29 =	vor.u32 v18, v25;
	[sflag:s18] =	ssyncset.done $0x0  }
0x2a1: {  	v30 =	vor.u32 v22, v25;
	[sflag:s18] =	ssyncadd.s32 $0xFFFFF000  }
0x2a2: {  	v24 =	vshll.u32 v24, $0x7;
	v31 =	vor.u32 v23, v25;
	v26 =	vld.idx.msk [tilespmem:v26+s15+$0x0], $0xffff  }
0x2a3: {  	v40 =	vor.u32 v20, v25;
	v24 =	vand.u32 $0xF80, v24;
	v27 =	vld.idx.msk [tilespmem:v27+s15+$0x0], $0xffff  }
0x2a4: {  	v25 =	vor.u32 v21, v25;
	v41 =	vor.u32 v0, v24;
	v28 =	vld.idx.msk [tilespmem:v28+s15+$0x0], $0xffff  }
0x2a5: {  	v42 =	vor.u32 v3, v24;
	v29 =	vld.idx.msk [tilespmem:v29+s15+$0x0], $0xffff  }
0x2a6: {  	v43 =	vor.u32 v5, v24;
	v30 =	vld.idx.msk [tilespmem:v30+s15+$0x0], $0xffff  }
0x2a7: {  	v44 =	vor.u32 v7, v24;
	v31 =	vld.idx.msk [tilespmem:v31+s15+$0x0], $0xffff  }
0x2a8: {  	v45 =	vor.u32 v9, v24;
	v32 =	vld.idx.msk [tilespmem:v40+s15+$0x0], $0xffff  }
0x2a9: {  	s10 =	simm.s32 $0x1;
	v25 =	vld.idx.msk [tilespmem:v25+s15+$0x0], $0xffff;
	[tilespmem:v41+s19+$0x0] =	vst.idx.msk $0xffff, v28;
	v28 =	vor.u32 v12, v24  }
0x2aa: {  	v46 =	vadd.s32 s10, v0;
	[tilespmem:v42+s19+$0x0] =	vst.idx.msk $0xffff, v26;
	v26 =	vor.u32 v14, v24  }
0x2ab: {  	v24 =	vor.u32 v16, v24;
	[tilespmem:v43+s19+$0x0] =	vst.idx.msk $0xffff, v29;
	v29 =	vand.u32 $0x1F, v46  }
0x2ac: {  	[tilespmem:v44+s19+$0x0] =	vst.idx.msk $0xffff, v27;
	v27 =	vor.u32 v18, v29  }
0x2ad: {  	v47 =	vor.u32 v17, v29;
	[tilespmem:v45+s19+$0x0] =	vst.idx.msk $0xffff, v32  }
0x2ae: {  	[tilespmem:v28+s19+$0x0] =	vst.idx.msk $0xffff, v25;
	v25 =	vor.u32 v11, v29  }
0x2af: {  	v48 =	vor.u32 v22, v29;
	[tilespmem:v26+s19+$0x0] =	vst.idx.msk $0xffff, v30  }
0x2b0: {  	v28 =	vor.u32 v23, v29;
	[tilespmem:v24+s19+$0x0] =	vst.idx.msk $0xffff, v31  }
0x2b1: {  	v26 =	vor.u32 v19, v29;
	v30 =	vshll.u32 v46, $0x7;
	v27 =	vld.idx.msk [tilespmem:v27+s15+$0x0], $0xffff  }
0x2b2: {  	v24 =	vor.u32 v20, v29;
	v30 =	vand.u32 $0xF80, v30;
	v31 =	vld.idx.msk [tilespmem:v47+s15+$0x0], $0xffff  }
0x2b3: {  	v29 =	vor.u32 v21, v29;
	v49 =	vor.u32 v0, v30;
	v25 =	vld.idx.msk [tilespmem:v25+s15+$0x0], $0xffff  }
0x2b4: {  	v50 =	vor.u32 v3, v30;
	v32 =	vld.idx.msk [tilespmem:v48+s15+$0x0], $0xffff  }
0x2b5: {  	v51 =	vor.u32 v5, v30;
	v28 =	vld.idx.msk [tilespmem:v28+s15+$0x0], $0xffff  }
0x2b6: {  	v52 =	vor.u32 v7, v30;
	v26 =	vld.idx.msk [tilespmem:v26+s15+$0x0], $0xffff  }
0x2b7: {  	v53 =	vor.u32 v9, v30;
	v24 =	vld.idx.msk [tilespmem:v24+s15+$0x0], $0xffff  }
0x2b8: {  	s9 =	simm.s32 $0x2;
	v29 =	vld.idx.msk [tilespmem:v29+s15+$0x0], $0xffff;
	[tilespmem:v49+s19+$0x0] =	vst.idx.msk $0xffff, v25;
	v25 =	vor.u32 v12, v30  }
0x2b9: {  	v54 =	vadd.s32 s9, v0;
	[tilespmem:v50+s19+$0x0] =	vst.idx.msk $0xffff, v31;
	v31 =	vor.u32 v14, v30  }
0x2ba: {  	[tilespmem:v51+s19+$0x0] =	vst.idx.msk $0xffff, v27;
	v27 =	vor.u32 v16, v30;
	v30 =	vand.u32 $0x1F, v54  }
0x2bb: {  	[tilespmem:v52+s19+$0x0] =	vst.idx.msk $0xffff, v26;
	v26 =	vor.u32 v18, v30  }
0x2bc: {  	v55 =	vor.u32 v23, v30;
	[tilespmem:v53+s19+$0x0] =	vst.idx.msk $0xffff, v24  }
0x2bd: {  	[tilespmem:v25+s19+$0x0] =	vst.idx.msk $0xffff, v29;
	v25 =	vor.u32 v11, v30  }
0x2be: {  	v24 =	vor.u32 v17, v30;
	[tilespmem:v31+s19+$0x0] =	vst.idx.msk $0xffff, v32  }
0x2bf: {  	v29 =	vor.u32 v19, v30;
	[tilespmem:v27+s19+$0x0] =	vst.idx.msk $0xffff, v28  }
0x2c0: {  	v31 =	vshll.u32 v54, $0x7;
	v27 =	vor.u32 v20, v30;
	v26 =	vld.idx.msk [tilespmem:v26+s15+$0x0], $0xffff  }
0x2c1: {  	v28 =	vor.u32 v21, v30;
	v31 =	vand.u32 $0xF80, v31;
	v32 =	vld.idx.msk [tilespmem:v55+s15+$0x0], $0xffff  }
0x2c2: {  	v30 =	vor.u32 v22, v30;
	v56 =	vor.u32 v0, v31;
	v25 =	vld.idx.msk [tilespmem:v25+s15+$0x0], $0xffff  }
0x2c3: {  	v57 =	vor.u32 v3, v31;
	v24 =	vld.idx.msk [tilespmem:v24+s15+$0x0], $0xffff  }
0x2c4: {  	v58 =	vor.u32 v5, v31;
	v29 =	vld.idx.msk [tilespmem:v29+s15+$0x0], $0xffff  }
0x2c5: {  	v59 =	vor.u32 v7, v31;
	v27 =	vld.idx.msk [tilespmem:v27+s15+$0x0], $0xffff  }
0x2c6: {  	v60 =	vor.u32 v9, v31;
	v28 =	vld.idx.msk [tilespmem:v28+s15+$0x0], $0xffff  }
0x2c7: {  	s10 =	simm.s32 $0x3;
	v30 =	vld.idx.msk [tilespmem:v30+s15+$0x0], $0xffff;
	[tilespmem:v56+s19+$0x0] =	vst.idx.msk $0xffff, v25;
	v25 =	vor.u32 v12, v31  }
0x2c8: {  	v61 =	vadd.s32 s10, v0;
	[tilespmem:v57+s19+$0x0] =	vst.idx.msk $0xffff, v24;
	v24 =	vor.u32 v14, v31  }
0x2c9: {  	[tilespmem:v58+s19+$0x0] =	vst.idx.msk $0xffff, v26;
	v26 =	vor.u32 v16, v31;
	v31 =	vand.u32 $0x1F, v61  }
0x2ca: {  	[tilespmem:v59+s19+$0x0] =	vst.idx.msk $0xffff, v29;
	v29 =	vor.u32 v18, v31  }
0x2cb: {  	v62 =	vor.u32 v11, v31;
	[tilespmem:v60+s19+$0x0] =	vst.idx.msk $0xffff, v27  }
0x2cc: {  	v63 =	vor.u32 v20, v31;
	[tilespmem:v25+s19+$0x0] =	vst.idx.msk $0xffff, v28  }
0x2cd: {  	v27 =	vor.u32 v17, v31;
	[tilespmem:v24+s19+$0x0] =	vst.idx.msk $0xffff, v30  }
0x2ce: {  	v28 =	vor.u32 v19, v31;
	[tilespmem:v26+s19+$0x0] =	vst.idx.msk $0xffff, v32  }
0x2cf: {  	v36 =	vor.u32 v21, v31;
	v26 =	vld.idx.msk [tilespmem:v29+s15+$0x0], $0xffff  }
0x2d0: {  	v35 =	vor.u32 v23, v31;
	v24 =	vshll.u32 v61, $0x7;
	v30 =	vld.idx.msk [tilespmem:v62+s15+$0x0], $0xffff  }
0x2d1: {  	v34 =	vor.u32 v22, v31;
	v25 =	vand.u32 $0xF80, v24;
	v29 =	vld.idx.msk [tilespmem:v63+s15+$0x0], $0xffff  }
0x2d2: {  	v33 =	vor.u32 v0, v25;
	v27 =	vld.idx.msk [tilespmem:v27+s15+$0x0], $0xffff  }
0x2d3: {  	s8 =	simm.s32 $0x4;
	v24 =	vor.u32 v7, v25;
	v32 =	vor.u32 v3, v25;
	v31 =	vor.u32 v5, v25;
	v28 =	vld.idx.msk [tilespmem:v28+s15+$0x0], $0xffff  }
.LBB2_12:
0x2d4: {  	p0 =	sne.s32 s8, $0x1C;
	v36 =	vld.idx.msk [tilespmem:v36+s15+$0x0], $0xffff;
	s9 =	smov.u32 s8;
	s8 =	sadd.s32 $0x4, s8  }
0x2d5: {  	v37 =	vor.u32 v9, v25;
	v35 =	vld.idx.msk [tilespmem:v35+s15+$0x0], $0xffff  }
0x2d6: {  	v39 =	vor.u32 v12, v25;
	v40 =	vor.u32 v16, v25;
	v38 =	vadd.s32 s9, v0;
	v34 =	vld.idx.msk [tilespmem:v34+s15+$0x0], $0xffff  }
0x2d7: {  	v25 =	vor.u32 v14, v25;
	v41 =	vand.u32 $0x1F, v38;
	v38 =	vshll.u32 v38, $0x7;
	[tilespmem:v33+s19+$0x0] =	vst.idx.msk $0xffff, v30  }
0x2d8: {  	v30 =	vor.u32 v11, v41;
	v33 =	vor.u32 v17, v41;
	v38 =	vand.u32 $0xF80, v38;
	[tilespmem:v32+s19+$0x0] =	vst.idx.msk $0xffff, v27  }
0x2d9: {  	v27 =	vor.u32 v19, v41;
	v32 =	vor.u32 v20, v41;
	[tilespmem:v31+s19+$0x0] =	vst.idx.msk $0xffff, v26  }
0x2da: {  	v26 =	vor.u32 v22, v41;
	v31 =	vor.u32 v23, v41;
	[tilespmem:v24+s19+$0x0] =	vst.idx.msk $0xffff, v28  }
0x2db: {  	v24 =	vor.u32 v18, v41;
	[tilespmem:v37+s19+$0x0] =	vst.idx.msk $0xffff, v29  }
0x2dc: {  	[tilespmem:v39+s19+$0x0] =	vst.idx.msk $0xffff, v36  }
0x2dd: {  	v28 =	vor.u32 v21, v41;
	[tilespmem:v25+s19+$0x0] =	vst.idx.msk $0xffff, v34  }
0x2de: {  	[tilespmem:v40+s19+$0x0] =	vst.idx.msk $0xffff, v35  }
0x2df: {  	v25 =	vld.idx.msk [tilespmem:v33+s15+$0x0], $0xffff  }
0x2e0: {  	v27 =	vld.idx.msk [tilespmem:v27+s15+$0x0], $0xffff  }
0x2e1: {  	v29 =	vld.idx.msk [tilespmem:v30+s15+$0x0], $0xffff  }
0x2e2: {  	v30 =	vor.u32 v0, v38;
	v24 =	vld.idx.msk [tilespmem:v24+s15+$0x0], $0xffff  }
0x2e3: {  	v33 =	vor.u32 v3, v38;
	v26 =	vld.idx.msk [tilespmem:v26+s15+$0x0], $0xffff  }
0x2e4: {  	v34 =	vor.u32 v5, v38;
	v31 =	vld.idx.msk [tilespmem:v31+s15+$0x0], $0xffff  }
0x2e5: {  	v35 =	vor.u32 v7, v38;
	v32 =	vld.idx.msk [tilespmem:v32+s15+$0x0], $0xffff  }
0x2e6: {  	v36 =	vor.u32 v9, v38;
	v28 =	vld.idx.msk [tilespmem:v28+s15+$0x0], $0xffff  }
0x2e7: {  	s10 =	sadd.s32 $0x1, s9;
	[tilespmem:v30+s19+$0x0] =	vst.idx.msk $0xffff, v29;
	v29 =	vor.u32 v12, v38  }
0x2e8: {  	v30 =	vadd.s32 s10, v0;
	[tilespmem:v33+s19+$0x0] =	vst.idx.msk $0xffff, v25;
	v25 =	vor.u32 v14, v38  }
0x2e9: {  	v33 =	vand.u32 $0x1F, v30;
	v30 =	vshll.u32 v30, $0x7;
	[tilespmem:v34+s19+$0x0] =	vst.idx.msk $0xffff, v24;
	v24 =	vor.u32 v16, v38  }
0x2ea: {  	v30 =	vand.u32 $0xF80, v30;
	[tilespmem:v35+s19+$0x0] =	vst.idx.msk $0xffff, v27;
	v27 =	vor.u32 v18, v33  }
0x2eb: {  	[tilespmem:v36+s19+$0x0] =	vst.idx.msk $0xffff, v32;
	v32 =	vor.u32 v17, v33  }
0x2ec: {  	[tilespmem:v29+s19+$0x0] =	vst.idx.msk $0xffff, v28;
	v28 =	vor.u32 v11, v33  }
0x2ed: {  	[tilespmem:v25+s19+$0x0] =	vst.idx.msk $0xffff, v26;
	v25 =	vor.u32 v19, v33  }
0x2ee: {  	[tilespmem:v24+s19+$0x0] =	vst.idx.msk $0xffff, v31;
	v24 =	vor.u32 v20, v33  }
0x2ef: {  	v26 =	vld.idx.msk [tilespmem:v27+s15+$0x0], $0xffff;
	v27 =	vor.u32 v23, v33  }
0x2f0: {  	v31 =	vor.u32 v22, v33;
	v29 =	vld.idx.msk [tilespmem:v32+s15+$0x0], $0xffff  }
0x2f1: {  	v32 =	vor.u32 v21, v33;
	v28 =	vld.idx.msk [tilespmem:v28+s15+$0x0], $0xffff  }
0x2f2: {  	v33 =	vor.u32 v0, v30;
	v25 =	vld.idx.msk [tilespmem:v25+s15+$0x0], $0xffff  }
0x2f3: {  	v34 =	vor.u32 v3, v30;
	v24 =	vld.idx.msk [tilespmem:v24+s15+$0x0], $0xffff  }
0x2f4: {  	v35 =	vor.u32 v5, v30;
	v27 =	vld.idx.msk [tilespmem:v27+s15+$0x0], $0xffff  }
0x2f5: {  	v36 =	vor.u32 v7, v30;
	v31 =	vld.idx.msk [tilespmem:v31+s15+$0x0], $0xffff  }
0x2f6: {  	v37 =	vor.u32 v9, v30;
	v32 =	vld.idx.msk [tilespmem:v32+s15+$0x0], $0xffff  }
0x2f7: {  	s10 =	sadd.s32 $0x2, s9;
	[tilespmem:v33+s19+$0x0] =	vst.idx.msk $0xffff, v28;
	v28 =	vor.u32 v12, v30  }
0x2f8: {  	v33 =	vadd.s32 s10, v0;
	[tilespmem:v34+s19+$0x0] =	vst.idx.msk $0xffff, v29;
	v29 =	vor.u32 v14, v30  }
0x2f9: {  	[tilespmem:v35+s19+$0x0] =	vst.idx.msk $0xffff, v26;
	v26 =	vor.u32 v16, v30;
	v30 =	vand.u32 $0x1F, v33;
	v33 =	vshll.u32 v33, $0x7  }
0x2fa: {  	[tilespmem:v36+s19+$0x0] =	vst.idx.msk $0xffff, v25;
	v25 =	vor.u32 v18, v30;
	v33 =	vand.u32 $0xF80, v33  }
0x2fb: {  	[tilespmem:v37+s19+$0x0] =	vst.idx.msk $0xffff, v24;
	v24 =	vor.u32 v17, v30  }
0x2fc: {  	[tilespmem:v28+s19+$0x0] =	vst.idx.msk $0xffff, v32;
	v28 =	vor.u32 v11, v30  }
0x2fd: {  	[tilespmem:v29+s19+$0x0] =	vst.idx.msk $0xffff, v31;
	v29 =	vor.u32 v19, v30  }
0x2fe: {  	[tilespmem:v26+s19+$0x0] =	vst.idx.msk $0xffff, v27;
	v26 =	vor.u32 v20, v30  }
0x2ff: {  	v27 =	vor.u32 v21, v30;
	v25 =	vld.idx.msk [tilespmem:v25+s15+$0x0], $0xffff  }
0x300: {  	v31 =	vor.u32 v23, v30;
	v24 =	vld.idx.msk [tilespmem:v24+s15+$0x0], $0xffff  }
0x301: {  	v30 =	vor.u32 v22, v30;
	v28 =	vld.idx.msk [tilespmem:v28+s15+$0x0], $0xffff  }
0x302: {  	v32 =	vor.u32 v0, v33;
	v29 =	vld.idx.msk [tilespmem:v29+s15+$0x0], $0xffff  }
0x303: {  	v34 =	vor.u32 v3, v33;
	v26 =	vld.idx.msk [tilespmem:v26+s15+$0x0], $0xffff  }
0x304: {  	v35 =	vor.u32 v5, v33;
	v27 =	vld.idx.msk [tilespmem:v27+s15+$0x0], $0xffff  }
0x305: {  	v36 =	vor.u32 v7, v33;
	v31 =	vld.idx.msk [tilespmem:v31+s15+$0x0], $0xffff  }
0x306: {  	v37 =	vor.u32 v9, v33;
	v30 =	vld.idx.msk [tilespmem:v30+s15+$0x0], $0xffff  }
0x307: {  	s9 =	sadd.s32 $0x3, s9;
	[tilespmem:v32+s19+$0x0] =	vst.idx.msk $0xffff, v28;
	v28 =	vor.u32 v12, v33  }
0x308: {  	v32 =	vor.u32 v14, v33;
	[tilespmem:v34+s19+$0x0] =	vst.idx.msk $0xffff, v24;
	v24 =	vadd.s32 s9, v0  }
0x309: {  	v33 =	vor.u32 v16, v33;
	[tilespmem:v35+s19+$0x0] =	vst.idx.msk $0xffff, v25;
	v34 =	vand.u32 $0x1F, v24;
	v24 =	vshll.u32 v24, $0x7  }
0x30a: {  	[tilespmem:v36+s19+$0x0] =	vst.idx.msk $0xffff, v29;
	v29 =	vor.u32 v18, v34;
	v25 =	vand.u32 $0xF80, v24  }
0x30b: {  	v35 =	vor.u32 v17, v34;
	[tilespmem:v37+s19+$0x0] =	vst.idx.msk $0xffff, v26;
	v37 =	vor.u32 v11, v34  }
0x30c: {  	v24 =	vor.u32 v7, v25;
	[tilespmem:v28+s19+$0x0] =	vst.idx.msk $0xffff, v27  }
0x30d: {  	v28 =	vor.u32 v19, v34;
	[tilespmem:v32+s19+$0x0] =	vst.idx.msk $0xffff, v30  }
0x30e: {  	[tilespmem:v33+s19+$0x0] =	vst.idx.msk $0xffff, v31;
	v31 =	vor.u32 v20, v34  }
.Ltmp4:
0x30f: {  	v36 =	vor.u32 v21, v34;
	v26 =	vld.idx.msk [tilespmem:v29+s15+$0x0], $0xffff;
	(pc) =	sbr.rel @p0 .LBB2_12-.Ltmp4, $4  }
0x310: {  	v27 =	vld.idx.msk [tilespmem:v35+s15+$0x0], $0xffff;
	v35 =	vor.u32 v23, v34  }
0x311: {  	v33 =	vor.u32 v0, v25;
	v34 =	vor.u32 v22, v34;
	v30 =	vld.idx.msk [tilespmem:v37+s15+$0x0], $0xffff  }
0x312: {  	v32 =	vor.u32 v3, v25;
	v28 =	vld.idx.msk [tilespmem:v28+s15+$0x0], $0xffff  }
0x313: {  	v29 =	vld.idx.msk [tilespmem:v31+s15+$0x0], $0xffff;
	v31 =	vor.u32 v5, v25  }
0x314: {  	_ =	sdelay $0x3  }
0x315: {  	v36 =	vld.idx.msk [tilespmem:v36+s15+$0x0], $0xffff  }
0x316: {  	v35 =	vld.idx.msk [tilespmem:v35+s15+$0x0], $0xffff;
	v37 =	vor.u32 v9, v25  }
0x317: {  	v34 =	vld.idx.msk [tilespmem:v34+s15+$0x0], $0xffff;
	v38 =	vor.u32 v12, v25;
	[tilespmem:v33+s19+$0x0] =	vst.idx.msk $0xffff, v30  }
0x318: {  	v62 =	vor.u32 v14, v25;
	[tilespmem:v32+s19+$0x0] =	vst.idx.msk $0xffff, v27  }
0x319: {  	v63 =	vor.u32 v16, v25;
	[tilespmem:v31+s19+$0x0] =	vst.idx.msk $0xffff, v26  }
0x31a: {  	[tilespmem:v24+s19+$0x0] =	vst.idx.msk $0xffff, v28  }
0x31b: {  	[tilespmem:v37+s19+$0x0] =	vst.idx.msk $0xffff, v29  }
0x31c: {  	s8 =	sor.u32 s11, s7;
	[tilespmem:v38+s19+$0x0] =	vst.idx.msk $0xffff, v36  }
0x31d: {  	s8 =	sshrl.u32 s8, $0x3;
	[tilespmem:v62+s19+$0x0] =	vst.idx.msk $0xffff, v34  }
0x31e: {  	s10 =	sor.u32 s31, s7;
	s8 =	sadd.s32 s1, s8;
	[tilespmem:v63+s19+$0x0] =	vst.idx.msk $0xffff, v35  }
0x31f: {  	[hbm4b:s8+s2] =	stream.linear.scatter [tilespmem:s19], [sflag:$0x3], $0x400, $0x38;
	[tilespmem:$0x11000] =	vst v63  }
0x320: {  	s6 =	sadd.s32 $0x1, s6;
	s8 =	sshrl.u32 s10, $0x3  }
0x321: {  	s9 =	sor.u32 s16, s7;
	p0 =	sne.s32 s6, $0x64;
	s8 =	sadd.s32 s1, s8  }
0x322: {  	[hbm4b:s8+s2] =	stream.linear.scatter [tilespmem:s20], [sflag:$0x3], $0x400, $0x38;
	[tilespmem:$0x11000] =	vst v63  }
.Ltmp5:
0x323: {  	s10 =	sor.u32 s4, s7;
	s8 =	sshrl.u32 s9, $0x3;
	(pc) =	sbr.rel @p0 .LBB2_9-.Ltmp5, $4  }
0x324: {  	s7 =	sshrl.u32 s10, $0x3;
	s8 =	sadd.s32 s1, s8  }
0x325: {  	[hbm4b:s8+s2] =	stream.linear.scatter [tilespmem:s21], [sflag:$0x3], $0x400, $0x38;
	[tilespmem:$0x11000] =	vst v63  }
0x326: {  	s7 =	sadd.s32 s1, s7  }
0x327: {  	[hbm4b:s7+s2] =	stream.linear.scatter [tilespmem:s22], [sflag:$0x3], $0x400, $0x38;
	[tilespmem:$0x11000] =	vst v63  }
0x328: {  	s4 =	simm.s32 $0x0  }
0x329: {  	v24 =	vadd.s32 s4, v0  }
0x32a: {  	v25 =	vand.u32 $0x1F, v24  }
0x32b: {  	v26 =	vor.u32 v17, v25  }
0x32c: {  	v27 =	vor.u32 v19, v25  }
0x32d: {  	_ =	swait.ge [sflag:s24], $0x1000;
	v28 =	vor.u32 v11, v25  }
0x32e: {  	[sflag:s24] =	ssyncset.done $0x0;
	v29 =	vor.u32 v18, v25  }
0x32f: {  	[sflag:s24] =	ssyncadd.s32 $0xFFFFF000;
	v30 =	vor.u32 v22, v25  }
0x330: {  	v24 =	vshll.u32 v24, $0x7;
	v31 =	vor.u32 v23, v25;
	v26 =	vld.idx.msk [tilespmem:v26+s17+$0x0], $0xffff  }
0x331: {  	v32 =	vor.u32 v20, v25;
	v24 =	vand.u32 $0xF80, v24;
	v27 =	vld.idx.msk [tilespmem:v27+s17+$0x0], $0xffff  }
0x332: {  	v25 =	vor.u32 v21, v25;
	v33 =	vor.u32 v0, v24;
	v28 =	vld.idx.msk [tilespmem:v28+s17+$0x0], $0xffff  }
0x333: {  	v34 =	vor.u32 v3, v24;
	v29 =	vld.idx.msk [tilespmem:v29+s17+$0x0], $0xffff  }
0x334: {  	v35 =	vor.u32 v5, v24;
	v30 =	vld.idx.msk [tilespmem:v30+s17+$0x0], $0xffff  }
0x335: {  	v36 =	vor.u32 v7, v24;
	v31 =	vld.idx.msk [tilespmem:v31+s17+$0x0], $0xffff  }
0x336: {  	v37 =	vor.u32 v9, v24;
	v32 =	vld.idx.msk [tilespmem:v32+s17+$0x0], $0xffff  }
0x337: {  	s11 =	simm.s32 $0x1;
	v25 =	vld.idx.msk [tilespmem:v25+s17+$0x0], $0xffff;
	[tilespmem:v33+s25+$0x0] =	vst.idx.msk $0xffff, v28;
	v28 =	vor.u32 v12, v24  }
0x338: {  	v46 =	vadd.s32 s11, v0;
	[tilespmem:v34+s25+$0x0] =	vst.idx.msk $0xffff, v26;
	v26 =	vor.u32 v14, v24  }
0x339: {  	v24 =	vor.u32 v16, v24;
	[tilespmem:v35+s25+$0x0] =	vst.idx.msk $0xffff, v29;
	v29 =	vand.u32 $0x1F, v46  }
0x33a: {  	[tilespmem:v36+s25+$0x0] =	vst.idx.msk $0xffff, v27;
	v27 =	vor.u32 v18, v29  }
0x33b: {  	v47 =	vor.u32 v17, v29;
	[tilespmem:v37+s25+$0x0] =	vst.idx.msk $0xffff, v32  }
0x33c: {  	[tilespmem:v28+s25+$0x0] =	vst.idx.msk $0xffff, v25;
	v25 =	vor.u32 v11, v29  }
0x33d: {  	v48 =	vor.u32 v22, v29;
	[tilespmem:v26+s25+$0x0] =	vst.idx.msk $0xffff, v30  }
0x33e: {  	v28 =	vor.u32 v23, v29;
	[tilespmem:v24+s25+$0x0] =	vst.idx.msk $0xffff, v31  }
0x33f: {  	v26 =	vor.u32 v19, v29;
	v30 =	vshll.u32 v46, $0x7;
	v27 =	vld.idx.msk [tilespmem:v27+s17+$0x0], $0xffff  }
0x340: {  	v24 =	vor.u32 v20, v29;
	v30 =	vand.u32 $0xF80, v30;
	v31 =	vld.idx.msk [tilespmem:v47+s17+$0x0], $0xffff  }
0x341: {  	v29 =	vor.u32 v21, v29;
	v49 =	vor.u32 v0, v30;
	v25 =	vld.idx.msk [tilespmem:v25+s17+$0x0], $0xffff  }
0x342: {  	v50 =	vor.u32 v3, v30;
	v32 =	vld.idx.msk [tilespmem:v48+s17+$0x0], $0xffff  }
0x343: {  	v51 =	vor.u32 v5, v30;
	v28 =	vld.idx.msk [tilespmem:v28+s17+$0x0], $0xffff  }
0x344: {  	v52 =	vor.u32 v7, v30;
	v26 =	vld.idx.msk [tilespmem:v26+s17+$0x0], $0xffff  }
0x345: {  	v53 =	vor.u32 v9, v30;
	v24 =	vld.idx.msk [tilespmem:v24+s17+$0x0], $0xffff  }
0x346: {  	s16 =	simm.s32 $0x2;
	v29 =	vld.idx.msk [tilespmem:v29+s17+$0x0], $0xffff;
	[tilespmem:v49+s25+$0x0] =	vst.idx.msk $0xffff, v25;
	v25 =	vor.u32 v12, v30  }
0x347: {  	v54 =	vadd.s32 s16, v0;
	[tilespmem:v50+s25+$0x0] =	vst.idx.msk $0xffff, v31;
	v31 =	vor.u32 v14, v30  }
0x348: {  	[tilespmem:v51+s25+$0x0] =	vst.idx.msk $0xffff, v27;
	v27 =	vor.u32 v16, v30;
	v30 =	vand.u32 $0x1F, v54  }
0x349: {  	[tilespmem:v52+s25+$0x0] =	vst.idx.msk $0xffff, v26;
	v26 =	vor.u32 v18, v30  }
0x34a: {  	v55 =	vor.u32 v23, v30;
	[tilespmem:v53+s25+$0x0] =	vst.idx.msk $0xffff, v24  }
0x34b: {  	[tilespmem:v25+s25+$0x0] =	vst.idx.msk $0xffff, v29;
	v25 =	vor.u32 v11, v30  }
0x34c: {  	v24 =	vor.u32 v17, v30;
	[tilespmem:v31+s25+$0x0] =	vst.idx.msk $0xffff, v32  }
0x34d: {  	v29 =	vor.u32 v19, v30;
	[tilespmem:v27+s25+$0x0] =	vst.idx.msk $0xffff, v28  }
0x34e: {  	v31 =	vshll.u32 v54, $0x7;
	v27 =	vor.u32 v20, v30;
	v26 =	vld.idx.msk [tilespmem:v26+s17+$0x0], $0xffff  }
0x34f: {  	v28 =	vor.u32 v21, v30;
	v31 =	vand.u32 $0xF80, v31;
	v32 =	vld.idx.msk [tilespmem:v55+s17+$0x0], $0xffff  }
0x350: {  	v30 =	vor.u32 v22, v30;
	v56 =	vor.u32 v0, v31;
	v25 =	vld.idx.msk [tilespmem:v25+s17+$0x0], $0xffff  }
0x351: {  	v57 =	vor.u32 v3, v31;
	v24 =	vld.idx.msk [tilespmem:v24+s17+$0x0], $0xffff  }
0x352: {  	v58 =	vor.u32 v5, v31;
	v29 =	vld.idx.msk [tilespmem:v29+s17+$0x0], $0xffff  }
0x353: {  	v59 =	vor.u32 v7, v31;
	v27 =	vld.idx.msk [tilespmem:v27+s17+$0x0], $0xffff  }
0x354: {  	v60 =	vor.u32 v9, v31;
	v28 =	vld.idx.msk [tilespmem:v28+s17+$0x0], $0xffff  }
0x355: {  	s31 =	simm.s32 $0x3;
	v30 =	vld.idx.msk [tilespmem:v30+s17+$0x0], $0xffff;
	[tilespmem:v56+s25+$0x0] =	vst.idx.msk $0xffff, v25;
	v25 =	vor.u32 v12, v31  }
0x356: {  	v61 =	vadd.s32 s31, v0;
	[tilespmem:v57+s25+$0x0] =	vst.idx.msk $0xffff, v24;
	v24 =	vor.u32 v14, v31  }
0x357: {  	[tilespmem:v58+s25+$0x0] =	vst.idx.msk $0xffff, v26;
	v26 =	vor.u32 v16, v31;
	v31 =	vand.u32 $0x1F, v61  }
0x358: {  	[tilespmem:v59+s25+$0x0] =	vst.idx.msk $0xffff, v29;
	v29 =	vor.u32 v18, v31  }
0x359: {  	v62 =	vor.u32 v11, v31;
	[tilespmem:v60+s25+$0x0] =	vst.idx.msk $0xffff, v27  }
0x35a: {  	v63 =	vor.u32 v20, v31;
	[tilespmem:v25+s25+$0x0] =	vst.idx.msk $0xffff, v28  }
0x35b: {  	v27 =	vor.u32 v17, v31;
	[tilespmem:v24+s25+$0x0] =	vst.idx.msk $0xffff, v30  }
0x35c: {  	v28 =	vor.u32 v19, v31;
	[tilespmem:v26+s25+$0x0] =	vst.idx.msk $0xffff, v32  }
0x35d: {  	v36 =	vor.u32 v21, v31;
	v26 =	vld.idx.msk [tilespmem:v29+s17+$0x0], $0xffff  }
0x35e: {  	v35 =	vor.u32 v23, v31;
	v24 =	vshll.u32 v61, $0x7;
	v30 =	vld.idx.msk [tilespmem:v62+s17+$0x0], $0xffff  }
0x35f: {  	v34 =	vor.u32 v22, v31;
	v25 =	vand.u32 $0xF80, v24;
	v29 =	vld.idx.msk [tilespmem:v63+s17+$0x0], $0xffff  }
0x360: {  	v33 =	vor.u32 v0, v25;
	v27 =	vld.idx.msk [tilespmem:v27+s17+$0x0], $0xffff  }
0x361: {  	s4 =	simm.s32 $0x4;
	v24 =	vor.u32 v7, v25;
	v32 =	vor.u32 v3, v25;
	v31 =	vor.u32 v5, v25;
	v28 =	vld.idx.msk [tilespmem:v28+s17+$0x0], $0xffff  }
.LBB2_15:
0x362: {  	p0 =	sne.s32 s4, $0x1C;
	v36 =	vld.idx.msk [tilespmem:v36+s17+$0x0], $0xffff;
	s6 =	smov.u32 s4;
	s4 =	sadd.s32 $0x4, s4  }
0x363: {  	v37 =	vor.u32 v9, v25;
	v35 =	vld.idx.msk [tilespmem:v35+s17+$0x0], $0xffff  }
0x364: {  	v39 =	vor.u32 v12, v25;
	v40 =	vor.u32 v16, v25;
	v38 =	vadd.s32 s6, v0;
	v34 =	vld.idx.msk [tilespmem:v34+s17+$0x0], $0xffff  }
0x365: {  	v25 =	vor.u32 v14, v25;
	v41 =	vand.u32 $0x1F, v38;
	v38 =	vshll.u32 v38, $0x7;
	[tilespmem:v33+s25+$0x0] =	vst.idx.msk $0xffff, v30  }
0x366: {  	v30 =	vor.u32 v11, v41;
	v33 =	vor.u32 v17, v41;
	v38 =	vand.u32 $0xF80, v38;
	[tilespmem:v32+s25+$0x0] =	vst.idx.msk $0xffff, v27  }
0x367: {  	v27 =	vor.u32 v19, v41;
	v32 =	vor.u32 v20, v41;
	[tilespmem:v31+s25+$0x0] =	vst.idx.msk $0xffff, v26  }
0x368: {  	v26 =	vor.u32 v22, v41;
	v31 =	vor.u32 v23, v41;
	[tilespmem:v24+s25+$0x0] =	vst.idx.msk $0xffff, v28  }
0x369: {  	v24 =	vor.u32 v18, v41;
	[tilespmem:v37+s25+$0x0] =	vst.idx.msk $0xffff, v29  }
0x36a: {  	[tilespmem:v39+s25+$0x0] =	vst.idx.msk $0xffff, v36  }
0x36b: {  	v28 =	vor.u32 v21, v41;
	[tilespmem:v25+s25+$0x0] =	vst.idx.msk $0xffff, v34  }
0x36c: {  	[tilespmem:v40+s25+$0x0] =	vst.idx.msk $0xffff, v35  }
0x36d: {  	v25 =	vld.idx.msk [tilespmem:v33+s17+$0x0], $0xffff  }
0x36e: {  	v27 =	vld.idx.msk [tilespmem:v27+s17+$0x0], $0xffff  }
0x36f: {  	v29 =	vld.idx.msk [tilespmem:v30+s17+$0x0], $0xffff  }
0x370: {  	v30 =	vor.u32 v0, v38;
	v24 =	vld.idx.msk [tilespmem:v24+s17+$0x0], $0xffff  }
0x371: {  	v33 =	vor.u32 v3, v38;
	v26 =	vld.idx.msk [tilespmem:v26+s17+$0x0], $0xffff  }
0x372: {  	v34 =	vor.u32 v5, v38;
	v31 =	vld.idx.msk [tilespmem:v31+s17+$0x0], $0xffff  }
0x373: {  	v35 =	vor.u32 v7, v38;
	v32 =	vld.idx.msk [tilespmem:v32+s17+$0x0], $0xffff  }
0x374: {  	v36 =	vor.u32 v9, v38;
	v28 =	vld.idx.msk [tilespmem:v28+s17+$0x0], $0xffff  }
0x375: {  	s7 =	sadd.s32 $0x1, s6;
	[tilespmem:v30+s25+$0x0] =	vst.idx.msk $0xffff, v29;
	v29 =	vor.u32 v12, v38  }
0x376: {  	v30 =	vadd.s32 s7, v0;
	[tilespmem:v33+s25+$0x0] =	vst.idx.msk $0xffff, v25;
	v25 =	vor.u32 v14, v38  }
0x377: {  	v33 =	vand.u32 $0x1F, v30;
	v30 =	vshll.u32 v30, $0x7;
	[tilespmem:v34+s25+$0x0] =	vst.idx.msk $0xffff, v24;
	v24 =	vor.u32 v16, v38  }
0x378: {  	v30 =	vand.u32 $0xF80, v30;
	[tilespmem:v35+s25+$0x0] =	vst.idx.msk $0xffff, v27;
	v27 =	vor.u32 v18, v33  }
0x379: {  	[tilespmem:v36+s25+$0x0] =	vst.idx.msk $0xffff, v32;
	v32 =	vor.u32 v17, v33  }
0x37a: {  	[tilespmem:v29+s25+$0x0] =	vst.idx.msk $0xffff, v28;
	v28 =	vor.u32 v11, v33  }
0x37b: {  	[tilespmem:v25+s25+$0x0] =	vst.idx.msk $0xffff, v26;
	v25 =	vor.u32 v19, v33  }
0x37c: {  	[tilespmem:v24+s25+$0x0] =	vst.idx.msk $0xffff, v31;
	v24 =	vor.u32 v20, v33  }
0x37d: {  	v26 =	vld.idx.msk [tilespmem:v27+s17+$0x0], $0xffff;
	v27 =	vor.u32 v23, v33  }
0x37e: {  	v31 =	vor.u32 v22, v33;
	v29 =	vld.idx.msk [tilespmem:v32+s17+$0x0], $0xffff  }
0x37f: {  	v32 =	vor.u32 v21, v33;
	v28 =	vld.idx.msk [tilespmem:v28+s17+$0x0], $0xffff  }
0x380: {  	v33 =	vor.u32 v0, v30;
	v25 =	vld.idx.msk [tilespmem:v25+s17+$0x0], $0xffff  }
0x381: {  	v34 =	vor.u32 v3, v30;
	v24 =	vld.idx.msk [tilespmem:v24+s17+$0x0], $0xffff  }
0x382: {  	v35 =	vor.u32 v5, v30;
	v27 =	vld.idx.msk [tilespmem:v27+s17+$0x0], $0xffff  }
0x383: {  	v36 =	vor.u32 v7, v30;
	v31 =	vld.idx.msk [tilespmem:v31+s17+$0x0], $0xffff  }
0x384: {  	v37 =	vor.u32 v9, v30;
	v32 =	vld.idx.msk [tilespmem:v32+s17+$0x0], $0xffff  }
0x385: {  	s7 =	sadd.s32 $0x2, s6;
	[tilespmem:v33+s25+$0x0] =	vst.idx.msk $0xffff, v28;
	v28 =	vor.u32 v12, v30  }
0x386: {  	v33 =	vadd.s32 s7, v0;
	[tilespmem:v34+s25+$0x0] =	vst.idx.msk $0xffff, v29;
	v29 =	vor.u32 v14, v30  }
0x387: {  	[tilespmem:v35+s25+$0x0] =	vst.idx.msk $0xffff, v26;
	v26 =	vor.u32 v16, v30;
	v30 =	vand.u32 $0x1F, v33;
	v33 =	vshll.u32 v33, $0x7  }
0x388: {  	[tilespmem:v36+s25+$0x0] =	vst.idx.msk $0xffff, v25;
	v25 =	vor.u32 v18, v30;
	v33 =	vand.u32 $0xF80, v33  }
0x389: {  	[tilespmem:v37+s25+$0x0] =	vst.idx.msk $0xffff, v24;
	v24 =	vor.u32 v17, v30  }
0x38a: {  	[tilespmem:v28+s25+$0x0] =	vst.idx.msk $0xffff, v32;
	v28 =	vor.u32 v11, v30  }
0x38b: {  	[tilespmem:v29+s25+$0x0] =	vst.idx.msk $0xffff, v31;
	v29 =	vor.u32 v19, v30  }
0x38c: {  	[tilespmem:v26+s25+$0x0] =	vst.idx.msk $0xffff, v27;
	v26 =	vor.u32 v20, v30  }
0x38d: {  	v27 =	vor.u32 v21, v30;
	v25 =	vld.idx.msk [tilespmem:v25+s17+$0x0], $0xffff  }
0x38e: {  	v31 =	vor.u32 v23, v30;
	v24 =	vld.idx.msk [tilespmem:v24+s17+$0x0], $0xffff  }
0x38f: {  	v30 =	vor.u32 v22, v30;
	v28 =	vld.idx.msk [tilespmem:v28+s17+$0x0], $0xffff  }
0x390: {  	v32 =	vor.u32 v0, v33;
	v29 =	vld.idx.msk [tilespmem:v29+s17+$0x0], $0xffff  }
0x391: {  	v34 =	vor.u32 v3, v33;
	v26 =	vld.idx.msk [tilespmem:v26+s17+$0x0], $0xffff  }
0x392: {  	v35 =	vor.u32 v5, v33;
	v27 =	vld.idx.msk [tilespmem:v27+s17+$0x0], $0xffff  }
0x393: {  	v36 =	vor.u32 v7, v33;
	v31 =	vld.idx.msk [tilespmem:v31+s17+$0x0], $0xffff  }
0x394: {  	v37 =	vor.u32 v9, v33;
	v30 =	vld.idx.msk [tilespmem:v30+s17+$0x0], $0xffff  }
0x395: {  	s6 =	sadd.s32 $0x3, s6;
	[tilespmem:v32+s25+$0x0] =	vst.idx.msk $0xffff, v28;
	v28 =	vor.u32 v12, v33  }
0x396: {  	v32 =	vor.u32 v14, v33;
	[tilespmem:v34+s25+$0x0] =	vst.idx.msk $0xffff, v24;
	v24 =	vadd.s32 s6, v0  }
0x397: {  	v33 =	vor.u32 v16, v33;
	[tilespmem:v35+s25+$0x0] =	vst.idx.msk $0xffff, v25;
	v34 =	vand.u32 $0x1F, v24;
	v24 =	vshll.u32 v24, $0x7  }
0x398: {  	[tilespmem:v36+s25+$0x0] =	vst.idx.msk $0xffff, v29;
	v29 =	vor.u32 v18, v34;
	v25 =	vand.u32 $0xF80, v24  }
0x399: {  	v35 =	vor.u32 v17, v34;
	[tilespmem:v37+s25+$0x0] =	vst.idx.msk $0xffff, v26;
	v37 =	vor.u32 v11, v34  }
0x39a: {  	v24 =	vor.u32 v7, v25;
	[tilespmem:v28+s25+$0x0] =	vst.idx.msk $0xffff, v27  }
0x39b: {  	v28 =	vor.u32 v19, v34;
	[tilespmem:v32+s25+$0x0] =	vst.idx.msk $0xffff, v30  }
0x39c: {  	[tilespmem:v33+s25+$0x0] =	vst.idx.msk $0xffff, v31;
	v31 =	vor.u32 v20, v34  }
.Ltmp6:
0x39d: {  	v36 =	vor.u32 v21, v34;
	v26 =	vld.idx.msk [tilespmem:v29+s17+$0x0], $0xffff;
	(pc) =	sbr.rel @p0 .LBB2_15-.Ltmp6, $4  }
0x39e: {  	v27 =	vld.idx.msk [tilespmem:v35+s17+$0x0], $0xffff;
	v35 =	vor.u32 v23, v34  }
0x39f: {  	v33 =	vor.u32 v0, v25;
	v34 =	vor.u32 v22, v34;
	v30 =	vld.idx.msk [tilespmem:v37+s17+$0x0], $0xffff  }
0x3a0: {  	v32 =	vor.u32 v3, v25;
	v28 =	vld.idx.msk [tilespmem:v28+s17+$0x0], $0xffff  }
0x3a1: {  	v29 =	vld.idx.msk [tilespmem:v31+s17+$0x0], $0xffff;
	v31 =	vor.u32 v5, v25  }
0x3a2: {  	_ =	sdelay $0x3  }
0x3a3: {  	v36 =	vld.idx.msk [tilespmem:v36+s17+$0x0], $0xffff  }
0x3a4: {  	v35 =	vld.idx.msk [tilespmem:v35+s17+$0x0], $0xffff;
	v37 =	vor.u32 v9, v25  }
0x3a5: {  	v34 =	vld.idx.msk [tilespmem:v34+s17+$0x0], $0xffff;
	v38 =	vor.u32 v12, v25;
	[tilespmem:v33+s25+$0x0] =	vst.idx.msk $0xffff, v30  }
0x3a6: {  	v62 =	vor.u32 v14, v25;
	[tilespmem:v32+s25+$0x0] =	vst.idx.msk $0xffff, v27  }
0x3a7: {  	v63 =	vor.u32 v16, v25;
	[tilespmem:v31+s25+$0x0] =	vst.idx.msk $0xffff, v26  }
0x3a8: {  	[tilespmem:v24+s25+$0x0] =	vst.idx.msk $0xffff, v28  }
0x3a9: {  	[tilespmem:v37+s25+$0x0] =	vst.idx.msk $0xffff, v29  }
0x3aa: {  	[tilespmem:v38+s25+$0x0] =	vst.idx.msk $0xffff, v36  }
0x3ab: {  	s4 =	rddreg [dreg:$0x5];
	[tilespmem:v62+s25+$0x0] =	vst.idx.msk $0xffff, v34  }
0x3ac: {  	s10 =	rddreg [dreg:$0x6];
	s4 =	sadd.s32 s3, s4;
	[tilespmem:v63+s25+$0x0] =	vst.idx.msk $0xffff, v35  }
0x3ad: {  	[hbm4b:s4+s2] =	stream.linear.scatter [tilespmem:s25], [sflag:$0x4], $0x400, $0x38;
	[tilespmem:$0x11000] =	vst v63  }
0x3ae: {  	s11 =	rddreg [dreg:$0x7];
	s4 =	sadd.s32 s3, s10  }
0x3af: {  	[hbm4b:s4+s2] =	stream.linear.scatter [tilespmem:s26], [sflag:$0x4], $0x400, $0x38;
	[tilespmem:$0x11000] =	vst v63  }
0x3b0: {  	s16 =	rddreg [dreg:$0x8];
	s4 =	sadd.s32 s3, s11  }
0x3b1: {  	[hbm4b:s4+s2] =	stream.linear.scatter [tilespmem:s28], [sflag:$0x4], $0x400, $0x38;
	[tilespmem:$0x11000] =	vst v63  }
0x3b2: {  	s31 =	sadd.s32 s3, s16  }
0x3b3: {  	[hbm4b:s31+s2] =	stream.linear.scatter [tilespmem:s29], [sflag:$0x4], $0x400, $0x38;
	[tilespmem:$0x11000] =	vst v63  }
0x3b4: {  	_ =	swait.ge [sflag:s23], $0x400  }
0x3b5: {  	[sflag:s23] =	ssyncset.done $0x0  }
0x3b6: {  	[sflag:s23] =	ssyncadd.s32 $0xFFFFFC00  }
0x3b7: {  	_ =	swait.ge [sflag:s23], $0x400  }
0x3b8: {  	[sflag:s23] =	ssyncset.done $0x0  }
0x3b9: {  	[sflag:s23] =	ssyncadd.s32 $0xFFFFFC00  }
0x3ba: {  	_ =	swait.ge [sflag:s23], $0x400  }
0x3bb: {  	[sflag:s23] =	ssyncset.done $0x0  }
0x3bc: {  	[sflag:s23] =	ssyncadd.s32 $0xFFFFFC00  }
0x3bd: {  	_ =	swait.ge [sflag:s23], $0x400  }
0x3be: {  	[sflag:s23] =	ssyncset.done $0x0  }
0x3bf: {  	[sflag:s23] =	ssyncadd.s32 $0xFFFFFC00  }
0x3c0: {  	_ =	swait.ge [sflag:s30], $0x400  }
0x3c1: {  	[sflag:s30] =	ssyncset.done $0x0  }
0x3c2: {  	[sflag:s30] =	ssyncadd.s32 $0xFFFFFC00  }
0x3c3: {  	_ =	swait.ge [sflag:s30], $0x400  }
0x3c4: {  	[sflag:s30] =	ssyncset.done $0x0  }
0x3c5: {  	s0 =	sadd.s32 $0x1, s0;
	[sflag:s30] =	ssyncadd.s32 $0xFFFFFC00  }
0x3c6: {  	p0 =	sne.s32 s0, $0x4;
	_ =	swait.ge [sflag:s30], $0x400  }
.Ltmp7:
0x3c7: {  	[sflag:s30] =	ssyncset.done $0x0;
	(pc) =	sbr.rel @p0 .LBB2_2-.Ltmp7, $4  }
0x3c8: {  	[sflag:s30] =	ssyncadd.s32 $0xFFFFFC00  }
0x3c9: {  	_ =	swait.ge [sflag:s30], $0x400  }
0x3ca: {  	[sflag:s30] =	ssyncset.done $0x0  }
0x3cb: {  	[sflag:s30] =	ssyncadd.s32 $0xFFFFFC00  }
0x3cc: {  	s3 =	rddreg [dreg:$0xa]  }
0x3cd: {  	s0 =	rddreg [dreg:$0x9];
	s3 =	sadd.s32 $0x1, s3  }
0x3ce: {  	p0 =	sne.s32 s3, s0  }
.Ltmp8:
0x3cf: {  	_ = 	snop;
	(pc) =	sbr.rel @p0 .LBB2_1-.Ltmp8, $1  }
0x3d0: {  	_ =	sdelay $0x3  }
0x3d1: {  	_ =	sfence.sel $0x180000  }
0x3d2: {  	[bflag:$0x0] =	sbarrier.arrive $0xFFFF  }
0x3d3: {  	_ =	strace $0x90000047  }
0x3d4: {  	s0 =	stileid.u32;
	[bflag:$0x2] =	sbarrier.arrive $0xFFFF  }
0x3d5: {  	p0 =	sne.s32 s0, $0x0;
	s0 =	rddreg [dreg:$0x2]  }
0x3d6: {  	s0 =	sadd.s32 @!p0 $0x100000, s0  }
0x3d7: {  	[sflag:s0] =	ssyncadd.tile.s32 @!p0 $0x1;
	_ =	shalt  }
.Lfunc_end2:
_tile_overlayer_lowered:
.L_overlay_start_2:
0x3d8: {  	(tag) =	ssettag $0x2  }
0x3d9: {  	s0 =	rddreg [dreg:$0x0];
	s2 =	stileid.u32  }
0x3da: {  	s1 =	rddreg [dreg:$0x1];
	p0 =	sne.s32 s2, $0x0  }
0x3db: {  	s3 =	rddreg [dreg:$0x2];
	[bflag:$0x3] =	sbarrier.arrive $0xFFFF;
	s2 =	simm.s32 @!p0 $0x1C05  }
0x3dc: {  	[timem:s3], [sflag:s2] =	dma.local @!p0 [hbm:s0], s1  }
0x3dd: {  	s0 =	simm.s32 @!p0 $0x5  }
0x3de: {  	_ =	swait.ge @!p0 [sflag:s0], s1  }
0x3df: {  	s1 =	ssub.s32 @!p0 $0x0, s1;
	[sflag:s0] =	ssyncset.done @!p0 $0x0  }
0x3e0: {  	[sflag:s0] =	ssyncadd.s32 @!p0 s1  }
0x3e1: {  	[bflag:$0x3] =	sbarrier.arrive $0xFFFF  }
0x3e2: {  	_ =	shalt  }

</sc_bundles>
